<compile_context>
chip_gen: v7x
topology: tpu7x:2x2x1
jax: 0.10.2.dev20260603
libtpu: 0.0.44.dev20260713+nightly
codegen_flags: <defaults>
</compile_context>

<pallas_src>
import math

import jax
import jax.numpy as jnp
from jax import lax
from jax.experimental import pallas as pl
from jax.experimental.pallas import tpu as pltpu
from jax.experimental.pallas import tpu_sc as plsc

D_MODEL = 768
SCALE = math.sqrt(D_MODEL)
LANES = 16

NUM_CORES = 2
NUM_SUBCORES = 16
NW = NUM_CORES * NUM_SUBCORES

B_TOTAL = 4 * 8192
BPW = B_TOTAL // NW
CHUNK = 32
NCHUNK = BPW // CHUNK
NBUF = 4
PF = 2


def _body(x_hbm, table_hbm, out_hbm, idx_v,
          rows0, rows1, rows2, rows3,
          sg0, sg1, sg2, sg3, so0, so1, so2, so3):
    wid = lax.axis_index("s") * NUM_CORES + lax.axis_index("c")
    base = wid * BPW
    bufs = (rows0, rows1, rows2, rows3)
    gsems = (sg0, sg1, sg2, sg3)
    osems = (so0, so1, so2, so3)

    pltpu.sync_copy(x_hbm.at[wid], idx_v)

    def gather_cp(j, b):
        return pltpu.make_async_copy(table_hbm.at[idx_v.at[j]], bufs[b], gsems[b])

    def out_cp(j, b):
        dst = out_hbm.at[pl.ds(base + j * CHUNK, CHUNK)]
        return pltpu.make_async_copy(bufs[b], dst, osems[b])

    for k in range(PF):
        gather_cp(k, k % NBUF).start()

    @pl.loop(0, NCHUNK, step=NBUF)
    def outer(g):
        for b in range(NBUF):
            j = g + b
            pfb = (b + PF) % NBUF

            @pl.when(j + PF < NCHUNK)
            def _prefetch():
                @pl.when(j + PF - NBUF >= 0)
                def _retire():
                    out_cp(j + PF - NBUF, pfb).wait()

                gather_cp(j + PF, pfb).start()

            gather_cp(j, b).wait()

            @plsc.parallel_loop(0, CHUNK, step=1, unroll=2)
            def row(r):
                for d in range(D_MODEL // LANES):
                    sl = pl.ds(d * LANES, LANES)
                    bufs[b][r, sl] = bufs[b][r, sl] * SCALE

            out_cp(j, b).start()

    for k in range(NCHUNK - NBUF, NCHUNK):
        out_cp(k, k % NBUF).wait()


def _make_kernel():
    mesh = plsc.VectorSubcoreMesh(
        core_axis_name="c", subcore_axis_name="s",
        num_cores=NUM_CORES, num_subcores=NUM_SUBCORES,
    )
    return pl.kernel(
        _body,
        out_type=jax.ShapeDtypeStruct((B_TOTAL, D_MODEL), jnp.float32),
        mesh=mesh,
        scratch_types=(
            [pltpu.VMEM((NCHUNK, CHUNK), jnp.int32)]
            + [pltpu.VMEM((CHUNK, D_MODEL), jnp.float32)] * NBUF
            + [pltpu.SemaphoreType.DMA] * (2 * NBUF)
        ),
    )


_lookup = _make_kernel()


def kernel(x, table):
    b, s = x.shape
    x3 = x.astype(jnp.int32).reshape(NW, NCHUNK, CHUNK)
    out = _lookup(x3, table)
    return out.reshape(b, s, D_MODEL)

# --- scband reference (transcript-rebuilt; emitter-appended) ---
"""Pipeline reference for scband-input-embedding-51702816309742 (READ-ONLY COPY).

The authoritative reference and input builder live on the scoring server;
editing this copy changes nothing except your own understanding.
"""

import jax, jax.numpy as jnp
import numpy as np
import math

D_MODEL = 768
VOCAB_SIZE = 100000

def setup_inputs(seed: int = 0) -> dict:
    key = jax.random.key(seed)
    k1, k2 = jax.random.split(key)
    x = jax.random.randint(k1, (4, 8192), 0, VOCAB_SIZE, dtype=jnp.int64 if jax.config.jax_enable_x64 else jnp.int32)
    table = jax.random.normal(k2, (VOCAB_SIZE, D_MODEL), dtype=jnp.float32)
    return {"x": x, "table": table}

def reference(x, table):
    # nn.Embedding lookup followed by sqrt(d_model) scaling
    emb = jnp.take(table, x, axis=0)
    return emb * math.sqrt(D_MODEL)

if __name__ == "__main__":
    import jax
    _d = setup_inputs()
    print(jax.jit(kernel)(*tuple(_d.values())))

</pallas_src>

<mosaic_0001>
#map = affine_map<(d0, d1) -> (0, 0, 0)>
#map1 = affine_map<(d0, d1) -> (0, 0)>
module attributes {stable_mosaic.version = 14 : i64} {
  func.func @_body(%arg0: i32, %arg1: i32, %arg2: memref<32x32x32xi32, #tpu.memory_space<hbm>>, %arg3: memref<100000x768xf32, #tpu.memory_space<hbm>>, %arg4: memref<32768x768xf32, #tpu.memory_space<hbm>>, %arg5: memref<32x32xi32, #tpu.memory_space<vmem>>, %arg6: memref<32x768xf32, #tpu.memory_space<vmem>>, %arg7: memref<32x768xf32, #tpu.memory_space<vmem>>, %arg8: memref<32x768xf32, #tpu.memory_space<vmem>>, %arg9: memref<32x768xf32, #tpu.memory_space<vmem>>, %arg10: memref<!tpu.dma_semaphore, #tpu.memory_space<semaphore_mem>>, %arg11: memref<!tpu.dma_semaphore, #tpu.memory_space<semaphore_mem>>, %arg12: memref<!tpu.dma_semaphore, #tpu.memory_space<semaphore_mem>>, %arg13: memref<!tpu.dma_semaphore, #tpu.memory_space<semaphore_mem>>, %arg14: memref<!tpu.dma_semaphore, #tpu.memory_space<semaphore_mem>>, %arg15: memref<!tpu.dma_semaphore, #tpu.memory_space<semaphore_mem>>, %arg16: memref<!tpu.dma_semaphore, #tpu.memory_space<semaphore_mem>>, %arg17: memref<!tpu.dma_semaphore, #tpu.memory_space<semaphore_mem>>) attributes {dimension_semantics = [#tpu.dimension_semantics<core_parallel>, #tpu.dimension_semantics<subcore_parallel>], iteration_bounds = array<i64: 2, 16>, scalar_prefetch = 0 : i64, scratch_operands = 13 : i64, tpu.core_type = #tpu.core_type<sc_vector_subcore>, window_params = [{transform_indices = #map}, {transform_indices = #map1}, {transform_indices = #map1}]} {
    %mul3A = arith.constant 2 : i32
    %mul3A_0 = arith.muli %arg1, %mul3A : i32
    %add3A = arith.addi %mul3A_0, %arg0 : i32
    %mul3A_1 = arith.constant 1024 : i32
    %mul3A_2 = arith.muli %add3A, %mul3A_1 : i32
    "tpu.region"() ({
      %run_scoped3A = tpu.sem_alloc : memref<!tpu.dma_semaphore, #tpu.memory_space<semaphore_mem>>
      %dma_start3A_43 = arith.constant 0 : i32
      %dma_start3A_44 = arith.constant 0 : i32
      %dma_start3A_45 = tpu.memref_slice %arg2[%add3A, %dma_start3A_43, %dma_start3A_44] : memref<32x32x32xi32, #tpu.memory_space<hbm>> -> memref<1x32x32xi32, #tpu.memory_space<hbm>>
      %dma_start3A_46 = tpu.memref_squeeze %dma_start3A_45 : memref<1x32x32xi32, #tpu.memory_space<hbm>> -> memref<32x32xi32, #tpu.memory_space<hbm>>
      %dma_start3A_47 = arith.constant 0 : i32
      %dma_start3A_48 = arith.constant 0 : i32
      %dma_start3A_49 = tpu.memref_slice %arg2[%add3A, %dma_start3A_47, %dma_start3A_48] : memref<32x32x32xi32, #tpu.memory_space<hbm>> -> memref<1x32x32xi32, #tpu.memory_space<hbm>>
      %dma_start3A_50 = tpu.memref_squeeze %dma_start3A_49 : memref<1x32x32xi32, #tpu.memory_space<hbm>> -> memref<32x32xi32, #tpu.memory_space<hbm>>
      tpu.enqueue_dma source(%dma_start3A_50 : memref<32x32xi32, #tpu.memory_space<hbm>>) target(%arg5 : memref<32x32xi32, #tpu.memory_space<vmem>>) target_semaphore(%run_scoped3A : memref<!tpu.dma_semaphore, #tpu.memory_space<semaphore_mem>>)
      %dma_wait3A_51 = arith.constant 0 : i32
      %dma_wait3A_52 = arith.constant 0 : i32
      %dma_wait3A_53 = tpu.memref_slice %arg2[%add3A, %dma_wait3A_51, %dma_wait3A_52] : memref<32x32x32xi32, #tpu.memory_space<hbm>> -> memref<1x32x32xi32, #tpu.memory_space<hbm>>
      %dma_wait3A_54 = tpu.memref_squeeze %dma_wait3A_53 : memref<1x32x32xi32, #tpu.memory_space<hbm>> -> memref<32x32xi32, #tpu.memory_space<hbm>>
      %dma_wait3A_55 = arith.constant 0 : i32
      %dma_wait3A_56 = arith.constant 0 : i32
      %dma_wait3A_57 = tpu.memref_slice %arg2[%add3A, %dma_wait3A_55, %dma_wait3A_56] : memref<32x32x32xi32, #tpu.memory_space<hbm>> -> memref<1x32x32xi32, #tpu.memory_space<hbm>>
      %dma_wait3A_58 = tpu.memref_squeeze %dma_wait3A_57 : memref<1x32x32xi32, #tpu.memory_space<hbm>> -> memref<32x32xi32, #tpu.memory_space<hbm>>
      tpu.wait_dma2 semaphore(%run_scoped3A : memref<!tpu.dma_semaphore, #tpu.memory_space<semaphore_mem>>) src(%dma_wait3A_58 : memref<32x32xi32, #tpu.memory_space<hbm>>) dst(%arg5 : memref<32x32xi32, #tpu.memory_space<vmem>>)
      tpu.yield
    }) : () -> ()
    %dma_start3A = arith.constant 0 : i32
    %dma_start3A_3 = arith.constant 0 : i32
    %dma_start3A_4 = tpu.memref_slice %arg5[%dma_start3A, %dma_start3A_3] : memref<32x32xi32, #tpu.memory_space<vmem>> -> memref<1x32xi32, #tpu.memory_space<vmem>>
    %dma_start3A_5 = tpu.memref_squeeze %dma_start3A_4 : memref<1x32xi32, #tpu.memory_space<vmem>> -> memref<32xi32, #tpu.memory_space<vmem>>
    %dma_start3A_6 = arith.constant 0 : i32
    %dma_start3A_7 = arith.constant 0 : i32
    %dma_start3A_8 = tpu.memref_slice %arg3[%dma_start3A_6, %dma_start3A_7] : memref<100000x768xf32, #tpu.memory_space<hbm>> -> memref<100000x768xf32, #tpu.memory_space<hbm>>
    tpu.enqueue_indirect_dma source(%dma_start3A_8 : memref<100000x768xf32, #tpu.memory_space<hbm>>) target(%arg6 : memref<32x768xf32, #tpu.memory_space<vmem>>) offsets(%dma_start3A_5 : memref<32xi32, #tpu.memory_space<vmem>>) semaphore(%arg10 : memref<!tpu.dma_semaphore, #tpu.memory_space<semaphore_mem>>)
    %dma_start3A_9 = arith.constant 1 : i32
    %dma_start3A_10 = arith.constant 0 : i32
    %dma_start3A_11 = tpu.memref_slice %arg5[%dma_start3A_9, %dma_start3A_10] : memref<32x32xi32, #tpu.memory_space<vmem>> -> memref<1x32xi32, #tpu.memory_space<vmem>>
    %dma_start3A_12 = tpu.memref_squeeze %dma_start3A_11 : memref<1x32xi32, #tpu.memory_space<vmem>> -> memref<32xi32, #tpu.memory_space<vmem>>
    %dma_start3A_13 = arith.constant 0 : i32
    %dma_start3A_14 = arith.constant 0 : i32
    %dma_start3A_15 = tpu.memref_slice %arg3[%dma_start3A_13, %dma_start3A_14] : memref<100000x768xf32, #tpu.memory_space<hbm>> -> memref<100000x768xf32, #tpu.memory_space<hbm>>
    tpu.enqueue_indirect_dma source(%dma_start3A_15 : memref<100000x768xf32, #tpu.memory_space<hbm>>) target(%arg7 : memref<32x768xf32, #tpu.memory_space<vmem>>) offsets(%dma_start3A_12 : memref<32xi32, #tpu.memory_space<vmem>>) semaphore(%arg11 : memref<!tpu.dma_semaphore, #tpu.memory_space<semaphore_mem>>)
    %scan3A = arith.constant 0 : i32
    %scan3A_16 = arith.constant 8 : i32
    %scan3A_17 = arith.addi %scan3A, %scan3A_16 : i32
    %scan3A_18 = arith.constant 1 : i32
    scf.for %scan3A_43 = %scan3A to %scan3A_17 step %scan3A_18  : i32 {
      %mul3A_44 = arith.constant 4 : i32
      %mul3A_45 = arith.muli %scan3A_43, %mul3A_44 : i32
      %add3A_46 = arith.constant 0 : i32
      %add3A_47 = arith.addi %add3A_46, %mul3A_45 : i32
      %add3A_48 = arith.constant 0 : i32
      %add3A_49 = arith.addi %add3A_47, %add3A_48 : i32
      %add3A_50 = arith.constant 2 : i32
      %add3A_51 = arith.addi %add3A_49, %add3A_50 : i32
      %lt3A = arith.constant 32 : i32
      %lt3A_52 = arith.cmpi slt, %add3A_51, %lt3A : i32
      %convert_element_type3A = arith.extui %lt3A_52 : i1 to i32
      %cond3A = arith.constant 0 : i32
      %cond3A_53 = arith.cmpi ne, %convert_element_type3A, %cond3A : i32
      scf.if %cond3A_53 {
        %add3A_144 = arith.constant 2 : i32
        %add3A_145 = arith.addi %add3A_49, %add3A_144 : i32
        %sub3A = arith.constant 4 : i32
        %sub3A_146 = arith.subi %add3A_145, %sub3A : i32
        %ge3A = arith.constant 0 : i32
        %ge3A_147 = arith.cmpi sge, %sub3A_146, %ge3A : i32
        %convert_element_type3A_148 = arith.extui %ge3A_147 : i1 to i32
        %cond3A_149 = arith.constant 0 : i32
        %cond3A_150 = arith.cmpi ne, %convert_element_type3A_148, %cond3A_149 : i32
        scf.if %cond3A_150 {
          %add3A_159 = arith.constant 2 : i32
          %add3A_160 = arith.addi %add3A_49, %add3A_159 : i32
          %sub3A_161 = arith.constant 4 : i32
          %sub3A_162 = arith.subi %add3A_160, %sub3A_161 : i32
          %mul3A_163 = arith.constant 32 : i32
          %mul3A_164 = arith.muli %sub3A_162, %mul3A_163 : i32
          %add3A_165 = arith.addi %mul3A_2, %mul3A_164 : i32
          %dma_wait3A_166 = arith.constant 0 : i32
          %dma_wait3A_167 = tpu.memref_slice %arg4[%add3A_165, %dma_wait3A_166] : memref<32768x768xf32, #tpu.memory_space<hbm>> -> memref<32x768xf32, #tpu.memory_space<hbm>>
          %dma_wait3A_168 = arith.constant 0 : i32
          %dma_wait3A_169 = tpu.memref_slice %arg4[%add3A_165, %dma_wait3A_168] : memref<32768x768xf32, #tpu.memory_space<hbm>> -> memref<32x768xf32, #tpu.memory_space<hbm>>
          tpu.wait_dma2 semaphore(%arg16 : memref<!tpu.dma_semaphore, #tpu.memory_space<semaphore_mem>>) src(%arg8 : memref<32x768xf32, #tpu.memory_space<vmem>>) dst(%dma_wait3A_169 : memref<32x768xf32, #tpu.memory_space<hbm>>)
        } else {
        }
        %add3A_151 = arith.constant 2 : i32
        %add3A_152 = arith.addi %add3A_49, %add3A_151 : i32
        %dma_start3A_153 = arith.constant 0 : i32
        %dma_start3A_154 = tpu.memref_slice %arg5[%add3A_152, %dma_start3A_153] : memref<32x32xi32, #tpu.memory_space<vmem>> -> memref<1x32xi32, #tpu.memory_space<vmem>>
        %dma_start3A_155 = tpu.memref_squeeze %dma_start3A_154 : memref<1x32xi32, #tpu.memory_space<vmem>> -> memref<32xi32, #tpu.memory_space<vmem>>
        %dma_start3A_156 = arith.constant 0 : i32
        %dma_start3A_157 = arith.constant 0 : i32
        %dma_start3A_158 = tpu.memref_slice %arg3[%dma_start3A_156, %dma_start3A_157] : memref<100000x768xf32, #tpu.memory_space<hbm>> -> memref<100000x768xf32, #tpu.memory_space<hbm>>
        tpu.enqueue_indirect_dma source(%dma_start3A_158 : memref<100000x768xf32, #tpu.memory_space<hbm>>) target(%arg8 : memref<32x768xf32, #tpu.memory_space<vmem>>) offsets(%dma_start3A_155 : memref<32xi32, #tpu.memory_space<vmem>>) semaphore(%arg12 : memref<!tpu.dma_semaphore, #tpu.memory_space<semaphore_mem>>)
      } else {
      }
      %dma_wait3A_54 = arith.constant 0 : i32
      %dma_wait3A_55 = tpu.memref_slice %arg5[%add3A_49, %dma_wait3A_54] : memref<32x32xi32, #tpu.memory_space<vmem>> -> memref<1x32xi32, #tpu.memory_space<vmem>>
      %dma_wait3A_56 = tpu.memref_squeeze %dma_wait3A_55 : memref<1x32xi32, #tpu.memory_space<vmem>> -> memref<32xi32, #tpu.memory_space<vmem>>
      %dma_wait3A_57 = arith.constant 0 : i32
      %dma_wait3A_58 = arith.constant 0 : i32
      %dma_wait3A_59 = tpu.memref_slice %arg3[%dma_wait3A_57, %dma_wait3A_58] : memref<100000x768xf32, #tpu.memory_space<hbm>> -> memref<100000x768xf32, #tpu.memory_space<hbm>>
      tpu.wait_indirect_dma semaphore(%arg10 : memref<!tpu.dma_semaphore, #tpu.memory_space<semaphore_mem>>) src(%dma_wait3A_59 : memref<100000x768xf32, #tpu.memory_space<hbm>>) dst(%arg6 : memref<32x768xf32, #tpu.memory_space<vmem>>)
      %parallel_loop3A = arith.constant 0 : i32
      %parallel_loop3A_60 = arith.constant 32 : i32
      %parallel_loop3A_61 = arith.constant 1 : i32
      scf.for %parallel_loop3A_144 = %parallel_loop3A to %parallel_loop3A_60 step %parallel_loop3A_61  : i32 {
        %parallel_loop3A_145 = arith.index_cast %parallel_loop3A_144 : i32 to index
        %parallel_loop3A_146 = arith.constant 0 : index
        %parallel_loop3A_147 = tpu.vector_load %arg6[%parallel_loop3A_145, %parallel_loop3A_146] {strides = array<i32>} : memref<32x768xf32, #tpu.memory_space<vmem>>, vector<1x16xf32>,
        %parallel_loop3A_148 = vector.shape_cast %parallel_loop3A_147 : vector<1x16xf32> to vector<16xf32>
        %parallel_loop3A_149 = arith.constant 27.7128124 : f32
        %parallel_loop3A_150 = vector.broadcast %parallel_loop3A_149 : f32 to vector<16xf32>
        %parallel_loop3A_151 = arith.mulf %parallel_loop3A_148, %parallel_loop3A_150 : vector<16xf32>
        %parallel_loop3A_152 = arith.index_cast %parallel_loop3A_144 : i32 to index
        %parallel_loop3A_153 = arith.constant 0 : index
        %parallel_loop3A_154 = tpu.vector_load %arg6[%parallel_loop3A_152, %parallel_loop3A_153] {strides = array<i32>} : memref<32x768xf32, #tpu.memory_space<vmem>>, vector<1x16xf32>,
        %parallel_loop3A_155 = vector.shape_cast %parallel_loop3A_154 : vector<1x16xf32> to vector<16xf32>
        %parallel_loop3A_156 = vector.shape_cast %parallel_loop3A_151 : vector<16xf32> to vector<1x16xf32>
        tpu.vector_store %arg6[%parallel_loop3A_152, %parallel_loop3A_153], %parallel_loop3A_156 {strides = array<i32>} : memref<32x768xf32, #tpu.memory_space<vmem>>, vector<1x16xf32>,
        %parallel_loop3A_157 = arith.index_cast %parallel_loop3A_144 : i32 to index
        %parallel_loop3A_158 = arith.constant 16 : index
        %parallel_loop3A_159 = tpu.vector_load %arg6[%parallel_loop3A_157, %parallel_loop3A_158] {strides = array<i32>} : memref<32x768xf32, #tpu.memory_space<vmem>>, vector<1x16xf32>,
        %parallel_loop3A_160 = vector.shape_cast %parallel_loop3A_159 : vector<1x16xf32> to vector<16xf32>
        %parallel_loop3A_161 = arith.constant 27.7128124 : f32
        %parallel_loop3A_162 = vector.broadcast %parallel_loop3A_161 : f32 to vector<16xf32>
        %parallel_loop3A_163 = arith.mulf %parallel_loop3A_160, %parallel_loop3A_162 : vector<16xf32>
        %parallel_loop3A_164 = arith.index_cast %parallel_loop3A_144 : i32 to index
        %parallel_loop3A_165 = arith.constant 16 : index
        %parallel_loop3A_166 = tpu.vector_load %arg6[%parallel_loop3A_164, %parallel_loop3A_165] {strides = array<i32>} : memref<32x768xf32, #tpu.memory_space<vmem>>, vector<1x16xf32>,
        %parallel_loop3A_167 = vector.shape_cast %parallel_loop3A_166 : vector<1x16xf32> to vector<16xf32>
        %parallel_loop3A_168 = vector.shape_cast %parallel_loop3A_163 : vector<16xf32> to vector<1x16xf32>
        tpu.vector_store %arg6[%parallel_loop3A_164, %parallel_loop3A_165], %parallel_loop3A_168 {strides = array<i32>} : memref<32x768xf32, #tpu.memory_space<vmem>>, vector<1x16xf32>,
        %parallel_loop3A_169 = arith.index_cast %parallel_loop3A_144 : i32 to index
        %parallel_loop3A_170 = arith.constant 32 : index
        %parallel_loop3A_171 = tpu.vector_load %arg6[%parallel_loop3A_169, %parallel_loop3A_170] {strides = array<i32>} : memref<32x768xf32, #tpu.memory_space<vmem>>, vector<1x16xf32>,
        %parallel_loop3A_172 = vector.shape_cast %parallel_loop3A_171 : vector<1x16xf32> to vector<16xf32>
        %parallel_loop3A_173 = arith.constant 27.7128124 : f32
        %parallel_loop3A_174 = vector.broadcast %parallel_loop3A_173 : f32 to vector<16xf32>
        %parallel_loop3A_175 = arith.mulf %parallel_loop3A_172, %parallel_loop3A_174 : vector<16xf32>
        %parallel_loop3A_176 = arith.index_cast %parallel_loop3A_144 : i32 to index
        %parallel_loop3A_177 = arith.constant 32 : index
        %parallel_loop3A_178 = tpu.vector_load %arg6[%parallel_loop3A_176, %parallel_loop3A_177] {strides = array<i32>} : memref<32x768xf32, #tpu.memory_space<vmem>>, vector<1x16xf32>,
        %parallel_loop3A_179 = vector.shape_cast %parallel_loop3A_178 : vector<1x16xf32> to vector<16xf32>
        %parallel_loop3A_180 = vector.shape_cast %parallel_loop3A_175 : vector<16xf32> to vector<1x16xf32>
        tpu.vector_store %arg6[%parallel_loop3A_176, %parallel_loop3A_177], %parallel_loop3A_180 {strides = array<i32>} : memref<32x768xf32, #tpu.memory_space<vmem>>, vector<1x16xf32>,
        %parallel_loop3A_181 = arith.index_cast %parallel_loop3A_144 : i32 to index
        %parallel_loop3A_182 = arith.constant 48 : index
        %parallel_loop3A_183 = tpu.vector_load %arg6[%parallel_loop3A_181, %parallel_loop3A_182] {strides = array<i32>} : memref<32x768xf32, #tpu.memory_space<vmem>>, vector<1x16xf32>,
        %parallel_loop3A_184 = vector.shape_cast %parallel_loop3A_183 : vector<1x16xf32> to vector<16xf32>
        %parallel_loop3A_185 = arith.constant 27.7128124 : f32
        %parallel_loop3A_186 = vector.broadcast %parallel_loop3A_185 : f32 to vector<16xf32>
        %parallel_loop3A_187 = arith.mulf %parallel_loop3A_184, %parallel_loop3A_186 : vector<16xf32>
        %parallel_loop3A_188 = arith.index_cast %parallel_loop3A_144 : i32 to index
        %parallel_loop3A_189 = arith.constant 48 : index
        %parallel_loop3A_190 = tpu.vector_load %arg6[%parallel_loop3A_188, %parallel_loop3A_189] {strides = array<i32>} : memref<32x768xf32, #tpu.memory_space<vmem>>, vector<1x16xf32>,
        %parallel_loop3A_191 = vector.shape_cast %parallel_loop3A_190 : vector<1x16xf32> to vector<16xf32>
        %parallel_loop3A_192 = vector.shape_cast %parallel_loop3A_187 : vector<16xf32> to vector<1x16xf32>
        tpu.vector_store %arg6[%parallel_loop3A_188, %parallel_loop3A_189], %parallel_loop3A_192 {strides = array<i32>} : memref<32x768xf32, #tpu.memory_space<vmem>>, vector<1x16xf32>,
        %parallel_loop3A_193 = arith.index_cast %parallel_loop3A_144 : i32 to index
        %parallel_loop3A_194 = arith.constant 64 : index
        %parallel_loop3A_195 = tpu.vector_load %arg6[%parallel_loop3A_193, %parallel_loop3A_194] {strides = array<i32>} : memref<32x768xf32, #tpu.memory_space<vmem>>, vector<1x16xf32>,
        %parallel_loop3A_196 = vector.shape_cast %parallel_loop3A_195 : vector<1x16xf32> to vector<16xf32>
        %parallel_loop3A_197 = arith.constant 27.7128124 : f32
        %parallel_loop3A_198 = vector.broadcast %parallel_loop3A_197 : f32 to vector<16xf32>
        %parallel_loop3A_199 = arith.mulf %parallel_loop3A_196, %parallel_loop3A_198 : vector<16xf32>
        %parallel_loop3A_200 = arith.index_cast %parallel_loop3A_144 : i32 to index
        %parallel_loop3A_201 = arith.constant 64 : index
        %parallel_loop3A_202 = tpu.vector_load %arg6[%parallel_loop3A_200, %parallel_loop3A_201] {strides = array<i32>} : memref<32x768xf32, #tpu.memory_space<vmem>>, vector<1x16xf32>,
        %parallel_loop3A_203 = vector.shape_cast %parallel_loop3A_202 : vector<1x16xf32> to vector<16xf32>
        %parallel_loop3A_204 = vector.shape_cast %parallel_loop3A_199 : vector<16xf32> to vector<1x16xf32>
        tpu.vector_store %arg6[%parallel_loop3A_200, %parallel_loop3A_201], %parallel_loop3A_204 {strides = array<i32>} : memref<32x768xf32, #tpu.memory_space<vmem>>, vector<1x16xf32>,
        %parallel_loop3A_205 = arith.index_cast %parallel_loop3A_144 : i32 to index
        %parallel_loop3A_206 = arith.constant 80 : index
        %parallel_loop3A_207 = tpu.vector_load %arg6[%parallel_loop3A_205, %parallel_loop3A_206] {strides = array<i32>} : memref<32x768xf32, #tpu.memory_space<vmem>>, vector<1x16xf32>,
        %parallel_loop3A_208 = vector.shape_cast %parallel_loop3A_207 : vector<1x16xf32> to vector<16xf32>
        %parallel_loop3A_209 = arith.constant 27.7128124 : f32
        %parallel_loop3A_210 = vector.broadcast %parallel_loop3A_209 : f32 to vector<16xf32>
        %parallel_loop3A_211 = arith.mulf %parallel_loop3A_208, %parallel_loop3A_210 : vector<16xf32>
        %parallel_loop3A_212 = arith.index_cast %parallel_loop3A_144 : i32 to index
        %parallel_loop3A_213 = arith.constant 80 : index
        %parallel_loop3A_214 = tpu.vector_load %arg6[%parallel_loop3A_212, %parallel_loop3A_213] {strides = array<i32>} : memref<32x768xf32, #tpu.memory_space<vmem>>, vector<1x16xf32>,
        %parallel_loop3A_215 = vector.shape_cast %parallel_loop3A_214 : vector<1x16xf32> to vector<16xf32>
        %parallel_loop3A_216 = vector.shape_cast %parallel_loop3A_211 : vector<16xf32> to vector<1x16xf32>
        tpu.vector_store %arg6[%parallel_loop3A_212, %parallel_loop3A_213], %parallel_loop3A_216 {strides = array<i32>} : memref<32x768xf32, #tpu.memory_space<vmem>>, vector<1x16xf32>,
        %parallel_loop3A_217 = arith.index_cast %parallel_loop3A_144 : i32 to index
        %parallel_loop3A_218 = arith.constant 96 : index
        %parallel_loop3A_219 = tpu.vector_load %arg6[%parallel_loop3A_217, %parallel_loop3A_218] {strides = array<i32>} : memref<32x768xf32, #tpu.memory_space<vmem>>, vector<1x16xf32>,
        %parallel_loop3A_220 = vector.shape_cast %parallel_loop3A_219 : vector<1x16xf32> to vector<16xf32>
        %parallel_loop3A_221 = arith.constant 27.7128124 : f32
        %parallel_loop3A_222 = vector.broadcast %parallel_loop3A_221 : f32 to vector<16xf32>
        %parallel_loop3A_223 = arith.mulf %parallel_loop3A_220, %parallel_loop3A_222 : vector<16xf32>
        %parallel_loop3A_224 = arith.index_cast %parallel_loop3A_144 : i32 to index
        %parallel_loop3A_225 = arith.constant 96 : index
        %parallel_loop3A_226 = tpu.vector_load %arg6[%parallel_loop3A_224, %parallel_loop3A_225] {strides = array<i32>} : memref<32x768xf32, #tpu.memory_space<vmem>>, vector<1x16xf32>,
        %parallel_loop3A_227 = vector.shape_cast %parallel_loop3A_226 : vector<1x16xf32> to vector<16xf32>
        %parallel_loop3A_228 = vector.shape_cast %parallel_loop3A_223 : vector<16xf32> to vector<1x16xf32>
        tpu.vector_store %arg6[%parallel_loop3A_224, %parallel_loop3A_225], %parallel_loop3A_228 {strides = array<i32>} : memref<32x768xf32, #tpu.memory_space<vmem>>, vector<1x16xf32>,
        %parallel_loop3A_229 = arith.index_cast %parallel_loop3A_144 : i32 to index
        %parallel_loop3A_230 = arith.constant 112 : index
        %parallel_loop3A_231 = tpu.vector_load %arg6[%parallel_loop3A_229, %parallel_loop3A_230] {strides = array<i32>} : memref<32x768xf32, #tpu.memory_space<vmem>>, vector<1x16xf32>,
        %parallel_loop3A_232 = vector.shape_cast %parallel_loop3A_231 : vector<1x16xf32> to vector<16xf32>
        %parallel_loop3A_233 = arith.constant 27.7128124 : f32
        %parallel_loop3A_234 = vector.broadcast %parallel_loop3A_233 : f32 to vector<16xf32>
        %parallel_loop3A_235 = arith.mulf %parallel_loop3A_232, %parallel_loop3A_234 : vector<16xf32>
        %parallel_loop3A_236 = arith.index_cast %parallel_loop3A_144 : i32 to index
        %parallel_loop3A_237 = arith.constant 112 : index
        %parallel_loop3A_238 = tpu.vector_load %arg6[%parallel_loop3A_236, %parallel_loop3A_237] {strides = array<i32>} : memref<32x768xf32, #tpu.memory_space<vmem>>, vector<1x16xf32>,
        %parallel_loop3A_239 = vector.shape_cast %parallel_loop3A_238 : vector<1x16xf32> to vector<16xf32>
        %parallel_loop3A_240 = vector.shape_cast %parallel_loop3A_235 : vector<16xf32> to vector<1x16xf32>
        tpu.vector_store %arg6[%parallel_loop3A_236, %parallel_loop3A_237], %parallel_loop3A_240 {strides = array<i32>} : memref<32x768xf32, #tpu.memory_space<vmem>>, vector<1x16xf32>,
        %parallel_loop3A_241 = arith.index_cast %parallel_loop3A_144 : i32 to index
        %parallel_loop3A_242 = arith.constant 128 : index
        %parallel_loop3A_243 = tpu.vector_load %arg6[%parallel_loop3A_241, %parallel_loop3A_242] {strides = array<i32>} : memref<32x768xf32, #tpu.memory_space<vmem>>, vector<1x16xf32>,
        %parallel_loop3A_244 = vector.shape_cast %parallel_loop3A_243 : vector<1x16xf32> to vector<16xf32>
        %parallel_loop3A_245 = arith.constant 27.7128124 : f32
        %parallel_loop3A_246 = vector.broadcast %parallel_loop3A_245 : f32 to vector<16xf32>
        %parallel_loop3A_247 = arith.mulf %parallel_loop3A_244, %parallel_loop3A_246 : vector<16xf32>
        %parallel_loop3A_248 = arith.index_cast %parallel_loop3A_144 : i32 to index
        %parallel_loop3A_249 = arith.constant 128 : index
        %parallel_loop3A_250 = tpu.vector_load %arg6[%parallel_loop3A_248, %parallel_loop3A_249] {strides = array<i32>} : memref<32x768xf32, #tpu.memory_space<vmem>>, vector<1x16xf32>,
        %parallel_loop3A_251 = vector.shape_cast %parallel_loop3A_250 : vector<1x16xf32> to vector<16xf32>
        %parallel_loop3A_252 = vector.shape_cast %parallel_loop3A_247 : vector<16xf32> to vector<1x16xf32>
        tpu.vector_store %arg6[%parallel_loop3A_248, %parallel_loop3A_249], %parallel_loop3A_252 {strides = array<i32>} : memref<32x768xf32, #tpu.memory_space<vmem>>, vector<1x16xf32>,
        %parallel_loop3A_253 = arith.index_cast %parallel_loop3A_144 : i32 to index
        %parallel_loop3A_254 = arith.constant 144 : index
        %parallel_loop3A_255 = tpu.vector_load %arg6[%parallel_loop3A_253, %parallel_loop3A_254] {strides = array<i32>} : memref<32x768xf32, #tpu.memory_space<vmem>>, vector<1x16xf32>,
        %parallel_loop3A_256 = vector.shape_cast %parallel_loop3A_255 : vector<1x16xf32> to vector<16xf32>
        %parallel_loop3A_257 = arith.constant 27.7128124 : f32
        %parallel_loop3A_258 = vector.broadcast %parallel_loop3A_257 : f32 to vector<16xf32>
        %parallel_loop3A_259 = arith.mulf %parallel_loop3A_256, %parallel_loop3A_258 : vector<16xf32>
        %parallel_loop3A_260 = arith.index_cast %parallel_loop3A_144 : i32 to index
        %parallel_loop3A_261 = arith.constant 144 : index
        %parallel_loop3A_262 = tpu.vector_load %arg6[%parallel_loop3A_260, %parallel_loop3A_261] {strides = array<i32>} : memref<32x768xf32, #tpu.memory_space<vmem>>, vector<1x16xf32>,
        %parallel_loop3A_263 = vector.shape_cast %parallel_loop3A_262 : vector<1x16xf32> to vector<16xf32>
        %parallel_loop3A_264 = vector.shape_cast %parallel_loop3A_259 : vector<16xf32> to vector<1x16xf32>
        tpu.vector_store %arg6[%parallel_loop3A_260, %parallel_loop3A_261], %parallel_loop3A_264 {strides = array<i32>} : memref<32x768xf32, #tpu.memory_space<vmem>>, vector<1x16xf32>,
        %parallel_loop3A_265 = arith.index_cast %parallel_loop3A_144 : i32 to index
        %parallel_loop3A_266 = arith.constant 160 : index
        %parallel_loop3A_267 = tpu.vector_load %arg6[%parallel_loop3A_265, %parallel_loop3A_266] {strides = array<i32>} : memref<32x768xf32, #tpu.memory_space<vmem>>, vector<1x16xf32>,
        %parallel_loop3A_268 = vector.shape_cast %parallel_loop3A_267 : vector<1x16xf32> to vector<16xf32>
        %parallel_loop3A_269 = arith.constant 27.7128124 : f32
        %parallel_loop3A_270 = vector.broadcast %parallel_loop3A_269 : f32 to vector<16xf32>
        %parallel_loop3A_271 = arith.mulf %parallel_loop3A_268, %parallel_loop3A_270 : vector<16xf32>
        %parallel_loop3A_272 = arith.index_cast %parallel_loop3A_144 : i32 to index
        %parallel_loop3A_273 = arith.constant 160 : index
        %parallel_loop3A_274 = tpu.vector_load %arg6[%parallel_loop3A_272, %parallel_loop3A_273] {strides = array<i32>} : memref<32x768xf32, #tpu.memory_space<vmem>>, vector<1x16xf32>,
        %parallel_loop3A_275 = vector.shape_cast %parallel_loop3A_274 : vector<1x16xf32> to vector<16xf32>
        %parallel_loop3A_276 = vector.shape_cast %parallel_loop3A_271 : vector<16xf32> to vector<1x16xf32>
        tpu.vector_store %arg6[%parallel_loop3A_272, %parallel_loop3A_273], %parallel_loop3A_276 {strides = array<i32>} : memref<32x768xf32, #tpu.memory_space<vmem>>, vector<1x16xf32>,
        %parallel_loop3A_277 = arith.index_cast %parallel_loop3A_144 : i32 to index
        %parallel_loop3A_278 = arith.constant 176 : index
        %parallel_loop3A_279 = tpu.vector_load %arg6[%parallel_loop3A_277, %parallel_loop3A_278] {strides = array<i32>} : memref<32x768xf32, #tpu.memory_space<vmem>>, vector<1x16xf32>,
        %parallel_loop3A_280 = vector.shape_cast %parallel_loop3A_279 : vector<1x16xf32> to vector<16xf32>
        %parallel_loop3A_281 = arith.constant 27.7128124 : f32
        %parallel_loop3A_282 = vector.broadcast %parallel_loop3A_281 : f32 to vector<16xf32>
        %parallel_loop3A_283 = arith.mulf %parallel_loop3A_280, %parallel_loop3A_282 : vector<16xf32>
        %parallel_loop3A_284 = arith.index_cast %parallel_loop3A_144 : i32 to index
        %parallel_loop3A_285 = arith.constant 176 : index
        %parallel_loop3A_286 = tpu.vector_load %arg6[%parallel_loop3A_284, %parallel_loop3A_285] {strides = array<i32>} : memref<32x768xf32, #tpu.memory_space<vmem>>, vector<1x16xf32>,
        %parallel_loop3A_287 = vector.shape_cast %parallel_loop3A_286 : vector<1x16xf32> to vector<16xf32>
        %parallel_loop3A_288 = vector.shape_cast %parallel_loop3A_283 : vector<16xf32> to vector<1x16xf32>
        tpu.vector_store %arg6[%parallel_loop3A_284, %parallel_loop3A_285], %parallel_loop3A_288 {strides = array<i32>} : memref<32x768xf32, #tpu.memory_space<vmem>>, vector<1x16xf32>,
        %parallel_loop3A_289 = arith.index_cast %parallel_loop3A_144 : i32 to index
        %parallel_loop3A_290 = arith.constant 192 : index
        %parallel_loop3A_291 = tpu.vector_load %arg6[%parallel_loop3A_289, %parallel_loop3A_290] {strides = array<i32>} : memref<32x768xf32, #tpu.memory_space<vmem>>, vector<1x16xf32>,
        %parallel_loop3A_292 = vector.shape_cast %parallel_loop3A_291 : vector<1x16xf32> to vector<16xf32>
        %parallel_loop3A_293 = arith.constant 27.7128124 : f32
        %parallel_loop3A_294 = vector.broadcast %parallel_loop3A_293 : f32 to vector<16xf32>
        %parallel_loop3A_295 = arith.mulf %parallel_loop3A_292, %parallel_loop3A_294 : vector<16xf32>
        %parallel_loop3A_296 = arith.index_cast %parallel_loop3A_144 : i32 to index
        %parallel_loop3A_297 = arith.constant 192 : index
        %parallel_loop3A_298 = tpu.vector_load %arg6[%parallel_loop3A_296, %parallel_loop3A_297] {strides = array<i32>} : memref<32x768xf32, #tpu.memory_space<vmem>>, vector<1x16xf32>,
        %parallel_loop3A_299 = vector.shape_cast %parallel_loop3A_298 : vector<1x16xf32> to vector<16xf32>
        %parallel_loop3A_300 = vector.shape_cast %parallel_loop3A_295 : vector<16xf32> to vector<1x16xf32>
        tpu.vector_store %arg6[%parallel_loop3A_296, %parallel_loop3A_297], %parallel_loop3A_300 {strides = array<i32>} : memref<32x768xf32, #tpu.memory_space<vmem>>, vector<1x16xf32>,
        %parallel_loop3A_301 = arith.index_cast %parallel_loop3A_144 : i32 to index
        %parallel_loop3A_302 = arith.constant 208 : index
        %parallel_loop3A_303 = tpu.vector_load %arg6[%parallel_loop3A_301, %parallel_loop3A_302] {strides = array<i32>} : memref<32x768xf32, #tpu.memory_space<vmem>>, vector<1x16xf32>,
        %parallel_loop3A_304 = vector.shape_cast %parallel_loop3A_303 : vector<1x16xf32> to vector<16xf32>
        %parallel_loop3A_305 = arith.constant 27.7128124 : f32
        %parallel_loop3A_306 = vector.broadcast %parallel_loop3A_305 : f32 to vector<16xf32>
        %parallel_loop3A_307 = arith.mulf %parallel_loop3A_304, %parallel_loop3A_306 : vector<16xf32>
        %parallel_loop3A_308 = arith.index_cast %parallel_loop3A_144 : i32 to index
        %parallel_loop3A_309 = arith.constant 208 : index
        %parallel_loop3A_310 = tpu.vector_load %arg6[%parallel_loop3A_308, %parallel_loop3A_309] {strides = array<i32>} : memref<32x768xf32, #tpu.memory_space<vmem>>, vector<1x16xf32>,
        %parallel_loop3A_311 = vector.shape_cast %parallel_loop3A_310 : vector<1x16xf32> to vector<16xf32>
        %parallel_loop3A_312 = vector.shape_cast %parallel_loop3A_307 : vector<16xf32> to vector<1x16xf32>
        tpu.vector_store %arg6[%parallel_loop3A_308, %parallel_loop3A_309], %parallel_loop3A_312 {strides = array<i32>} : memref<32x768xf32, #tpu.memory_space<vmem>>, vector<1x16xf32>,
        %parallel_loop3A_313 = arith.index_cast %parallel_loop3A_144 : i32 to index
        %parallel_loop3A_314 = arith.constant 224 : index
        %parallel_loop3A_315 = tpu.vector_load %arg6[%parallel_loop3A_313, %parallel_loop3A_314] {strides = array<i32>} : memref<32x768xf32, #tpu.memory_space<vmem>>, vector<1x16xf32>,
        %parallel_loop3A_316 = vector.shape_cast %parallel_loop3A_315 : vector<1x16xf32> to vector<16xf32>
        %parallel_loop3A_317 = arith.constant 27.7128124 : f32
        %parallel_loop3A_318 = vector.broadcast %parallel_loop3A_317 : f32 to vector<16xf32>
        %parallel_loop3A_319 = arith.mulf %parallel_loop3A_316, %parallel_loop3A_318 : vector<16xf32>
        %parallel_loop3A_320 = arith.index_cast %parallel_loop3A_144 : i32 to index
        %parallel_loop3A_321 = arith.constant 224 : index
        %parallel_loop3A_322 = tpu.vector_load %arg6[%parallel_loop3A_320, %parallel_loop3A_321] {strides = array<i32>} : memref<32x768xf32, #tpu.memory_space<vmem>>, vector<1x16xf32>,
        %parallel_loop3A_323 = vector.shape_cast %parallel_loop3A_322 : vector<1x16xf32> to vector<16xf32>
        %parallel_loop3A_324 = vector.shape_cast %parallel_loop3A_319 : vector<16xf32> to vector<1x16xf32>
        tpu.vector_store %arg6[%parallel_loop3A_320, %parallel_loop3A_321], %parallel_loop3A_324 {strides = array<i32>} : memref<32x768xf32, #tpu.memory_space<vmem>>, vector<1x16xf32>,
        %parallel_loop3A_325 = arith.index_cast %parallel_loop3A_144 : i32 to index
        %parallel_loop3A_326 = arith.constant 240 : index
        %parallel_loop3A_327 = tpu.vector_load %arg6[%parallel_loop3A_325, %parallel_loop3A_326] {strides = array<i32>} : memref<32x768xf32, #tpu.memory_space<vmem>>, vector<1x16xf32>,
        %parallel_loop3A_328 = vector.shape_cast %parallel_loop3A_327 : vector<1x16xf32> to vector<16xf32>
        %parallel_loop3A_329 = arith.constant 27.7128124 : f32
        %parallel_loop3A_330 = vector.broadcast %parallel_loop3A_329 : f32 to vector<16xf32>
        %parallel_loop3A_331 = arith.mulf %parallel_loop3A_328, %parallel_loop3A_330 : vector<16xf32>
        %parallel_loop3A_332 = arith.index_cast %parallel_loop3A_144 : i32 to index
        %parallel_loop3A_333 = arith.constant 240 : index
        %parallel_loop3A_334 = tpu.vector_load %arg6[%parallel_loop3A_332, %parallel_loop3A_333] {strides = array<i32>} : memref<32x768xf32, #tpu.memory_space<vmem>>, vector<1x16xf32>,
        %parallel_loop3A_335 = vector.shape_cast %parallel_loop3A_334 : vector<1x16xf32> to vector<16xf32>
        %parallel_loop3A_336 = vector.shape_cast %parallel_loop3A_331 : vector<16xf32> to vector<1x16xf32>
        tpu.vector_store %arg6[%parallel_loop3A_332, %parallel_loop3A_333], %parallel_loop3A_336 {strides = array<i32>} : memref<32x768xf32, #tpu.memory_space<vmem>>, vector<1x16xf32>,
        %parallel_loop3A_337 = arith.index_cast %parallel_loop3A_144 : i32 to index
        %parallel_loop3A_338 = arith.constant 256 : index
        %parallel_loop3A_339 = tpu.vector_load %arg6[%parallel_loop3A_337, %parallel_loop3A_338] {strides = array<i32>} : memref<32x768xf32, #tpu.memory_space<vmem>>, vector<1x16xf32>,
        %parallel_loop3A_340 = vector.shape_cast %parallel_loop3A_339 : vector<1x16xf32> to vector<16xf32>
        %parallel_loop3A_341 = arith.constant 27.7128124 : f32
        %parallel_loop3A_342 = vector.broadcast %parallel_loop3A_341 : f32 to vector<16xf32>
        %parallel_loop3A_343 = arith.mulf %parallel_loop3A_340, %parallel_loop3A_342 : vector<16xf32>
        %parallel_loop3A_344 = arith.index_cast %parallel_loop3A_144 : i32 to index
        %parallel_loop3A_345 = arith.constant 256 : index
        %parallel_loop3A_346 = tpu.vector_load %arg6[%parallel_loop3A_344, %parallel_loop3A_345] {strides = array<i32>} : memref<32x768xf32, #tpu.memory_space<vmem>>, vector<1x16xf32>,
        %parallel_loop3A_347 = vector.shape_cast %parallel_loop3A_346 : vector<1x16xf32> to vector<16xf32>
        %parallel_loop3A_348 = vector.shape_cast %parallel_loop3A_343 : vector<16xf32> to vector<1x16xf32>
        tpu.vector_store %arg6[%parallel_loop3A_344, %parallel_loop3A_345], %parallel_loop3A_348 {strides = array<i32>} : memref<32x768xf32, #tpu.memory_space<vmem>>, vector<1x16xf32>,
        %parallel_loop3A_349 = arith.index_cast %parallel_loop3A_144 : i32 to index
        %parallel_loop3A_350 = arith.constant 272 : index
        %parallel_loop3A_351 = tpu.vector_load %arg6[%parallel_loop3A_349, %parallel_loop3A_350] {strides = array<i32>} : memref<32x768xf32, #tpu.memory_space<vmem>>, vector<1x16xf32>,
        %parallel_loop3A_352 = vector.shape_cast %parallel_loop3A_351 : vector<1x16xf32> to vector<16xf32>
        %parallel_loop3A_353 = arith.constant 27.7128124 : f32
        %parallel_loop3A_354 = vector.broadcast %parallel_loop3A_353 : f32 to vector<16xf32>
        %parallel_loop3A_355 = arith.mulf %parallel_loop3A_352, %parallel_loop3A_354 : vector<16xf32>
        %parallel_loop3A_356 = arith.index_cast %parallel_loop3A_144 : i32 to index
        %parallel_loop3A_357 = arith.constant 272 : index
        %parallel_loop3A_358 = tpu.vector_load %arg6[%parallel_loop3A_356, %parallel_loop3A_357] {strides = array<i32>} : memref<32x768xf32, #tpu.memory_space<vmem>>, vector<1x16xf32>,
        %parallel_loop3A_359 = vector.shape_cast %parallel_loop3A_358 : vector<1x16xf32> to vector<16xf32>
        %parallel_loop3A_360 = vector.shape_cast %parallel_loop3A_355 : vector<16xf32> to vector<1x16xf32>
        tpu.vector_store %arg6[%parallel_loop3A_356, %parallel_loop3A_357], %parallel_loop3A_360 {strides = array<i32>} : memref<32x768xf32, #tpu.memory_space<vmem>>, vector<1x16xf32>,
        %parallel_loop3A_361 = arith.index_cast %parallel_loop3A_144 : i32 to index
        %parallel_loop3A_362 = arith.constant 288 : index
        %parallel_loop3A_363 = tpu.vector_load %arg6[%parallel_loop3A_361, %parallel_loop3A_362] {strides = array<i32>} : memref<32x768xf32, #tpu.memory_space<vmem>>, vector<1x16xf32>,
        %parallel_loop3A_364 = vector.shape_cast %parallel_loop3A_363 : vector<1x16xf32> to vector<16xf32>
        %parallel_loop3A_365 = arith.constant 27.7128124 : f32
        %parallel_loop3A_366 = vector.broadcast %parallel_loop3A_365 : f32 to vector<16xf32>
        %parallel_loop3A_367 = arith.mulf %parallel_loop3A_364, %parallel_loop3A_366 : vector<16xf32>
        %parallel_loop3A_368 = arith.index_cast %parallel_loop3A_144 : i32 to index
        %parallel_loop3A_369 = arith.constant 288 : index
        %parallel_loop3A_370 = tpu.vector_load %arg6[%parallel_loop3A_368, %parallel_loop3A_369] {strides = array<i32>} : memref<32x768xf32, #tpu.memory_space<vmem>>, vector<1x16xf32>,
        %parallel_loop3A_371 = vector.shape_cast %parallel_loop3A_370 : vector<1x16xf32> to vector<16xf32>
        %parallel_loop3A_372 = vector.shape_cast %parallel_loop3A_367 : vector<16xf32> to vector<1x16xf32>
        tpu.vector_store %arg6[%parallel_loop3A_368, %parallel_loop3A_369], %parallel_loop3A_372 {strides = array<i32>} : memref<32x768xf32, #tpu.memory_space<vmem>>, vector<1x16xf32>,
        %parallel_loop3A_373 = arith.index_cast %parallel_loop3A_144 : i32 to index
        %parallel_loop3A_374 = arith.constant 304 : index
        %parallel_loop3A_375 = tpu.vector_load %arg6[%parallel_loop3A_373, %parallel_loop3A_374] {strides = array<i32>} : memref<32x768xf32, #tpu.memory_space<vmem>>, vector<1x16xf32>,
        %parallel_loop3A_376 = vector.shape_cast %parallel_loop3A_375 : vector<1x16xf32> to vector<16xf32>
        %parallel_loop3A_377 = arith.constant 27.7128124 : f32
        %parallel_loop3A_378 = vector.broadcast %parallel_loop3A_377 : f32 to vector<16xf32>
        %parallel_loop3A_379 = arith.mulf %parallel_loop3A_376, %parallel_loop3A_378 : vector<16xf32>
        %parallel_loop3A_380 = arith.index_cast %parallel_loop3A_144 : i32 to index
        %parallel_loop3A_381 = arith.constant 304 : index
        %parallel_loop3A_382 = tpu.vector_load %arg6[%parallel_loop3A_380, %parallel_loop3A_381] {strides = array<i32>} : memref<32x768xf32, #tpu.memory_space<vmem>>, vector<1x16xf32>,
        %parallel_loop3A_383 = vector.shape_cast %parallel_loop3A_382 : vector<1x16xf32> to vector<16xf32>
        %parallel_loop3A_384 = vector.shape_cast %parallel_loop3A_379 : vector<16xf32> to vector<1x16xf32>
        tpu.vector_store %arg6[%parallel_loop3A_380, %parallel_loop3A_381], %parallel_loop3A_384 {strides = array<i32>} : memref<32x768xf32, #tpu.memory_space<vmem>>, vector<1x16xf32>,
        %parallel_loop3A_385 = arith.index_cast %parallel_loop3A_144 : i32 to index
        %parallel_loop3A_386 = arith.constant 320 : index
        %parallel_loop3A_387 = tpu.vector_load %arg6[%parallel_loop3A_385, %parallel_loop3A_386] {strides = array<i32>} : memref<32x768xf32, #tpu.memory_space<vmem>>, vector<1x16xf32>,
        %parallel_loop3A_388 = vector.shape_cast %parallel_loop3A_387 : vector<1x16xf32> to vector<16xf32>
        %parallel_loop3A_389 = arith.constant 27.7128124 : f32
        %parallel_loop3A_390 = vector.broadcast %parallel_loop3A_389 : f32 to vector<16xf32>
        %parallel_loop3A_391 = arith.mulf %parallel_loop3A_388, %parallel_loop3A_390 : vector<16xf32>
        %parallel_loop3A_392 = arith.index_cast %parallel_loop3A_144 : i32 to index
        %parallel_loop3A_393 = arith.constant 320 : index
        %parallel_loop3A_394 = tpu.vector_load %arg6[%parallel_loop3A_392, %parallel_loop3A_393] {strides = array<i32>} : memref<32x768xf32, #tpu.memory_space<vmem>>, vector<1x16xf32>,
        %parallel_loop3A_395 = vector.shape_cast %parallel_loop3A_394 : vector<1x16xf32> to vector<16xf32>
        %parallel_loop3A_396 = vector.shape_cast %parallel_loop3A_391 : vector<16xf32> to vector<1x16xf32>
        tpu.vector_store %arg6[%parallel_loop3A_392, %parallel_loop3A_393], %parallel_loop3A_396 {strides = array<i32>} : memref<32x768xf32, #tpu.memory_space<vmem>>, vector<1x16xf32>,
        %parallel_loop3A_397 = arith.index_cast %parallel_loop3A_144 : i32 to index
        %parallel_loop3A_398 = arith.constant 336 : index
        %parallel_loop3A_399 = tpu.vector_load %arg6[%parallel_loop3A_397, %parallel_loop3A_398] {strides = array<i32>} : memref<32x768xf32, #tpu.memory_space<vmem>>, vector<1x16xf32>,
        %parallel_loop3A_400 = vector.shape_cast %parallel_loop3A_399 : vector<1x16xf32> to vector<16xf32>
        %parallel_loop3A_401 = arith.constant 27.7128124 : f32
        %parallel_loop3A_402 = vector.broadcast %parallel_loop3A_401 : f32 to vector<16xf32>
        %parallel_loop3A_403 = arith.mulf %parallel_loop3A_400, %parallel_loop3A_402 : vector<16xf32>
        %parallel_loop3A_404 = arith.index_cast %parallel_loop3A_144 : i32 to index
        %parallel_loop3A_405 = arith.constant 336 : index
        %parallel_loop3A_406 = tpu.vector_load %arg6[%parallel_loop3A_404, %parallel_loop3A_405] {strides = array<i32>} : memref<32x768xf32, #tpu.memory_space<vmem>>, vector<1x16xf32>,
        %parallel_loop3A_407 = vector.shape_cast %parallel_loop3A_406 : vector<1x16xf32> to vector<16xf32>
        %parallel_loop3A_408 = vector.shape_cast %parallel_loop3A_403 : vector<16xf32> to vector<1x16xf32>
        tpu.vector_store %arg6[%parallel_loop3A_404, %parallel_loop3A_405], %parallel_loop3A_408 {strides = array<i32>} : memref<32x768xf32, #tpu.memory_space<vmem>>, vector<1x16xf32>,
        %parallel_loop3A_409 = arith.index_cast %parallel_loop3A_144 : i32 to index
        %parallel_loop3A_410 = arith.constant 352 : index
        %parallel_loop3A_411 = tpu.vector_load %arg6[%parallel_loop3A_409, %parallel_loop3A_410] {strides = array<i32>} : memref<32x768xf32, #tpu.memory_space<vmem>>, vector<1x16xf32>,
        %parallel_loop3A_412 = vector.shape_cast %parallel_loop3A_411 : vector<1x16xf32> to vector<16xf32>
        %parallel_loop3A_413 = arith.constant 27.7128124 : f32
        %parallel_loop3A_414 = vector.broadcast %parallel_loop3A_413 : f32 to vector<16xf32>
        %parallel_loop3A_415 = arith.mulf %parallel_loop3A_412, %parallel_loop3A_414 : vector<16xf32>
        %parallel_loop3A_416 = arith.index_cast %parallel_loop3A_144 : i32 to index
        %parallel_loop3A_417 = arith.constant 352 : index
        %parallel_loop3A_418 = tpu.vector_load %arg6[%parallel_loop3A_416, %parallel_loop3A_417] {strides = array<i32>} : memref<32x768xf32, #tpu.memory_space<vmem>>, vector<1x16xf32>,
        %parallel_loop3A_419 = vector.shape_cast %parallel_loop3A_418 : vector<1x16xf32> to vector<16xf32>
        %parallel_loop3A_420 = vector.shape_cast %parallel_loop3A_415 : vector<16xf32> to vector<1x16xf32>
        tpu.vector_store %arg6[%parallel_loop3A_416, %parallel_loop3A_417], %parallel_loop3A_420 {strides = array<i32>} : memref<32x768xf32, #tpu.memory_space<vmem>>, vector<1x16xf32>,
        %parallel_loop3A_421 = arith.index_cast %parallel_loop3A_144 : i32 to index
        %parallel_loop3A_422 = arith.constant 368 : index
        %parallel_loop3A_423 = tpu.vector_load %arg6[%parallel_loop3A_421, %parallel_loop3A_422] {strides = array<i32>} : memref<32x768xf32, #tpu.memory_space<vmem>>, vector<1x16xf32>,
        %parallel_loop3A_424 = vector.shape_cast %parallel_loop3A_423 : vector<1x16xf32> to vector<16xf32>
        %parallel_loop3A_425 = arith.constant 27.7128124 : f32
        %parallel_loop3A_426 = vector.broadcast %parallel_loop3A_425 : f32 to vector<16xf32>
        %parallel_loop3A_427 = arith.mulf %parallel_loop3A_424, %parallel_loop3A_426 : vector<16xf32>
        %parallel_loop3A_428 = arith.index_cast %parallel_loop3A_144 : i32 to index
        %parallel_loop3A_429 = arith.constant 368 : index
        %parallel_loop3A_430 = tpu.vector_load %arg6[%parallel_loop3A_428, %parallel_loop3A_429] {strides = array<i32>} : memref<32x768xf32, #tpu.memory_space<vmem>>, vector<1x16xf32>,
        %parallel_loop3A_431 = vector.shape_cast %parallel_loop3A_430 : vector<1x16xf32> to vector<16xf32>
        %parallel_loop3A_432 = vector.shape_cast %parallel_loop3A_427 : vector<16xf32> to vector<1x16xf32>
        tpu.vector_store %arg6[%parallel_loop3A_428, %parallel_loop3A_429], %parallel_loop3A_432 {strides = array<i32>} : memref<32x768xf32, #tpu.memory_space<vmem>>, vector<1x16xf32>,
        %parallel_loop3A_433 = arith.index_cast %parallel_loop3A_144 : i32 to index
        %parallel_loop3A_434 = arith.constant 384 : index
        %parallel_loop3A_435 = tpu.vector_load %arg6[%parallel_loop3A_433, %parallel_loop3A_434] {strides = array<i32>} : memref<32x768xf32, #tpu.memory_space<vmem>>, vector<1x16xf32>,
        %parallel_loop3A_436 = vector.shape_cast %parallel_loop3A_435 : vector<1x16xf32> to vector<16xf32>
        %parallel_loop3A_437 = arith.constant 27.7128124 : f32
        %parallel_loop3A_438 = vector.broadcast %parallel_loop3A_437 : f32 to vector<16xf32>
        %parallel_loop3A_439 = arith.mulf %parallel_loop3A_436, %parallel_loop3A_438 : vector<16xf32>
        %parallel_loop3A_440 = arith.index_cast %parallel_loop3A_144 : i32 to index
        %parallel_loop3A_441 = arith.constant 384 : index
        %parallel_loop3A_442 = tpu.vector_load %arg6[%parallel_loop3A_440, %parallel_loop3A_441] {strides = array<i32>} : memref<32x768xf32, #tpu.memory_space<vmem>>, vector<1x16xf32>,
        %parallel_loop3A_443 = vector.shape_cast %parallel_loop3A_442 : vector<1x16xf32> to vector<16xf32>
        %parallel_loop3A_444 = vector.shape_cast %parallel_loop3A_439 : vector<16xf32> to vector<1x16xf32>
        tpu.vector_store %arg6[%parallel_loop3A_440, %parallel_loop3A_441], %parallel_loop3A_444 {strides = array<i32>} : memref<32x768xf32, #tpu.memory_space<vmem>>, vector<1x16xf32>,
        %parallel_loop3A_445 = arith.index_cast %parallel_loop3A_144 : i32 to index
        %parallel_loop3A_446 = arith.constant 400 : index
        %parallel_loop3A_447 = tpu.vector_load %arg6[%parallel_loop3A_445, %parallel_loop3A_446] {strides = array<i32>} : memref<32x768xf32, #tpu.memory_space<vmem>>, vector<1x16xf32>,
        %parallel_loop3A_448 = vector.shape_cast %parallel_loop3A_447 : vector<1x16xf32> to vector<16xf32>
        %parallel_loop3A_449 = arith.constant 27.7128124 : f32
        %parallel_loop3A_450 = vector.broadcast %parallel_loop3A_449 : f32 to vector<16xf32>
        %parallel_loop3A_451 = arith.mulf %parallel_loop3A_448, %parallel_loop3A_450 : vector<16xf32>
        %parallel_loop3A_452 = arith.index_cast %parallel_loop3A_144 : i32 to index
        %parallel_loop3A_453 = arith.constant 400 : index
        %parallel_loop3A_454 = tpu.vector_load %arg6[%parallel_loop3A_452, %parallel_loop3A_453] {strides = array<i32>} : memref<32x768xf32, #tpu.memory_space<vmem>>, vector<1x16xf32>,
        %parallel_loop3A_455 = vector.shape_cast %parallel_loop3A_454 : vector<1x16xf32> to vector<16xf32>
        %parallel_loop3A_456 = vector.shape_cast %parallel_loop3A_451 : vector<16xf32> to vector<1x16xf32>
        tpu.vector_store %arg6[%parallel_loop3A_452, %parallel_loop3A_453], %parallel_loop3A_456 {strides = array<i32>} : memref<32x768xf32, #tpu.memory_space<vmem>>, vector<1x16xf32>,
        %parallel_loop3A_457 = arith.index_cast %parallel_loop3A_144 : i32 to index
        %parallel_loop3A_458 = arith.constant 416 : index
        %parallel_loop3A_459 = tpu.vector_load %arg6[%parallel_loop3A_457, %parallel_loop3A_458] {strides = array<i32>} : memref<32x768xf32, #tpu.memory_space<vmem>>, vector<1x16xf32>,
        %parallel_loop3A_460 = vector.shape_cast %parallel_loop3A_459 : vector<1x16xf32> to vector<16xf32>
        %parallel_loop3A_461 = arith.constant 27.7128124 : f32
        %parallel_loop3A_462 = vector.broadcast %parallel_loop3A_461 : f32 to vector<16xf32>
        %parallel_loop3A_463 = arith.mulf %parallel_loop3A_460, %parallel_loop3A_462 : vector<16xf32>
        %parallel_loop3A_464 = arith.index_cast %parallel_loop3A_144 : i32 to index
        %parallel_loop3A_465 = arith.constant 416 : index
        %parallel_loop3A_466 = tpu.vector_load %arg6[%parallel_loop3A_464, %parallel_loop3A_465] {strides = array<i32>} : memref<32x768xf32, #tpu.memory_space<vmem>>, vector<1x16xf32>,
        %parallel_loop3A_467 = vector.shape_cast %parallel_loop3A_466 : vector<1x16xf32> to vector<16xf32>
        %parallel_loop3A_468 = vector.shape_cast %parallel_loop3A_463 : vector<16xf32> to vector<1x16xf32>
        tpu.vector_store %arg6[%parallel_loop3A_464, %parallel_loop3A_465], %parallel_loop3A_468 {strides = array<i32>} : memref<32x768xf32, #tpu.memory_space<vmem>>, vector<1x16xf32>,
        %parallel_loop3A_469 = arith.index_cast %parallel_loop3A_144 : i32 to index
        %parallel_loop3A_470 = arith.constant 432 : index
        %parallel_loop3A_471 = tpu.vector_load %arg6[%parallel_loop3A_469, %parallel_loop3A_470] {strides = array<i32>} : memref<32x768xf32, #tpu.memory_space<vmem>>, vector<1x16xf32>,
        %parallel_loop3A_472 = vector.shape_cast %parallel_loop3A_471 : vector<1x16xf32> to vector<16xf32>
        %parallel_loop3A_473 = arith.constant 27.7128124 : f32
        %parallel_loop3A_474 = vector.broadcast %parallel_loop3A_473 : f32 to vector<16xf32>
        %parallel_loop3A_475 = arith.mulf %parallel_loop3A_472, %parallel_loop3A_474 : vector<16xf32>
        %parallel_loop3A_476 = arith.index_cast %parallel_loop3A_144 : i32 to index
        %parallel_loop3A_477 = arith.constant 432 : index
        %parallel_loop3A_478 = tpu.vector_load %arg6[%parallel_loop3A_476, %parallel_loop3A_477] {strides = array<i32>} : memref<32x768xf32, #tpu.memory_space<vmem>>, vector<1x16xf32>,
        %parallel_loop3A_479 = vector.shape_cast %parallel_loop3A_478 : vector<1x16xf32> to vector<16xf32>
        %parallel_loop3A_480 = vector.shape_cast %parallel_loop3A_475 : vector<16xf32> to vector<1x16xf32>
        tpu.vector_store %arg6[%parallel_loop3A_476, %parallel_loop3A_477], %parallel_loop3A_480 {strides = array<i32>} : memref<32x768xf32, #tpu.memory_space<vmem>>, vector<1x16xf32>,
        %parallel_loop3A_481 = arith.index_cast %parallel_loop3A_144 : i32 to index
        %parallel_loop3A_482 = arith.constant 448 : index
        %parallel_loop3A_483 = tpu.vector_load %arg6[%parallel_loop3A_481, %parallel_loop3A_482] {strides = array<i32>} : memref<32x768xf32, #tpu.memory_space<vmem>>, vector<1x16xf32>,
        %parallel_loop3A_484 = vector.shape_cast %parallel_loop3A_483 : vector<1x16xf32> to vector<16xf32>
        %parallel_loop3A_485 = arith.constant 27.7128124 : f32
        %parallel_loop3A_486 = vector.broadcast %parallel_loop3A_485 : f32 to vector<16xf32>
        %parallel_loop3A_487 = arith.mulf %parallel_loop3A_484, %parallel_loop3A_486 : vector<16xf32>
        %parallel_loop3A_488 = arith.index_cast %parallel_loop3A_144 : i32 to index
        %parallel_loop3A_489 = arith.constant 448 : index
        %parallel_loop3A_490 = tpu.vector_load %arg6[%parallel_loop3A_488, %parallel_loop3A_489] {strides = array<i32>} : memref<32x768xf32, #tpu.memory_space<vmem>>, vector<1x16xf32>,
        %parallel_loop3A_491 = vector.shape_cast %parallel_loop3A_490 : vector<1x16xf32> to vector<16xf32>
        %parallel_loop3A_492 = vector.shape_cast %parallel_loop3A_487 : vector<16xf32> to vector<1x16xf32>
        tpu.vector_store %arg6[%parallel_loop3A_488, %parallel_loop3A_489], %parallel_loop3A_492 {strides = array<i32>} : memref<32x768xf32, #tpu.memory_space<vmem>>, vector<1x16xf32>,
        %parallel_loop3A_493 = arith.index_cast %parallel_loop3A_144 : i32 to index
        %parallel_loop3A_494 = arith.constant 464 : index
        %parallel_loop3A_495 = tpu.vector_load %arg6[%parallel_loop3A_493, %parallel_loop3A_494] {strides = array<i32>} : memref<32x768xf32, #tpu.memory_space<vmem>>, vector<1x16xf32>,
        %parallel_loop3A_496 = vector.shape_cast %parallel_loop3A_495 : vector<1x16xf32> to vector<16xf32>
        %parallel_loop3A_497 = arith.constant 27.7128124 : f32
        %parallel_loop3A_498 = vector.broadcast %parallel_loop3A_497 : f32 to vector<16xf32>
        %parallel_loop3A_499 = arith.mulf %parallel_loop3A_496, %parallel_loop3A_498 : vector<16xf32>
        %parallel_loop3A_500 = arith.index_cast %parallel_loop3A_144 : i32 to index
        %parallel_loop3A_501 = arith.constant 464 : index
        %parallel_loop3A_502 = tpu.vector_load %arg6[%parallel_loop3A_500, %parallel_loop3A_501] {strides = array<i32>} : memref<32x768xf32, #tpu.memory_space<vmem>>, vector<1x16xf32>,
        %parallel_loop3A_503 = vector.shape_cast %parallel_loop3A_502 : vector<1x16xf32> to vector<16xf32>
        %parallel_loop3A_504 = vector.shape_cast %parallel_loop3A_499 : vector<16xf32> to vector<1x16xf32>
        tpu.vector_store %arg6[%parallel_loop3A_500, %parallel_loop3A_501], %parallel_loop3A_504 {strides = array<i32>} : memref<32x768xf32, #tpu.memory_space<vmem>>, vector<1x16xf32>,
        %parallel_loop3A_505 = arith.index_cast %parallel_loop3A_144 : i32 to index
        %parallel_loop3A_506 = arith.constant 480 : index
        %parallel_loop3A_507 = tpu.vector_load %arg6[%parallel_loop3A_505, %parallel_loop3A_506] {strides = array<i32>} : memref<32x768xf32, #tpu.memory_space<vmem>>, vector<1x16xf32>,
        %parallel_loop3A_508 = vector.shape_cast %parallel_loop3A_507 : vector<1x16xf32> to vector<16xf32>
        %parallel_loop3A_509 = arith.constant 27.7128124 : f32
        %parallel_loop3A_510 = vector.broadcast %parallel_loop3A_509 : f32 to vector<16xf32>
        %parallel_loop3A_511 = arith.mulf %parallel_loop3A_508, %parallel_loop3A_510 : vector<16xf32>
        %parallel_loop3A_512 = arith.index_cast %parallel_loop3A_144 : i32 to index
        %parallel_loop3A_513 = arith.constant 480 : index
        %parallel_loop3A_514 = tpu.vector_load %arg6[%parallel_loop3A_512, %parallel_loop3A_513] {strides = array<i32>} : memref<32x768xf32, #tpu.memory_space<vmem>>, vector<1x16xf32>,
        %parallel_loop3A_515 = vector.shape_cast %parallel_loop3A_514 : vector<1x16xf32> to vector<16xf32>
        %parallel_loop3A_516 = vector.shape_cast %parallel_loop3A_511 : vector<16xf32> to vector<1x16xf32>
        tpu.vector_store %arg6[%parallel_loop3A_512, %parallel_loop3A_513], %parallel_loop3A_516 {strides = array<i32>} : memref<32x768xf32, #tpu.memory_space<vmem>>, vector<1x16xf32>,
        %parallel_loop3A_517 = arith.index_cast %parallel_loop3A_144 : i32 to index
        %parallel_loop3A_518 = arith.constant 496 : index
        %parallel_loop3A_519 = tpu.vector_load %arg6[%parallel_loop3A_517, %parallel_loop3A_518] {strides = array<i32>} : memref<32x768xf32, #tpu.memory_space<vmem>>, vector<1x16xf32>,
        %parallel_loop3A_520 = vector.shape_cast %parallel_loop3A_519 : vector<1x16xf32> to vector<16xf32>
        %parallel_loop3A_521 = arith.constant 27.7128124 : f32
        %parallel_loop3A_522 = vector.broadcast %parallel_loop3A_521 : f32 to vector<16xf32>
        %parallel_loop3A_523 = arith.mulf %parallel_loop3A_520, %parallel_loop3A_522 : vector<16xf32>
        %parallel_loop3A_524 = arith.index_cast %parallel_loop3A_144 : i32 to index
        %parallel_loop3A_525 = arith.constant 496 : index
        %parallel_loop3A_526 = tpu.vector_load %arg6[%parallel_loop3A_524, %parallel_loop3A_525] {strides = array<i32>} : memref<32x768xf32, #tpu.memory_space<vmem>>, vector<1x16xf32>,
        %parallel_loop3A_527 = vector.shape_cast %parallel_loop3A_526 : vector<1x16xf32> to vector<16xf32>
        %parallel_loop3A_528 = vector.shape_cast %parallel_loop3A_523 : vector<16xf32> to vector<1x16xf32>
        tpu.vector_store %arg6[%parallel_loop3A_524, %parallel_loop3A_525], %parallel_loop3A_528 {strides = array<i32>} : memref<32x768xf32, #tpu.memory_space<vmem>>, vector<1x16xf32>,
        %parallel_loop3A_529 = arith.index_cast %parallel_loop3A_144 : i32 to index
        %parallel_loop3A_530 = arith.constant 512 : index
        %parallel_loop3A_531 = tpu.vector_load %arg6[%parallel_loop3A_529, %parallel_loop3A_530] {strides = array<i32>} : memref<32x768xf32, #tpu.memory_space<vmem>>, vector<1x16xf32>,
        %parallel_loop3A_532 = vector.shape_cast %parallel_loop3A_531 : vector<1x16xf32> to vector<16xf32>
        %parallel_loop3A_533 = arith.constant 27.7128124 : f32
        %parallel_loop3A_534 = vector.broadcast %parallel_loop3A_533 : f32 to vector<16xf32>
        %parallel_loop3A_535 = arith.mulf %parallel_loop3A_532, %parallel_loop3A_534 : vector<16xf32>
        %parallel_loop3A_536 = arith.index_cast %parallel_loop3A_144 : i32 to index
        %parallel_loop3A_537 = arith.constant 512 : index
        %parallel_loop3A_538 = tpu.vector_load %arg6[%parallel_loop3A_536, %parallel_loop3A_537] {strides = array<i32>} : memref<32x768xf32, #tpu.memory_space<vmem>>, vector<1x16xf32>,
        %parallel_loop3A_539 = vector.shape_cast %parallel_loop3A_538 : vector<1x16xf32> to vector<16xf32>
        %parallel_loop3A_540 = vector.shape_cast %parallel_loop3A_535 : vector<16xf32> to vector<1x16xf32>
        tpu.vector_store %arg6[%parallel_loop3A_536, %parallel_loop3A_537], %parallel_loop3A_540 {strides = array<i32>} : memref<32x768xf32, #tpu.memory_space<vmem>>, vector<1x16xf32>,
        %parallel_loop3A_541 = arith.index_cast %parallel_loop3A_144 : i32 to index
        %parallel_loop3A_542 = arith.constant 528 : index
        %parallel_loop3A_543 = tpu.vector_load %arg6[%parallel_loop3A_541, %parallel_loop3A_542] {strides = array<i32>} : memref<32x768xf32, #tpu.memory_space<vmem>>, vector<1x16xf32>,
        %parallel_loop3A_544 = vector.shape_cast %parallel_loop3A_543 : vector<1x16xf32> to vector<16xf32>
        %parallel_loop3A_545 = arith.constant 27.7128124 : f32
        %parallel_loop3A_546 = vector.broadcast %parallel_loop3A_545 : f32 to vector<16xf32>
        %parallel_loop3A_547 = arith.mulf %parallel_loop3A_544, %parallel_loop3A_546 : vector<16xf32>
        %parallel_loop3A_548 = arith.index_cast %parallel_loop3A_144 : i32 to index
        %parallel_loop3A_549 = arith.constant 528 : index
        %parallel_loop3A_550 = tpu.vector_load %arg6[%parallel_loop3A_548, %parallel_loop3A_549] {strides = array<i32>} : memref<32x768xf32, #tpu.memory_space<vmem>>, vector<1x16xf32>,
        %parallel_loop3A_551 = vector.shape_cast %parallel_loop3A_550 : vector<1x16xf32> to vector<16xf32>
        %parallel_loop3A_552 = vector.shape_cast %parallel_loop3A_547 : vector<16xf32> to vector<1x16xf32>
        tpu.vector_store %arg6[%parallel_loop3A_548, %parallel_loop3A_549], %parallel_loop3A_552 {strides = array<i32>} : memref<32x768xf32, #tpu.memory_space<vmem>>, vector<1x16xf32>,
        %parallel_loop3A_553 = arith.index_cast %parallel_loop3A_144 : i32 to index
        %parallel_loop3A_554 = arith.constant 544 : index
        %parallel_loop3A_555 = tpu.vector_load %arg6[%parallel_loop3A_553, %parallel_loop3A_554] {strides = array<i32>} : memref<32x768xf32, #tpu.memory_space<vmem>>, vector<1x16xf32>,
        %parallel_loop3A_556 = vector.shape_cast %parallel_loop3A_555 : vector<1x16xf32> to vector<16xf32>
        %parallel_loop3A_557 = arith.constant 27.7128124 : f32
        %parallel_loop3A_558 = vector.broadcast %parallel_loop3A_557 : f32 to vector<16xf32>
        %parallel_loop3A_559 = arith.mulf %parallel_loop3A_556, %parallel_loop3A_558 : vector<16xf32>
        %parallel_loop3A_560 = arith.index_cast %parallel_loop3A_144 : i32 to index
        %parallel_loop3A_561 = arith.constant 544 : index
        %parallel_loop3A_562 = tpu.vector_load %arg6[%parallel_loop3A_560, %parallel_loop3A_561] {strides = array<i32>} : memref<32x768xf32, #tpu.memory_space<vmem>>, vector<1x16xf32>,
        %parallel_loop3A_563 = vector.shape_cast %parallel_loop3A_562 : vector<1x16xf32> to vector<16xf32>
        %parallel_loop3A_564 = vector.shape_cast %parallel_loop3A_559 : vector<16xf32> to vector<1x16xf32>
        tpu.vector_store %arg6[%parallel_loop3A_560, %parallel_loop3A_561], %parallel_loop3A_564 {strides = array<i32>} : memref<32x768xf32, #tpu.memory_space<vmem>>, vector<1x16xf32>,
        %parallel_loop3A_565 = arith.index_cast %parallel_loop3A_144 : i32 to index
        %parallel_loop3A_566 = arith.constant 560 : index
        %parallel_loop3A_567 = tpu.vector_load %arg6[%parallel_loop3A_565, %parallel_loop3A_566] {strides = array<i32>} : memref<32x768xf32, #tpu.memory_space<vmem>>, vector<1x16xf32>,
        %parallel_loop3A_568 = vector.shape_cast %parallel_loop3A_567 : vector<1x16xf32> to vector<16xf32>
        %parallel_loop3A_569 = arith.constant 27.7128124 : f32
        %parallel_loop3A_570 = vector.broadcast %parallel_loop3A_569 : f32 to vector<16xf32>
        %parallel_loop3A_571 = arith.mulf %parallel_loop3A_568, %parallel_loop3A_570 : vector<16xf32>
        %parallel_loop3A_572 = arith.index_cast %parallel_loop3A_144 : i32 to index
        %parallel_loop3A_573 = arith.constant 560 : index
        %parallel_loop3A_574 = tpu.vector_load %arg6[%parallel_loop3A_572, %parallel_loop3A_573] {strides = array<i32>} : memref<32x768xf32, #tpu.memory_space<vmem>>, vector<1x16xf32>,
        %parallel_loop3A_575 = vector.shape_cast %parallel_loop3A_574 : vector<1x16xf32> to vector<16xf32>
        %parallel_loop3A_576 = vector.shape_cast %parallel_loop3A_571 : vector<16xf32> to vector<1x16xf32>
        tpu.vector_store %arg6[%parallel_loop3A_572, %parallel_loop3A_573], %parallel_loop3A_576 {strides = array<i32>} : memref<32x768xf32, #tpu.memory_space<vmem>>, vector<1x16xf32>,
        %parallel_loop3A_577 = arith.index_cast %parallel_loop3A_144 : i32 to index
        %parallel_loop3A_578 = arith.constant 576 : index
        %parallel_loop3A_579 = tpu.vector_load %arg6[%parallel_loop3A_577, %parallel_loop3A_578] {strides = array<i32>} : memref<32x768xf32, #tpu.memory_space<vmem>>, vector<1x16xf32>,
        %parallel_loop3A_580 = vector.shape_cast %parallel_loop3A_579 : vector<1x16xf32> to vector<16xf32>
        %parallel_loop3A_581 = arith.constant 27.7128124 : f32
        %parallel_loop3A_582 = vector.broadcast %parallel_loop3A_581 : f32 to vector<16xf32>
        %parallel_loop3A_583 = arith.mulf %parallel_loop3A_580, %parallel_loop3A_582 : vector<16xf32>
        %parallel_loop3A_584 = arith.index_cast %parallel_loop3A_144 : i32 to index
        %parallel_loop3A_585 = arith.constant 576 : index
        %parallel_loop3A_586 = tpu.vector_load %arg6[%parallel_loop3A_584, %parallel_loop3A_585] {strides = array<i32>} : memref<32x768xf32, #tpu.memory_space<vmem>>, vector<1x16xf32>,
        %parallel_loop3A_587 = vector.shape_cast %parallel_loop3A_586 : vector<1x16xf32> to vector<16xf32>
        %parallel_loop3A_588 = vector.shape_cast %parallel_loop3A_583 : vector<16xf32> to vector<1x16xf32>
        tpu.vector_store %arg6[%parallel_loop3A_584, %parallel_loop3A_585], %parallel_loop3A_588 {strides = array<i32>} : memref<32x768xf32, #tpu.memory_space<vmem>>, vector<1x16xf32>,
        %parallel_loop3A_589 = arith.index_cast %parallel_loop3A_144 : i32 to index
        %parallel_loop3A_590 = arith.constant 592 : index
        %parallel_loop3A_591 = tpu.vector_load %arg6[%parallel_loop3A_589, %parallel_loop3A_590] {strides = array<i32>} : memref<32x768xf32, #tpu.memory_space<vmem>>, vector<1x16xf32>,
        %parallel_loop3A_592 = vector.shape_cast %parallel_loop3A_591 : vector<1x16xf32> to vector<16xf32>
        %parallel_loop3A_593 = arith.constant 27.7128124 : f32
        %parallel_loop3A_594 = vector.broadcast %parallel_loop3A_593 : f32 to vector<16xf32>
        %parallel_loop3A_595 = arith.mulf %parallel_loop3A_592, %parallel_loop3A_594 : vector<16xf32>
        %parallel_loop3A_596 = arith.index_cast %parallel_loop3A_144 : i32 to index
        %parallel_loop3A_597 = arith.constant 592 : index
        %parallel_loop3A_598 = tpu.vector_load %arg6[%parallel_loop3A_596, %parallel_loop3A_597] {strides = array<i32>} : memref<32x768xf32, #tpu.memory_space<vmem>>, vector<1x16xf32>,
        %parallel_loop3A_599 = vector.shape_cast %parallel_loop3A_598 : vector<1x16xf32> to vector<16xf32>
        %parallel_loop3A_600 = vector.shape_cast %parallel_loop3A_595 : vector<16xf32> to vector<1x16xf32>
        tpu.vector_store %arg6[%parallel_loop3A_596, %parallel_loop3A_597], %parallel_loop3A_600 {strides = array<i32>} : memref<32x768xf32, #tpu.memory_space<vmem>>, vector<1x16xf32>,
        %parallel_loop3A_601 = arith.index_cast %parallel_loop3A_144 : i32 to index
        %parallel_loop3A_602 = arith.constant 608 : index
        %parallel_loop3A_603 = tpu.vector_load %arg6[%parallel_loop3A_601, %parallel_loop3A_602] {strides = array<i32>} : memref<32x768xf32, #tpu.memory_space<vmem>>, vector<1x16xf32>,
        %parallel_loop3A_604 = vector.shape_cast %parallel_loop3A_603 : vector<1x16xf32> to vector<16xf32>
        %parallel_loop3A_605 = arith.constant 27.7128124 : f32
        %parallel_loop3A_606 = vector.broadcast %parallel_loop3A_605 : f32 to vector<16xf32>
        %parallel_loop3A_607 = arith.mulf %parallel_loop3A_604, %parallel_loop3A_606 : vector<16xf32>
        %parallel_loop3A_608 = arith.index_cast %parallel_loop3A_144 : i32 to index
        %parallel_loop3A_609 = arith.constant 608 : index
        %parallel_loop3A_610 = tpu.vector_load %arg6[%parallel_loop3A_608, %parallel_loop3A_609] {strides = array<i32>} : memref<32x768xf32, #tpu.memory_space<vmem>>, vector<1x16xf32>,
        %parallel_loop3A_611 = vector.shape_cast %parallel_loop3A_610 : vector<1x16xf32> to vector<16xf32>
        %parallel_loop3A_612 = vector.shape_cast %parallel_loop3A_607 : vector<16xf32> to vector<1x16xf32>
        tpu.vector_store %arg6[%parallel_loop3A_608, %parallel_loop3A_609], %parallel_loop3A_612 {strides = array<i32>} : memref<32x768xf32, #tpu.memory_space<vmem>>, vector<1x16xf32>,
        %parallel_loop3A_613 = arith.index_cast %parallel_loop3A_144 : i32 to index
        %parallel_loop3A_614 = arith.constant 624 : index
        %parallel_loop3A_615 = tpu.vector_load %arg6[%parallel_loop3A_613, %parallel_loop3A_614] {strides = array<i32>} : memref<32x768xf32, #tpu.memory_space<vmem>>, vector<1x16xf32>,
        %parallel_loop3A_616 = vector.shape_cast %parallel_loop3A_615 : vector<1x16xf32> to vector<16xf32>
        %parallel_loop3A_617 = arith.constant 27.7128124 : f32
        %parallel_loop3A_618 = vector.broadcast %parallel_loop3A_617 : f32 to vector<16xf32>
        %parallel_loop3A_619 = arith.mulf %parallel_loop3A_616, %parallel_loop3A_618 : vector<16xf32>
        %parallel_loop3A_620 = arith.index_cast %parallel_loop3A_144 : i32 to index
        %parallel_loop3A_621 = arith.constant 624 : index
        %parallel_loop3A_622 = tpu.vector_load %arg6[%parallel_loop3A_620, %parallel_loop3A_621] {strides = array<i32>} : memref<32x768xf32, #tpu.memory_space<vmem>>, vector<1x16xf32>,
        %parallel_loop3A_623 = vector.shape_cast %parallel_loop3A_622 : vector<1x16xf32> to vector<16xf32>
        %parallel_loop3A_624 = vector.shape_cast %parallel_loop3A_619 : vector<16xf32> to vector<1x16xf32>
        tpu.vector_store %arg6[%parallel_loop3A_620, %parallel_loop3A_621], %parallel_loop3A_624 {strides = array<i32>} : memref<32x768xf32, #tpu.memory_space<vmem>>, vector<1x16xf32>,
        %parallel_loop3A_625 = arith.index_cast %parallel_loop3A_144 : i32 to index
        %parallel_loop3A_626 = arith.constant 640 : index
        %parallel_loop3A_627 = tpu.vector_load %arg6[%parallel_loop3A_625, %parallel_loop3A_626] {strides = array<i32>} : memref<32x768xf32, #tpu.memory_space<vmem>>, vector<1x16xf32>,
        %parallel_loop3A_628 = vector.shape_cast %parallel_loop3A_627 : vector<1x16xf32> to vector<16xf32>
        %parallel_loop3A_629 = arith.constant 27.7128124 : f32
        %parallel_loop3A_630 = vector.broadcast %parallel_loop3A_629 : f32 to vector<16xf32>
        %parallel_loop3A_631 = arith.mulf %parallel_loop3A_628, %parallel_loop3A_630 : vector<16xf32>
        %parallel_loop3A_632 = arith.index_cast %parallel_loop3A_144 : i32 to index
        %parallel_loop3A_633 = arith.constant 640 : index
        %parallel_loop3A_634 = tpu.vector_load %arg6[%parallel_loop3A_632, %parallel_loop3A_633] {strides = array<i32>} : memref<32x768xf32, #tpu.memory_space<vmem>>, vector<1x16xf32>,
        %parallel_loop3A_635 = vector.shape_cast %parallel_loop3A_634 : vector<1x16xf32> to vector<16xf32>
        %parallel_loop3A_636 = vector.shape_cast %parallel_loop3A_631 : vector<16xf32> to vector<1x16xf32>
        tpu.vector_store %arg6[%parallel_loop3A_632, %parallel_loop3A_633], %parallel_loop3A_636 {strides = array<i32>} : memref<32x768xf32, #tpu.memory_space<vmem>>, vector<1x16xf32>,
        %parallel_loop3A_637 = arith.index_cast %parallel_loop3A_144 : i32 to index
        %parallel_loop3A_638 = arith.constant 656 : index
        %parallel_loop3A_639 = tpu.vector_load %arg6[%parallel_loop3A_637, %parallel_loop3A_638] {strides = array<i32>} : memref<32x768xf32, #tpu.memory_space<vmem>>, vector<1x16xf32>,
        %parallel_loop3A_640 = vector.shape_cast %parallel_loop3A_639 : vector<1x16xf32> to vector<16xf32>
        %parallel_loop3A_641 = arith.constant 27.7128124 : f32
        %parallel_loop3A_642 = vector.broadcast %parallel_loop3A_641 : f32 to vector<16xf32>
        %parallel_loop3A_643 = arith.mulf %parallel_loop3A_640, %parallel_loop3A_642 : vector<16xf32>
        %parallel_loop3A_644 = arith.index_cast %parallel_loop3A_144 : i32 to index
        %parallel_loop3A_645 = arith.constant 656 : index
        %parallel_loop3A_646 = tpu.vector_load %arg6[%parallel_loop3A_644, %parallel_loop3A_645] {strides = array<i32>} : memref<32x768xf32, #tpu.memory_space<vmem>>, vector<1x16xf32>,
        %parallel_loop3A_647 = vector.shape_cast %parallel_loop3A_646 : vector<1x16xf32> to vector<16xf32>
        %parallel_loop3A_648 = vector.shape_cast %parallel_loop3A_643 : vector<16xf32> to vector<1x16xf32>
        tpu.vector_store %arg6[%parallel_loop3A_644, %parallel_loop3A_645], %parallel_loop3A_648 {strides = array<i32>} : memref<32x768xf32, #tpu.memory_space<vmem>>, vector<1x16xf32>,
        %parallel_loop3A_649 = arith.index_cast %parallel_loop3A_144 : i32 to index
        %parallel_loop3A_650 = arith.constant 672 : index
        %parallel_loop3A_651 = tpu.vector_load %arg6[%parallel_loop3A_649, %parallel_loop3A_650] {strides = array<i32>} : memref<32x768xf32, #tpu.memory_space<vmem>>, vector<1x16xf32>,
        %parallel_loop3A_652 = vector.shape_cast %parallel_loop3A_651 : vector<1x16xf32> to vector<16xf32>
        %parallel_loop3A_653 = arith.constant 27.7128124 : f32
        %parallel_loop3A_654 = vector.broadcast %parallel_loop3A_653 : f32 to vector<16xf32>
        %parallel_loop3A_655 = arith.mulf %parallel_loop3A_652, %parallel_loop3A_654 : vector<16xf32>
        %parallel_loop3A_656 = arith.index_cast %parallel_loop3A_144 : i32 to index
        %parallel_loop3A_657 = arith.constant 672 : index
        %parallel_loop3A_658 = tpu.vector_load %arg6[%parallel_loop3A_656, %parallel_loop3A_657] {strides = array<i32>} : memref<32x768xf32, #tpu.memory_space<vmem>>, vector<1x16xf32>,
        %parallel_loop3A_659 = vector.shape_cast %parallel_loop3A_658 : vector<1x16xf32> to vector<16xf32>
        %parallel_loop3A_660 = vector.shape_cast %parallel_loop3A_655 : vector<16xf32> to vector<1x16xf32>
        tpu.vector_store %arg6[%parallel_loop3A_656, %parallel_loop3A_657], %parallel_loop3A_660 {strides = array<i32>} : memref<32x768xf32, #tpu.memory_space<vmem>>, vector<1x16xf32>,
        %parallel_loop3A_661 = arith.index_cast %parallel_loop3A_144 : i32 to index
        %parallel_loop3A_662 = arith.constant 688 : index
        %parallel_loop3A_663 = tpu.vector_load %arg6[%parallel_loop3A_661, %parallel_loop3A_662] {strides = array<i32>} : memref<32x768xf32, #tpu.memory_space<vmem>>, vector<1x16xf32>,
        %parallel_loop3A_664 = vector.shape_cast %parallel_loop3A_663 : vector<1x16xf32> to vector<16xf32>
        %parallel_loop3A_665 = arith.constant 27.7128124 : f32
        %parallel_loop3A_666 = vector.broadcast %parallel_loop3A_665 : f32 to vector<16xf32>
        %parallel_loop3A_667 = arith.mulf %parallel_loop3A_664, %parallel_loop3A_666 : vector<16xf32>
        %parallel_loop3A_668 = arith.index_cast %parallel_loop3A_144 : i32 to index
        %parallel_loop3A_669 = arith.constant 688 : index
        %parallel_loop3A_670 = tpu.vector_load %arg6[%parallel_loop3A_668, %parallel_loop3A_669] {strides = array<i32>} : memref<32x768xf32, #tpu.memory_space<vmem>>, vector<1x16xf32>,
        %parallel_loop3A_671 = vector.shape_cast %parallel_loop3A_670 : vector<1x16xf32> to vector<16xf32>
        %parallel_loop3A_672 = vector.shape_cast %parallel_loop3A_667 : vector<16xf32> to vector<1x16xf32>
        tpu.vector_store %arg6[%parallel_loop3A_668, %parallel_loop3A_669], %parallel_loop3A_672 {strides = array<i32>} : memref<32x768xf32, #tpu.memory_space<vmem>>, vector<1x16xf32>,
        %parallel_loop3A_673 = arith.index_cast %parallel_loop3A_144 : i32 to index
        %parallel_loop3A_674 = arith.constant 704 : index
        %parallel_loop3A_675 = tpu.vector_load %arg6[%parallel_loop3A_673, %parallel_loop3A_674] {strides = array<i32>} : memref<32x768xf32, #tpu.memory_space<vmem>>, vector<1x16xf32>,
        %parallel_loop3A_676 = vector.shape_cast %parallel_loop3A_675 : vector<1x16xf32> to vector<16xf32>
        %parallel_loop3A_677 = arith.constant 27.7128124 : f32
        %parallel_loop3A_678 = vector.broadcast %parallel_loop3A_677 : f32 to vector<16xf32>
        %parallel_loop3A_679 = arith.mulf %parallel_loop3A_676, %parallel_loop3A_678 : vector<16xf32>
        %parallel_loop3A_680 = arith.index_cast %parallel_loop3A_144 : i32 to index
        %parallel_loop3A_681 = arith.constant 704 : index
        %parallel_loop3A_682 = tpu.vector_load %arg6[%parallel_loop3A_680, %parallel_loop3A_681] {strides = array<i32>} : memref<32x768xf32, #tpu.memory_space<vmem>>, vector<1x16xf32>,
        %parallel_loop3A_683 = vector.shape_cast %parallel_loop3A_682 : vector<1x16xf32> to vector<16xf32>
        %parallel_loop3A_684 = vector.shape_cast %parallel_loop3A_679 : vector<16xf32> to vector<1x16xf32>
        tpu.vector_store %arg6[%parallel_loop3A_680, %parallel_loop3A_681], %parallel_loop3A_684 {strides = array<i32>} : memref<32x768xf32, #tpu.memory_space<vmem>>, vector<1x16xf32>,
        %parallel_loop3A_685 = arith.index_cast %parallel_loop3A_144 : i32 to index
        %parallel_loop3A_686 = arith.constant 720 : index
        %parallel_loop3A_687 = tpu.vector_load %arg6[%parallel_loop3A_685, %parallel_loop3A_686] {strides = array<i32>} : memref<32x768xf32, #tpu.memory_space<vmem>>, vector<1x16xf32>,
        %parallel_loop3A_688 = vector.shape_cast %parallel_loop3A_687 : vector<1x16xf32> to vector<16xf32>
        %parallel_loop3A_689 = arith.constant 27.7128124 : f32
        %parallel_loop3A_690 = vector.broadcast %parallel_loop3A_689 : f32 to vector<16xf32>
        %parallel_loop3A_691 = arith.mulf %parallel_loop3A_688, %parallel_loop3A_690 : vector<16xf32>
        %parallel_loop3A_692 = arith.index_cast %parallel_loop3A_144 : i32 to index
        %parallel_loop3A_693 = arith.constant 720 : index
        %parallel_loop3A_694 = tpu.vector_load %arg6[%parallel_loop3A_692, %parallel_loop3A_693] {strides = array<i32>} : memref<32x768xf32, #tpu.memory_space<vmem>>, vector<1x16xf32>,
        %parallel_loop3A_695 = vector.shape_cast %parallel_loop3A_694 : vector<1x16xf32> to vector<16xf32>
        %parallel_loop3A_696 = vector.shape_cast %parallel_loop3A_691 : vector<16xf32> to vector<1x16xf32>
        tpu.vector_store %arg6[%parallel_loop3A_692, %parallel_loop3A_693], %parallel_loop3A_696 {strides = array<i32>} : memref<32x768xf32, #tpu.memory_space<vmem>>, vector<1x16xf32>,
        %parallel_loop3A_697 = arith.index_cast %parallel_loop3A_144 : i32 to index
        %parallel_loop3A_698 = arith.constant 736 : index
        %parallel_loop3A_699 = tpu.vector_load %arg6[%parallel_loop3A_697, %parallel_loop3A_698] {strides = array<i32>} : memref<32x768xf32, #tpu.memory_space<vmem>>, vector<1x16xf32>,
        %parallel_loop3A_700 = vector.shape_cast %parallel_loop3A_699 : vector<1x16xf32> to vector<16xf32>
        %parallel_loop3A_701 = arith.constant 27.7128124 : f32
        %parallel_loop3A_702 = vector.broadcast %parallel_loop3A_701 : f32 to vector<16xf32>
        %parallel_loop3A_703 = arith.mulf %parallel_loop3A_700, %parallel_loop3A_702 : vector<16xf32>
        %parallel_loop3A_704 = arith.index_cast %parallel_loop3A_144 : i32 to index
        %parallel_loop3A_705 = arith.constant 736 : index
        %parallel_loop3A_706 = tpu.vector_load %arg6[%parallel_loop3A_704, %parallel_loop3A_705] {strides = array<i32>} : memref<32x768xf32, #tpu.memory_space<vmem>>, vector<1x16xf32>,
        %parallel_loop3A_707 = vector.shape_cast %parallel_loop3A_706 : vector<1x16xf32> to vector<16xf32>
        %parallel_loop3A_708 = vector.shape_cast %parallel_loop3A_703 : vector<16xf32> to vector<1x16xf32>
        tpu.vector_store %arg6[%parallel_loop3A_704, %parallel_loop3A_705], %parallel_loop3A_708 {strides = array<i32>} : memref<32x768xf32, #tpu.memory_space<vmem>>, vector<1x16xf32>,
        %parallel_loop3A_709 = arith.index_cast %parallel_loop3A_144 : i32 to index
        %parallel_loop3A_710 = arith.constant 752 : index
        %parallel_loop3A_711 = tpu.vector_load %arg6[%parallel_loop3A_709, %parallel_loop3A_710] {strides = array<i32>} : memref<32x768xf32, #tpu.memory_space<vmem>>, vector<1x16xf32>,
        %parallel_loop3A_712 = vector.shape_cast %parallel_loop3A_711 : vector<1x16xf32> to vector<16xf32>
        %parallel_loop3A_713 = arith.constant 27.7128124 : f32
        %parallel_loop3A_714 = vector.broadcast %parallel_loop3A_713 : f32 to vector<16xf32>
        %parallel_loop3A_715 = arith.mulf %parallel_loop3A_712, %parallel_loop3A_714 : vector<16xf32>
        %parallel_loop3A_716 = arith.index_cast %parallel_loop3A_144 : i32 to index
        %parallel_loop3A_717 = arith.constant 752 : index
        %parallel_loop3A_718 = tpu.vector_load %arg6[%parallel_loop3A_716, %parallel_loop3A_717] {strides = array<i32>} : memref<32x768xf32, #tpu.memory_space<vmem>>, vector<1x16xf32>,
        %parallel_loop3A_719 = vector.shape_cast %parallel_loop3A_718 : vector<1x16xf32> to vector<16xf32>
        %parallel_loop3A_720 = vector.shape_cast %parallel_loop3A_715 : vector<16xf32> to vector<1x16xf32>
        tpu.vector_store %arg6[%parallel_loop3A_716, %parallel_loop3A_717], %parallel_loop3A_720 {strides = array<i32>} : memref<32x768xf32, #tpu.memory_space<vmem>>, vector<1x16xf32>,
      } {sc.loop_unroll_factor = 2 : i64, sc.parallel_access}
      %mul3A_62 = arith.constant 32 : i32
      %mul3A_63 = arith.muli %add3A_49, %mul3A_62 : i32
      %add3A_64 = arith.addi %mul3A_2, %mul3A_63 : i32
      %dma_start3A_65 = arith.constant 0 : i32
      %dma_start3A_66 = tpu.memref_slice %arg4[%add3A_64, %dma_start3A_65] : memref<32768x768xf32, #tpu.memory_space<hbm>> -> memref<32x768xf32, #tpu.memory_space<hbm>>
      %dma_start3A_67 = arith.constant 0 : i32
      %dma_start3A_68 = tpu.memref_slice %arg4[%add3A_64, %dma_start3A_67] : memref<32768x768xf32, #tpu.memory_space<hbm>> -> memref<32x768xf32, #tpu.memory_space<hbm>>
      tpu.enqueue_dma source(%arg6 : memref<32x768xf32, #tpu.memory_space<vmem>>) target(%dma_start3A_68 : memref<32x768xf32, #tpu.memory_space<hbm>>) target_semaphore(%arg14 : memref<!tpu.dma_semaphore, #tpu.memory_space<semaphore_mem>>)
      %add3A_69 = arith.constant 1 : i32
      %add3A_70 = arith.addi %add3A_47, %add3A_69 : i32
      %add3A_71 = arith.constant 2 : i32
      %add3A_72 = arith.addi %add3A_70, %add3A_71 : i32
      %lt3A_73 = arith.constant 32 : i32
      %lt3A_74 = arith.cmpi slt, %add3A_72, %lt3A_73 : i32
      %convert_element_type3A_75 = arith.extui %lt3A_74 : i1 to i32
      %cond3A_76 = arith.constant 0 : i32
      %cond3A_77 = arith.cmpi ne, %convert_element_type3A_75, %cond3A_76 : i32
      scf.if %cond3A_77 {
        %add3A_144 = arith.constant 2 : i32
        %add3A_145 = arith.addi %add3A_70, %add3A_144 : i32
        %sub3A = arith.constant 4 : i32
        %sub3A_146 = arith.subi %add3A_145, %sub3A : i32
        %ge3A = arith.constant 0 : i32
        %ge3A_147 = arith.cmpi sge, %sub3A_146, %ge3A : i32
        %convert_element_type3A_148 = arith.extui %ge3A_147 : i1 to i32
        %cond3A_149 = arith.constant 0 : i32
        %cond3A_150 = arith.cmpi ne, %convert_element_type3A_148, %cond3A_149 : i32
        scf.if %cond3A_150 {
          %add3A_159 = arith.constant 2 : i32
          %add3A_160 = arith.addi %add3A_70, %add3A_159 : i32
          %sub3A_161 = arith.constant 4 : i32
          %sub3A_162 = arith.subi %add3A_160, %sub3A_161 : i32
          %mul3A_163 = arith.constant 32 : i32
          %mul3A_164 = arith.muli %sub3A_162, %mul3A_163 : i32
          %add3A_165 = arith.addi %mul3A_2, %mul3A_164 : i32
          %dma_wait3A_166 = arith.constant 0 : i32
          %dma_wait3A_167 = tpu.memref_slice %arg4[%add3A_165, %dma_wait3A_166] : memref<32768x768xf32, #tpu.memory_space<hbm>> -> memref<32x768xf32, #tpu.memory_space<hbm>>
          %dma_wait3A_168 = arith.constant 0 : i32
          %dma_wait3A_169 = tpu.memref_slice %arg4[%add3A_165, %dma_wait3A_168] : memref<32768x768xf32, #tpu.memory_space<hbm>> -> memref<32x768xf32, #tpu.memory_space<hbm>>
          tpu.wait_dma2 semaphore(%arg17 : memref<!tpu.dma_semaphore, #tpu.memory_space<semaphore_mem>>) src(%arg9 : memref<32x768xf32, #tpu.memory_space<vmem>>) dst(%dma_wait3A_169 : memref<32x768xf32, #tpu.memory_space<hbm>>)
        } else {
        }
        %add3A_151 = arith.constant 2 : i32
        %add3A_152 = arith.addi %add3A_70, %add3A_151 : i32
        %dma_start3A_153 = arith.constant 0 : i32
        %dma_start3A_154 = tpu.memref_slice %arg5[%add3A_152, %dma_start3A_153] : memref<32x32xi32, #tpu.memory_space<vmem>> -> memref<1x32xi32, #tpu.memory_space<vmem>>
        %dma_start3A_155 = tpu.memref_squeeze %dma_start3A_154 : memref<1x32xi32, #tpu.memory_space<vmem>> -> memref<32xi32, #tpu.memory_space<vmem>>
        %dma_start3A_156 = arith.constant 0 : i32
        %dma_start3A_157 = arith.constant 0 : i32
        %dma_start3A_158 = tpu.memref_slice %arg3[%dma_start3A_156, %dma_start3A_157] : memref<100000x768xf32, #tpu.memory_space<hbm>> -> memref<100000x768xf32, #tpu.memory_space<hbm>>
        tpu.enqueue_indirect_dma source(%dma_start3A_158 : memref<100000x768xf32, #tpu.memory_space<hbm>>) target(%arg9 : memref<32x768xf32, #tpu.memory_space<vmem>>) offsets(%dma_start3A_155 : memref<32xi32, #tpu.memory_space<vmem>>) semaphore(%arg13 : memref<!tpu.dma_semaphore, #tpu.memory_space<semaphore_mem>>)
      } else {
      }
      %dma_wait3A_78 = arith.constant 0 : i32
      %dma_wait3A_79 = tpu.memref_slice %arg5[%add3A_70, %dma_wait3A_78] : memref<32x32xi32, #tpu.memory_space<vmem>> -> memref<1x32xi32, #tpu.memory_space<vmem>>
      %dma_wait3A_80 = tpu.memref_squeeze %dma_wait3A_79 : memref<1x32xi32, #tpu.memory_space<vmem>> -> memref<32xi32, #tpu.memory_space<vmem>>
      %dma_wait3A_81 = arith.constant 0 : i32
      %dma_wait3A_82 = arith.constant 0 : i32
      %dma_wait3A_83 = tpu.memref_slice %arg3[%dma_wait3A_81, %dma_wait3A_82] : memref<100000x768xf32, #tpu.memory_space<hbm>> -> memref<100000x768xf32, #tpu.memory_space<hbm>>
      tpu.wait_indirect_dma semaphore(%arg11 : memref<!tpu.dma_semaphore, #tpu.memory_space<semaphore_mem>>) src(%dma_wait3A_83 : memref<100000x768xf32, #tpu.memory_space<hbm>>) dst(%arg7 : memref<32x768xf32, #tpu.memory_space<vmem>>)
      %parallel_loop3A_84 = arith.constant 0 : i32
      %parallel_loop3A_85 = arith.constant 32 : i32
      %parallel_loop3A_86 = arith.constant 1 : i32
      scf.for %parallel_loop3A_144 = %parallel_loop3A_84 to %parallel_loop3A_85 step %parallel_loop3A_86  : i32 {
        %parallel_loop3A_145 = arith.index_cast %parallel_loop3A_144 : i32 to index
        %parallel_loop3A_146 = arith.constant 0 : index
        %parallel_loop3A_147 = tpu.vector_load %arg7[%parallel_loop3A_145, %parallel_loop3A_146] {strides = array<i32>} : memref<32x768xf32, #tpu.memory_space<vmem>>, vector<1x16xf32>,
        %parallel_loop3A_148 = vector.shape_cast %parallel_loop3A_147 : vector<1x16xf32> to vector<16xf32>
        %parallel_loop3A_149 = arith.constant 27.7128124 : f32
        %parallel_loop3A_150 = vector.broadcast %parallel_loop3A_149 : f32 to vector<16xf32>
        %parallel_loop3A_151 = arith.mulf %parallel_loop3A_148, %parallel_loop3A_150 : vector<16xf32>
        %parallel_loop3A_152 = arith.index_cast %parallel_loop3A_144 : i32 to index
        %parallel_loop3A_153 = arith.constant 0 : index
        %parallel_loop3A_154 = tpu.vector_load %arg7[%parallel_loop3A_152, %parallel_loop3A_153] {strides = array<i32>} : memref<32x768xf32, #tpu.memory_space<vmem>>, vector<1x16xf32>,
        %parallel_loop3A_155 = vector.shape_cast %parallel_loop3A_154 : vector<1x16xf32> to vector<16xf32>
        %parallel_loop3A_156 = vector.shape_cast %parallel_loop3A_151 : vector<16xf32> to vector<1x16xf32>
        tpu.vector_store %arg7[%parallel_loop3A_152, %parallel_loop3A_153], %parallel_loop3A_156 {strides = array<i32>} : memref<32x768xf32, #tpu.memory_space<vmem>>, vector<1x16xf32>,
        %parallel_loop3A_157 = arith.index_cast %parallel_loop3A_144 : i32 to index
        %parallel_loop3A_158 = arith.constant 16 : index
        %parallel_loop3A_159 = tpu.vector_load %arg7[%parallel_loop3A_157, %parallel_loop3A_158] {strides = array<i32>} : memref<32x768xf32, #tpu.memory_space<vmem>>, vector<1x16xf32>,
        %parallel_loop3A_160 = vector.shape_cast %parallel_loop3A_159 : vector<1x16xf32> to vector<16xf32>
        %parallel_loop3A_161 = arith.constant 27.7128124 : f32
        %parallel_loop3A_162 = vector.broadcast %parallel_loop3A_161 : f32 to vector<16xf32>
        %parallel_loop3A_163 = arith.mulf %parallel_loop3A_160, %parallel_loop3A_162 : vector<16xf32>
        %parallel_loop3A_164 = arith.index_cast %parallel_loop3A_144 : i32 to index
        %parallel_loop3A_165 = arith.constant 16 : index
        %parallel_loop3A_166 = tpu.vector_load %arg7[%parallel_loop3A_164, %parallel_loop3A_165] {strides = array<i32>} : memref<32x768xf32, #tpu.memory_space<vmem>>, vector<1x16xf32>,
        %parallel_loop3A_167 = vector.shape_cast %parallel_loop3A_166 : vector<1x16xf32> to vector<16xf32>
        %parallel_loop3A_168 = vector.shape_cast %parallel_loop3A_163 : vector<16xf32> to vector<1x16xf32>
        tpu.vector_store %arg7[%parallel_loop3A_164, %parallel_loop3A_165], %parallel_loop3A_168 {strides = array<i32>} : memref<32x768xf32, #tpu.memory_space<vmem>>, vector<1x16xf32>,
        %parallel_loop3A_169 = arith.index_cast %parallel_loop3A_144 : i32 to index
        %parallel_loop3A_170 = arith.constant 32 : index
        %parallel_loop3A_171 = tpu.vector_load %arg7[%parallel_loop3A_169, %parallel_loop3A_170] {strides = array<i32>} : memref<32x768xf32, #tpu.memory_space<vmem>>, vector<1x16xf32>,
        %parallel_loop3A_172 = vector.shape_cast %parallel_loop3A_171 : vector<1x16xf32> to vector<16xf32>
        %parallel_loop3A_173 = arith.constant 27.7128124 : f32
        %parallel_loop3A_174 = vector.broadcast %parallel_loop3A_173 : f32 to vector<16xf32>
        %parallel_loop3A_175 = arith.mulf %parallel_loop3A_172, %parallel_loop3A_174 : vector<16xf32>
        %parallel_loop3A_176 = arith.index_cast %parallel_loop3A_144 : i32 to index
        %parallel_loop3A_177 = arith.constant 32 : index
        %parallel_loop3A_178 = tpu.vector_load %arg7[%parallel_loop3A_176, %parallel_loop3A_177] {strides = array<i32>} : memref<32x768xf32, #tpu.memory_space<vmem>>, vector<1x16xf32>,
        %parallel_loop3A_179 = vector.shape_cast %parallel_loop3A_178 : vector<1x16xf32> to vector<16xf32>
        %parallel_loop3A_180 = vector.shape_cast %parallel_loop3A_175 : vector<16xf32> to vector<1x16xf32>
        tpu.vector_store %arg7[%parallel_loop3A_176, %parallel_loop3A_177], %parallel_loop3A_180 {strides = array<i32>} : memref<32x768xf32, #tpu.memory_space<vmem>>, vector<1x16xf32>,
        %parallel_loop3A_181 = arith.index_cast %parallel_loop3A_144 : i32 to index
        %parallel_loop3A_182 = arith.constant 48 : index
        %parallel_loop3A_183 = tpu.vector_load %arg7[%parallel_loop3A_181, %parallel_loop3A_182] {strides = array<i32>} : memref<32x768xf32, #tpu.memory_space<vmem>>, vector<1x16xf32>,
        %parallel_loop3A_184 = vector.shape_cast %parallel_loop3A_183 : vector<1x16xf32> to vector<16xf32>
        %parallel_loop3A_185 = arith.constant 27.7128124 : f32
        %parallel_loop3A_186 = vector.broadcast %parallel_loop3A_185 : f32 to vector<16xf32>
        %parallel_loop3A_187 = arith.mulf %parallel_loop3A_184, %parallel_loop3A_186 : vector<16xf32>
        %parallel_loop3A_188 = arith.index_cast %parallel_loop3A_144 : i32 to index
        %parallel_loop3A_189 = arith.constant 48 : index
        %parallel_loop3A_190 = tpu.vector_load %arg7[%parallel_loop3A_188, %parallel_loop3A_189] {strides = array<i32>} : memref<32x768xf32, #tpu.memory_space<vmem>>, vector<1x16xf32>,
        %parallel_loop3A_191 = vector.shape_cast %parallel_loop3A_190 : vector<1x16xf32> to vector<16xf32>
        %parallel_loop3A_192 = vector.shape_cast %parallel_loop3A_187 : vector<16xf32> to vector<1x16xf32>
        tpu.vector_store %arg7[%parallel_loop3A_188, %parallel_loop3A_189], %parallel_loop3A_192 {strides = array<i32>} : memref<32x768xf32, #tpu.memory_space<vmem>>, vector<1x16xf32>,
        %parallel_loop3A_193 = arith.index_cast %parallel_loop3A_144 : i32 to index
        %parallel_loop3A_194 = arith.constant 64 : index
        %parallel_loop3A_195 = tpu.vector_load %arg7[%parallel_loop3A_193, %parallel_loop3A_194] {strides = array<i32>} : memref<32x768xf32, #tpu.memory_space<vmem>>, vector<1x16xf32>,
        %parallel_loop3A_196 = vector.shape_cast %parallel_loop3A_195 : vector<1x16xf32> to vector<16xf32>
        %parallel_loop3A_197 = arith.constant 27.7128124 : f32
        %parallel_loop3A_198 = vector.broadcast %parallel_loop3A_197 : f32 to vector<16xf32>
        %parallel_loop3A_199 = arith.mulf %parallel_loop3A_196, %parallel_loop3A_198 : vector<16xf32>
        %parallel_loop3A_200 = arith.index_cast %parallel_loop3A_144 : i32 to index
        %parallel_loop3A_201 = arith.constant 64 : index
        %parallel_loop3A_202 = tpu.vector_load %arg7[%parallel_loop3A_200, %parallel_loop3A_201] {strides = array<i32>} : memref<32x768xf32, #tpu.memory_space<vmem>>, vector<1x16xf32>,
        %parallel_loop3A_203 = vector.shape_cast %parallel_loop3A_202 : vector<1x16xf32> to vector<16xf32>
        %parallel_loop3A_204 = vector.shape_cast %parallel_loop3A_199 : vector<16xf32> to vector<1x16xf32>
        tpu.vector_store %arg7[%parallel_loop3A_200, %parallel_loop3A_201], %parallel_loop3A_204 {strides = array<i32>} : memref<32x768xf32, #tpu.memory_space<vmem>>, vector<1x16xf32>,
        %parallel_loop3A_205 = arith.index_cast %parallel_loop3A_144 : i32 to index
        %parallel_loop3A_206 = arith.constant 80 : index
        %parallel_loop3A_207 = tpu.vector_load %arg7[%parallel_loop3A_205, %parallel_loop3A_206] {strides = array<i32>} : memref<32x768xf32, #tpu.memory_space<vmem>>, vector<1x16xf32>,
        %parallel_loop3A_208 = vector.shape_cast %parallel_loop3A_207 : vector<1x16xf32> to vector<16xf32>
        %parallel_loop3A_209 = arith.constant 27.7128124 : f32
        %parallel_loop3A_210 = vector.broadcast %parallel_loop3A_209 : f32 to vector<16xf32>
        %parallel_loop3A_211 = arith.mulf %parallel_loop3A_208, %parallel_loop3A_210 : vector<16xf32>
        %parallel_loop3A_212 = arith.index_cast %parallel_loop3A_144 : i32 to index
        %parallel_loop3A_213 = arith.constant 80 : index
        %parallel_loop3A_214 = tpu.vector_load %arg7[%parallel_loop3A_212, %parallel_loop3A_213] {strides = array<i32>} : memref<32x768xf32, #tpu.memory_space<vmem>>, vector<1x16xf32>,
        %parallel_loop3A_215 = vector.shape_cast %parallel_loop3A_214 : vector<1x16xf32> to vector<16xf32>
        %parallel_loop3A_216 = vector.shape_cast %parallel_loop3A_211 : vector<16xf32> to vector<1x16xf32>
        tpu.vector_store %arg7[%parallel_loop3A_212, %parallel_loop3A_213], %parallel_loop3A_216 {strides = array<i32>} : memref<32x768xf32, #tpu.memory_space<vmem>>, vector<1x16xf32>,
        %parallel_loop3A_217 = arith.index_cast %parallel_loop3A_144 : i32 to index
        %parallel_loop3A_218 = arith.constant 96 : index
        %parallel_loop3A_219 = tpu.vector_load %arg7[%parallel_loop3A_217, %parallel_loop3A_218] {strides = array<i32>} : memref<32x768xf32, #tpu.memory_space<vmem>>, vector<1x16xf32>,
        %parallel_loop3A_220 = vector.shape_cast %parallel_loop3A_219 : vector<1x16xf32> to vector<16xf32>
        %parallel_loop3A_221 = arith.constant 27.7128124 : f32
        %parallel_loop3A_222 = vector.broadcast %parallel_loop3A_221 : f32 to vector<16xf32>
        %parallel_loop3A_223 = arith.mulf %parallel_loop3A_220, %parallel_loop3A_222 : vector<16xf32>
        %parallel_loop3A_224 = arith.index_cast %parallel_loop3A_144 : i32 to index
        %parallel_loop3A_225 = arith.constant 96 : index
        %parallel_loop3A_226 = tpu.vector_load %arg7[%parallel_loop3A_224, %parallel_loop3A_225] {strides = array<i32>} : memref<32x768xf32, #tpu.memory_space<vmem>>, vector<1x16xf32>,
        %parallel_loop3A_227 = vector.shape_cast %parallel_loop3A_226 : vector<1x16xf32> to vector<16xf32>
        %parallel_loop3A_228 = vector.shape_cast %parallel_loop3A_223 : vector<16xf32> to vector<1x16xf32>
        tpu.vector_store %arg7[%parallel_loop3A_224, %parallel_loop3A_225], %parallel_loop3A_228 {strides = array<i32>} : memref<32x768xf32, #tpu.memory_space<vmem>>, vector<1x16xf32>,
        %parallel_loop3A_229 = arith.index_cast %parallel_loop3A_144 : i32 to index
        %parallel_loop3A_230 = arith.constant 112 : index
        %parallel_loop3A_231 = tpu.vector_load %arg7[%parallel_loop3A_229, %parallel_loop3A_230] {strides = array<i32>} : memref<32x768xf32, #tpu.memory_space<vmem>>, vector<1x16xf32>,
        %parallel_loop3A_232 = vector.shape_cast %parallel_loop3A_231 : vector<1x16xf32> to vector<16xf32>
        %parallel_loop3A_233 = arith.constant 27.7128124 : f32
        %parallel_loop3A_234 = vector.broadcast %parallel_loop3A_233 : f32 to vector<16xf32>
        %parallel_loop3A_235 = arith.mulf %parallel_loop3A_232, %parallel_loop3A_234 : vector<16xf32>
        %parallel_loop3A_236 = arith.index_cast %parallel_loop3A_144 : i32 to index
        %parallel_loop3A_237 = arith.constant 112 : index
        %parallel_loop3A_238 = tpu.vector_load %arg7[%parallel_loop3A_236, %parallel_loop3A_237] {strides = array<i32>} : memref<32x768xf32, #tpu.memory_space<vmem>>, vector<1x16xf32>,
        %parallel_loop3A_239 = vector.shape_cast %parallel_loop3A_238 : vector<1x16xf32> to vector<16xf32>
        %parallel_loop3A_240 = vector.shape_cast %parallel_loop3A_235 : vector<16xf32> to vector<1x16xf32>
        tpu.vector_store %arg7[%parallel_loop3A_236, %parallel_loop3A_237], %parallel_loop3A_240 {strides = array<i32>} : memref<32x768xf32, #tpu.memory_space<vmem>>, vector<1x16xf32>,
        %parallel_loop3A_241 = arith.index_cast %parallel_loop3A_144 : i32 to index
        %parallel_loop3A_242 = arith.constant 128 : index
        %parallel_loop3A_243 = tpu.vector_load %arg7[%parallel_loop3A_241, %parallel_loop3A_242] {strides = array<i32>} : memref<32x768xf32, #tpu.memory_space<vmem>>, vector<1x16xf32>,
        %parallel_loop3A_244 = vector.shape_cast %parallel_loop3A_243 : vector<1x16xf32> to vector<16xf32>
        %parallel_loop3A_245 = arith.constant 27.7128124 : f32
        %parallel_loop3A_246 = vector.broadcast %parallel_loop3A_245 : f32 to vector<16xf32>
        %parallel_loop3A_247 = arith.mulf %parallel_loop3A_244, %parallel_loop3A_246 : vector<16xf32>
        %parallel_loop3A_248 = arith.index_cast %parallel_loop3A_144 : i32 to index
        %parallel_loop3A_249 = arith.constant 128 : index
        %parallel_loop3A_250 = tpu.vector_load %arg7[%parallel_loop3A_248, %parallel_loop3A_249] {strides = array<i32>} : memref<32x768xf32, #tpu.memory_space<vmem>>, vector<1x16xf32>,
        %parallel_loop3A_251 = vector.shape_cast %parallel_loop3A_250 : vector<1x16xf32> to vector<16xf32>
        %parallel_loop3A_252 = vector.shape_cast %parallel_loop3A_247 : vector<16xf32> to vector<1x16xf32>
        tpu.vector_store %arg7[%parallel_loop3A_248, %parallel_loop3A_249], %parallel_loop3A_252 {strides = array<i32>} : memref<32x768xf32, #tpu.memory_space<vmem>>, vector<1x16xf32>,
        %parallel_loop3A_253 = arith.index_cast %parallel_loop3A_144 : i32 to index
        %parallel_loop3A_254 = arith.constant 144 : index
        %parallel_loop3A_255 = tpu.vector_load %arg7[%parallel_loop3A_253, %parallel_loop3A_254] {strides = array<i32>} : memref<32x768xf32, #tpu.memory_space<vmem>>, vector<1x16xf32>,
        %parallel_loop3A_256 = vector.shape_cast %parallel_loop3A_255 : vector<1x16xf32> to vector<16xf32>
        %parallel_loop3A_257 = arith.constant 27.7128124 : f32
        %parallel_loop3A_258 = vector.broadcast %parallel_loop3A_257 : f32 to vector<16xf32>
        %parallel_loop3A_259 = arith.mulf %parallel_loop3A_256, %parallel_loop3A_258 : vector<16xf32>
        %parallel_loop3A_260 = arith.index_cast %parallel_loop3A_144 : i32 to index
        %parallel_loop3A_261 = arith.constant 144 : index
        %parallel_loop3A_262 = tpu.vector_load %arg7[%parallel_loop3A_260, %parallel_loop3A_261] {strides = array<i32>} : memref<32x768xf32, #tpu.memory_space<vmem>>, vector<1x16xf32>,
        %parallel_loop3A_263 = vector.shape_cast %parallel_loop3A_262 : vector<1x16xf32> to vector<16xf32>
        %parallel_loop3A_264 = vector.shape_cast %parallel_loop3A_259 : vector<16xf32> to vector<1x16xf32>
        tpu.vector_store %arg7[%parallel_loop3A_260, %parallel_loop3A_261], %parallel_loop3A_264 {strides = array<i32>} : memref<32x768xf32, #tpu.memory_space<vmem>>, vector<1x16xf32>,
        %parallel_loop3A_265 = arith.index_cast %parallel_loop3A_144 : i32 to index
        %parallel_loop3A_266 = arith.constant 160 : index
        %parallel_loop3A_267 = tpu.vector_load %arg7[%parallel_loop3A_265, %parallel_loop3A_266] {strides = array<i32>} : memref<32x768xf32, #tpu.memory_space<vmem>>, vector<1x16xf32>,
        %parallel_loop3A_268 = vector.shape_cast %parallel_loop3A_267 : vector<1x16xf32> to vector<16xf32>
        %parallel_loop3A_269 = arith.constant 27.7128124 : f32
        %parallel_loop3A_270 = vector.broadcast %parallel_loop3A_269 : f32 to vector<16xf32>
        %parallel_loop3A_271 = arith.mulf %parallel_loop3A_268, %parallel_loop3A_270 : vector<16xf32>
        %parallel_loop3A_272 = arith.index_cast %parallel_loop3A_144 : i32 to index
        %parallel_loop3A_273 = arith.constant 160 : index
        %parallel_loop3A_274 = tpu.vector_load %arg7[%parallel_loop3A_272, %parallel_loop3A_273] {strides = array<i32>} : memref<32x768xf32, #tpu.memory_space<vmem>>, vector<1x16xf32>,
        %parallel_loop3A_275 = vector.shape_cast %parallel_loop3A_274 : vector<1x16xf32> to vector<16xf32>
        %parallel_loop3A_276 = vector.shape_cast %parallel_loop3A_271 : vector<16xf32> to vector<1x16xf32>
        tpu.vector_store %arg7[%parallel_loop3A_272, %parallel_loop3A_273], %parallel_loop3A_276 {strides = array<i32>} : memref<32x768xf32, #tpu.memory_space<vmem>>, vector<1x16xf32>,
        %parallel_loop3A_277 = arith.index_cast %parallel_loop3A_144 : i32 to index
        %parallel_loop3A_278 = arith.constant 176 : index
        %parallel_loop3A_279 = tpu.vector_load %arg7[%parallel_loop3A_277, %parallel_loop3A_278] {strides = array<i32>} : memref<32x768xf32, #tpu.memory_space<vmem>>, vector<1x16xf32>,
        %parallel_loop3A_280 = vector.shape_cast %parallel_loop3A_279 : vector<1x16xf32> to vector<16xf32>
        %parallel_loop3A_281 = arith.constant 27.7128124 : f32
        %parallel_loop3A_282 = vector.broadcast %parallel_loop3A_281 : f32 to vector<16xf32>
        %parallel_loop3A_283 = arith.mulf %parallel_loop3A_280, %parallel_loop3A_282 : vector<16xf32>
        %parallel_loop3A_284 = arith.index_cast %parallel_loop3A_144 : i32 to index
        %parallel_loop3A_285 = arith.constant 176 : index
        %parallel_loop3A_286 = tpu.vector_load %arg7[%parallel_loop3A_284, %parallel_loop3A_285] {strides = array<i32>} : memref<32x768xf32, #tpu.memory_space<vmem>>, vector<1x16xf32>,
        %parallel_loop3A_287 = vector.shape_cast %parallel_loop3A_286 : vector<1x16xf32> to vector<16xf32>
        %parallel_loop3A_288 = vector.shape_cast %parallel_loop3A_283 : vector<16xf32> to vector<1x16xf32>
        tpu.vector_store %arg7[%parallel_loop3A_284, %parallel_loop3A_285], %parallel_loop3A_288 {strides = array<i32>} : memref<32x768xf32, #tpu.memory_space<vmem>>, vector<1x16xf32>,
        %parallel_loop3A_289 = arith.index_cast %parallel_loop3A_144 : i32 to index
        %parallel_loop3A_290 = arith.constant 192 : index
        %parallel_loop3A_291 = tpu.vector_load %arg7[%parallel_loop3A_289, %parallel_loop3A_290] {strides = array<i32>} : memref<32x768xf32, #tpu.memory_space<vmem>>, vector<1x16xf32>,
        %parallel_loop3A_292 = vector.shape_cast %parallel_loop3A_291 : vector<1x16xf32> to vector<16xf32>
        %parallel_loop3A_293 = arith.constant 27.7128124 : f32
        %parallel_loop3A_294 = vector.broadcast %parallel_loop3A_293 : f32 to vector<16xf32>
        %parallel_loop3A_295 = arith.mulf %parallel_loop3A_292, %parallel_loop3A_294 : vector<16xf32>
        %parallel_loop3A_296 = arith.index_cast %parallel_loop3A_144 : i32 to index
        %parallel_loop3A_297 = arith.constant 192 : index
        %parallel_loop3A_298 = tpu.vector_load %arg7[%parallel_loop3A_296, %parallel_loop3A_297] {strides = array<i32>} : memref<32x768xf32, #tpu.memory_space<vmem>>, vector<1x16xf32>,
        %parallel_loop3A_299 = vector.shape_cast %parallel_loop3A_298 : vector<1x16xf32> to vector<16xf32>
        %parallel_loop3A_300 = vector.shape_cast %parallel_loop3A_295 : vector<16xf32> to vector<1x16xf32>
        tpu.vector_store %arg7[%parallel_loop3A_296, %parallel_loop3A_297], %parallel_loop3A_300 {strides = array<i32>} : memref<32x768xf32, #tpu.memory_space<vmem>>, vector<1x16xf32>,
        %parallel_loop3A_301 = arith.index_cast %parallel_loop3A_144 : i32 to index
        %parallel_loop3A_302 = arith.constant 208 : index
        %parallel_loop3A_303 = tpu.vector_load %arg7[%parallel_loop3A_301, %parallel_loop3A_302] {strides = array<i32>} : memref<32x768xf32, #tpu.memory_space<vmem>>, vector<1x16xf32>,
        %parallel_loop3A_304 = vector.shape_cast %parallel_loop3A_303 : vector<1x16xf32> to vector<16xf32>
        %parallel_loop3A_305 = arith.constant 27.7128124 : f32
        %parallel_loop3A_306 = vector.broadcast %parallel_loop3A_305 : f32 to vector<16xf32>
        %parallel_loop3A_307 = arith.mulf %parallel_loop3A_304, %parallel_loop3A_306 : vector<16xf32>
        %parallel_loop3A_308 = arith.index_cast %parallel_loop3A_144 : i32 to index
        %parallel_loop3A_309 = arith.constant 208 : index
        %parallel_loop3A_310 = tpu.vector_load %arg7[%parallel_loop3A_308, %parallel_loop3A_309] {strides = array<i32>} : memref<32x768xf32, #tpu.memory_space<vmem>>, vector<1x16xf32>,
        %parallel_loop3A_311 = vector.shape_cast %parallel_loop3A_310 : vector<1x16xf32> to vector<16xf32>
        %parallel_loop3A_312 = vector.shape_cast %parallel_loop3A_307 : vector<16xf32> to vector<1x16xf32>
        tpu.vector_store %arg7[%parallel_loop3A_308, %parallel_loop3A_309], %parallel_loop3A_312 {strides = array<i32>} : memref<32x768xf32, #tpu.memory_space<vmem>>, vector<1x16xf32>,
        %parallel_loop3A_313 = arith.index_cast %parallel_loop3A_144 : i32 to index
        %parallel_loop3A_314 = arith.constant 224 : index
        %parallel_loop3A_315 = tpu.vector_load %arg7[%parallel_loop3A_313, %parallel_loop3A_314] {strides = array<i32>} : memref<32x768xf32, #tpu.memory_space<vmem>>, vector<1x16xf32>,
        %parallel_loop3A_316 = vector.shape_cast %parallel_loop3A_315 : vector<1x16xf32> to vector<16xf32>
        %parallel_loop3A_317 = arith.constant 27.7128124 : f32
        %parallel_loop3A_318 = vector.broadcast %parallel_loop3A_317 : f32 to vector<16xf32>
        %parallel_loop3A_319 = arith.mulf %parallel_loop3A_316, %parallel_loop3A_318 : vector<16xf32>
        %parallel_loop3A_320 = arith.index_cast %parallel_loop3A_144 : i32 to index
        %parallel_loop3A_321 = arith.constant 224 : index
        %parallel_loop3A_322 = tpu.vector_load %arg7[%parallel_loop3A_320, %parallel_loop3A_321] {strides = array<i32>} : memref<32x768xf32, #tpu.memory_space<vmem>>, vector<1x16xf32>,
        %parallel_loop3A_323 = vector.shape_cast %parallel_loop3A_322 : vector<1x16xf32> to vector<16xf32>
        %parallel_loop3A_324 = vector.shape_cast %parallel_loop3A_319 : vector<16xf32> to vector<1x16xf32>
        tpu.vector_store %arg7[%parallel_loop3A_320, %parallel_loop3A_321], %parallel_loop3A_324 {strides = array<i32>} : memref<32x768xf32, #tpu.memory_space<vmem>>, vector<1x16xf32>,
        %parallel_loop3A_325 = arith.index_cast %parallel_loop3A_144 : i32 to index
        %parallel_loop3A_326 = arith.constant 240 : index
        %parallel_loop3A_327 = tpu.vector_load %arg7[%parallel_loop3A_325, %parallel_loop3A_326] {strides = array<i32>} : memref<32x768xf32, #tpu.memory_space<vmem>>, vector<1x16xf32>,
        %parallel_loop3A_328 = vector.shape_cast %parallel_loop3A_327 : vector<1x16xf32> to vector<16xf32>
        %parallel_loop3A_329 = arith.constant 27.7128124 : f32
        %parallel_loop3A_330 = vector.broadcast %parallel_loop3A_329 : f32 to vector<16xf32>
        %parallel_loop3A_331 = arith.mulf %parallel_loop3A_328, %parallel_loop3A_330 : vector<16xf32>
        %parallel_loop3A_332 = arith.index_cast %parallel_loop3A_144 : i32 to index
        %parallel_loop3A_333 = arith.constant 240 : index
        %parallel_loop3A_334 = tpu.vector_load %arg7[%parallel_loop3A_332, %parallel_loop3A_333] {strides = array<i32>} : memref<32x768xf32, #tpu.memory_space<vmem>>, vector<1x16xf32>,
        %parallel_loop3A_335 = vector.shape_cast %parallel_loop3A_334 : vector<1x16xf32> to vector<16xf32>
        %parallel_loop3A_336 = vector.shape_cast %parallel_loop3A_331 : vector<16xf32> to vector<1x16xf32>
        tpu.vector_store %arg7[%parallel_loop3A_332, %parallel_loop3A_333], %parallel_loop3A_336 {strides = array<i32>} : memref<32x768xf32, #tpu.memory_space<vmem>>, vector<1x16xf32>,
        %parallel_loop3A_337 = arith.index_cast %parallel_loop3A_144 : i32 to index
        %parallel_loop3A_338 = arith.constant 256 : index
        %parallel_loop3A_339 = tpu.vector_load %arg7[%parallel_loop3A_337, %parallel_loop3A_338] {strides = array<i32>} : memref<32x768xf32, #tpu.memory_space<vmem>>, vector<1x16xf32>,
        %parallel_loop3A_340 = vector.shape_cast %parallel_loop3A_339 : vector<1x16xf32> to vector<16xf32>
        %parallel_loop3A_341 = arith.constant 27.7128124 : f32
        %parallel_loop3A_342 = vector.broadcast %parallel_loop3A_341 : f32 to vector<16xf32>
        %parallel_loop3A_343 = arith.mulf %parallel_loop3A_340, %parallel_loop3A_342 : vector<16xf32>
        %parallel_loop3A_344 = arith.index_cast %parallel_loop3A_144 : i32 to index
        %parallel_loop3A_345 = arith.constant 256 : index
        %parallel_loop3A_346 = tpu.vector_load %arg7[%parallel_loop3A_344, %parallel_loop3A_345] {strides = array<i32>} : memref<32x768xf32, #tpu.memory_space<vmem>>, vector<1x16xf32>,
        %parallel_loop3A_347 = vector.shape_cast %parallel_loop3A_346 : vector<1x16xf32> to vector<16xf32>
        %parallel_loop3A_348 = vector.shape_cast %parallel_loop3A_343 : vector<16xf32> to vector<1x16xf32>
        tpu.vector_store %arg7[%parallel_loop3A_344, %parallel_loop3A_345], %parallel_loop3A_348 {strides = array<i32>} : memref<32x768xf32, #tpu.memory_space<vmem>>, vector<1x16xf32>,
        %parallel_loop3A_349 = arith.index_cast %parallel_loop3A_144 : i32 to index
        %parallel_loop3A_350 = arith.constant 272 : index
        %parallel_loop3A_351 = tpu.vector_load %arg7[%parallel_loop3A_349, %parallel_loop3A_350] {strides = array<i32>} : memref<32x768xf32, #tpu.memory_space<vmem>>, vector<1x16xf32>,
        %parallel_loop3A_352 = vector.shape_cast %parallel_loop3A_351 : vector<1x16xf32> to vector<16xf32>
        %parallel_loop3A_353 = arith.constant 27.7128124 : f32
        %parallel_loop3A_354 = vector.broadcast %parallel_loop3A_353 : f32 to vector<16xf32>
        %parallel_loop3A_355 = arith.mulf %parallel_loop3A_352, %parallel_loop3A_354 : vector<16xf32>
        %parallel_loop3A_356 = arith.index_cast %parallel_loop3A_144 : i32 to index
        %parallel_loop3A_357 = arith.constant 272 : index
        %parallel_loop3A_358 = tpu.vector_load %arg7[%parallel_loop3A_356, %parallel_loop3A_357] {strides = array<i32>} : memref<32x768xf32, #tpu.memory_space<vmem>>, vector<1x16xf32>,
        %parallel_loop3A_359 = vector.shape_cast %parallel_loop3A_358 : vector<1x16xf32> to vector<16xf32>
        %parallel_loop3A_360 = vector.shape_cast %parallel_loop3A_355 : vector<16xf32> to vector<1x16xf32>
        tpu.vector_store %arg7[%parallel_loop3A_356, %parallel_loop3A_357], %parallel_loop3A_360 {strides = array<i32>} : memref<32x768xf32, #tpu.memory_space<vmem>>, vector<1x16xf32>,
        %parallel_loop3A_361 = arith.index_cast %parallel_loop3A_144 : i32 to index
        %parallel_loop3A_362 = arith.constant 288 : index
        %parallel_loop3A_363 = tpu.vector_load %arg7[%parallel_loop3A_361, %parallel_loop3A_362] {strides = array<i32>} : memref<32x768xf32, #tpu.memory_space<vmem>>, vector<1x16xf32>,
        %parallel_loop3A_364 = vector.shape_cast %parallel_loop3A_363 : vector<1x16xf32> to vector<16xf32>
        %parallel_loop3A_365 = arith.constant 27.7128124 : f32
        %parallel_loop3A_366 = vector.broadcast %parallel_loop3A_365 : f32 to vector<16xf32>
        %parallel_loop3A_367 = arith.mulf %parallel_loop3A_364, %parallel_loop3A_366 : vector<16xf32>
        %parallel_loop3A_368 = arith.index_cast %parallel_loop3A_144 : i32 to index
        %parallel_loop3A_369 = arith.constant 288 : index
        %parallel_loop3A_370 = tpu.vector_load %arg7[%parallel_loop3A_368, %parallel_loop3A_369] {strides = array<i32>} : memref<32x768xf32, #tpu.memory_space<vmem>>, vector<1x16xf32>,
        %parallel_loop3A_371 = vector.shape_cast %parallel_loop3A_370 : vector<1x16xf32> to vector<16xf32>
        %parallel_loop3A_372 = vector.shape_cast %parallel_loop3A_367 : vector<16xf32> to vector<1x16xf32>
        tpu.vector_store %arg7[%parallel_loop3A_368, %parallel_loop3A_369], %parallel_loop3A_372 {strides = array<i32>} : memref<32x768xf32, #tpu.memory_space<vmem>>, vector<1x16xf32>,
        %parallel_loop3A_373 = arith.index_cast %parallel_loop3A_144 : i32 to index
        %parallel_loop3A_374 = arith.constant 304 : index
        %parallel_loop3A_375 = tpu.vector_load %arg7[%parallel_loop3A_373, %parallel_loop3A_374] {strides = array<i32>} : memref<32x768xf32, #tpu.memory_space<vmem>>, vector<1x16xf32>,
        %parallel_loop3A_376 = vector.shape_cast %parallel_loop3A_375 : vector<1x16xf32> to vector<16xf32>
        %parallel_loop3A_377 = arith.constant 27.7128124 : f32
        %parallel_loop3A_378 = vector.broadcast %parallel_loop3A_377 : f32 to vector<16xf32>
        %parallel_loop3A_379 = arith.mulf %parallel_loop3A_376, %parallel_loop3A_378 : vector<16xf32>
        %parallel_loop3A_380 = arith.index_cast %parallel_loop3A_144 : i32 to index
        %parallel_loop3A_381 = arith.constant 304 : index
        %parallel_loop3A_382 = tpu.vector_load %arg7[%parallel_loop3A_380, %parallel_loop3A_381] {strides = array<i32>} : memref<32x768xf32, #tpu.memory_space<vmem>>, vector<1x16xf32>,
        %parallel_loop3A_383 = vector.shape_cast %parallel_loop3A_382 : vector<1x16xf32> to vector<16xf32>
        %parallel_loop3A_384 = vector.shape_cast %parallel_loop3A_379 : vector<16xf32> to vector<1x16xf32>
        tpu.vector_store %arg7[%parallel_loop3A_380, %parallel_loop3A_381], %parallel_loop3A_384 {strides = array<i32>} : memref<32x768xf32, #tpu.memory_space<vmem>>, vector<1x16xf32>,
        %parallel_loop3A_385 = arith.index_cast %parallel_loop3A_144 : i32 to index
        %parallel_loop3A_386 = arith.constant 320 : index
        %parallel_loop3A_387 = tpu.vector_load %arg7[%parallel_loop3A_385, %parallel_loop3A_386] {strides = array<i32>} : memref<32x768xf32, #tpu.memory_space<vmem>>, vector<1x16xf32>,
        %parallel_loop3A_388 = vector.shape_cast %parallel_loop3A_387 : vector<1x16xf32> to vector<16xf32>
        %parallel_loop3A_389 = arith.constant 27.7128124 : f32
        %parallel_loop3A_390 = vector.broadcast %parallel_loop3A_389 : f32 to vector<16xf32>
        %parallel_loop3A_391 = arith.mulf %parallel_loop3A_388, %parallel_loop3A_390 : vector<16xf32>
        %parallel_loop3A_392 = arith.index_cast %parallel_loop3A_144 : i32 to index
        %parallel_loop3A_393 = arith.constant 320 : index
        %parallel_loop3A_394 = tpu.vector_load %arg7[%parallel_loop3A_392, %parallel_loop3A_393] {strides = array<i32>} : memref<32x768xf32, #tpu.memory_space<vmem>>, vector<1x16xf32>,
        %parallel_loop3A_395 = vector.shape_cast %parallel_loop3A_394 : vector<1x16xf32> to vector<16xf32>
        %parallel_loop3A_396 = vector.shape_cast %parallel_loop3A_391 : vector<16xf32> to vector<1x16xf32>
        tpu.vector_store %arg7[%parallel_loop3A_392, %parallel_loop3A_393], %parallel_loop3A_396 {strides = array<i32>} : memref<32x768xf32, #tpu.memory_space<vmem>>, vector<1x16xf32>,
        %parallel_loop3A_397 = arith.index_cast %parallel_loop3A_144 : i32 to index
        %parallel_loop3A_398 = arith.constant 336 : index
        %parallel_loop3A_399 = tpu.vector_load %arg7[%parallel_loop3A_397, %parallel_loop3A_398] {strides = array<i32>} : memref<32x768xf32, #tpu.memory_space<vmem>>, vector<1x16xf32>,
        %parallel_loop3A_400 = vector.shape_cast %parallel_loop3A_399 : vector<1x16xf32> to vector<16xf32>
        %parallel_loop3A_401 = arith.constant 27.7128124 : f32
        %parallel_loop3A_402 = vector.broadcast %parallel_loop3A_401 : f32 to vector<16xf32>
        %parallel_loop3A_403 = arith.mulf %parallel_loop3A_400, %parallel_loop3A_402 : vector<16xf32>
        %parallel_loop3A_404 = arith.index_cast %parallel_loop3A_144 : i32 to index
        %parallel_loop3A_405 = arith.constant 336 : index
        %parallel_loop3A_406 = tpu.vector_load %arg7[%parallel_loop3A_404, %parallel_loop3A_405] {strides = array<i32>} : memref<32x768xf32, #tpu.memory_space<vmem>>, vector<1x16xf32>,
        %parallel_loop3A_407 = vector.shape_cast %parallel_loop3A_406 : vector<1x16xf32> to vector<16xf32>
        %parallel_loop3A_408 = vector.shape_cast %parallel_loop3A_403 : vector<16xf32> to vector<1x16xf32>
        tpu.vector_store %arg7[%parallel_loop3A_404, %parallel_loop3A_405], %parallel_loop3A_408 {strides = array<i32>} : memref<32x768xf32, #tpu.memory_space<vmem>>, vector<1x16xf32>,
        %parallel_loop3A_409 = arith.index_cast %parallel_loop3A_144 : i32 to index
        %parallel_loop3A_410 = arith.constant 352 : index
        %parallel_loop3A_411 = tpu.vector_load %arg7[%parallel_loop3A_409, %parallel_loop3A_410] {strides = array<i32>} : memref<32x768xf32, #tpu.memory_space<vmem>>, vector<1x16xf32>,
        %parallel_loop3A_412 = vector.shape_cast %parallel_loop3A_411 : vector<1x16xf32> to vector<16xf32>
        %parallel_loop3A_413 = arith.constant 27.7128124 : f32
        %parallel_loop3A_414 = vector.broadcast %parallel_loop3A_413 : f32 to vector<16xf32>
        %parallel_loop3A_415 = arith.mulf %parallel_loop3A_412, %parallel_loop3A_414 : vector<16xf32>
        %parallel_loop3A_416 = arith.index_cast %parallel_loop3A_144 : i32 to index
        %parallel_loop3A_417 = arith.constant 352 : index
        %parallel_loop3A_418 = tpu.vector_load %arg7[%parallel_loop3A_416, %parallel_loop3A_417] {strides = array<i32>} : memref<32x768xf32, #tpu.memory_space<vmem>>, vector<1x16xf32>,
        %parallel_loop3A_419 = vector.shape_cast %parallel_loop3A_418 : vector<1x16xf32> to vector<16xf32>
        %parallel_loop3A_420 = vector.shape_cast %parallel_loop3A_415 : vector<16xf32> to vector<1x16xf32>
        tpu.vector_store %arg7[%parallel_loop3A_416, %parallel_loop3A_417], %parallel_loop3A_420 {strides = array<i32>} : memref<32x768xf32, #tpu.memory_space<vmem>>, vector<1x16xf32>,
        %parallel_loop3A_421 = arith.index_cast %parallel_loop3A_144 : i32 to index
        %parallel_loop3A_422 = arith.constant 368 : index
        %parallel_loop3A_423 = tpu.vector_load %arg7[%parallel_loop3A_421, %parallel_loop3A_422] {strides = array<i32>} : memref<32x768xf32, #tpu.memory_space<vmem>>, vector<1x16xf32>,
        %parallel_loop3A_424 = vector.shape_cast %parallel_loop3A_423 : vector<1x16xf32> to vector<16xf32>
        %parallel_loop3A_425 = arith.constant 27.7128124 : f32
        %parallel_loop3A_426 = vector.broadcast %parallel_loop3A_425 : f32 to vector<16xf32>
        %parallel_loop3A_427 = arith.mulf %parallel_loop3A_424, %parallel_loop3A_426 : vector<16xf32>
        %parallel_loop3A_428 = arith.index_cast %parallel_loop3A_144 : i32 to index
        %parallel_loop3A_429 = arith.constant 368 : index
        %parallel_loop3A_430 = tpu.vector_load %arg7[%parallel_loop3A_428, %parallel_loop3A_429] {strides = array<i32>} : memref<32x768xf32, #tpu.memory_space<vmem>>, vector<1x16xf32>,
        %parallel_loop3A_431 = vector.shape_cast %parallel_loop3A_430 : vector<1x16xf32> to vector<16xf32>
        %parallel_loop3A_432 = vector.shape_cast %parallel_loop3A_427 : vector<16xf32> to vector<1x16xf32>
        tpu.vector_store %arg7[%parallel_loop3A_428, %parallel_loop3A_429], %parallel_loop3A_432 {strides = array<i32>} : memref<32x768xf32, #tpu.memory_space<vmem>>, vector<1x16xf32>,
        %parallel_loop3A_433 = arith.index_cast %parallel_loop3A_144 : i32 to index
        %parallel_loop3A_434 = arith.constant 384 : index
        %parallel_loop3A_435 = tpu.vector_load %arg7[%parallel_loop3A_433, %parallel_loop3A_434] {strides = array<i32>} : memref<32x768xf32, #tpu.memory_space<vmem>>, vector<1x16xf32>,
        %parallel_loop3A_436 = vector.shape_cast %parallel_loop3A_435 : vector<1x16xf32> to vector<16xf32>
        %parallel_loop3A_437 = arith.constant 27.7128124 : f32
        %parallel_loop3A_438 = vector.broadcast %parallel_loop3A_437 : f32 to vector<16xf32>
        %parallel_loop3A_439 = arith.mulf %parallel_loop3A_436, %parallel_loop3A_438 : vector<16xf32>
        %parallel_loop3A_440 = arith.index_cast %parallel_loop3A_144 : i32 to index
        %parallel_loop3A_441 = arith.constant 384 : index
        %parallel_loop3A_442 = tpu.vector_load %arg7[%parallel_loop3A_440, %parallel_loop3A_441] {strides = array<i32>} : memref<32x768xf32, #tpu.memory_space<vmem>>, vector<1x16xf32>,
        %parallel_loop3A_443 = vector.shape_cast %parallel_loop3A_442 : vector<1x16xf32> to vector<16xf32>
        %parallel_loop3A_444 = vector.shape_cast %parallel_loop3A_439 : vector<16xf32> to vector<1x16xf32>
        tpu.vector_store %arg7[%parallel_loop3A_440, %parallel_loop3A_441], %parallel_loop3A_444 {strides = array<i32>} : memref<32x768xf32, #tpu.memory_space<vmem>>, vector<1x16xf32>,
        %parallel_loop3A_445 = arith.index_cast %parallel_loop3A_144 : i32 to index
        %parallel_loop3A_446 = arith.constant 400 : index
        %parallel_loop3A_447 = tpu.vector_load %arg7[%parallel_loop3A_445, %parallel_loop3A_446] {strides = array<i32>} : memref<32x768xf32, #tpu.memory_space<vmem>>, vector<1x16xf32>,
        %parallel_loop3A_448 = vector.shape_cast %parallel_loop3A_447 : vector<1x16xf32> to vector<16xf32>
        %parallel_loop3A_449 = arith.constant 27.7128124 : f32
        %parallel_loop3A_450 = vector.broadcast %parallel_loop3A_449 : f32 to vector<16xf32>
        %parallel_loop3A_451 = arith.mulf %parallel_loop3A_448, %parallel_loop3A_450 : vector<16xf32>
        %parallel_loop3A_452 = arith.index_cast %parallel_loop3A_144 : i32 to index
        %parallel_loop3A_453 = arith.constant 400 : index
        %parallel_loop3A_454 = tpu.vector_load %arg7[%parallel_loop3A_452, %parallel_loop3A_453] {strides = array<i32>} : memref<32x768xf32, #tpu.memory_space<vmem>>, vector<1x16xf32>,
        %parallel_loop3A_455 = vector.shape_cast %parallel_loop3A_454 : vector<1x16xf32> to vector<16xf32>
        %parallel_loop3A_456 = vector.shape_cast %parallel_loop3A_451 : vector<16xf32> to vector<1x16xf32>
        tpu.vector_store %arg7[%parallel_loop3A_452, %parallel_loop3A_453], %parallel_loop3A_456 {strides = array<i32>} : memref<32x768xf32, #tpu.memory_space<vmem>>, vector<1x16xf32>,
        %parallel_loop3A_457 = arith.index_cast %parallel_loop3A_144 : i32 to index
        %parallel_loop3A_458 = arith.constant 416 : index
        %parallel_loop3A_459 = tpu.vector_load %arg7[%parallel_loop3A_457, %parallel_loop3A_458] {strides = array<i32>} : memref<32x768xf32, #tpu.memory_space<vmem>>, vector<1x16xf32>,
        %parallel_loop3A_460 = vector.shape_cast %parallel_loop3A_459 : vector<1x16xf32> to vector<16xf32>
        %parallel_loop3A_461 = arith.constant 27.7128124 : f32
        %parallel_loop3A_462 = vector.broadcast %parallel_loop3A_461 : f32 to vector<16xf32>
        %parallel_loop3A_463 = arith.mulf %parallel_loop3A_460, %parallel_loop3A_462 : vector<16xf32>
        %parallel_loop3A_464 = arith.index_cast %parallel_loop3A_144 : i32 to index
        %parallel_loop3A_465 = arith.constant 416 : index
        %parallel_loop3A_466 = tpu.vector_load %arg7[%parallel_loop3A_464, %parallel_loop3A_465] {strides = array<i32>} : memref<32x768xf32, #tpu.memory_space<vmem>>, vector<1x16xf32>,
        %parallel_loop3A_467 = vector.shape_cast %parallel_loop3A_466 : vector<1x16xf32> to vector<16xf32>
        %parallel_loop3A_468 = vector.shape_cast %parallel_loop3A_463 : vector<16xf32> to vector<1x16xf32>
        tpu.vector_store %arg7[%parallel_loop3A_464, %parallel_loop3A_465], %parallel_loop3A_468 {strides = array<i32>} : memref<32x768xf32, #tpu.memory_space<vmem>>, vector<1x16xf32>,
        %parallel_loop3A_469 = arith.index_cast %parallel_loop3A_144 : i32 to index
        %parallel_loop3A_470 = arith.constant 432 : index
        %parallel_loop3A_471 = tpu.vector_load %arg7[%parallel_loop3A_469, %parallel_loop3A_470] {strides = array<i32>} : memref<32x768xf32, #tpu.memory_space<vmem>>, vector<1x16xf32>,
        %parallel_loop3A_472 = vector.shape_cast %parallel_loop3A_471 : vector<1x16xf32> to vector<16xf32>
        %parallel_loop3A_473 = arith.constant 27.7128124 : f32
        %parallel_loop3A_474 = vector.broadcast %parallel_loop3A_473 : f32 to vector<16xf32>
        %parallel_loop3A_475 = arith.mulf %parallel_loop3A_472, %parallel_loop3A_474 : vector<16xf32>
        %parallel_loop3A_476 = arith.index_cast %parallel_loop3A_144 : i32 to index
        %parallel_loop3A_477 = arith.constant 432 : index
        %parallel_loop3A_478 = tpu.vector_load %arg7[%parallel_loop3A_476, %parallel_loop3A_477] {strides = array<i32>} : memref<32x768xf32, #tpu.memory_space<vmem>>, vector<1x16xf32>,
        %parallel_loop3A_479 = vector.shape_cast %parallel_loop3A_478 : vector<1x16xf32> to vector<16xf32>
        %parallel_loop3A_480 = vector.shape_cast %parallel_loop3A_475 : vector<16xf32> to vector<1x16xf32>
        tpu.vector_store %arg7[%parallel_loop3A_476, %parallel_loop3A_477], %parallel_loop3A_480 {strides = array<i32>} : memref<32x768xf32, #tpu.memory_space<vmem>>, vector<1x16xf32>,
        %parallel_loop3A_481 = arith.index_cast %parallel_loop3A_144 : i32 to index
        %parallel_loop3A_482 = arith.constant 448 : index
        %parallel_loop3A_483 = tpu.vector_load %arg7[%parallel_loop3A_481, %parallel_loop3A_482] {strides = array<i32>} : memref<32x768xf32, #tpu.memory_space<vmem>>, vector<1x16xf32>,
        %parallel_loop3A_484 = vector.shape_cast %parallel_loop3A_483 : vector<1x16xf32> to vector<16xf32>
        %parallel_loop3A_485 = arith.constant 27.7128124 : f32
        %parallel_loop3A_486 = vector.broadcast %parallel_loop3A_485 : f32 to vector<16xf32>
        %parallel_loop3A_487 = arith.mulf %parallel_loop3A_484, %parallel_loop3A_486 : vector<16xf32>
        %parallel_loop3A_488 = arith.index_cast %parallel_loop3A_144 : i32 to index
        %parallel_loop3A_489 = arith.constant 448 : index
        %parallel_loop3A_490 = tpu.vector_load %arg7[%parallel_loop3A_488, %parallel_loop3A_489] {strides = array<i32>} : memref<32x768xf32, #tpu.memory_space<vmem>>, vector<1x16xf32>,
        %parallel_loop3A_491 = vector.shape_cast %parallel_loop3A_490 : vector<1x16xf32> to vector<16xf32>
        %parallel_loop3A_492 = vector.shape_cast %parallel_loop3A_487 : vector<16xf32> to vector<1x16xf32>
        tpu.vector_store %arg7[%parallel_loop3A_488, %parallel_loop3A_489], %parallel_loop3A_492 {strides = array<i32>} : memref<32x768xf32, #tpu.memory_space<vmem>>, vector<1x16xf32>,
        %parallel_loop3A_493 = arith.index_cast %parallel_loop3A_144 : i32 to index
        %parallel_loop3A_494 = arith.constant 464 : index
        %parallel_loop3A_495 = tpu.vector_load %arg7[%parallel_loop3A_493, %parallel_loop3A_494] {strides = array<i32>} : memref<32x768xf32, #tpu.memory_space<vmem>>, vector<1x16xf32>,
        %parallel_loop3A_496 = vector.shape_cast %parallel_loop3A_495 : vector<1x16xf32> to vector<16xf32>
        %parallel_loop3A_497 = arith.constant 27.7128124 : f32
        %parallel_loop3A_498 = vector.broadcast %parallel_loop3A_497 : f32 to vector<16xf32>
        %parallel_loop3A_499 = arith.mulf %parallel_loop3A_496, %parallel_loop3A_498 : vector<16xf32>
        %parallel_loop3A_500 = arith.index_cast %parallel_loop3A_144 : i32 to index
        %parallel_loop3A_501 = arith.constant 464 : index
        %parallel_loop3A_502 = tpu.vector_load %arg7[%parallel_loop3A_500, %parallel_loop3A_501] {strides = array<i32>} : memref<32x768xf32, #tpu.memory_space<vmem>>, vector<1x16xf32>,
        %parallel_loop3A_503 = vector.shape_cast %parallel_loop3A_502 : vector<1x16xf32> to vector<16xf32>
        %parallel_loop3A_504 = vector.shape_cast %parallel_loop3A_499 : vector<16xf32> to vector<1x16xf32>
        tpu.vector_store %arg7[%parallel_loop3A_500, %parallel_loop3A_501], %parallel_loop3A_504 {strides = array<i32>} : memref<32x768xf32, #tpu.memory_space<vmem>>, vector<1x16xf32>,
        %parallel_loop3A_505 = arith.index_cast %parallel_loop3A_144 : i32 to index
        %parallel_loop3A_506 = arith.constant 480 : index
        %parallel_loop3A_507 = tpu.vector_load %arg7[%parallel_loop3A_505, %parallel_loop3A_506] {strides = array<i32>} : memref<32x768xf32, #tpu.memory_space<vmem>>, vector<1x16xf32>,
        %parallel_loop3A_508 = vector.shape_cast %parallel_loop3A_507 : vector<1x16xf32> to vector<16xf32>
        %parallel_loop3A_509 = arith.constant 27.7128124 : f32
        %parallel_loop3A_510 = vector.broadcast %parallel_loop3A_509 : f32 to vector<16xf32>
        %parallel_loop3A_511 = arith.mulf %parallel_loop3A_508, %parallel_loop3A_510 : vector<16xf32>
        %parallel_loop3A_512 = arith.index_cast %parallel_loop3A_144 : i32 to index
        %parallel_loop3A_513 = arith.constant 480 : index
        %parallel_loop3A_514 = tpu.vector_load %arg7[%parallel_loop3A_512, %parallel_loop3A_513] {strides = array<i32>} : memref<32x768xf32, #tpu.memory_space<vmem>>, vector<1x16xf32>,
        %parallel_loop3A_515 = vector.shape_cast %parallel_loop3A_514 : vector<1x16xf32> to vector<16xf32>
        %parallel_loop3A_516 = vector.shape_cast %parallel_loop3A_511 : vector<16xf32> to vector<1x16xf32>
        tpu.vector_store %arg7[%parallel_loop3A_512, %parallel_loop3A_513], %parallel_loop3A_516 {strides = array<i32>} : memref<32x768xf32, #tpu.memory_space<vmem>>, vector<1x16xf32>,
        %parallel_loop3A_517 = arith.index_cast %parallel_loop3A_144 : i32 to index
        %parallel_loop3A_518 = arith.constant 496 : index
        %parallel_loop3A_519 = tpu.vector_load %arg7[%parallel_loop3A_517, %parallel_loop3A_518] {strides = array<i32>} : memref<32x768xf32, #tpu.memory_space<vmem>>, vector<1x16xf32>,
        %parallel_loop3A_520 = vector.shape_cast %parallel_loop3A_519 : vector<1x16xf32> to vector<16xf32>
        %parallel_loop3A_521 = arith.constant 27.7128124 : f32
        %parallel_loop3A_522 = vector.broadcast %parallel_loop3A_521 : f32 to vector<16xf32>
        %parallel_loop3A_523 = arith.mulf %parallel_loop3A_520, %parallel_loop3A_522 : vector<16xf32>
        %parallel_loop3A_524 = arith.index_cast %parallel_loop3A_144 : i32 to index
        %parallel_loop3A_525 = arith.constant 496 : index
        %parallel_loop3A_526 = tpu.vector_load %arg7[%parallel_loop3A_524, %parallel_loop3A_525] {strides = array<i32>} : memref<32x768xf32, #tpu.memory_space<vmem>>, vector<1x16xf32>,
        %parallel_loop3A_527 = vector.shape_cast %parallel_loop3A_526 : vector<1x16xf32> to vector<16xf32>
        %parallel_loop3A_528 = vector.shape_cast %parallel_loop3A_523 : vector<16xf32> to vector<1x16xf32>
        tpu.vector_store %arg7[%parallel_loop3A_524, %parallel_loop3A_525], %parallel_loop3A_528 {strides = array<i32>} : memref<32x768xf32, #tpu.memory_space<vmem>>, vector<1x16xf32>,
        %parallel_loop3A_529 = arith.index_cast %parallel_loop3A_144 : i32 to index
        %parallel_loop3A_530 = arith.constant 512 : index
        %parallel_loop3A_531 = tpu.vector_load %arg7[%parallel_loop3A_529, %parallel_loop3A_530] {strides = array<i32>} : memref<32x768xf32, #tpu.memory_space<vmem>>, vector<1x16xf32>,
        %parallel_loop3A_532 = vector.shape_cast %parallel_loop3A_531 : vector<1x16xf32> to vector<16xf32>
        %parallel_loop3A_533 = arith.constant 27.7128124 : f32
        %parallel_loop3A_534 = vector.broadcast %parallel_loop3A_533 : f32 to vector<16xf32>
        %parallel_loop3A_535 = arith.mulf %parallel_loop3A_532, %parallel_loop3A_534 : vector<16xf32>
        %parallel_loop3A_536 = arith.index_cast %parallel_loop3A_144 : i32 to index
        %parallel_loop3A_537 = arith.constant 512 : index
        %parallel_loop3A_538 = tpu.vector_load %arg7[%parallel_loop3A_536, %parallel_loop3A_537] {strides = array<i32>} : memref<32x768xf32, #tpu.memory_space<vmem>>, vector<1x16xf32>,
        %parallel_loop3A_539 = vector.shape_cast %parallel_loop3A_538 : vector<1x16xf32> to vector<16xf32>
        %parallel_loop3A_540 = vector.shape_cast %parallel_loop3A_535 : vector<16xf32> to vector<1x16xf32>
        tpu.vector_store %arg7[%parallel_loop3A_536, %parallel_loop3A_537], %parallel_loop3A_540 {strides = array<i32>} : memref<32x768xf32, #tpu.memory_space<vmem>>, vector<1x16xf32>,
        %parallel_loop3A_541 = arith.index_cast %parallel_loop3A_144 : i32 to index
        %parallel_loop3A_542 = arith.constant 528 : index
        %parallel_loop3A_543 = tpu.vector_load %arg7[%parallel_loop3A_541, %parallel_loop3A_542] {strides = array<i32>} : memref<32x768xf32, #tpu.memory_space<vmem>>, vector<1x16xf32>,
        %parallel_loop3A_544 = vector.shape_cast %parallel_loop3A_543 : vector<1x16xf32> to vector<16xf32>
        %parallel_loop3A_545 = arith.constant 27.7128124 : f32
        %parallel_loop3A_546 = vector.broadcast %parallel_loop3A_545 : f32 to vector<16xf32>
        %parallel_loop3A_547 = arith.mulf %parallel_loop3A_544, %parallel_loop3A_546 : vector<16xf32>
        %parallel_loop3A_548 = arith.index_cast %parallel_loop3A_144 : i32 to index
        %parallel_loop3A_549 = arith.constant 528 : index
        %parallel_loop3A_550 = tpu.vector_load %arg7[%parallel_loop3A_548, %parallel_loop3A_549] {strides = array<i32>} : memref<32x768xf32, #tpu.memory_space<vmem>>, vector<1x16xf32>,
        %parallel_loop3A_551 = vector.shape_cast %parallel_loop3A_550 : vector<1x16xf32> to vector<16xf32>
        %parallel_loop3A_552 = vector.shape_cast %parallel_loop3A_547 : vector<16xf32> to vector<1x16xf32>
        tpu.vector_store %arg7[%parallel_loop3A_548, %parallel_loop3A_549], %parallel_loop3A_552 {strides = array<i32>} : memref<32x768xf32, #tpu.memory_space<vmem>>, vector<1x16xf32>,
        %parallel_loop3A_553 = arith.index_cast %parallel_loop3A_144 : i32 to index
        %parallel_loop3A_554 = arith.constant 544 : index
        %parallel_loop3A_555 = tpu.vector_load %arg7[%parallel_loop3A_553, %parallel_loop3A_554] {strides = array<i32>} : memref<32x768xf32, #tpu.memory_space<vmem>>, vector<1x16xf32>,
        %parallel_loop3A_556 = vector.shape_cast %parallel_loop3A_555 : vector<1x16xf32> to vector<16xf32>
        %parallel_loop3A_557 = arith.constant 27.7128124 : f32
        %parallel_loop3A_558 = vector.broadcast %parallel_loop3A_557 : f32 to vector<16xf32>
        %parallel_loop3A_559 = arith.mulf %parallel_loop3A_556, %parallel_loop3A_558 : vector<16xf32>
        %parallel_loop3A_560 = arith.index_cast %parallel_loop3A_144 : i32 to index
        %parallel_loop3A_561 = arith.constant 544 : index
        %parallel_loop3A_562 = tpu.vector_load %arg7[%parallel_loop3A_560, %parallel_loop3A_561] {strides = array<i32>} : memref<32x768xf32, #tpu.memory_space<vmem>>, vector<1x16xf32>,
        %parallel_loop3A_563 = vector.shape_cast %parallel_loop3A_562 : vector<1x16xf32> to vector<16xf32>
        %parallel_loop3A_564 = vector.shape_cast %parallel_loop3A_559 : vector<16xf32> to vector<1x16xf32>
        tpu.vector_store %arg7[%parallel_loop3A_560, %parallel_loop3A_561], %parallel_loop3A_564 {strides = array<i32>} : memref<32x768xf32, #tpu.memory_space<vmem>>, vector<1x16xf32>,
        %parallel_loop3A_565 = arith.index_cast %parallel_loop3A_144 : i32 to index
        %parallel_loop3A_566 = arith.constant 560 : index
        %parallel_loop3A_567 = tpu.vector_load %arg7[%parallel_loop3A_565, %parallel_loop3A_566] {strides = array<i32>} : memref<32x768xf32, #tpu.memory_space<vmem>>, vector<1x16xf32>,
        %parallel_loop3A_568 = vector.shape_cast %parallel_loop3A_567 : vector<1x16xf32> to vector<16xf32>
        %parallel_loop3A_569 = arith.constant 27.7128124 : f32
        %parallel_loop3A_570 = vector.broadcast %parallel_loop3A_569 : f32 to vector<16xf32>
        %parallel_loop3A_571 = arith.mulf %parallel_loop3A_568, %parallel_loop3A_570 : vector<16xf32>
        %parallel_loop3A_572 = arith.index_cast %parallel_loop3A_144 : i32 to index
        %parallel_loop3A_573 = arith.constant 560 : index
        %parallel_loop3A_574 = tpu.vector_load %arg7[%parallel_loop3A_572, %parallel_loop3A_573] {strides = array<i32>} : memref<32x768xf32, #tpu.memory_space<vmem>>, vector<1x16xf32>,
        %parallel_loop3A_575 = vector.shape_cast %parallel_loop3A_574 : vector<1x16xf32> to vector<16xf32>
        %parallel_loop3A_576 = vector.shape_cast %parallel_loop3A_571 : vector<16xf32> to vector<1x16xf32>
        tpu.vector_store %arg7[%parallel_loop3A_572, %parallel_loop3A_573], %parallel_loop3A_576 {strides = array<i32>} : memref<32x768xf32, #tpu.memory_space<vmem>>, vector<1x16xf32>,
        %parallel_loop3A_577 = arith.index_cast %parallel_loop3A_144 : i32 to index
        %parallel_loop3A_578 = arith.constant 576 : index
        %parallel_loop3A_579 = tpu.vector_load %arg7[%parallel_loop3A_577, %parallel_loop3A_578] {strides = array<i32>} : memref<32x768xf32, #tpu.memory_space<vmem>>, vector<1x16xf32>,
        %parallel_loop3A_580 = vector.shape_cast %parallel_loop3A_579 : vector<1x16xf32> to vector<16xf32>
        %parallel_loop3A_581 = arith.constant 27.7128124 : f32
        %parallel_loop3A_582 = vector.broadcast %parallel_loop3A_581 : f32 to vector<16xf32>
        %parallel_loop3A_583 = arith.mulf %parallel_loop3A_580, %parallel_loop3A_582 : vector<16xf32>
        %parallel_loop3A_584 = arith.index_cast %parallel_loop3A_144 : i32 to index
        %parallel_loop3A_585 = arith.constant 576 : index
        %parallel_loop3A_586 = tpu.vector_load %arg7[%parallel_loop3A_584, %parallel_loop3A_585] {strides = array<i32>} : memref<32x768xf32, #tpu.memory_space<vmem>>, vector<1x16xf32>,
        %parallel_loop3A_587 = vector.shape_cast %parallel_loop3A_586 : vector<1x16xf32> to vector<16xf32>
        %parallel_loop3A_588 = vector.shape_cast %parallel_loop3A_583 : vector<16xf32> to vector<1x16xf32>
        tpu.vector_store %arg7[%parallel_loop3A_584, %parallel_loop3A_585], %parallel_loop3A_588 {strides = array<i32>} : memref<32x768xf32, #tpu.memory_space<vmem>>, vector<1x16xf32>,
        %parallel_loop3A_589 = arith.index_cast %parallel_loop3A_144 : i32 to index
        %parallel_loop3A_590 = arith.constant 592 : index
        %parallel_loop3A_591 = tpu.vector_load %arg7[%parallel_loop3A_589, %parallel_loop3A_590] {strides = array<i32>} : memref<32x768xf32, #tpu.memory_space<vmem>>, vector<1x16xf32>,
        %parallel_loop3A_592 = vector.shape_cast %parallel_loop3A_591 : vector<1x16xf32> to vector<16xf32>
        %parallel_loop3A_593 = arith.constant 27.7128124 : f32
        %parallel_loop3A_594 = vector.broadcast %parallel_loop3A_593 : f32 to vector<16xf32>
        %parallel_loop3A_595 = arith.mulf %parallel_loop3A_592, %parallel_loop3A_594 : vector<16xf32>
        %parallel_loop3A_596 = arith.index_cast %parallel_loop3A_144 : i32 to index
        %parallel_loop3A_597 = arith.constant 592 : index
        %parallel_loop3A_598 = tpu.vector_load %arg7[%parallel_loop3A_596, %parallel_loop3A_597] {strides = array<i32>} : memref<32x768xf32, #tpu.memory_space<vmem>>, vector<1x16xf32>,
        %parallel_loop3A_599 = vector.shape_cast %parallel_loop3A_598 : vector<1x16xf32> to vector<16xf32>
        %parallel_loop3A_600 = vector.shape_cast %parallel_loop3A_595 : vector<16xf32> to vector<1x16xf32>
        tpu.vector_store %arg7[%parallel_loop3A_596, %parallel_loop3A_597], %parallel_loop3A_600 {strides = array<i32>} : memref<32x768xf32, #tpu.memory_space<vmem>>, vector<1x16xf32>,
        %parallel_loop3A_601 = arith.index_cast %parallel_loop3A_144 : i32 to index
        %parallel_loop3A_602 = arith.constant 608 : index
        %parallel_loop3A_603 = tpu.vector_load %arg7[%parallel_loop3A_601, %parallel_loop3A_602] {strides = array<i32>} : memref<32x768xf32, #tpu.memory_space<vmem>>, vector<1x16xf32>,
        %parallel_loop3A_604 = vector.shape_cast %parallel_loop3A_603 : vector<1x16xf32> to vector<16xf32>
        %parallel_loop3A_605 = arith.constant 27.7128124 : f32
        %parallel_loop3A_606 = vector.broadcast %parallel_loop3A_605 : f32 to vector<16xf32>
        %parallel_loop3A_607 = arith.mulf %parallel_loop3A_604, %parallel_loop3A_606 : vector<16xf32>
        %parallel_loop3A_608 = arith.index_cast %parallel_loop3A_144 : i32 to index
        %parallel_loop3A_609 = arith.constant 608 : index
        %parallel_loop3A_610 = tpu.vector_load %arg7[%parallel_loop3A_608, %parallel_loop3A_609] {strides = array<i32>} : memref<32x768xf32, #tpu.memory_space<vmem>>, vector<1x16xf32>,
        %parallel_loop3A_611 = vector.shape_cast %parallel_loop3A_610 : vector<1x16xf32> to vector<16xf32>
        %parallel_loop3A_612 = vector.shape_cast %parallel_loop3A_607 : vector<16xf32> to vector<1x16xf32>
        tpu.vector_store %arg7[%parallel_loop3A_608, %parallel_loop3A_609], %parallel_loop3A_612 {strides = array<i32>} : memref<32x768xf32, #tpu.memory_space<vmem>>, vector<1x16xf32>,
        %parallel_loop3A_613 = arith.index_cast %parallel_loop3A_144 : i32 to index
        %parallel_loop3A_614 = arith.constant 624 : index
        %parallel_loop3A_615 = tpu.vector_load %arg7[%parallel_loop3A_613, %parallel_loop3A_614] {strides = array<i32>} : memref<32x768xf32, #tpu.memory_space<vmem>>, vector<1x16xf32>,
        %parallel_loop3A_616 = vector.shape_cast %parallel_loop3A_615 : vector<1x16xf32> to vector<16xf32>
        %parallel_loop3A_617 = arith.constant 27.7128124 : f32
        %parallel_loop3A_618 = vector.broadcast %parallel_loop3A_617 : f32 to vector<16xf32>
        %parallel_loop3A_619 = arith.mulf %parallel_loop3A_616, %parallel_loop3A_618 : vector<16xf32>
        %parallel_loop3A_620 = arith.index_cast %parallel_loop3A_144 : i32 to index
        %parallel_loop3A_621 = arith.constant 624 : index
        %parallel_loop3A_622 = tpu.vector_load %arg7[%parallel_loop3A_620, %parallel_loop3A_621] {strides = array<i32>} : memref<32x768xf32, #tpu.memory_space<vmem>>, vector<1x16xf32>,
        %parallel_loop3A_623 = vector.shape_cast %parallel_loop3A_622 : vector<1x16xf32> to vector<16xf32>
        %parallel_loop3A_624 = vector.shape_cast %parallel_loop3A_619 : vector<16xf32> to vector<1x16xf32>
        tpu.vector_store %arg7[%parallel_loop3A_620, %parallel_loop3A_621], %parallel_loop3A_624 {strides = array<i32>} : memref<32x768xf32, #tpu.memory_space<vmem>>, vector<1x16xf32>,
        %parallel_loop3A_625 = arith.index_cast %parallel_loop3A_144 : i32 to index
        %parallel_loop3A_626 = arith.constant 640 : index
        %parallel_loop3A_627 = tpu.vector_load %arg7[%parallel_loop3A_625, %parallel_loop3A_626] {strides = array<i32>} : memref<32x768xf32, #tpu.memory_space<vmem>>, vector<1x16xf32>,
        %parallel_loop3A_628 = vector.shape_cast %parallel_loop3A_627 : vector<1x16xf32> to vector<16xf32>
        %parallel_loop3A_629 = arith.constant 27.7128124 : f32
        %parallel_loop3A_630 = vector.broadcast %parallel_loop3A_629 : f32 to vector<16xf32>
        %parallel_loop3A_631 = arith.mulf %parallel_loop3A_628, %parallel_loop3A_630 : vector<16xf32>
        %parallel_loop3A_632 = arith.index_cast %parallel_loop3A_144 : i32 to index
        %parallel_loop3A_633 = arith.constant 640 : index
        %parallel_loop3A_634 = tpu.vector_load %arg7[%parallel_loop3A_632, %parallel_loop3A_633] {strides = array<i32>} : memref<32x768xf32, #tpu.memory_space<vmem>>, vector<1x16xf32>,
        %parallel_loop3A_635 = vector.shape_cast %parallel_loop3A_634 : vector<1x16xf32> to vector<16xf32>
        %parallel_loop3A_636 = vector.shape_cast %parallel_loop3A_631 : vector<16xf32> to vector<1x16xf32>
        tpu.vector_store %arg7[%parallel_loop3A_632, %parallel_loop3A_633], %parallel_loop3A_636 {strides = array<i32>} : memref<32x768xf32, #tpu.memory_space<vmem>>, vector<1x16xf32>,
        %parallel_loop3A_637 = arith.index_cast %parallel_loop3A_144 : i32 to index
        %parallel_loop3A_638 = arith.constant 656 : index
        %parallel_loop3A_639 = tpu.vector_load %arg7[%parallel_loop3A_637, %parallel_loop3A_638] {strides = array<i32>} : memref<32x768xf32, #tpu.memory_space<vmem>>, vector<1x16xf32>,
        %parallel_loop3A_640 = vector.shape_cast %parallel_loop3A_639 : vector<1x16xf32> to vector<16xf32>
        %parallel_loop3A_641 = arith.constant 27.7128124 : f32
        %parallel_loop3A_642 = vector.broadcast %parallel_loop3A_641 : f32 to vector<16xf32>
        %parallel_loop3A_643 = arith.mulf %parallel_loop3A_640, %parallel_loop3A_642 : vector<16xf32>
        %parallel_loop3A_644 = arith.index_cast %parallel_loop3A_144 : i32 to index
        %parallel_loop3A_645 = arith.constant 656 : index
        %parallel_loop3A_646 = tpu.vector_load %arg7[%parallel_loop3A_644, %parallel_loop3A_645] {strides = array<i32>} : memref<32x768xf32, #tpu.memory_space<vmem>>, vector<1x16xf32>,
        %parallel_loop3A_647 = vector.shape_cast %parallel_loop3A_646 : vector<1x16xf32> to vector<16xf32>
        %parallel_loop3A_648 = vector.shape_cast %parallel_loop3A_643 : vector<16xf32> to vector<1x16xf32>
        tpu.vector_store %arg7[%parallel_loop3A_644, %parallel_loop3A_645], %parallel_loop3A_648 {strides = array<i32>} : memref<32x768xf32, #tpu.memory_space<vmem>>, vector<1x16xf32>,
        %parallel_loop3A_649 = arith.index_cast %parallel_loop3A_144 : i32 to index
        %parallel_loop3A_650 = arith.constant 672 : index
        %parallel_loop3A_651 = tpu.vector_load %arg7[%parallel_loop3A_649, %parallel_loop3A_650] {strides = array<i32>} : memref<32x768xf32, #tpu.memory_space<vmem>>, vector<1x16xf32>,
        %parallel_loop3A_652 = vector.shape_cast %parallel_loop3A_651 : vector<1x16xf32> to vector<16xf32>
        %parallel_loop3A_653 = arith.constant 27.7128124 : f32
        %parallel_loop3A_654 = vector.broadcast %parallel_loop3A_653 : f32 to vector<16xf32>
        %parallel_loop3A_655 = arith.mulf %parallel_loop3A_652, %parallel_loop3A_654 : vector<16xf32>
        %parallel_loop3A_656 = arith.index_cast %parallel_loop3A_144 : i32 to index
        %parallel_loop3A_657 = arith.constant 672 : index
        %parallel_loop3A_658 = tpu.vector_load %arg7[%parallel_loop3A_656, %parallel_loop3A_657] {strides = array<i32>} : memref<32x768xf32, #tpu.memory_space<vmem>>, vector<1x16xf32>,
        %parallel_loop3A_659 = vector.shape_cast %parallel_loop3A_658 : vector<1x16xf32> to vector<16xf32>
        %parallel_loop3A_660 = vector.shape_cast %parallel_loop3A_655 : vector<16xf32> to vector<1x16xf32>
        tpu.vector_store %arg7[%parallel_loop3A_656, %parallel_loop3A_657], %parallel_loop3A_660 {strides = array<i32>} : memref<32x768xf32, #tpu.memory_space<vmem>>, vector<1x16xf32>,
        %parallel_loop3A_661 = arith.index_cast %parallel_loop3A_144 : i32 to index
        %parallel_loop3A_662 = arith.constant 688 : index
        %parallel_loop3A_663 = tpu.vector_load %arg7[%parallel_loop3A_661, %parallel_loop3A_662] {strides = array<i32>} : memref<32x768xf32, #tpu.memory_space<vmem>>, vector<1x16xf32>,
        %parallel_loop3A_664 = vector.shape_cast %parallel_loop3A_663 : vector<1x16xf32> to vector<16xf32>
        %parallel_loop3A_665 = arith.constant 27.7128124 : f32
        %parallel_loop3A_666 = vector.broadcast %parallel_loop3A_665 : f32 to vector<16xf32>
        %parallel_loop3A_667 = arith.mulf %parallel_loop3A_664, %parallel_loop3A_666 : vector<16xf32>
        %parallel_loop3A_668 = arith.index_cast %parallel_loop3A_144 : i32 to index
        %parallel_loop3A_669 = arith.constant 688 : index
        %parallel_loop3A_670 = tpu.vector_load %arg7[%parallel_loop3A_668, %parallel_loop3A_669] {strides = array<i32>} : memref<32x768xf32, #tpu.memory_space<vmem>>, vector<1x16xf32>,
        %parallel_loop3A_671 = vector.shape_cast %parallel_loop3A_670 : vector<1x16xf32> to vector<16xf32>
        %parallel_loop3A_672 = vector.shape_cast %parallel_loop3A_667 : vector<16xf32> to vector<1x16xf32>
        tpu.vector_store %arg7[%parallel_loop3A_668, %parallel_loop3A_669], %parallel_loop3A_672 {strides = array<i32>} : memref<32x768xf32, #tpu.memory_space<vmem>>, vector<1x16xf32>,
        %parallel_loop3A_673 = arith.index_cast %parallel_loop3A_144 : i32 to index
        %parallel_loop3A_674 = arith.constant 704 : index
        %parallel_loop3A_675 = tpu.vector_load %arg7[%parallel_loop3A_673, %parallel_loop3A_674] {strides = array<i32>} : memref<32x768xf32, #tpu.memory_space<vmem>>, vector<1x16xf32>,
        %parallel_loop3A_676 = vector.shape_cast %parallel_loop3A_675 : vector<1x16xf32> to vector<16xf32>
        %parallel_loop3A_677 = arith.constant 27.7128124 : f32
        %parallel_loop3A_678 = vector.broadcast %parallel_loop3A_677 : f32 to vector<16xf32>
        %parallel_loop3A_679 = arith.mulf %parallel_loop3A_676, %parallel_loop3A_678 : vector<16xf32>
        %parallel_loop3A_680 = arith.index_cast %parallel_loop3A_144 : i32 to index
        %parallel_loop3A_681 = arith.constant 704 : index
        %parallel_loop3A_682 = tpu.vector_load %arg7[%parallel_loop3A_680, %parallel_loop3A_681] {strides = array<i32>} : memref<32x768xf32, #tpu.memory_space<vmem>>, vector<1x16xf32>,
        %parallel_loop3A_683 = vector.shape_cast %parallel_loop3A_682 : vector<1x16xf32> to vector<16xf32>
        %parallel_loop3A_684 = vector.shape_cast %parallel_loop3A_679 : vector<16xf32> to vector<1x16xf32>
        tpu.vector_store %arg7[%parallel_loop3A_680, %parallel_loop3A_681], %parallel_loop3A_684 {strides = array<i32>} : memref<32x768xf32, #tpu.memory_space<vmem>>, vector<1x16xf32>,
        %parallel_loop3A_685 = arith.index_cast %parallel_loop3A_144 : i32 to index
        %parallel_loop3A_686 = arith.constant 720 : index
        %parallel_loop3A_687 = tpu.vector_load %arg7[%parallel_loop3A_685, %parallel_loop3A_686] {strides = array<i32>} : memref<32x768xf32, #tpu.memory_space<vmem>>, vector<1x16xf32>,
        %parallel_loop3A_688 = vector.shape_cast %parallel_loop3A_687 : vector<1x16xf32> to vector<16xf32>
        %parallel_loop3A_689 = arith.constant 27.7128124 : f32
        %parallel_loop3A_690 = vector.broadcast %parallel_loop3A_689 : f32 to vector<16xf32>
        %parallel_loop3A_691 = arith.mulf %parallel_loop3A_688, %parallel_loop3A_690 : vector<16xf32>
        %parallel_loop3A_692 = arith.index_cast %parallel_loop3A_144 : i32 to index
        %parallel_loop3A_693 = arith.constant 720 : index
        %parallel_loop3A_694 = tpu.vector_load %arg7[%parallel_loop3A_692, %parallel_loop3A_693] {strides = array<i32>} : memref<32x768xf32, #tpu.memory_space<vmem>>, vector<1x16xf32>,
        %parallel_loop3A_695 = vector.shape_cast %parallel_loop3A_694 : vector<1x16xf32> to vector<16xf32>
        %parallel_loop3A_696 = vector.shape_cast %parallel_loop3A_691 : vector<16xf32> to vector<1x16xf32>
        tpu.vector_store %arg7[%parallel_loop3A_692, %parallel_loop3A_693], %parallel_loop3A_696 {strides = array<i32>} : memref<32x768xf32, #tpu.memory_space<vmem>>, vector<1x16xf32>,
        %parallel_loop3A_697 = arith.index_cast %parallel_loop3A_144 : i32 to index
        %parallel_loop3A_698 = arith.constant 736 : index
        %parallel_loop3A_699 = tpu.vector_load %arg7[%parallel_loop3A_697, %parallel_loop3A_698] {strides = array<i32>} : memref<32x768xf32, #tpu.memory_space<vmem>>, vector<1x16xf32>,
        %parallel_loop3A_700 = vector.shape_cast %parallel_loop3A_699 : vector<1x16xf32> to vector<16xf32>
        %parallel_loop3A_701 = arith.constant 27.7128124 : f32
        %parallel_loop3A_702 = vector.broadcast %parallel_loop3A_701 : f32 to vector<16xf32>
        %parallel_loop3A_703 = arith.mulf %parallel_loop3A_700, %parallel_loop3A_702 : vector<16xf32>
        %parallel_loop3A_704 = arith.index_cast %parallel_loop3A_144 : i32 to index
        %parallel_loop3A_705 = arith.constant 736 : index
        %parallel_loop3A_706 = tpu.vector_load %arg7[%parallel_loop3A_704, %parallel_loop3A_705] {strides = array<i32>} : memref<32x768xf32, #tpu.memory_space<vmem>>, vector<1x16xf32>,
        %parallel_loop3A_707 = vector.shape_cast %parallel_loop3A_706 : vector<1x16xf32> to vector<16xf32>
        %parallel_loop3A_708 = vector.shape_cast %parallel_loop3A_703 : vector<16xf32> to vector<1x16xf32>
        tpu.vector_store %arg7[%parallel_loop3A_704, %parallel_loop3A_705], %parallel_loop3A_708 {strides = array<i32>} : memref<32x768xf32, #tpu.memory_space<vmem>>, vector<1x16xf32>,
        %parallel_loop3A_709 = arith.index_cast %parallel_loop3A_144 : i32 to index
        %parallel_loop3A_710 = arith.constant 752 : index
        %parallel_loop3A_711 = tpu.vector_load %arg7[%parallel_loop3A_709, %parallel_loop3A_710] {strides = array<i32>} : memref<32x768xf32, #tpu.memory_space<vmem>>, vector<1x16xf32>,
        %parallel_loop3A_712 = vector.shape_cast %parallel_loop3A_711 : vector<1x16xf32> to vector<16xf32>
        %parallel_loop3A_713 = arith.constant 27.7128124 : f32
        %parallel_loop3A_714 = vector.broadcast %parallel_loop3A_713 : f32 to vector<16xf32>
        %parallel_loop3A_715 = arith.mulf %parallel_loop3A_712, %parallel_loop3A_714 : vector<16xf32>
        %parallel_loop3A_716 = arith.index_cast %parallel_loop3A_144 : i32 to index
        %parallel_loop3A_717 = arith.constant 752 : index
        %parallel_loop3A_718 = tpu.vector_load %arg7[%parallel_loop3A_716, %parallel_loop3A_717] {strides = array<i32>} : memref<32x768xf32, #tpu.memory_space<vmem>>, vector<1x16xf32>,
        %parallel_loop3A_719 = vector.shape_cast %parallel_loop3A_718 : vector<1x16xf32> to vector<16xf32>
        %parallel_loop3A_720 = vector.shape_cast %parallel_loop3A_715 : vector<16xf32> to vector<1x16xf32>
        tpu.vector_store %arg7[%parallel_loop3A_716, %parallel_loop3A_717], %parallel_loop3A_720 {strides = array<i32>} : memref<32x768xf32, #tpu.memory_space<vmem>>, vector<1x16xf32>,
      } {sc.loop_unroll_factor = 2 : i64, sc.parallel_access}
      %mul3A_87 = arith.constant 32 : i32
      %mul3A_88 = arith.muli %add3A_70, %mul3A_87 : i32
      %add3A_89 = arith.addi %mul3A_2, %mul3A_88 : i32
      %dma_start3A_90 = arith.constant 0 : i32
      %dma_start3A_91 = tpu.memref_slice %arg4[%add3A_89, %dma_start3A_90] : memref<32768x768xf32, #tpu.memory_space<hbm>> -> memref<32x768xf32, #tpu.memory_space<hbm>>
      %dma_start3A_92 = arith.constant 0 : i32
      %dma_start3A_93 = tpu.memref_slice %arg4[%add3A_89, %dma_start3A_92] : memref<32768x768xf32, #tpu.memory_space<hbm>> -> memref<32x768xf32, #tpu.memory_space<hbm>>
      tpu.enqueue_dma source(%arg7 : memref<32x768xf32, #tpu.memory_space<vmem>>) target(%dma_start3A_93 : memref<32x768xf32, #tpu.memory_space<hbm>>) target_semaphore(%arg15 : memref<!tpu.dma_semaphore, #tpu.memory_space<semaphore_mem>>)
      %add3A_94 = arith.constant 2 : i32
      %add3A_95 = arith.addi %add3A_47, %add3A_94 : i32
      %add3A_96 = arith.constant 2 : i32
      %add3A_97 = arith.addi %add3A_95, %add3A_96 : i32
      %lt3A_98 = arith.constant 32 : i32
      %lt3A_99 = arith.cmpi slt, %add3A_97, %lt3A_98 : i32
      %convert_element_type3A_100 = arith.extui %lt3A_99 : i1 to i32
      %cond3A_101 = arith.constant 0 : i32
      %cond3A_102 = arith.cmpi ne, %convert_element_type3A_100, %cond3A_101 : i32
      scf.if %cond3A_102 {
        %add3A_144 = arith.constant 2 : i32
        %add3A_145 = arith.addi %add3A_95, %add3A_144 : i32
        %sub3A = arith.constant 4 : i32
        %sub3A_146 = arith.subi %add3A_145, %sub3A : i32
        %ge3A = arith.constant 0 : i32
        %ge3A_147 = arith.cmpi sge, %sub3A_146, %ge3A : i32
        %convert_element_type3A_148 = arith.extui %ge3A_147 : i1 to i32
        %cond3A_149 = arith.constant 0 : i32
        %cond3A_150 = arith.cmpi ne, %convert_element_type3A_148, %cond3A_149 : i32
        scf.if %cond3A_150 {
          %add3A_159 = arith.constant 2 : i32
          %add3A_160 = arith.addi %add3A_95, %add3A_159 : i32
          %sub3A_161 = arith.constant 4 : i32
          %sub3A_162 = arith.subi %add3A_160, %sub3A_161 : i32
          %mul3A_163 = arith.constant 32 : i32
          %mul3A_164 = arith.muli %sub3A_162, %mul3A_163 : i32
          %add3A_165 = arith.addi %mul3A_2, %mul3A_164 : i32
          %dma_wait3A_166 = arith.constant 0 : i32
          %dma_wait3A_167 = tpu.memref_slice %arg4[%add3A_165, %dma_wait3A_166] : memref<32768x768xf32, #tpu.memory_space<hbm>> -> memref<32x768xf32, #tpu.memory_space<hbm>>
          %dma_wait3A_168 = arith.constant 0 : i32
          %dma_wait3A_169 = tpu.memref_slice %arg4[%add3A_165, %dma_wait3A_168] : memref<32768x768xf32, #tpu.memory_space<hbm>> -> memref<32x768xf32, #tpu.memory_space<hbm>>
          tpu.wait_dma2 semaphore(%arg14 : memref<!tpu.dma_semaphore, #tpu.memory_space<semaphore_mem>>) src(%arg6 : memref<32x768xf32, #tpu.memory_space<vmem>>) dst(%dma_wait3A_169 : memref<32x768xf32, #tpu.memory_space<hbm>>)
        } else {
        }
        %add3A_151 = arith.constant 2 : i32
        %add3A_152 = arith.addi %add3A_95, %add3A_151 : i32
        %dma_start3A_153 = arith.constant 0 : i32
        %dma_start3A_154 = tpu.memref_slice %arg5[%add3A_152, %dma_start3A_153] : memref<32x32xi32, #tpu.memory_space<vmem>> -> memref<1x32xi32, #tpu.memory_space<vmem>>
        %dma_start3A_155 = tpu.memref_squeeze %dma_start3A_154 : memref<1x32xi32, #tpu.memory_space<vmem>> -> memref<32xi32, #tpu.memory_space<vmem>>
        %dma_start3A_156 = arith.constant 0 : i32
        %dma_start3A_157 = arith.constant 0 : i32
        %dma_start3A_158 = tpu.memref_slice %arg3[%dma_start3A_156, %dma_start3A_157] : memref<100000x768xf32, #tpu.memory_space<hbm>> -> memref<100000x768xf32, #tpu.memory_space<hbm>>
        tpu.enqueue_indirect_dma source(%dma_start3A_158 : memref<100000x768xf32, #tpu.memory_space<hbm>>) target(%arg6 : memref<32x768xf32, #tpu.memory_space<vmem>>) offsets(%dma_start3A_155 : memref<32xi32, #tpu.memory_space<vmem>>) semaphore(%arg10 : memref<!tpu.dma_semaphore, #tpu.memory_space<semaphore_mem>>)
      } else {
      }
      %dma_wait3A_103 = arith.constant 0 : i32
      %dma_wait3A_104 = tpu.memref_slice %arg5[%add3A_95, %dma_wait3A_103] : memref<32x32xi32, #tpu.memory_space<vmem>> -> memref<1x32xi32, #tpu.memory_space<vmem>>
      %dma_wait3A_105 = tpu.memref_squeeze %dma_wait3A_104 : memref<1x32xi32, #tpu.memory_space<vmem>> -> memref<32xi32, #tpu.memory_space<vmem>>
      %dma_wait3A_106 = arith.constant 0 : i32
      %dma_wait3A_107 = arith.constant 0 : i32
      %dma_wait3A_108 = tpu.memref_slice %arg3[%dma_wait3A_106, %dma_wait3A_107] : memref<100000x768xf32, #tpu.memory_space<hbm>> -> memref<100000x768xf32, #tpu.memory_space<hbm>>
      tpu.wait_indirect_dma semaphore(%arg12 : memref<!tpu.dma_semaphore, #tpu.memory_space<semaphore_mem>>) src(%dma_wait3A_108 : memref<100000x768xf32, #tpu.memory_space<hbm>>) dst(%arg8 : memref<32x768xf32, #tpu.memory_space<vmem>>)
      %parallel_loop3A_109 = arith.constant 0 : i32
      %parallel_loop3A_110 = arith.constant 32 : i32
      %parallel_loop3A_111 = arith.constant 1 : i32
      scf.for %parallel_loop3A_144 = %parallel_loop3A_109 to %parallel_loop3A_110 step %parallel_loop3A_111  : i32 {
        %parallel_loop3A_145 = arith.index_cast %parallel_loop3A_144 : i32 to index
        %parallel_loop3A_146 = arith.constant 0 : index
        %parallel_loop3A_147 = tpu.vector_load %arg8[%parallel_loop3A_145, %parallel_loop3A_146] {strides = array<i32>} : memref<32x768xf32, #tpu.memory_space<vmem>>, vector<1x16xf32>,
        %parallel_loop3A_148 = vector.shape_cast %parallel_loop3A_147 : vector<1x16xf32> to vector<16xf32>
        %parallel_loop3A_149 = arith.constant 27.7128124 : f32
        %parallel_loop3A_150 = vector.broadcast %parallel_loop3A_149 : f32 to vector<16xf32>
        %parallel_loop3A_151 = arith.mulf %parallel_loop3A_148, %parallel_loop3A_150 : vector<16xf32>
        %parallel_loop3A_152 = arith.index_cast %parallel_loop3A_144 : i32 to index
        %parallel_loop3A_153 = arith.constant 0 : index
        %parallel_loop3A_154 = tpu.vector_load %arg8[%parallel_loop3A_152, %parallel_loop3A_153] {strides = array<i32>} : memref<32x768xf32, #tpu.memory_space<vmem>>, vector<1x16xf32>,
        %parallel_loop3A_155 = vector.shape_cast %parallel_loop3A_154 : vector<1x16xf32> to vector<16xf32>
        %parallel_loop3A_156 = vector.shape_cast %parallel_loop3A_151 : vector<16xf32> to vector<1x16xf32>
        tpu.vector_store %arg8[%parallel_loop3A_152, %parallel_loop3A_153], %parallel_loop3A_156 {strides = array<i32>} : memref<32x768xf32, #tpu.memory_space<vmem>>, vector<1x16xf32>,
        %parallel_loop3A_157 = arith.index_cast %parallel_loop3A_144 : i32 to index
        %parallel_loop3A_158 = arith.constant 16 : index
        %parallel_loop3A_159 = tpu.vector_load %arg8[%parallel_loop3A_157, %parallel_loop3A_158] {strides = array<i32>} : memref<32x768xf32, #tpu.memory_space<vmem>>, vector<1x16xf32>,
        %parallel_loop3A_160 = vector.shape_cast %parallel_loop3A_159 : vector<1x16xf32> to vector<16xf32>
        %parallel_loop3A_161 = arith.constant 27.7128124 : f32
        %parallel_loop3A_162 = vector.broadcast %parallel_loop3A_161 : f32 to vector<16xf32>
        %parallel_loop3A_163 = arith.mulf %parallel_loop3A_160, %parallel_loop3A_162 : vector<16xf32>
        %parallel_loop3A_164 = arith.index_cast %parallel_loop3A_144 : i32 to index
        %parallel_loop3A_165 = arith.constant 16 : index
        %parallel_loop3A_166 = tpu.vector_load %arg8[%parallel_loop3A_164, %parallel_loop3A_165] {strides = array<i32>} : memref<32x768xf32, #tpu.memory_space<vmem>>, vector<1x16xf32>,
        %parallel_loop3A_167 = vector.shape_cast %parallel_loop3A_166 : vector<1x16xf32> to vector<16xf32>
        %parallel_loop3A_168 = vector.shape_cast %parallel_loop3A_163 : vector<16xf32> to vector<1x16xf32>
        tpu.vector_store %arg8[%parallel_loop3A_164, %parallel_loop3A_165], %parallel_loop3A_168 {strides = array<i32>} : memref<32x768xf32, #tpu.memory_space<vmem>>, vector<1x16xf32>,
        %parallel_loop3A_169 = arith.index_cast %parallel_loop3A_144 : i32 to index
        %parallel_loop3A_170 = arith.constant 32 : index
        %parallel_loop3A_171 = tpu.vector_load %arg8[%parallel_loop3A_169, %parallel_loop3A_170] {strides = array<i32>} : memref<32x768xf32, #tpu.memory_space<vmem>>, vector<1x16xf32>,
        %parallel_loop3A_172 = vector.shape_cast %parallel_loop3A_171 : vector<1x16xf32> to vector<16xf32>
        %parallel_loop3A_173 = arith.constant 27.7128124 : f32
        %parallel_loop3A_174 = vector.broadcast %parallel_loop3A_173 : f32 to vector<16xf32>
        %parallel_loop3A_175 = arith.mulf %parallel_loop3A_172, %parallel_loop3A_174 : vector<16xf32>
        %parallel_loop3A_176 = arith.index_cast %parallel_loop3A_144 : i32 to index
        %parallel_loop3A_177 = arith.constant 32 : index
        %parallel_loop3A_178 = tpu.vector_load %arg8[%parallel_loop3A_176, %parallel_loop3A_177] {strides = array<i32>} : memref<32x768xf32, #tpu.memory_space<vmem>>, vector<1x16xf32>,
        %parallel_loop3A_179 = vector.shape_cast %parallel_loop3A_178 : vector<1x16xf32> to vector<16xf32>
        %parallel_loop3A_180 = vector.shape_cast %parallel_loop3A_175 : vector<16xf32> to vector<1x16xf32>
        tpu.vector_store %arg8[%parallel_loop3A_176, %parallel_loop3A_177], %parallel_loop3A_180 {strides = array<i32>} : memref<32x768xf32, #tpu.memory_space<vmem>>, vector<1x16xf32>,
        %parallel_loop3A_181 = arith.index_cast %parallel_loop3A_144 : i32 to index
        %parallel_loop3A_182 = arith.constant 48 : index
        %parallel_loop3A_183 = tpu.vector_load %arg8[%parallel_loop3A_181, %parallel_loop3A_182] {strides = array<i32>} : memref<32x768xf32, #tpu.memory_space<vmem>>, vector<1x16xf32>,
        %parallel_loop3A_184 = vector.shape_cast %parallel_loop3A_183 : vector<1x16xf32> to vector<16xf32>
        %parallel_loop3A_185 = arith.constant 27.7128124 : f32
        %parallel_loop3A_186 = vector.broadcast %parallel_loop3A_185 : f32 to vector<16xf32>
        %parallel_loop3A_187 = arith.mulf %parallel_loop3A_184, %parallel_loop3A_186 : vector<16xf32>
        %parallel_loop3A_188 = arith.index_cast %parallel_loop3A_144 : i32 to index
        %parallel_loop3A_189 = arith.constant 48 : index
        %parallel_loop3A_190 = tpu.vector_load %arg8[%parallel_loop3A_188, %parallel_loop3A_189] {strides = array<i32>} : memref<32x768xf32, #tpu.memory_space<vmem>>, vector<1x16xf32>,
        %parallel_loop3A_191 = vector.shape_cast %parallel_loop3A_190 : vector<1x16xf32> to vector<16xf32>
        %parallel_loop3A_192 = vector.shape_cast %parallel_loop3A_187 : vector<16xf32> to vector<1x16xf32>
        tpu.vector_store %arg8[%parallel_loop3A_188, %parallel_loop3A_189], %parallel_loop3A_192 {strides = array<i32>} : memref<32x768xf32, #tpu.memory_space<vmem>>, vector<1x16xf32>,
        %parallel_loop3A_193 = arith.index_cast %parallel_loop3A_144 : i32 to index
        %parallel_loop3A_194 = arith.constant 64 : index
        %parallel_loop3A_195 = tpu.vector_load %arg8[%parallel_loop3A_193, %parallel_loop3A_194] {strides = array<i32>} : memref<32x768xf32, #tpu.memory_space<vmem>>, vector<1x16xf32>,
        %parallel_loop3A_196 = vector.shape_cast %parallel_loop3A_195 : vector<1x16xf32> to vector<16xf32>
        %parallel_loop3A_197 = arith.constant 27.7128124 : f32
        %parallel_loop3A_198 = vector.broadcast %parallel_loop3A_197 : f32 to vector<16xf32>
        %parallel_loop3A_199 = arith.mulf %parallel_loop3A_196, %parallel_loop3A_198 : vector<16xf32>
        %parallel_loop3A_200 = arith.index_cast %parallel_loop3A_144 : i32 to index
        %parallel_loop3A_201 = arith.constant 64 : index
        %parallel_loop3A_202 = tpu.vector_load %arg8[%parallel_loop3A_200, %parallel_loop3A_201] {strides = array<i32>} : memref<32x768xf32, #tpu.memory_space<vmem>>, vector<1x16xf32>,
        %parallel_loop3A_203 = vector.shape_cast %parallel_loop3A_202 : vector<1x16xf32> to vector<16xf32>
        %parallel_loop3A_204 = vector.shape_cast %parallel_loop3A_199 : vector<16xf32> to vector<1x16xf32>
        tpu.vector_store %arg8[%parallel_loop3A_200, %parallel_loop3A_201], %parallel_loop3A_204 {strides = array<i32>} : memref<32x768xf32, #tpu.memory_space<vmem>>, vector<1x16xf32>,
        %parallel_loop3A_205 = arith.index_cast %parallel_loop3A_144 : i32 to index
        %parallel_loop3A_206 = arith.constant 80 : index
        %parallel_loop3A_207 = tpu.vector_load %arg8[%parallel_loop3A_205, %parallel_loop3A_206] {strides = array<i32>} : memref<32x768xf32, #tpu.memory_space<vmem>>, vector<1x16xf32>,
        %parallel_loop3A_208 = vector.shape_cast %parallel_loop3A_207 : vector<1x16xf32> to vector<16xf32>
        %parallel_loop3A_209 = arith.constant 27.7128124 : f32
        %parallel_loop3A_210 = vector.broadcast %parallel_loop3A_209 : f32 to vector<16xf32>
        %parallel_loop3A_211 = arith.mulf %parallel_loop3A_208, %parallel_loop3A_210 : vector<16xf32>
        %parallel_loop3A_212 = arith.index_cast %parallel_loop3A_144 : i32 to index
        %parallel_loop3A_213 = arith.constant 80 : index
        %parallel_loop3A_214 = tpu.vector_load %arg8[%parallel_loop3A_212, %parallel_loop3A_213] {strides = array<i32>} : memref<32x768xf32, #tpu.memory_space<vmem>>, vector<1x16xf32>,
        %parallel_loop3A_215 = vector.shape_cast %parallel_loop3A_214 : vector<1x16xf32> to vector<16xf32>
        %parallel_loop3A_216 = vector.shape_cast %parallel_loop3A_211 : vector<16xf32> to vector<1x16xf32>
        tpu.vector_store %arg8[%parallel_loop3A_212, %parallel_loop3A_213], %parallel_loop3A_216 {strides = array<i32>} : memref<32x768xf32, #tpu.memory_space<vmem>>, vector<1x16xf32>,
        %parallel_loop3A_217 = arith.index_cast %parallel_loop3A_144 : i32 to index
        %parallel_loop3A_218 = arith.constant 96 : index
        %parallel_loop3A_219 = tpu.vector_load %arg8[%parallel_loop3A_217, %parallel_loop3A_218] {strides = array<i32>} : memref<32x768xf32, #tpu.memory_space<vmem>>, vector<1x16xf32>,
        %parallel_loop3A_220 = vector.shape_cast %parallel_loop3A_219 : vector<1x16xf32> to vector<16xf32>
        %parallel_loop3A_221 = arith.constant 27.7128124 : f32
        %parallel_loop3A_222 = vector.broadcast %parallel_loop3A_221 : f32 to vector<16xf32>
        %parallel_loop3A_223 = arith.mulf %parallel_loop3A_220, %parallel_loop3A_222 : vector<16xf32>
        %parallel_loop3A_224 = arith.index_cast %parallel_loop3A_144 : i32 to index
        %parallel_loop3A_225 = arith.constant 96 : index
        %parallel_loop3A_226 = tpu.vector_load %arg8[%parallel_loop3A_224, %parallel_loop3A_225] {strides = array<i32>} : memref<32x768xf32, #tpu.memory_space<vmem>>, vector<1x16xf32>,
        %parallel_loop3A_227 = vector.shape_cast %parallel_loop3A_226 : vector<1x16xf32> to vector<16xf32>
        %parallel_loop3A_228 = vector.shape_cast %parallel_loop3A_223 : vector<16xf32> to vector<1x16xf32>
        tpu.vector_store %arg8[%parallel_loop3A_224, %parallel_loop3A_225], %parallel_loop3A_228 {strides = array<i32>} : memref<32x768xf32, #tpu.memory_space<vmem>>, vector<1x16xf32>,
        %parallel_loop3A_229 = arith.index_cast %parallel_loop3A_144 : i32 to index
        %parallel_loop3A_230 = arith.constant 112 : index
        %parallel_loop3A_231 = tpu.vector_load %arg8[%parallel_loop3A_229, %parallel_loop3A_230] {strides = array<i32>} : memref<32x768xf32, #tpu.memory_space<vmem>>, vector<1x16xf32>,
        %parallel_loop3A_232 = vector.shape_cast %parallel_loop3A_231 : vector<1x16xf32> to vector<16xf32>
        %parallel_loop3A_233 = arith.constant 27.7128124 : f32
        %parallel_loop3A_234 = vector.broadcast %parallel_loop3A_233 : f32 to vector<16xf32>
        %parallel_loop3A_235 = arith.mulf %parallel_loop3A_232, %parallel_loop3A_234 : vector<16xf32>
        %parallel_loop3A_236 = arith.index_cast %parallel_loop3A_144 : i32 to index
        %parallel_loop3A_237 = arith.constant 112 : index
        %parallel_loop3A_238 = tpu.vector_load %arg8[%parallel_loop3A_236, %parallel_loop3A_237] {strides = array<i32>} : memref<32x768xf32, #tpu.memory_space<vmem>>, vector<1x16xf32>,
        %parallel_loop3A_239 = vector.shape_cast %parallel_loop3A_238 : vector<1x16xf32> to vector<16xf32>
        %parallel_loop3A_240 = vector.shape_cast %parallel_loop3A_235 : vector<16xf32> to vector<1x16xf32>
        tpu.vector_store %arg8[%parallel_loop3A_236, %parallel_loop3A_237], %parallel_loop3A_240 {strides = array<i32>} : memref<32x768xf32, #tpu.memory_space<vmem>>, vector<1x16xf32>,
        %parallel_loop3A_241 = arith.index_cast %parallel_loop3A_144 : i32 to index
        %parallel_loop3A_242 = arith.constant 128 : index
        %parallel_loop3A_243 = tpu.vector_load %arg8[%parallel_loop3A_241, %parallel_loop3A_242] {strides = array<i32>} : memref<32x768xf32, #tpu.memory_space<vmem>>, vector<1x16xf32>,
        %parallel_loop3A_244 = vector.shape_cast %parallel_loop3A_243 : vector<1x16xf32> to vector<16xf32>
        %parallel_loop3A_245 = arith.constant 27.7128124 : f32
        %parallel_loop3A_246 = vector.broadcast %parallel_loop3A_245 : f32 to vector<16xf32>
        %parallel_loop3A_247 = arith.mulf %parallel_loop3A_244, %parallel_loop3A_246 : vector<16xf32>
        %parallel_loop3A_248 = arith.index_cast %parallel_loop3A_144 : i32 to index
        %parallel_loop3A_249 = arith.constant 128 : index
        %parallel_loop3A_250 = tpu.vector_load %arg8[%parallel_loop3A_248, %parallel_loop3A_249] {strides = array<i32>} : memref<32x768xf32, #tpu.memory_space<vmem>>, vector<1x16xf32>,
        %parallel_loop3A_251 = vector.shape_cast %parallel_loop3A_250 : vector<1x16xf32> to vector<16xf32>
        %parallel_loop3A_252 = vector.shape_cast %parallel_loop3A_247 : vector<16xf32> to vector<1x16xf32>
        tpu.vector_store %arg8[%parallel_loop3A_248, %parallel_loop3A_249], %parallel_loop3A_252 {strides = array<i32>} : memref<32x768xf32, #tpu.memory_space<vmem>>, vector<1x16xf32>,
        %parallel_loop3A_253 = arith.index_cast %parallel_loop3A_144 : i32 to index
        %parallel_loop3A_254 = arith.constant 144 : index
        %parallel_loop3A_255 = tpu.vector_load %arg8[%parallel_loop3A_253, %parallel_loop3A_254] {strides = array<i32>} : memref<32x768xf32, #tpu.memory_space<vmem>>, vector<1x16xf32>,
        %parallel_loop3A_256 = vector.shape_cast %parallel_loop3A_255 : vector<1x16xf32> to vector<16xf32>
        %parallel_loop3A_257 = arith.constant 27.7128124 : f32
        %parallel_loop3A_258 = vector.broadcast %parallel_loop3A_257 : f32 to vector<16xf32>
        %parallel_loop3A_259 = arith.mulf %parallel_loop3A_256, %parallel_loop3A_258 : vector<16xf32>
        %parallel_loop3A_260 = arith.index_cast %parallel_loop3A_144 : i32 to index
        %parallel_loop3A_261 = arith.constant 144 : index
        %parallel_loop3A_262 = tpu.vector_load %arg8[%parallel_loop3A_260, %parallel_loop3A_261] {strides = array<i32>} : memref<32x768xf32, #tpu.memory_space<vmem>>, vector<1x16xf32>,
        %parallel_loop3A_263 = vector.shape_cast %parallel_loop3A_262 : vector<1x16xf32> to vector<16xf32>
        %parallel_loop3A_264 = vector.shape_cast %parallel_loop3A_259 : vector<16xf32> to vector<1x16xf32>
        tpu.vector_store %arg8[%parallel_loop3A_260, %parallel_loop3A_261], %parallel_loop3A_264 {strides = array<i32>} : memref<32x768xf32, #tpu.memory_space<vmem>>, vector<1x16xf32>,
        %parallel_loop3A_265 = arith.index_cast %parallel_loop3A_144 : i32 to index
        %parallel_loop3A_266 = arith.constant 160 : index
        %parallel_loop3A_267 = tpu.vector_load %arg8[%parallel_loop3A_265, %parallel_loop3A_266] {strides = array<i32>} : memref<32x768xf32, #tpu.memory_space<vmem>>, vector<1x16xf32>,
        %parallel_loop3A_268 = vector.shape_cast %parallel_loop3A_267 : vector<1x16xf32> to vector<16xf32>
        %parallel_loop3A_269 = arith.constant 27.7128124 : f32
        %parallel_loop3A_270 = vector.broadcast %parallel_loop3A_269 : f32 to vector<16xf32>
        %parallel_loop3A_271 = arith.mulf %parallel_loop3A_268, %parallel_loop3A_270 : vector<16xf32>
        %parallel_loop3A_272 = arith.index_cast %parallel_loop3A_144 : i32 to index
        %parallel_loop3A_273 = arith.constant 160 : index
        %parallel_loop3A_274 = tpu.vector_load %arg8[%parallel_loop3A_272, %parallel_loop3A_273] {strides = array<i32>} : memref<32x768xf32, #tpu.memory_space<vmem>>, vector<1x16xf32>,
        %parallel_loop3A_275 = vector.shape_cast %parallel_loop3A_274 : vector<1x16xf32> to vector<16xf32>
        %parallel_loop3A_276 = vector.shape_cast %parallel_loop3A_271 : vector<16xf32> to vector<1x16xf32>
        tpu.vector_store %arg8[%parallel_loop3A_272, %parallel_loop3A_273], %parallel_loop3A_276 {strides = array<i32>} : memref<32x768xf32, #tpu.memory_space<vmem>>, vector<1x16xf32>,
        %parallel_loop3A_277 = arith.index_cast %parallel_loop3A_144 : i32 to index
        %parallel_loop3A_278 = arith.constant 176 : index
        %parallel_loop3A_279 = tpu.vector_load %arg8[%parallel_loop3A_277, %parallel_loop3A_278] {strides = array<i32>} : memref<32x768xf32, #tpu.memory_space<vmem>>, vector<1x16xf32>,
        %parallel_loop3A_280 = vector.shape_cast %parallel_loop3A_279 : vector<1x16xf32> to vector<16xf32>
        %parallel_loop3A_281 = arith.constant 27.7128124 : f32
        %parallel_loop3A_282 = vector.broadcast %parallel_loop3A_281 : f32 to vector<16xf32>
        %parallel_loop3A_283 = arith.mulf %parallel_loop3A_280, %parallel_loop3A_282 : vector<16xf32>
        %parallel_loop3A_284 = arith.index_cast %parallel_loop3A_144 : i32 to index
        %parallel_loop3A_285 = arith.constant 176 : index
        %parallel_loop3A_286 = tpu.vector_load %arg8[%parallel_loop3A_284, %parallel_loop3A_285] {strides = array<i32>} : memref<32x768xf32, #tpu.memory_space<vmem>>, vector<1x16xf32>,
        %parallel_loop3A_287 = vector.shape_cast %parallel_loop3A_286 : vector<1x16xf32> to vector<16xf32>
        %parallel_loop3A_288 = vector.shape_cast %parallel_loop3A_283 : vector<16xf32> to vector<1x16xf32>
        tpu.vector_store %arg8[%parallel_loop3A_284, %parallel_loop3A_285], %parallel_loop3A_288 {strides = array<i32>} : memref<32x768xf32, #tpu.memory_space<vmem>>, vector<1x16xf32>,
        %parallel_loop3A_289 = arith.index_cast %parallel_loop3A_144 : i32 to index
        %parallel_loop3A_290 = arith.constant 192 : index
        %parallel_loop3A_291 = tpu.vector_load %arg8[%parallel_loop3A_289, %parallel_loop3A_290] {strides = array<i32>} : memref<32x768xf32, #tpu.memory_space<vmem>>, vector<1x16xf32>,
        %parallel_loop3A_292 = vector.shape_cast %parallel_loop3A_291 : vector<1x16xf32> to vector<16xf32>
        %parallel_loop3A_293 = arith.constant 27.7128124 : f32
        %parallel_loop3A_294 = vector.broadcast %parallel_loop3A_293 : f32 to vector<16xf32>
        %parallel_loop3A_295 = arith.mulf %parallel_loop3A_292, %parallel_loop3A_294 : vector<16xf32>
        %parallel_loop3A_296 = arith.index_cast %parallel_loop3A_144 : i32 to index
        %parallel_loop3A_297 = arith.constant 192 : index
        %parallel_loop3A_298 = tpu.vector_load %arg8[%parallel_loop3A_296, %parallel_loop3A_297] {strides = array<i32>} : memref<32x768xf32, #tpu.memory_space<vmem>>, vector<1x16xf32>,
        %parallel_loop3A_299 = vector.shape_cast %parallel_loop3A_298 : vector<1x16xf32> to vector<16xf32>
        %parallel_loop3A_300 = vector.shape_cast %parallel_loop3A_295 : vector<16xf32> to vector<1x16xf32>
        tpu.vector_store %arg8[%parallel_loop3A_296, %parallel_loop3A_297], %parallel_loop3A_300 {strides = array<i32>} : memref<32x768xf32, #tpu.memory_space<vmem>>, vector<1x16xf32>,
        %parallel_loop3A_301 = arith.index_cast %parallel_loop3A_144 : i32 to index
        %parallel_loop3A_302 = arith.constant 208 : index
        %parallel_loop3A_303 = tpu.vector_load %arg8[%parallel_loop3A_301, %parallel_loop3A_302] {strides = array<i32>} : memref<32x768xf32, #tpu.memory_space<vmem>>, vector<1x16xf32>,
        %parallel_loop3A_304 = vector.shape_cast %parallel_loop3A_303 : vector<1x16xf32> to vector<16xf32>
        %parallel_loop3A_305 = arith.constant 27.7128124 : f32
        %parallel_loop3A_306 = vector.broadcast %parallel_loop3A_305 : f32 to vector<16xf32>
        %parallel_loop3A_307 = arith.mulf %parallel_loop3A_304, %parallel_loop3A_306 : vector<16xf32>
        %parallel_loop3A_308 = arith.index_cast %parallel_loop3A_144 : i32 to index
        %parallel_loop3A_309 = arith.constant 208 : index
        %parallel_loop3A_310 = tpu.vector_load %arg8[%parallel_loop3A_308, %parallel_loop3A_309] {strides = array<i32>} : memref<32x768xf32, #tpu.memory_space<vmem>>, vector<1x16xf32>,
        %parallel_loop3A_311 = vector.shape_cast %parallel_loop3A_310 : vector<1x16xf32> to vector<16xf32>
        %parallel_loop3A_312 = vector.shape_cast %parallel_loop3A_307 : vector<16xf32> to vector<1x16xf32>
        tpu.vector_store %arg8[%parallel_loop3A_308, %parallel_loop3A_309], %parallel_loop3A_312 {strides = array<i32>} : memref<32x768xf32, #tpu.memory_space<vmem>>, vector<1x16xf32>,
        %parallel_loop3A_313 = arith.index_cast %parallel_loop3A_144 : i32 to index
        %parallel_loop3A_314 = arith.constant 224 : index
        %parallel_loop3A_315 = tpu.vector_load %arg8[%parallel_loop3A_313, %parallel_loop3A_314] {strides = array<i32>} : memref<32x768xf32, #tpu.memory_space<vmem>>, vector<1x16xf32>,
        %parallel_loop3A_316 = vector.shape_cast %parallel_loop3A_315 : vector<1x16xf32> to vector<16xf32>
        %parallel_loop3A_317 = arith.constant 27.7128124 : f32
        %parallel_loop3A_318 = vector.broadcast %parallel_loop3A_317 : f32 to vector<16xf32>
        %parallel_loop3A_319 = arith.mulf %parallel_loop3A_316, %parallel_loop3A_318 : vector<16xf32>
        %parallel_loop3A_320 = arith.index_cast %parallel_loop3A_144 : i32 to index
        %parallel_loop3A_321 = arith.constant 224 : index
        %parallel_loop3A_322 = tpu.vector_load %arg8[%parallel_loop3A_320, %parallel_loop3A_321] {strides = array<i32>} : memref<32x768xf32, #tpu.memory_space<vmem>>, vector<1x16xf32>,
        %parallel_loop3A_323 = vector.shape_cast %parallel_loop3A_322 : vector<1x16xf32> to vector<16xf32>
        %parallel_loop3A_324 = vector.shape_cast %parallel_loop3A_319 : vector<16xf32> to vector<1x16xf32>
        tpu.vector_store %arg8[%parallel_loop3A_320, %parallel_loop3A_321], %parallel_loop3A_324 {strides = array<i32>} : memref<32x768xf32, #tpu.memory_space<vmem>>, vector<1x16xf32>,
        %parallel_loop3A_325 = arith.index_cast %parallel_loop3A_144 : i32 to index
        %parallel_loop3A_326 = arith.constant 240 : index
        %parallel_loop3A_327 = tpu.vector_load %arg8[%parallel_loop3A_325, %parallel_loop3A_326] {strides = array<i32>} : memref<32x768xf32, #tpu.memory_space<vmem>>, vector<1x16xf32>,
        %parallel_loop3A_328 = vector.shape_cast %parallel_loop3A_327 : vector<1x16xf32> to vector<16xf32>
        %parallel_loop3A_329 = arith.constant 27.7128124 : f32
        %parallel_loop3A_330 = vector.broadcast %parallel_loop3A_329 : f32 to vector<16xf32>
        %parallel_loop3A_331 = arith.mulf %parallel_loop3A_328, %parallel_loop3A_330 : vector<16xf32>
        %parallel_loop3A_332 = arith.index_cast %parallel_loop3A_144 : i32 to index
        %parallel_loop3A_333 = arith.constant 240 : index
        %parallel_loop3A_334 = tpu.vector_load %arg8[%parallel_loop3A_332, %parallel_loop3A_333] {strides = array<i32>} : memref<32x768xf32, #tpu.memory_space<vmem>>, vector<1x16xf32>,
        %parallel_loop3A_335 = vector.shape_cast %parallel_loop3A_334 : vector<1x16xf32> to vector<16xf32>
        %parallel_loop3A_336 = vector.shape_cast %parallel_loop3A_331 : vector<16xf32> to vector<1x16xf32>
        tpu.vector_store %arg8[%parallel_loop3A_332, %parallel_loop3A_333], %parallel_loop3A_336 {strides = array<i32>} : memref<32x768xf32, #tpu.memory_space<vmem>>, vector<1x16xf32>,
        %parallel_loop3A_337 = arith.index_cast %parallel_loop3A_144 : i32 to index
        %parallel_loop3A_338 = arith.constant 256 : index
        %parallel_loop3A_339 = tpu.vector_load %arg8[%parallel_loop3A_337, %parallel_loop3A_338] {strides = array<i32>} : memref<32x768xf32, #tpu.memory_space<vmem>>, vector<1x16xf32>,
        %parallel_loop3A_340 = vector.shape_cast %parallel_loop3A_339 : vector<1x16xf32> to vector<16xf32>
        %parallel_loop3A_341 = arith.constant 27.7128124 : f32
        %parallel_loop3A_342 = vector.broadcast %parallel_loop3A_341 : f32 to vector<16xf32>
        %parallel_loop3A_343 = arith.mulf %parallel_loop3A_340, %parallel_loop3A_342 : vector<16xf32>
        %parallel_loop3A_344 = arith.index_cast %parallel_loop3A_144 : i32 to index
        %parallel_loop3A_345 = arith.constant 256 : index
        %parallel_loop3A_346 = tpu.vector_load %arg8[%parallel_loop3A_344, %parallel_loop3A_345] {strides = array<i32>} : memref<32x768xf32, #tpu.memory_space<vmem>>, vector<1x16xf32>,
        %parallel_loop3A_347 = vector.shape_cast %parallel_loop3A_346 : vector<1x16xf32> to vector<16xf32>
        %parallel_loop3A_348 = vector.shape_cast %parallel_loop3A_343 : vector<16xf32> to vector<1x16xf32>
        tpu.vector_store %arg8[%parallel_loop3A_344, %parallel_loop3A_345], %parallel_loop3A_348 {strides = array<i32>} : memref<32x768xf32, #tpu.memory_space<vmem>>, vector<1x16xf32>,
        %parallel_loop3A_349 = arith.index_cast %parallel_loop3A_144 : i32 to index
        %parallel_loop3A_350 = arith.constant 272 : index
        %parallel_loop3A_351 = tpu.vector_load %arg8[%parallel_loop3A_349, %parallel_loop3A_350] {strides = array<i32>} : memref<32x768xf32, #tpu.memory_space<vmem>>, vector<1x16xf32>,
        %parallel_loop3A_352 = vector.shape_cast %parallel_loop3A_351 : vector<1x16xf32> to vector<16xf32>
        %parallel_loop3A_353 = arith.constant 27.7128124 : f32
        %parallel_loop3A_354 = vector.broadcast %parallel_loop3A_353 : f32 to vector<16xf32>
        %parallel_loop3A_355 = arith.mulf %parallel_loop3A_352, %parallel_loop3A_354 : vector<16xf32>
        %parallel_loop3A_356 = arith.index_cast %parallel_loop3A_144 : i32 to index
        %parallel_loop3A_357 = arith.constant 272 : index
        %parallel_loop3A_358 = tpu.vector_load %arg8[%parallel_loop3A_356, %parallel_loop3A_357] {strides = array<i32>} : memref<32x768xf32, #tpu.memory_space<vmem>>, vector<1x16xf32>,
        %parallel_loop3A_359 = vector.shape_cast %parallel_loop3A_358 : vector<1x16xf32> to vector<16xf32>
        %parallel_loop3A_360 = vector.shape_cast %parallel_loop3A_355 : vector<16xf32> to vector<1x16xf32>
        tpu.vector_store %arg8[%parallel_loop3A_356, %parallel_loop3A_357], %parallel_loop3A_360 {strides = array<i32>} : memref<32x768xf32, #tpu.memory_space<vmem>>, vector<1x16xf32>,
        %parallel_loop3A_361 = arith.index_cast %parallel_loop3A_144 : i32 to index
        %parallel_loop3A_362 = arith.constant 288 : index
        %parallel_loop3A_363 = tpu.vector_load %arg8[%parallel_loop3A_361, %parallel_loop3A_362] {strides = array<i32>} : memref<32x768xf32, #tpu.memory_space<vmem>>, vector<1x16xf32>,
        %parallel_loop3A_364 = vector.shape_cast %parallel_loop3A_363 : vector<1x16xf32> to vector<16xf32>
        %parallel_loop3A_365 = arith.constant 27.7128124 : f32
        %parallel_loop3A_366 = vector.broadcast %parallel_loop3A_365 : f32 to vector<16xf32>
        %parallel_loop3A_367 = arith.mulf %parallel_loop3A_364, %parallel_loop3A_366 : vector<16xf32>
        %parallel_loop3A_368 = arith.index_cast %parallel_loop3A_144 : i32 to index
        %parallel_loop3A_369 = arith.constant 288 : index
        %parallel_loop3A_370 = tpu.vector_load %arg8[%parallel_loop3A_368, %parallel_loop3A_369] {strides = array<i32>} : memref<32x768xf32, #tpu.memory_space<vmem>>, vector<1x16xf32>,
        %parallel_loop3A_371 = vector.shape_cast %parallel_loop3A_370 : vector<1x16xf32> to vector<16xf32>
        %parallel_loop3A_372 = vector.shape_cast %parallel_loop3A_367 : vector<16xf32> to vector<1x16xf32>
        tpu.vector_store %arg8[%parallel_loop3A_368, %parallel_loop3A_369], %parallel_loop3A_372 {strides = array<i32>} : memref<32x768xf32, #tpu.memory_space<vmem>>, vector<1x16xf32>,
        %parallel_loop3A_373 = arith.index_cast %parallel_loop3A_144 : i32 to index
        %parallel_loop3A_374 = arith.constant 304 : index
        %parallel_loop3A_375 = tpu.vector_load %arg8[%parallel_loop3A_373, %parallel_loop3A_374] {strides = array<i32>} : memref<32x768xf32, #tpu.memory_space<vmem>>, vector<1x16xf32>,
        %parallel_loop3A_376 = vector.shape_cast %parallel_loop3A_375 : vector<1x16xf32> to vector<16xf32>
        %parallel_loop3A_377 = arith.constant 27.7128124 : f32
        %parallel_loop3A_378 = vector.broadcast %parallel_loop3A_377 : f32 to vector<16xf32>
        %parallel_loop3A_379 = arith.mulf %parallel_loop3A_376, %parallel_loop3A_378 : vector<16xf32>
        %parallel_loop3A_380 = arith.index_cast %parallel_loop3A_144 : i32 to index
        %parallel_loop3A_381 = arith.constant 304 : index
        %parallel_loop3A_382 = tpu.vector_load %arg8[%parallel_loop3A_380, %parallel_loop3A_381] {strides = array<i32>} : memref<32x768xf32, #tpu.memory_space<vmem>>, vector<1x16xf32>,
        %parallel_loop3A_383 = vector.shape_cast %parallel_loop3A_382 : vector<1x16xf32> to vector<16xf32>
        %parallel_loop3A_384 = vector.shape_cast %parallel_loop3A_379 : vector<16xf32> to vector<1x16xf32>
        tpu.vector_store %arg8[%parallel_loop3A_380, %parallel_loop3A_381], %parallel_loop3A_384 {strides = array<i32>} : memref<32x768xf32, #tpu.memory_space<vmem>>, vector<1x16xf32>,
        %parallel_loop3A_385 = arith.index_cast %parallel_loop3A_144 : i32 to index
        %parallel_loop3A_386 = arith.constant 320 : index
        %parallel_loop3A_387 = tpu.vector_load %arg8[%parallel_loop3A_385, %parallel_loop3A_386] {strides = array<i32>} : memref<32x768xf32, #tpu.memory_space<vmem>>, vector<1x16xf32>,
        %parallel_loop3A_388 = vector.shape_cast %parallel_loop3A_387 : vector<1x16xf32> to vector<16xf32>
        %parallel_loop3A_389 = arith.constant 27.7128124 : f32
        %parallel_loop3A_390 = vector.broadcast %parallel_loop3A_389 : f32 to vector<16xf32>
        %parallel_loop3A_391 = arith.mulf %parallel_loop3A_388, %parallel_loop3A_390 : vector<16xf32>
        %parallel_loop3A_392 = arith.index_cast %parallel_loop3A_144 : i32 to index
        %parallel_loop3A_393 = arith.constant 320 : index
        %parallel_loop3A_394 = tpu.vector_load %arg8[%parallel_loop3A_392, %parallel_loop3A_393] {strides = array<i32>} : memref<32x768xf32, #tpu.memory_space<vmem>>, vector<1x16xf32>,
        %parallel_loop3A_395 = vector.shape_cast %parallel_loop3A_394 : vector<1x16xf32> to vector<16xf32>
        %parallel_loop3A_396 = vector.shape_cast %parallel_loop3A_391 : vector<16xf32> to vector<1x16xf32>
        tpu.vector_store %arg8[%parallel_loop3A_392, %parallel_loop3A_393], %parallel_loop3A_396 {strides = array<i32>} : memref<32x768xf32, #tpu.memory_space<vmem>>, vector<1x16xf32>,
        %parallel_loop3A_397 = arith.index_cast %parallel_loop3A_144 : i32 to index
        %parallel_loop3A_398 = arith.constant 336 : index
        %parallel_loop3A_399 = tpu.vector_load %arg8[%parallel_loop3A_397, %parallel_loop3A_398] {strides = array<i32>} : memref<32x768xf32, #tpu.memory_space<vmem>>, vector<1x16xf32>,
        %parallel_loop3A_400 = vector.shape_cast %parallel_loop3A_399 : vector<1x16xf32> to vector<16xf32>
        %parallel_loop3A_401 = arith.constant 27.7128124 : f32
        %parallel_loop3A_402 = vector.broadcast %parallel_loop3A_401 : f32 to vector<16xf32>
        %parallel_loop3A_403 = arith.mulf %parallel_loop3A_400, %parallel_loop3A_402 : vector<16xf32>
        %parallel_loop3A_404 = arith.index_cast %parallel_loop3A_144 : i32 to index
        %parallel_loop3A_405 = arith.constant 336 : index
        %parallel_loop3A_406 = tpu.vector_load %arg8[%parallel_loop3A_404, %parallel_loop3A_405] {strides = array<i32>} : memref<32x768xf32, #tpu.memory_space<vmem>>, vector<1x16xf32>,
        %parallel_loop3A_407 = vector.shape_cast %parallel_loop3A_406 : vector<1x16xf32> to vector<16xf32>
        %parallel_loop3A_408 = vector.shape_cast %parallel_loop3A_403 : vector<16xf32> to vector<1x16xf32>
        tpu.vector_store %arg8[%parallel_loop3A_404, %parallel_loop3A_405], %parallel_loop3A_408 {strides = array<i32>} : memref<32x768xf32, #tpu.memory_space<vmem>>, vector<1x16xf32>,
        %parallel_loop3A_409 = arith.index_cast %parallel_loop3A_144 : i32 to index
        %parallel_loop3A_410 = arith.constant 352 : index
        %parallel_loop3A_411 = tpu.vector_load %arg8[%parallel_loop3A_409, %parallel_loop3A_410] {strides = array<i32>} : memref<32x768xf32, #tpu.memory_space<vmem>>, vector<1x16xf32>,
        %parallel_loop3A_412 = vector.shape_cast %parallel_loop3A_411 : vector<1x16xf32> to vector<16xf32>
        %parallel_loop3A_413 = arith.constant 27.7128124 : f32
        %parallel_loop3A_414 = vector.broadcast %parallel_loop3A_413 : f32 to vector<16xf32>
        %parallel_loop3A_415 = arith.mulf %parallel_loop3A_412, %parallel_loop3A_414 : vector<16xf32>
        %parallel_loop3A_416 = arith.index_cast %parallel_loop3A_144 : i32 to index
        %parallel_loop3A_417 = arith.constant 352 : index
        %parallel_loop3A_418 = tpu.vector_load %arg8[%parallel_loop3A_416, %parallel_loop3A_417] {strides = array<i32>} : memref<32x768xf32, #tpu.memory_space<vmem>>, vector<1x16xf32>,
        %parallel_loop3A_419 = vector.shape_cast %parallel_loop3A_418 : vector<1x16xf32> to vector<16xf32>
        %parallel_loop3A_420 = vector.shape_cast %parallel_loop3A_415 : vector<16xf32> to vector<1x16xf32>
        tpu.vector_store %arg8[%parallel_loop3A_416, %parallel_loop3A_417], %parallel_loop3A_420 {strides = array<i32>} : memref<32x768xf32, #tpu.memory_space<vmem>>, vector<1x16xf32>,
        %parallel_loop3A_421 = arith.index_cast %parallel_loop3A_144 : i32 to index
        %parallel_loop3A_422 = arith.constant 368 : index
        %parallel_loop3A_423 = tpu.vector_load %arg8[%parallel_loop3A_421, %parallel_loop3A_422] {strides = array<i32>} : memref<32x768xf32, #tpu.memory_space<vmem>>, vector<1x16xf32>,
        %parallel_loop3A_424 = vector.shape_cast %parallel_loop3A_423 : vector<1x16xf32> to vector<16xf32>
        %parallel_loop3A_425 = arith.constant 27.7128124 : f32
        %parallel_loop3A_426 = vector.broadcast %parallel_loop3A_425 : f32 to vector<16xf32>
        %parallel_loop3A_427 = arith.mulf %parallel_loop3A_424, %parallel_loop3A_426 : vector<16xf32>
        %parallel_loop3A_428 = arith.index_cast %parallel_loop3A_144 : i32 to index
        %parallel_loop3A_429 = arith.constant 368 : index
        %parallel_loop3A_430 = tpu.vector_load %arg8[%parallel_loop3A_428, %parallel_loop3A_429] {strides = array<i32>} : memref<32x768xf32, #tpu.memory_space<vmem>>, vector<1x16xf32>,
        %parallel_loop3A_431 = vector.shape_cast %parallel_loop3A_430 : vector<1x16xf32> to vector<16xf32>
        %parallel_loop3A_432 = vector.shape_cast %parallel_loop3A_427 : vector<16xf32> to vector<1x16xf32>
        tpu.vector_store %arg8[%parallel_loop3A_428, %parallel_loop3A_429], %parallel_loop3A_432 {strides = array<i32>} : memref<32x768xf32, #tpu.memory_space<vmem>>, vector<1x16xf32>,
        %parallel_loop3A_433 = arith.index_cast %parallel_loop3A_144 : i32 to index
        %parallel_loop3A_434 = arith.constant 384 : index
        %parallel_loop3A_435 = tpu.vector_load %arg8[%parallel_loop3A_433, %parallel_loop3A_434] {strides = array<i32>} : memref<32x768xf32, #tpu.memory_space<vmem>>, vector<1x16xf32>,
        %parallel_loop3A_436 = vector.shape_cast %parallel_loop3A_435 : vector<1x16xf32> to vector<16xf32>
        %parallel_loop3A_437 = arith.constant 27.7128124 : f32
        %parallel_loop3A_438 = vector.broadcast %parallel_loop3A_437 : f32 to vector<16xf32>
        %parallel_loop3A_439 = arith.mulf %parallel_loop3A_436, %parallel_loop3A_438 : vector<16xf32>
        %parallel_loop3A_440 = arith.index_cast %parallel_loop3A_144 : i32 to index
        %parallel_loop3A_441 = arith.constant 384 : index
        %parallel_loop3A_442 = tpu.vector_load %arg8[%parallel_loop3A_440, %parallel_loop3A_441] {strides = array<i32>} : memref<32x768xf32, #tpu.memory_space<vmem>>, vector<1x16xf32>,
        %parallel_loop3A_443 = vector.shape_cast %parallel_loop3A_442 : vector<1x16xf32> to vector<16xf32>
        %parallel_loop3A_444 = vector.shape_cast %parallel_loop3A_439 : vector<16xf32> to vector<1x16xf32>
        tpu.vector_store %arg8[%parallel_loop3A_440, %parallel_loop3A_441], %parallel_loop3A_444 {strides = array<i32>} : memref<32x768xf32, #tpu.memory_space<vmem>>, vector<1x16xf32>,
        %parallel_loop3A_445 = arith.index_cast %parallel_loop3A_144 : i32 to index
        %parallel_loop3A_446 = arith.constant 400 : index
        %parallel_loop3A_447 = tpu.vector_load %arg8[%parallel_loop3A_445, %parallel_loop3A_446] {strides = array<i32>} : memref<32x768xf32, #tpu.memory_space<vmem>>, vector<1x16xf32>,
        %parallel_loop3A_448 = vector.shape_cast %parallel_loop3A_447 : vector<1x16xf32> to vector<16xf32>
        %parallel_loop3A_449 = arith.constant 27.7128124 : f32
        %parallel_loop3A_450 = vector.broadcast %parallel_loop3A_449 : f32 to vector<16xf32>
        %parallel_loop3A_451 = arith.mulf %parallel_loop3A_448, %parallel_loop3A_450 : vector<16xf32>
        %parallel_loop3A_452 = arith.index_cast %parallel_loop3A_144 : i32 to index
        %parallel_loop3A_453 = arith.constant 400 : index
        %parallel_loop3A_454 = tpu.vector_load %arg8[%parallel_loop3A_452, %parallel_loop3A_453] {strides = array<i32>} : memref<32x768xf32, #tpu.memory_space<vmem>>, vector<1x16xf32>,
        %parallel_loop3A_455 = vector.shape_cast %parallel_loop3A_454 : vector<1x16xf32> to vector<16xf32>
        %parallel_loop3A_456 = vector.shape_cast %parallel_loop3A_451 : vector<16xf32> to vector<1x16xf32>
        tpu.vector_store %arg8[%parallel_loop3A_452, %parallel_loop3A_453], %parallel_loop3A_456 {strides = array<i32>} : memref<32x768xf32, #tpu.memory_space<vmem>>, vector<1x16xf32>,
        %parallel_loop3A_457 = arith.index_cast %parallel_loop3A_144 : i32 to index
        %parallel_loop3A_458 = arith.constant 416 : index
        %parallel_loop3A_459 = tpu.vector_load %arg8[%parallel_loop3A_457, %parallel_loop3A_458] {strides = array<i32>} : memref<32x768xf32, #tpu.memory_space<vmem>>, vector<1x16xf32>,
        %parallel_loop3A_460 = vector.shape_cast %parallel_loop3A_459 : vector<1x16xf32> to vector<16xf32>
        %parallel_loop3A_461 = arith.constant 27.7128124 : f32
        %parallel_loop3A_462 = vector.broadcast %parallel_loop3A_461 : f32 to vector<16xf32>
        %parallel_loop3A_463 = arith.mulf %parallel_loop3A_460, %parallel_loop3A_462 : vector<16xf32>
        %parallel_loop3A_464 = arith.index_cast %parallel_loop3A_144 : i32 to index
        %parallel_loop3A_465 = arith.constant 416 : index
        %parallel_loop3A_466 = tpu.vector_load %arg8[%parallel_loop3A_464, %parallel_loop3A_465] {strides = array<i32>} : memref<32x768xf32, #tpu.memory_space<vmem>>, vector<1x16xf32>,
        %parallel_loop3A_467 = vector.shape_cast %parallel_loop3A_466 : vector<1x16xf32> to vector<16xf32>
        %parallel_loop3A_468 = vector.shape_cast %parallel_loop3A_463 : vector<16xf32> to vector<1x16xf32>
        tpu.vector_store %arg8[%parallel_loop3A_464, %parallel_loop3A_465], %parallel_loop3A_468 {strides = array<i32>} : memref<32x768xf32, #tpu.memory_space<vmem>>, vector<1x16xf32>,
        %parallel_loop3A_469 = arith.index_cast %parallel_loop3A_144 : i32 to index
        %parallel_loop3A_470 = arith.constant 432 : index
        %parallel_loop3A_471 = tpu.vector_load %arg8[%parallel_loop3A_469, %parallel_loop3A_470] {strides = array<i32>} : memref<32x768xf32, #tpu.memory_space<vmem>>, vector<1x16xf32>,
        %parallel_loop3A_472 = vector.shape_cast %parallel_loop3A_471 : vector<1x16xf32> to vector<16xf32>
        %parallel_loop3A_473 = arith.constant 27.7128124 : f32
        %parallel_loop3A_474 = vector.broadcast %parallel_loop3A_473 : f32 to vector<16xf32>
        %parallel_loop3A_475 = arith.mulf %parallel_loop3A_472, %parallel_loop3A_474 : vector<16xf32>
        %parallel_loop3A_476 = arith.index_cast %parallel_loop3A_144 : i32 to index
        %parallel_loop3A_477 = arith.constant 432 : index
        %parallel_loop3A_478 = tpu.vector_load %arg8[%parallel_loop3A_476, %parallel_loop3A_477] {strides = array<i32>} : memref<32x768xf32, #tpu.memory_space<vmem>>, vector<1x16xf32>,
        %parallel_loop3A_479 = vector.shape_cast %parallel_loop3A_478 : vector<1x16xf32> to vector<16xf32>
        %parallel_loop3A_480 = vector.shape_cast %parallel_loop3A_475 : vector<16xf32> to vector<1x16xf32>
        tpu.vector_store %arg8[%parallel_loop3A_476, %parallel_loop3A_477], %parallel_loop3A_480 {strides = array<i32>} : memref<32x768xf32, #tpu.memory_space<vmem>>, vector<1x16xf32>,
        %parallel_loop3A_481 = arith.index_cast %parallel_loop3A_144 : i32 to index
        %parallel_loop3A_482 = arith.constant 448 : index
        %parallel_loop3A_483 = tpu.vector_load %arg8[%parallel_loop3A_481, %parallel_loop3A_482] {strides = array<i32>} : memref<32x768xf32, #tpu.memory_space<vmem>>, vector<1x16xf32>,
        %parallel_loop3A_484 = vector.shape_cast %parallel_loop3A_483 : vector<1x16xf32> to vector<16xf32>
        %parallel_loop3A_485 = arith.constant 27.7128124 : f32
        %parallel_loop3A_486 = vector.broadcast %parallel_loop3A_485 : f32 to vector<16xf32>
        %parallel_loop3A_487 = arith.mulf %parallel_loop3A_484, %parallel_loop3A_486 : vector<16xf32>
        %parallel_loop3A_488 = arith.index_cast %parallel_loop3A_144 : i32 to index
        %parallel_loop3A_489 = arith.constant 448 : index
        %parallel_loop3A_490 = tpu.vector_load %arg8[%parallel_loop3A_488, %parallel_loop3A_489] {strides = array<i32>} : memref<32x768xf32, #tpu.memory_space<vmem>>, vector<1x16xf32>,
        %parallel_loop3A_491 = vector.shape_cast %parallel_loop3A_490 : vector<1x16xf32> to vector<16xf32>
        %parallel_loop3A_492 = vector.shape_cast %parallel_loop3A_487 : vector<16xf32> to vector<1x16xf32>
        tpu.vector_store %arg8[%parallel_loop3A_488, %parallel_loop3A_489], %parallel_loop3A_492 {strides = array<i32>} : memref<32x768xf32, #tpu.memory_space<vmem>>, vector<1x16xf32>,
        %parallel_loop3A_493 = arith.index_cast %parallel_loop3A_144 : i32 to index
        %parallel_loop3A_494 = arith.constant 464 : index
        %parallel_loop3A_495 = tpu.vector_load %arg8[%parallel_loop3A_493, %parallel_loop3A_494] {strides = array<i32>} : memref<32x768xf32, #tpu.memory_space<vmem>>, vector<1x16xf32>,
        %parallel_loop3A_496 = vector.shape_cast %parallel_loop3A_495 : vector<1x16xf32> to vector<16xf32>
        %parallel_loop3A_497 = arith.constant 27.7128124 : f32
        %parallel_loop3A_498 = vector.broadcast %parallel_loop3A_497 : f32 to vector<16xf32>
        %parallel_loop3A_499 = arith.mulf %parallel_loop3A_496, %parallel_loop3A_498 : vector<16xf32>
        %parallel_loop3A_500 = arith.index_cast %parallel_loop3A_144 : i32 to index
        %parallel_loop3A_501 = arith.constant 464 : index
        %parallel_loop3A_502 = tpu.vector_load %arg8[%parallel_loop3A_500, %parallel_loop3A_501] {strides = array<i32>} : memref<32x768xf32, #tpu.memory_space<vmem>>, vector<1x16xf32>,
        %parallel_loop3A_503 = vector.shape_cast %parallel_loop3A_502 : vector<1x16xf32> to vector<16xf32>
        %parallel_loop3A_504 = vector.shape_cast %parallel_loop3A_499 : vector<16xf32> to vector<1x16xf32>
        tpu.vector_store %arg8[%parallel_loop3A_500, %parallel_loop3A_501], %parallel_loop3A_504 {strides = array<i32>} : memref<32x768xf32, #tpu.memory_space<vmem>>, vector<1x16xf32>,
        %parallel_loop3A_505 = arith.index_cast %parallel_loop3A_144 : i32 to index
        %parallel_loop3A_506 = arith.constant 480 : index
        %parallel_loop3A_507 = tpu.vector_load %arg8[%parallel_loop3A_505, %parallel_loop3A_506] {strides = array<i32>} : memref<32x768xf32, #tpu.memory_space<vmem>>, vector<1x16xf32>,
        %parallel_loop3A_508 = vector.shape_cast %parallel_loop3A_507 : vector<1x16xf32> to vector<16xf32>
        %parallel_loop3A_509 = arith.constant 27.7128124 : f32
        %parallel_loop3A_510 = vector.broadcast %parallel_loop3A_509 : f32 to vector<16xf32>
        %parallel_loop3A_511 = arith.mulf %parallel_loop3A_508, %parallel_loop3A_510 : vector<16xf32>
        %parallel_loop3A_512 = arith.index_cast %parallel_loop3A_144 : i32 to index
        %parallel_loop3A_513 = arith.constant 480 : index
        %parallel_loop3A_514 = tpu.vector_load %arg8[%parallel_loop3A_512, %parallel_loop3A_513] {strides = array<i32>} : memref<32x768xf32, #tpu.memory_space<vmem>>, vector<1x16xf32>,
        %parallel_loop3A_515 = vector.shape_cast %parallel_loop3A_514 : vector<1x16xf32> to vector<16xf32>
        %parallel_loop3A_516 = vector.shape_cast %parallel_loop3A_511 : vector<16xf32> to vector<1x16xf32>
        tpu.vector_store %arg8[%parallel_loop3A_512, %parallel_loop3A_513], %parallel_loop3A_516 {strides = array<i32>} : memref<32x768xf32, #tpu.memory_space<vmem>>, vector<1x16xf32>,
        %parallel_loop3A_517 = arith.index_cast %parallel_loop3A_144 : i32 to index
        %parallel_loop3A_518 = arith.constant 496 : index
        %parallel_loop3A_519 = tpu.vector_load %arg8[%parallel_loop3A_517, %parallel_loop3A_518] {strides = array<i32>} : memref<32x768xf32, #tpu.memory_space<vmem>>, vector<1x16xf32>,
        %parallel_loop3A_520 = vector.shape_cast %parallel_loop3A_519 : vector<1x16xf32> to vector<16xf32>
        %parallel_loop3A_521 = arith.constant 27.7128124 : f32
        %parallel_loop3A_522 = vector.broadcast %parallel_loop3A_521 : f32 to vector<16xf32>
        %parallel_loop3A_523 = arith.mulf %parallel_loop3A_520, %parallel_loop3A_522 : vector<16xf32>
        %parallel_loop3A_524 = arith.index_cast %parallel_loop3A_144 : i32 to index
        %parallel_loop3A_525 = arith.constant 496 : index
        %parallel_loop3A_526 = tpu.vector_load %arg8[%parallel_loop3A_524, %parallel_loop3A_525] {strides = array<i32>} : memref<32x768xf32, #tpu.memory_space<vmem>>, vector<1x16xf32>,
        %parallel_loop3A_527 = vector.shape_cast %parallel_loop3A_526 : vector<1x16xf32> to vector<16xf32>
        %parallel_loop3A_528 = vector.shape_cast %parallel_loop3A_523 : vector<16xf32> to vector<1x16xf32>
        tpu.vector_store %arg8[%parallel_loop3A_524, %parallel_loop3A_525], %parallel_loop3A_528 {strides = array<i32>} : memref<32x768xf32, #tpu.memory_space<vmem>>, vector<1x16xf32>,
        %parallel_loop3A_529 = arith.index_cast %parallel_loop3A_144 : i32 to index
        %parallel_loop3A_530 = arith.constant 512 : index
        %parallel_loop3A_531 = tpu.vector_load %arg8[%parallel_loop3A_529, %parallel_loop3A_530] {strides = array<i32>} : memref<32x768xf32, #tpu.memory_space<vmem>>, vector<1x16xf32>,
        %parallel_loop3A_532 = vector.shape_cast %parallel_loop3A_531 : vector<1x16xf32> to vector<16xf32>
        %parallel_loop3A_533 = arith.constant 27.7128124 : f32
        %parallel_loop3A_534 = vector.broadcast %parallel_loop3A_533 : f32 to vector<16xf32>
        %parallel_loop3A_535 = arith.mulf %parallel_loop3A_532, %parallel_loop3A_534 : vector<16xf32>
        %parallel_loop3A_536 = arith.index_cast %parallel_loop3A_144 : i32 to index
        %parallel_loop3A_537 = arith.constant 512 : index
        %parallel_loop3A_538 = tpu.vector_load %arg8[%parallel_loop3A_536, %parallel_loop3A_537] {strides = array<i32>} : memref<32x768xf32, #tpu.memory_space<vmem>>, vector<1x16xf32>,
        %parallel_loop3A_539 = vector.shape_cast %parallel_loop3A_538 : vector<1x16xf32> to vector<16xf32>
        %parallel_loop3A_540 = vector.shape_cast %parallel_loop3A_535 : vector<16xf32> to vector<1x16xf32>
        tpu.vector_store %arg8[%parallel_loop3A_536, %parallel_loop3A_537], %parallel_loop3A_540 {strides = array<i32>} : memref<32x768xf32, #tpu.memory_space<vmem>>, vector<1x16xf32>,
        %parallel_loop3A_541 = arith.index_cast %parallel_loop3A_144 : i32 to index
        %parallel_loop3A_542 = arith.constant 528 : index
        %parallel_loop3A_543 = tpu.vector_load %arg8[%parallel_loop3A_541, %parallel_loop3A_542] {strides = array<i32>} : memref<32x768xf32, #tpu.memory_space<vmem>>, vector<1x16xf32>,
        %parallel_loop3A_544 = vector.shape_cast %parallel_loop3A_543 : vector<1x16xf32> to vector<16xf32>
        %parallel_loop3A_545 = arith.constant 27.7128124 : f32
        %parallel_loop3A_546 = vector.broadcast %parallel_loop3A_545 : f32 to vector<16xf32>
        %parallel_loop3A_547 = arith.mulf %parallel_loop3A_544, %parallel_loop3A_546 : vector<16xf32>
        %parallel_loop3A_548 = arith.index_cast %parallel_loop3A_144 : i32 to index
        %parallel_loop3A_549 = arith.constant 528 : index
        %parallel_loop3A_550 = tpu.vector_load %arg8[%parallel_loop3A_548, %parallel_loop3A_549] {strides = array<i32>} : memref<32x768xf32, #tpu.memory_space<vmem>>, vector<1x16xf32>,
        %parallel_loop3A_551 = vector.shape_cast %parallel_loop3A_550 : vector<1x16xf32> to vector<16xf32>
        %parallel_loop3A_552 = vector.shape_cast %parallel_loop3A_547 : vector<16xf32> to vector<1x16xf32>
        tpu.vector_store %arg8[%parallel_loop3A_548, %parallel_loop3A_549], %parallel_loop3A_552 {strides = array<i32>} : memref<32x768xf32, #tpu.memory_space<vmem>>, vector<1x16xf32>,
        %parallel_loop3A_553 = arith.index_cast %parallel_loop3A_144 : i32 to index
        %parallel_loop3A_554 = arith.constant 544 : index
        %parallel_loop3A_555 = tpu.vector_load %arg8[%parallel_loop3A_553, %parallel_loop3A_554] {strides = array<i32>} : memref<32x768xf32, #tpu.memory_space<vmem>>, vector<1x16xf32>,
        %parallel_loop3A_556 = vector.shape_cast %parallel_loop3A_555 : vector<1x16xf32> to vector<16xf32>
        %parallel_loop3A_557 = arith.constant 27.7128124 : f32
        %parallel_loop3A_558 = vector.broadcast %parallel_loop3A_557 : f32 to vector<16xf32>
        %parallel_loop3A_559 = arith.mulf %parallel_loop3A_556, %parallel_loop3A_558 : vector<16xf32>
        %parallel_loop3A_560 = arith.index_cast %parallel_loop3A_144 : i32 to index
        %parallel_loop3A_561 = arith.constant 544 : index
        %parallel_loop3A_562 = tpu.vector_load %arg8[%parallel_loop3A_560, %parallel_loop3A_561] {strides = array<i32>} : memref<32x768xf32, #tpu.memory_space<vmem>>, vector<1x16xf32>,
        %parallel_loop3A_563 = vector.shape_cast %parallel_loop3A_562 : vector<1x16xf32> to vector<16xf32>
        %parallel_loop3A_564 = vector.shape_cast %parallel_loop3A_559 : vector<16xf32> to vector<1x16xf32>
        tpu.vector_store %arg8[%parallel_loop3A_560, %parallel_loop3A_561], %parallel_loop3A_564 {strides = array<i32>} : memref<32x768xf32, #tpu.memory_space<vmem>>, vector<1x16xf32>,
        %parallel_loop3A_565 = arith.index_cast %parallel_loop3A_144 : i32 to index
        %parallel_loop3A_566 = arith.constant 560 : index
        %parallel_loop3A_567 = tpu.vector_load %arg8[%parallel_loop3A_565, %parallel_loop3A_566] {strides = array<i32>} : memref<32x768xf32, #tpu.memory_space<vmem>>, vector<1x16xf32>,
        %parallel_loop3A_568 = vector.shape_cast %parallel_loop3A_567 : vector<1x16xf32> to vector<16xf32>
        %parallel_loop3A_569 = arith.constant 27.7128124 : f32
        %parallel_loop3A_570 = vector.broadcast %parallel_loop3A_569 : f32 to vector<16xf32>
        %parallel_loop3A_571 = arith.mulf %parallel_loop3A_568, %parallel_loop3A_570 : vector<16xf32>
        %parallel_loop3A_572 = arith.index_cast %parallel_loop3A_144 : i32 to index
        %parallel_loop3A_573 = arith.constant 560 : index
        %parallel_loop3A_574 = tpu.vector_load %arg8[%parallel_loop3A_572, %parallel_loop3A_573] {strides = array<i32>} : memref<32x768xf32, #tpu.memory_space<vmem>>, vector<1x16xf32>,
        %parallel_loop3A_575 = vector.shape_cast %parallel_loop3A_574 : vector<1x16xf32> to vector<16xf32>
        %parallel_loop3A_576 = vector.shape_cast %parallel_loop3A_571 : vector<16xf32> to vector<1x16xf32>
        tpu.vector_store %arg8[%parallel_loop3A_572, %parallel_loop3A_573], %parallel_loop3A_576 {strides = array<i32>} : memref<32x768xf32, #tpu.memory_space<vmem>>, vector<1x16xf32>,
        %parallel_loop3A_577 = arith.index_cast %parallel_loop3A_144 : i32 to index
        %parallel_loop3A_578 = arith.constant 576 : index
        %parallel_loop3A_579 = tpu.vector_load %arg8[%parallel_loop3A_577, %parallel_loop3A_578] {strides = array<i32>} : memref<32x768xf32, #tpu.memory_space<vmem>>, vector<1x16xf32>,
        %parallel_loop3A_580 = vector.shape_cast %parallel_loop3A_579 : vector<1x16xf32> to vector<16xf32>
        %parallel_loop3A_581 = arith.constant 27.7128124 : f32
        %parallel_loop3A_582 = vector.broadcast %parallel_loop3A_581 : f32 to vector<16xf32>
        %parallel_loop3A_583 = arith.mulf %parallel_loop3A_580, %parallel_loop3A_582 : vector<16xf32>
        %parallel_loop3A_584 = arith.index_cast %parallel_loop3A_144 : i32 to index
        %parallel_loop3A_585 = arith.constant 576 : index
        %parallel_loop3A_586 = tpu.vector_load %arg8[%parallel_loop3A_584, %parallel_loop3A_585] {strides = array<i32>} : memref<32x768xf32, #tpu.memory_space<vmem>>, vector<1x16xf32>,
        %parallel_loop3A_587 = vector.shape_cast %parallel_loop3A_586 : vector<1x16xf32> to vector<16xf32>
        %parallel_loop3A_588 = vector.shape_cast %parallel_loop3A_583 : vector<16xf32> to vector<1x16xf32>
        tpu.vector_store %arg8[%parallel_loop3A_584, %parallel_loop3A_585], %parallel_loop3A_588 {strides = array<i32>} : memref<32x768xf32, #tpu.memory_space<vmem>>, vector<1x16xf32>,
        %parallel_loop3A_589 = arith.index_cast %parallel_loop3A_144 : i32 to index
        %parallel_loop3A_590 = arith.constant 592 : index
        %parallel_loop3A_591 = tpu.vector_load %arg8[%parallel_loop3A_589, %parallel_loop3A_590] {strides = array<i32>} : memref<32x768xf32, #tpu.memory_space<vmem>>, vector<1x16xf32>,
        %parallel_loop3A_592 = vector.shape_cast %parallel_loop3A_591 : vector<1x16xf32> to vector<16xf32>
        %parallel_loop3A_593 = arith.constant 27.7128124 : f32
        %parallel_loop3A_594 = vector.broadcast %parallel_loop3A_593 : f32 to vector<16xf32>
        %parallel_loop3A_595 = arith.mulf %parallel_loop3A_592, %parallel_loop3A_594 : vector<16xf32>
        %parallel_loop3A_596 = arith.index_cast %parallel_loop3A_144 : i32 to index
        %parallel_loop3A_597 = arith.constant 592 : index
        %parallel_loop3A_598 = tpu.vector_load %arg8[%parallel_loop3A_596, %parallel_loop3A_597] {strides = array<i32>} : memref<32x768xf32, #tpu.memory_space<vmem>>, vector<1x16xf32>,
        %parallel_loop3A_599 = vector.shape_cast %parallel_loop3A_598 : vector<1x16xf32> to vector<16xf32>
        %parallel_loop3A_600 = vector.shape_cast %parallel_loop3A_595 : vector<16xf32> to vector<1x16xf32>
        tpu.vector_store %arg8[%parallel_loop3A_596, %parallel_loop3A_597], %parallel_loop3A_600 {strides = array<i32>} : memref<32x768xf32, #tpu.memory_space<vmem>>, vector<1x16xf32>,
        %parallel_loop3A_601 = arith.index_cast %parallel_loop3A_144 : i32 to index
        %parallel_loop3A_602 = arith.constant 608 : index
        %parallel_loop3A_603 = tpu.vector_load %arg8[%parallel_loop3A_601, %parallel_loop3A_602] {strides = array<i32>} : memref<32x768xf32, #tpu.memory_space<vmem>>, vector<1x16xf32>,
        %parallel_loop3A_604 = vector.shape_cast %parallel_loop3A_603 : vector<1x16xf32> to vector<16xf32>
        %parallel_loop3A_605 = arith.constant 27.7128124 : f32
        %parallel_loop3A_606 = vector.broadcast %parallel_loop3A_605 : f32 to vector<16xf32>
        %parallel_loop3A_607 = arith.mulf %parallel_loop3A_604, %parallel_loop3A_606 : vector<16xf32>
        %parallel_loop3A_608 = arith.index_cast %parallel_loop3A_144 : i32 to index
        %parallel_loop3A_609 = arith.constant 608 : index
        %parallel_loop3A_610 = tpu.vector_load %arg8[%parallel_loop3A_608, %parallel_loop3A_609] {strides = array<i32>} : memref<32x768xf32, #tpu.memory_space<vmem>>, vector<1x16xf32>,
        %parallel_loop3A_611 = vector.shape_cast %parallel_loop3A_610 : vector<1x16xf32> to vector<16xf32>
        %parallel_loop3A_612 = vector.shape_cast %parallel_loop3A_607 : vector<16xf32> to vector<1x16xf32>
        tpu.vector_store %arg8[%parallel_loop3A_608, %parallel_loop3A_609], %parallel_loop3A_612 {strides = array<i32>} : memref<32x768xf32, #tpu.memory_space<vmem>>, vector<1x16xf32>,
        %parallel_loop3A_613 = arith.index_cast %parallel_loop3A_144 : i32 to index
        %parallel_loop3A_614 = arith.constant 624 : index
        %parallel_loop3A_615 = tpu.vector_load %arg8[%parallel_loop3A_613, %parallel_loop3A_614] {strides = array<i32>} : memref<32x768xf32, #tpu.memory_space<vmem>>, vector<1x16xf32>,
        %parallel_loop3A_616 = vector.shape_cast %parallel_loop3A_615 : vector<1x16xf32> to vector<16xf32>
        %parallel_loop3A_617 = arith.constant 27.7128124 : f32
        %parallel_loop3A_618 = vector.broadcast %parallel_loop3A_617 : f32 to vector<16xf32>
        %parallel_loop3A_619 = arith.mulf %parallel_loop3A_616, %parallel_loop3A_618 : vector<16xf32>
        %parallel_loop3A_620 = arith.index_cast %parallel_loop3A_144 : i32 to index
        %parallel_loop3A_621 = arith.constant 624 : index
        %parallel_loop3A_622 = tpu.vector_load %arg8[%parallel_loop3A_620, %parallel_loop3A_621] {strides = array<i32>} : memref<32x768xf32, #tpu.memory_space<vmem>>, vector<1x16xf32>,
        %parallel_loop3A_623 = vector.shape_cast %parallel_loop3A_622 : vector<1x16xf32> to vector<16xf32>
        %parallel_loop3A_624 = vector.shape_cast %parallel_loop3A_619 : vector<16xf32> to vector<1x16xf32>
        tpu.vector_store %arg8[%parallel_loop3A_620, %parallel_loop3A_621], %parallel_loop3A_624 {strides = array<i32>} : memref<32x768xf32, #tpu.memory_space<vmem>>, vector<1x16xf32>,
        %parallel_loop3A_625 = arith.index_cast %parallel_loop3A_144 : i32 to index
        %parallel_loop3A_626 = arith.constant 640 : index
        %parallel_loop3A_627 = tpu.vector_load %arg8[%parallel_loop3A_625, %parallel_loop3A_626] {strides = array<i32>} : memref<32x768xf32, #tpu.memory_space<vmem>>, vector<1x16xf32>,
        %parallel_loop3A_628 = vector.shape_cast %parallel_loop3A_627 : vector<1x16xf32> to vector<16xf32>
        %parallel_loop3A_629 = arith.constant 27.7128124 : f32
        %parallel_loop3A_630 = vector.broadcast %parallel_loop3A_629 : f32 to vector<16xf32>
        %parallel_loop3A_631 = arith.mulf %parallel_loop3A_628, %parallel_loop3A_630 : vector<16xf32>
        %parallel_loop3A_632 = arith.index_cast %parallel_loop3A_144 : i32 to index
        %parallel_loop3A_633 = arith.constant 640 : index
        %parallel_loop3A_634 = tpu.vector_load %arg8[%parallel_loop3A_632, %parallel_loop3A_633] {strides = array<i32>} : memref<32x768xf32, #tpu.memory_space<vmem>>, vector<1x16xf32>,
        %parallel_loop3A_635 = vector.shape_cast %parallel_loop3A_634 : vector<1x16xf32> to vector<16xf32>
        %parallel_loop3A_636 = vector.shape_cast %parallel_loop3A_631 : vector<16xf32> to vector<1x16xf32>
        tpu.vector_store %arg8[%parallel_loop3A_632, %parallel_loop3A_633], %parallel_loop3A_636 {strides = array<i32>} : memref<32x768xf32, #tpu.memory_space<vmem>>, vector<1x16xf32>,
        %parallel_loop3A_637 = arith.index_cast %parallel_loop3A_144 : i32 to index
        %parallel_loop3A_638 = arith.constant 656 : index
        %parallel_loop3A_639 = tpu.vector_load %arg8[%parallel_loop3A_637, %parallel_loop3A_638] {strides = array<i32>} : memref<32x768xf32, #tpu.memory_space<vmem>>, vector<1x16xf32>,
        %parallel_loop3A_640 = vector.shape_cast %parallel_loop3A_639 : vector<1x16xf32> to vector<16xf32>
        %parallel_loop3A_641 = arith.constant 27.7128124 : f32
        %parallel_loop3A_642 = vector.broadcast %parallel_loop3A_641 : f32 to vector<16xf32>
        %parallel_loop3A_643 = arith.mulf %parallel_loop3A_640, %parallel_loop3A_642 : vector<16xf32>
        %parallel_loop3A_644 = arith.index_cast %parallel_loop3A_144 : i32 to index
        %parallel_loop3A_645 = arith.constant 656 : index
        %parallel_loop3A_646 = tpu.vector_load %arg8[%parallel_loop3A_644, %parallel_loop3A_645] {strides = array<i32>} : memref<32x768xf32, #tpu.memory_space<vmem>>, vector<1x16xf32>,
        %parallel_loop3A_647 = vector.shape_cast %parallel_loop3A_646 : vector<1x16xf32> to vector<16xf32>
        %parallel_loop3A_648 = vector.shape_cast %parallel_loop3A_643 : vector<16xf32> to vector<1x16xf32>
        tpu.vector_store %arg8[%parallel_loop3A_644, %parallel_loop3A_645], %parallel_loop3A_648 {strides = array<i32>} : memref<32x768xf32, #tpu.memory_space<vmem>>, vector<1x16xf32>,
        %parallel_loop3A_649 = arith.index_cast %parallel_loop3A_144 : i32 to index
        %parallel_loop3A_650 = arith.constant 672 : index
        %parallel_loop3A_651 = tpu.vector_load %arg8[%parallel_loop3A_649, %parallel_loop3A_650] {strides = array<i32>} : memref<32x768xf32, #tpu.memory_space<vmem>>, vector<1x16xf32>,
        %parallel_loop3A_652 = vector.shape_cast %parallel_loop3A_651 : vector<1x16xf32> to vector<16xf32>
        %parallel_loop3A_653 = arith.constant 27.7128124 : f32
        %parallel_loop3A_654 = vector.broadcast %parallel_loop3A_653 : f32 to vector<16xf32>
        %parallel_loop3A_655 = arith.mulf %parallel_loop3A_652, %parallel_loop3A_654 : vector<16xf32>
        %parallel_loop3A_656 = arith.index_cast %parallel_loop3A_144 : i32 to index
        %parallel_loop3A_657 = arith.constant 672 : index
        %parallel_loop3A_658 = tpu.vector_load %arg8[%parallel_loop3A_656, %parallel_loop3A_657] {strides = array<i32>} : memref<32x768xf32, #tpu.memory_space<vmem>>, vector<1x16xf32>,
        %parallel_loop3A_659 = vector.shape_cast %parallel_loop3A_658 : vector<1x16xf32> to vector<16xf32>
        %parallel_loop3A_660 = vector.shape_cast %parallel_loop3A_655 : vector<16xf32> to vector<1x16xf32>
        tpu.vector_store %arg8[%parallel_loop3A_656, %parallel_loop3A_657], %parallel_loop3A_660 {strides = array<i32>} : memref<32x768xf32, #tpu.memory_space<vmem>>, vector<1x16xf32>,
        %parallel_loop3A_661 = arith.index_cast %parallel_loop3A_144 : i32 to index
        %parallel_loop3A_662 = arith.constant 688 : index
        %parallel_loop3A_663 = tpu.vector_load %arg8[%parallel_loop3A_661, %parallel_loop3A_662] {strides = array<i32>} : memref<32x768xf32, #tpu.memory_space<vmem>>, vector<1x16xf32>,
        %parallel_loop3A_664 = vector.shape_cast %parallel_loop3A_663 : vector<1x16xf32> to vector<16xf32>
        %parallel_loop3A_665 = arith.constant 27.7128124 : f32
        %parallel_loop3A_666 = vector.broadcast %parallel_loop3A_665 : f32 to vector<16xf32>
        %parallel_loop3A_667 = arith.mulf %parallel_loop3A_664, %parallel_loop3A_666 : vector<16xf32>
        %parallel_loop3A_668 = arith.index_cast %parallel_loop3A_144 : i32 to index
        %parallel_loop3A_669 = arith.constant 688 : index
        %parallel_loop3A_670 = tpu.vector_load %arg8[%parallel_loop3A_668, %parallel_loop3A_669] {strides = array<i32>} : memref<32x768xf32, #tpu.memory_space<vmem>>, vector<1x16xf32>,
        %parallel_loop3A_671 = vector.shape_cast %parallel_loop3A_670 : vector<1x16xf32> to vector<16xf32>
        %parallel_loop3A_672 = vector.shape_cast %parallel_loop3A_667 : vector<16xf32> to vector<1x16xf32>
        tpu.vector_store %arg8[%parallel_loop3A_668, %parallel_loop3A_669], %parallel_loop3A_672 {strides = array<i32>} : memref<32x768xf32, #tpu.memory_space<vmem>>, vector<1x16xf32>,
        %parallel_loop3A_673 = arith.index_cast %parallel_loop3A_144 : i32 to index
        %parallel_loop3A_674 = arith.constant 704 : index
        %parallel_loop3A_675 = tpu.vector_load %arg8[%parallel_loop3A_673, %parallel_loop3A_674] {strides = array<i32>} : memref<32x768xf32, #tpu.memory_space<vmem>>, vector<1x16xf32>,
        %parallel_loop3A_676 = vector.shape_cast %parallel_loop3A_675 : vector<1x16xf32> to vector<16xf32>
        %parallel_loop3A_677 = arith.constant 27.7128124 : f32
        %parallel_loop3A_678 = vector.broadcast %parallel_loop3A_677 : f32 to vector<16xf32>
        %parallel_loop3A_679 = arith.mulf %parallel_loop3A_676, %parallel_loop3A_678 : vector<16xf32>
        %parallel_loop3A_680 = arith.index_cast %parallel_loop3A_144 : i32 to index
        %parallel_loop3A_681 = arith.constant 704 : index
        %parallel_loop3A_682 = tpu.vector_load %arg8[%parallel_loop3A_680, %parallel_loop3A_681] {strides = array<i32>} : memref<32x768xf32, #tpu.memory_space<vmem>>, vector<1x16xf32>,
        %parallel_loop3A_683 = vector.shape_cast %parallel_loop3A_682 : vector<1x16xf32> to vector<16xf32>
        %parallel_loop3A_684 = vector.shape_cast %parallel_loop3A_679 : vector<16xf32> to vector<1x16xf32>
        tpu.vector_store %arg8[%parallel_loop3A_680, %parallel_loop3A_681], %parallel_loop3A_684 {strides = array<i32>} : memref<32x768xf32, #tpu.memory_space<vmem>>, vector<1x16xf32>,
        %parallel_loop3A_685 = arith.index_cast %parallel_loop3A_144 : i32 to index
        %parallel_loop3A_686 = arith.constant 720 : index
        %parallel_loop3A_687 = tpu.vector_load %arg8[%parallel_loop3A_685, %parallel_loop3A_686] {strides = array<i32>} : memref<32x768xf32, #tpu.memory_space<vmem>>, vector<1x16xf32>,
        %parallel_loop3A_688 = vector.shape_cast %parallel_loop3A_687 : vector<1x16xf32> to vector<16xf32>
        %parallel_loop3A_689 = arith.constant 27.7128124 : f32
        %parallel_loop3A_690 = vector.broadcast %parallel_loop3A_689 : f32 to vector<16xf32>
        %parallel_loop3A_691 = arith.mulf %parallel_loop3A_688, %parallel_loop3A_690 : vector<16xf32>
        %parallel_loop3A_692 = arith.index_cast %parallel_loop3A_144 : i32 to index
        %parallel_loop3A_693 = arith.constant 720 : index
        %parallel_loop3A_694 = tpu.vector_load %arg8[%parallel_loop3A_692, %parallel_loop3A_693] {strides = array<i32>} : memref<32x768xf32, #tpu.memory_space<vmem>>, vector<1x16xf32>,
        %parallel_loop3A_695 = vector.shape_cast %parallel_loop3A_694 : vector<1x16xf32> to vector<16xf32>
        %parallel_loop3A_696 = vector.shape_cast %parallel_loop3A_691 : vector<16xf32> to vector<1x16xf32>
        tpu.vector_store %arg8[%parallel_loop3A_692, %parallel_loop3A_693], %parallel_loop3A_696 {strides = array<i32>} : memref<32x768xf32, #tpu.memory_space<vmem>>, vector<1x16xf32>,
        %parallel_loop3A_697 = arith.index_cast %parallel_loop3A_144 : i32 to index
        %parallel_loop3A_698 = arith.constant 736 : index
        %parallel_loop3A_699 = tpu.vector_load %arg8[%parallel_loop3A_697, %parallel_loop3A_698] {strides = array<i32>} : memref<32x768xf32, #tpu.memory_space<vmem>>, vector<1x16xf32>,
        %parallel_loop3A_700 = vector.shape_cast %parallel_loop3A_699 : vector<1x16xf32> to vector<16xf32>
        %parallel_loop3A_701 = arith.constant 27.7128124 : f32
        %parallel_loop3A_702 = vector.broadcast %parallel_loop3A_701 : f32 to vector<16xf32>
        %parallel_loop3A_703 = arith.mulf %parallel_loop3A_700, %parallel_loop3A_702 : vector<16xf32>
        %parallel_loop3A_704 = arith.index_cast %parallel_loop3A_144 : i32 to index
        %parallel_loop3A_705 = arith.constant 736 : index
        %parallel_loop3A_706 = tpu.vector_load %arg8[%parallel_loop3A_704, %parallel_loop3A_705] {strides = array<i32>} : memref<32x768xf32, #tpu.memory_space<vmem>>, vector<1x16xf32>,
        %parallel_loop3A_707 = vector.shape_cast %parallel_loop3A_706 : vector<1x16xf32> to vector<16xf32>
        %parallel_loop3A_708 = vector.shape_cast %parallel_loop3A_703 : vector<16xf32> to vector<1x16xf32>
        tpu.vector_store %arg8[%parallel_loop3A_704, %parallel_loop3A_705], %parallel_loop3A_708 {strides = array<i32>} : memref<32x768xf32, #tpu.memory_space<vmem>>, vector<1x16xf32>,
        %parallel_loop3A_709 = arith.index_cast %parallel_loop3A_144 : i32 to index
        %parallel_loop3A_710 = arith.constant 752 : index
        %parallel_loop3A_711 = tpu.vector_load %arg8[%parallel_loop3A_709, %parallel_loop3A_710] {strides = array<i32>} : memref<32x768xf32, #tpu.memory_space<vmem>>, vector<1x16xf32>,
        %parallel_loop3A_712 = vector.shape_cast %parallel_loop3A_711 : vector<1x16xf32> to vector<16xf32>
        %parallel_loop3A_713 = arith.constant 27.7128124 : f32
        %parallel_loop3A_714 = vector.broadcast %parallel_loop3A_713 : f32 to vector<16xf32>
        %parallel_loop3A_715 = arith.mulf %parallel_loop3A_712, %parallel_loop3A_714 : vector<16xf32>
        %parallel_loop3A_716 = arith.index_cast %parallel_loop3A_144 : i32 to index
        %parallel_loop3A_717 = arith.constant 752 : index
        %parallel_loop3A_718 = tpu.vector_load %arg8[%parallel_loop3A_716, %parallel_loop3A_717] {strides = array<i32>} : memref<32x768xf32, #tpu.memory_space<vmem>>, vector<1x16xf32>,
        %parallel_loop3A_719 = vector.shape_cast %parallel_loop3A_718 : vector<1x16xf32> to vector<16xf32>
        %parallel_loop3A_720 = vector.shape_cast %parallel_loop3A_715 : vector<16xf32> to vector<1x16xf32>
        tpu.vector_store %arg8[%parallel_loop3A_716, %parallel_loop3A_717], %parallel_loop3A_720 {strides = array<i32>} : memref<32x768xf32, #tpu.memory_space<vmem>>, vector<1x16xf32>,
      } {sc.loop_unroll_factor = 2 : i64, sc.parallel_access}
      %mul3A_112 = arith.constant 32 : i32
      %mul3A_113 = arith.muli %add3A_95, %mul3A_112 : i32
      %add3A_114 = arith.addi %mul3A_2, %mul3A_113 : i32
      %dma_start3A_115 = arith.constant 0 : i32
      %dma_start3A_116 = tpu.memref_slice %arg4[%add3A_114, %dma_start3A_115] : memref<32768x768xf32, #tpu.memory_space<hbm>> -> memref<32x768xf32, #tpu.memory_space<hbm>>
      %dma_start3A_117 = arith.constant 0 : i32
      %dma_start3A_118 = tpu.memref_slice %arg4[%add3A_114, %dma_start3A_117] : memref<32768x768xf32, #tpu.memory_space<hbm>> -> memref<32x768xf32, #tpu.memory_space<hbm>>
      tpu.enqueue_dma source(%arg8 : memref<32x768xf32, #tpu.memory_space<vmem>>) target(%dma_start3A_118 : memref<32x768xf32, #tpu.memory_space<hbm>>) target_semaphore(%arg16 : memref<!tpu.dma_semaphore, #tpu.memory_space<semaphore_mem>>)
      %add3A_119 = arith.constant 3 : i32
      %add3A_120 = arith.addi %add3A_47, %add3A_119 : i32
      %add3A_121 = arith.constant 2 : i32
      %add3A_122 = arith.addi %add3A_120, %add3A_121 : i32
      %lt3A_123 = arith.constant 32 : i32
      %lt3A_124 = arith.cmpi slt, %add3A_122, %lt3A_123 : i32
      %convert_element_type3A_125 = arith.extui %lt3A_124 : i1 to i32
      %cond3A_126 = arith.constant 0 : i32
      %cond3A_127 = arith.cmpi ne, %convert_element_type3A_125, %cond3A_126 : i32
      scf.if %cond3A_127 {
        %add3A_144 = arith.constant 2 : i32
        %add3A_145 = arith.addi %add3A_120, %add3A_144 : i32
        %sub3A = arith.constant 4 : i32
        %sub3A_146 = arith.subi %add3A_145, %sub3A : i32
        %ge3A = arith.constant 0 : i32
        %ge3A_147 = arith.cmpi sge, %sub3A_146, %ge3A : i32
        %convert_element_type3A_148 = arith.extui %ge3A_147 : i1 to i32
        %cond3A_149 = arith.constant 0 : i32
        %cond3A_150 = arith.cmpi ne, %convert_element_type3A_148, %cond3A_149 : i32
        scf.if %cond3A_150 {
          %add3A_159 = arith.constant 2 : i32
          %add3A_160 = arith.addi %add3A_120, %add3A_159 : i32
          %sub3A_161 = arith.constant 4 : i32
          %sub3A_162 = arith.subi %add3A_160, %sub3A_161 : i32
          %mul3A_163 = arith.constant 32 : i32
          %mul3A_164 = arith.muli %sub3A_162, %mul3A_163 : i32
          %add3A_165 = arith.addi %mul3A_2, %mul3A_164 : i32
          %dma_wait3A_166 = arith.constant 0 : i32
          %dma_wait3A_167 = tpu.memref_slice %arg4[%add3A_165, %dma_wait3A_166] : memref<32768x768xf32, #tpu.memory_space<hbm>> -> memref<32x768xf32, #tpu.memory_space<hbm>>
          %dma_wait3A_168 = arith.constant 0 : i32
          %dma_wait3A_169 = tpu.memref_slice %arg4[%add3A_165, %dma_wait3A_168] : memref<32768x768xf32, #tpu.memory_space<hbm>> -> memref<32x768xf32, #tpu.memory_space<hbm>>
          tpu.wait_dma2 semaphore(%arg15 : memref<!tpu.dma_semaphore, #tpu.memory_space<semaphore_mem>>) src(%arg7 : memref<32x768xf32, #tpu.memory_space<vmem>>) dst(%dma_wait3A_169 : memref<32x768xf32, #tpu.memory_space<hbm>>)
        } else {
        }
        %add3A_151 = arith.constant 2 : i32
        %add3A_152 = arith.addi %add3A_120, %add3A_151 : i32
        %dma_start3A_153 = arith.constant 0 : i32
        %dma_start3A_154 = tpu.memref_slice %arg5[%add3A_152, %dma_start3A_153] : memref<32x32xi32, #tpu.memory_space<vmem>> -> memref<1x32xi32, #tpu.memory_space<vmem>>
        %dma_start3A_155 = tpu.memref_squeeze %dma_start3A_154 : memref<1x32xi32, #tpu.memory_space<vmem>> -> memref<32xi32, #tpu.memory_space<vmem>>
        %dma_start3A_156 = arith.constant 0 : i32
        %dma_start3A_157 = arith.constant 0 : i32
        %dma_start3A_158 = tpu.memref_slice %arg3[%dma_start3A_156, %dma_start3A_157] : memref<100000x768xf32, #tpu.memory_space<hbm>> -> memref<100000x768xf32, #tpu.memory_space<hbm>>
        tpu.enqueue_indirect_dma source(%dma_start3A_158 : memref<100000x768xf32, #tpu.memory_space<hbm>>) target(%arg7 : memref<32x768xf32, #tpu.memory_space<vmem>>) offsets(%dma_start3A_155 : memref<32xi32, #tpu.memory_space<vmem>>) semaphore(%arg11 : memref<!tpu.dma_semaphore, #tpu.memory_space<semaphore_mem>>)
      } else {
      }
      %dma_wait3A_128 = arith.constant 0 : i32
      %dma_wait3A_129 = tpu.memref_slice %arg5[%add3A_120, %dma_wait3A_128] : memref<32x32xi32, #tpu.memory_space<vmem>> -> memref<1x32xi32, #tpu.memory_space<vmem>>
      %dma_wait3A_130 = tpu.memref_squeeze %dma_wait3A_129 : memref<1x32xi32, #tpu.memory_space<vmem>> -> memref<32xi32, #tpu.memory_space<vmem>>
      %dma_wait3A_131 = arith.constant 0 : i32
      %dma_wait3A_132 = arith.constant 0 : i32
      %dma_wait3A_133 = tpu.memref_slice %arg3[%dma_wait3A_131, %dma_wait3A_132] : memref<100000x768xf32, #tpu.memory_space<hbm>> -> memref<100000x768xf32, #tpu.memory_space<hbm>>
      tpu.wait_indirect_dma semaphore(%arg13 : memref<!tpu.dma_semaphore, #tpu.memory_space<semaphore_mem>>) src(%dma_wait3A_133 : memref<100000x768xf32, #tpu.memory_space<hbm>>) dst(%arg9 : memref<32x768xf32, #tpu.memory_space<vmem>>)
      %parallel_loop3A_134 = arith.constant 0 : i32
      %parallel_loop3A_135 = arith.constant 32 : i32
      %parallel_loop3A_136 = arith.constant 1 : i32
      scf.for %parallel_loop3A_144 = %parallel_loop3A_134 to %parallel_loop3A_135 step %parallel_loop3A_136  : i32 {
        %parallel_loop3A_145 = arith.index_cast %parallel_loop3A_144 : i32 to index
        %parallel_loop3A_146 = arith.constant 0 : index
        %parallel_loop3A_147 = tpu.vector_load %arg9[%parallel_loop3A_145, %parallel_loop3A_146] {strides = array<i32>} : memref<32x768xf32, #tpu.memory_space<vmem>>, vector<1x16xf32>,
        %parallel_loop3A_148 = vector.shape_cast %parallel_loop3A_147 : vector<1x16xf32> to vector<16xf32>
        %parallel_loop3A_149 = arith.constant 27.7128124 : f32
        %parallel_loop3A_150 = vector.broadcast %parallel_loop3A_149 : f32 to vector<16xf32>
        %parallel_loop3A_151 = arith.mulf %parallel_loop3A_148, %parallel_loop3A_150 : vector<16xf32>
        %parallel_loop3A_152 = arith.index_cast %parallel_loop3A_144 : i32 to index
        %parallel_loop3A_153 = arith.constant 0 : index
        %parallel_loop3A_154 = tpu.vector_load %arg9[%parallel_loop3A_152, %parallel_loop3A_153] {strides = array<i32>} : memref<32x768xf32, #tpu.memory_space<vmem>>, vector<1x16xf32>,
        %parallel_loop3A_155 = vector.shape_cast %parallel_loop3A_154 : vector<1x16xf32> to vector<16xf32>
        %parallel_loop3A_156 = vector.shape_cast %parallel_loop3A_151 : vector<16xf32> to vector<1x16xf32>
        tpu.vector_store %arg9[%parallel_loop3A_152, %parallel_loop3A_153], %parallel_loop3A_156 {strides = array<i32>} : memref<32x768xf32, #tpu.memory_space<vmem>>, vector<1x16xf32>,
        %parallel_loop3A_157 = arith.index_cast %parallel_loop3A_144 : i32 to index
        %parallel_loop3A_158 = arith.constant 16 : index
        %parallel_loop3A_159 = tpu.vector_load %arg9[%parallel_loop3A_157, %parallel_loop3A_158] {strides = array<i32>} : memref<32x768xf32, #tpu.memory_space<vmem>>, vector<1x16xf32>,
        %parallel_loop3A_160 = vector.shape_cast %parallel_loop3A_159 : vector<1x16xf32> to vector<16xf32>
        %parallel_loop3A_161 = arith.constant 27.7128124 : f32
        %parallel_loop3A_162 = vector.broadcast %parallel_loop3A_161 : f32 to vector<16xf32>
        %parallel_loop3A_163 = arith.mulf %parallel_loop3A_160, %parallel_loop3A_162 : vector<16xf32>
        %parallel_loop3A_164 = arith.index_cast %parallel_loop3A_144 : i32 to index
        %parallel_loop3A_165 = arith.constant 16 : index
        %parallel_loop3A_166 = tpu.vector_load %arg9[%parallel_loop3A_164, %parallel_loop3A_165] {strides = array<i32>} : memref<32x768xf32, #tpu.memory_space<vmem>>, vector<1x16xf32>,
        %parallel_loop3A_167 = vector.shape_cast %parallel_loop3A_166 : vector<1x16xf32> to vector<16xf32>
        %parallel_loop3A_168 = vector.shape_cast %parallel_loop3A_163 : vector<16xf32> to vector<1x16xf32>
        tpu.vector_store %arg9[%parallel_loop3A_164, %parallel_loop3A_165], %parallel_loop3A_168 {strides = array<i32>} : memref<32x768xf32, #tpu.memory_space<vmem>>, vector<1x16xf32>,
        %parallel_loop3A_169 = arith.index_cast %parallel_loop3A_144 : i32 to index
        %parallel_loop3A_170 = arith.constant 32 : index
        %parallel_loop3A_171 = tpu.vector_load %arg9[%parallel_loop3A_169, %parallel_loop3A_170] {strides = array<i32>} : memref<32x768xf32, #tpu.memory_space<vmem>>, vector<1x16xf32>,
        %parallel_loop3A_172 = vector.shape_cast %parallel_loop3A_171 : vector<1x16xf32> to vector<16xf32>
        %parallel_loop3A_173 = arith.constant 27.7128124 : f32
        %parallel_loop3A_174 = vector.broadcast %parallel_loop3A_173 : f32 to vector<16xf32>
        %parallel_loop3A_175 = arith.mulf %parallel_loop3A_172, %parallel_loop3A_174 : vector<16xf32>
        %parallel_loop3A_176 = arith.index_cast %parallel_loop3A_144 : i32 to index
        %parallel_loop3A_177 = arith.constant 32 : index
        %parallel_loop3A_178 = tpu.vector_load %arg9[%parallel_loop3A_176, %parallel_loop3A_177] {strides = array<i32>} : memref<32x768xf32, #tpu.memory_space<vmem>>, vector<1x16xf32>,
        %parallel_loop3A_179 = vector.shape_cast %parallel_loop3A_178 : vector<1x16xf32> to vector<16xf32>
        %parallel_loop3A_180 = vector.shape_cast %parallel_loop3A_175 : vector<16xf32> to vector<1x16xf32>
        tpu.vector_store %arg9[%parallel_loop3A_176, %parallel_loop3A_177], %parallel_loop3A_180 {strides = array<i32>} : memref<32x768xf32, #tpu.memory_space<vmem>>, vector<1x16xf32>,
        %parallel_loop3A_181 = arith.index_cast %parallel_loop3A_144 : i32 to index
        %parallel_loop3A_182 = arith.constant 48 : index
        %parallel_loop3A_183 = tpu.vector_load %arg9[%parallel_loop3A_181, %parallel_loop3A_182] {strides = array<i32>} : memref<32x768xf32, #tpu.memory_space<vmem>>, vector<1x16xf32>,
        %parallel_loop3A_184 = vector.shape_cast %parallel_loop3A_183 : vector<1x16xf32> to vector<16xf32>
        %parallel_loop3A_185 = arith.constant 27.7128124 : f32
        %parallel_loop3A_186 = vector.broadcast %parallel_loop3A_185 : f32 to vector<16xf32>
        %parallel_loop3A_187 = arith.mulf %parallel_loop3A_184, %parallel_loop3A_186 : vector<16xf32>
        %parallel_loop3A_188 = arith.index_cast %parallel_loop3A_144 : i32 to index
        %parallel_loop3A_189 = arith.constant 48 : index
        %parallel_loop3A_190 = tpu.vector_load %arg9[%parallel_loop3A_188, %parallel_loop3A_189] {strides = array<i32>} : memref<32x768xf32, #tpu.memory_space<vmem>>, vector<1x16xf32>,
        %parallel_loop3A_191 = vector.shape_cast %parallel_loop3A_190 : vector<1x16xf32> to vector<16xf32>
        %parallel_loop3A_192 = vector.shape_cast %parallel_loop3A_187 : vector<16xf32> to vector<1x16xf32>
        tpu.vector_store %arg9[%parallel_loop3A_188, %parallel_loop3A_189], %parallel_loop3A_192 {strides = array<i32>} : memref<32x768xf32, #tpu.memory_space<vmem>>, vector<1x16xf32>,
        %parallel_loop3A_193 = arith.index_cast %parallel_loop3A_144 : i32 to index
        %parallel_loop3A_194 = arith.constant 64 : index
        %parallel_loop3A_195 = tpu.vector_load %arg9[%parallel_loop3A_193, %parallel_loop3A_194] {strides = array<i32>} : memref<32x768xf32, #tpu.memory_space<vmem>>, vector<1x16xf32>,
        %parallel_loop3A_196 = vector.shape_cast %parallel_loop3A_195 : vector<1x16xf32> to vector<16xf32>
        %parallel_loop3A_197 = arith.constant 27.7128124 : f32
        %parallel_loop3A_198 = vector.broadcast %parallel_loop3A_197 : f32 to vector<16xf32>
        %parallel_loop3A_199 = arith.mulf %parallel_loop3A_196, %parallel_loop3A_198 : vector<16xf32>
        %parallel_loop3A_200 = arith.index_cast %parallel_loop3A_144 : i32 to index
        %parallel_loop3A_201 = arith.constant 64 : index
        %parallel_loop3A_202 = tpu.vector_load %arg9[%parallel_loop3A_200, %parallel_loop3A_201] {strides = array<i32>} : memref<32x768xf32, #tpu.memory_space<vmem>>, vector<1x16xf32>,
        %parallel_loop3A_203 = vector.shape_cast %parallel_loop3A_202 : vector<1x16xf32> to vector<16xf32>
        %parallel_loop3A_204 = vector.shape_cast %parallel_loop3A_199 : vector<16xf32> to vector<1x16xf32>
        tpu.vector_store %arg9[%parallel_loop3A_200, %parallel_loop3A_201], %parallel_loop3A_204 {strides = array<i32>} : memref<32x768xf32, #tpu.memory_space<vmem>>, vector<1x16xf32>,
        %parallel_loop3A_205 = arith.index_cast %parallel_loop3A_144 : i32 to index
        %parallel_loop3A_206 = arith.constant 80 : index
        %parallel_loop3A_207 = tpu.vector_load %arg9[%parallel_loop3A_205, %parallel_loop3A_206] {strides = array<i32>} : memref<32x768xf32, #tpu.memory_space<vmem>>, vector<1x16xf32>,
        %parallel_loop3A_208 = vector.shape_cast %parallel_loop3A_207 : vector<1x16xf32> to vector<16xf32>
        %parallel_loop3A_209 = arith.constant 27.7128124 : f32
        %parallel_loop3A_210 = vector.broadcast %parallel_loop3A_209 : f32 to vector<16xf32>
        %parallel_loop3A_211 = arith.mulf %parallel_loop3A_208, %parallel_loop3A_210 : vector<16xf32>
        %parallel_loop3A_212 = arith.index_cast %parallel_loop3A_144 : i32 to index
        %parallel_loop3A_213 = arith.constant 80 : index
        %parallel_loop3A_214 = tpu.vector_load %arg9[%parallel_loop3A_212, %parallel_loop3A_213] {strides = array<i32>} : memref<32x768xf32, #tpu.memory_space<vmem>>, vector<1x16xf32>,
        %parallel_loop3A_215 = vector.shape_cast %parallel_loop3A_214 : vector<1x16xf32> to vector<16xf32>
        %parallel_loop3A_216 = vector.shape_cast %parallel_loop3A_211 : vector<16xf32> to vector<1x16xf32>
        tpu.vector_store %arg9[%parallel_loop3A_212, %parallel_loop3A_213], %parallel_loop3A_216 {strides = array<i32>} : memref<32x768xf32, #tpu.memory_space<vmem>>, vector<1x16xf32>,
        %parallel_loop3A_217 = arith.index_cast %parallel_loop3A_144 : i32 to index
        %parallel_loop3A_218 = arith.constant 96 : index
        %parallel_loop3A_219 = tpu.vector_load %arg9[%parallel_loop3A_217, %parallel_loop3A_218] {strides = array<i32>} : memref<32x768xf32, #tpu.memory_space<vmem>>, vector<1x16xf32>,
        %parallel_loop3A_220 = vector.shape_cast %parallel_loop3A_219 : vector<1x16xf32> to vector<16xf32>
        %parallel_loop3A_221 = arith.constant 27.7128124 : f32
        %parallel_loop3A_222 = vector.broadcast %parallel_loop3A_221 : f32 to vector<16xf32>
        %parallel_loop3A_223 = arith.mulf %parallel_loop3A_220, %parallel_loop3A_222 : vector<16xf32>
        %parallel_loop3A_224 = arith.index_cast %parallel_loop3A_144 : i32 to index
        %parallel_loop3A_225 = arith.constant 96 : index
        %parallel_loop3A_226 = tpu.vector_load %arg9[%parallel_loop3A_224, %parallel_loop3A_225] {strides = array<i32>} : memref<32x768xf32, #tpu.memory_space<vmem>>, vector<1x16xf32>,
        %parallel_loop3A_227 = vector.shape_cast %parallel_loop3A_226 : vector<1x16xf32> to vector<16xf32>
        %parallel_loop3A_228 = vector.shape_cast %parallel_loop3A_223 : vector<16xf32> to vector<1x16xf32>
        tpu.vector_store %arg9[%parallel_loop3A_224, %parallel_loop3A_225], %parallel_loop3A_228 {strides = array<i32>} : memref<32x768xf32, #tpu.memory_space<vmem>>, vector<1x16xf32>,
        %parallel_loop3A_229 = arith.index_cast %parallel_loop3A_144 : i32 to index
        %parallel_loop3A_230 = arith.constant 112 : index
        %parallel_loop3A_231 = tpu.vector_load %arg9[%parallel_loop3A_229, %parallel_loop3A_230] {strides = array<i32>} : memref<32x768xf32, #tpu.memory_space<vmem>>, vector<1x16xf32>,
        %parallel_loop3A_232 = vector.shape_cast %parallel_loop3A_231 : vector<1x16xf32> to vector<16xf32>
        %parallel_loop3A_233 = arith.constant 27.7128124 : f32
        %parallel_loop3A_234 = vector.broadcast %parallel_loop3A_233 : f32 to vector<16xf32>
        %parallel_loop3A_235 = arith.mulf %parallel_loop3A_232, %parallel_loop3A_234 : vector<16xf32>
        %parallel_loop3A_236 = arith.index_cast %parallel_loop3A_144 : i32 to index
        %parallel_loop3A_237 = arith.constant 112 : index
        %parallel_loop3A_238 = tpu.vector_load %arg9[%parallel_loop3A_236, %parallel_loop3A_237] {strides = array<i32>} : memref<32x768xf32, #tpu.memory_space<vmem>>, vector<1x16xf32>,
        %parallel_loop3A_239 = vector.shape_cast %parallel_loop3A_238 : vector<1x16xf32> to vector<16xf32>
        %parallel_loop3A_240 = vector.shape_cast %parallel_loop3A_235 : vector<16xf32> to vector<1x16xf32>
        tpu.vector_store %arg9[%parallel_loop3A_236, %parallel_loop3A_237], %parallel_loop3A_240 {strides = array<i32>} : memref<32x768xf32, #tpu.memory_space<vmem>>, vector<1x16xf32>,
        %parallel_loop3A_241 = arith.index_cast %parallel_loop3A_144 : i32 to index
        %parallel_loop3A_242 = arith.constant 128 : index
        %parallel_loop3A_243 = tpu.vector_load %arg9[%parallel_loop3A_241, %parallel_loop3A_242] {strides = array<i32>} : memref<32x768xf32, #tpu.memory_space<vmem>>, vector<1x16xf32>,
        %parallel_loop3A_244 = vector.shape_cast %parallel_loop3A_243 : vector<1x16xf32> to vector<16xf32>
        %parallel_loop3A_245 = arith.constant 27.7128124 : f32
        %parallel_loop3A_246 = vector.broadcast %parallel_loop3A_245 : f32 to vector<16xf32>
        %parallel_loop3A_247 = arith.mulf %parallel_loop3A_244, %parallel_loop3A_246 : vector<16xf32>
        %parallel_loop3A_248 = arith.index_cast %parallel_loop3A_144 : i32 to index
        %parallel_loop3A_249 = arith.constant 128 : index
        %parallel_loop3A_250 = tpu.vector_load %arg9[%parallel_loop3A_248, %parallel_loop3A_249] {strides = array<i32>} : memref<32x768xf32, #tpu.memory_space<vmem>>, vector<1x16xf32>,
        %parallel_loop3A_251 = vector.shape_cast %parallel_loop3A_250 : vector<1x16xf32> to vector<16xf32>
        %parallel_loop3A_252 = vector.shape_cast %parallel_loop3A_247 : vector<16xf32> to vector<1x16xf32>
        tpu.vector_store %arg9[%parallel_loop3A_248, %parallel_loop3A_249], %parallel_loop3A_252 {strides = array<i32>} : memref<32x768xf32, #tpu.memory_space<vmem>>, vector<1x16xf32>,
        %parallel_loop3A_253 = arith.index_cast %parallel_loop3A_144 : i32 to index
        %parallel_loop3A_254 = arith.constant 144 : index
        %parallel_loop3A_255 = tpu.vector_load %arg9[%parallel_loop3A_253, %parallel_loop3A_254] {strides = array<i32>} : memref<32x768xf32, #tpu.memory_space<vmem>>, vector<1x16xf32>,
        %parallel_loop3A_256 = vector.shape_cast %parallel_loop3A_255 : vector<1x16xf32> to vector<16xf32>
        %parallel_loop3A_257 = arith.constant 27.7128124 : f32
        %parallel_loop3A_258 = vector.broadcast %parallel_loop3A_257 : f32 to vector<16xf32>
        %parallel_loop3A_259 = arith.mulf %parallel_loop3A_256, %parallel_loop3A_258 : vector<16xf32>
        %parallel_loop3A_260 = arith.index_cast %parallel_loop3A_144 : i32 to index
        %parallel_loop3A_261 = arith.constant 144 : index
        %parallel_loop3A_262 = tpu.vector_load %arg9[%parallel_loop3A_260, %parallel_loop3A_261] {strides = array<i32>} : memref<32x768xf32, #tpu.memory_space<vmem>>, vector<1x16xf32>,
        %parallel_loop3A_263 = vector.shape_cast %parallel_loop3A_262 : vector<1x16xf32> to vector<16xf32>
        %parallel_loop3A_264 = vector.shape_cast %parallel_loop3A_259 : vector<16xf32> to vector<1x16xf32>
        tpu.vector_store %arg9[%parallel_loop3A_260, %parallel_loop3A_261], %parallel_loop3A_264 {strides = array<i32>} : memref<32x768xf32, #tpu.memory_space<vmem>>, vector<1x16xf32>,
        %parallel_loop3A_265 = arith.index_cast %parallel_loop3A_144 : i32 to index
        %parallel_loop3A_266 = arith.constant 160 : index
        %parallel_loop3A_267 = tpu.vector_load %arg9[%parallel_loop3A_265, %parallel_loop3A_266] {strides = array<i32>} : memref<32x768xf32, #tpu.memory_space<vmem>>, vector<1x16xf32>,
        %parallel_loop3A_268 = vector.shape_cast %parallel_loop3A_267 : vector<1x16xf32> to vector<16xf32>
        %parallel_loop3A_269 = arith.constant 27.7128124 : f32
        %parallel_loop3A_270 = vector.broadcast %parallel_loop3A_269 : f32 to vector<16xf32>
        %parallel_loop3A_271 = arith.mulf %parallel_loop3A_268, %parallel_loop3A_270 : vector<16xf32>
        %parallel_loop3A_272 = arith.index_cast %parallel_loop3A_144 : i32 to index
        %parallel_loop3A_273 = arith.constant 160 : index
        %parallel_loop3A_274 = tpu.vector_load %arg9[%parallel_loop3A_272, %parallel_loop3A_273] {strides = array<i32>} : memref<32x768xf32, #tpu.memory_space<vmem>>, vector<1x16xf32>,
        %parallel_loop3A_275 = vector.shape_cast %parallel_loop3A_274 : vector<1x16xf32> to vector<16xf32>
        %parallel_loop3A_276 = vector.shape_cast %parallel_loop3A_271 : vector<16xf32> to vector<1x16xf32>
        tpu.vector_store %arg9[%parallel_loop3A_272, %parallel_loop3A_273], %parallel_loop3A_276 {strides = array<i32>} : memref<32x768xf32, #tpu.memory_space<vmem>>, vector<1x16xf32>,
        %parallel_loop3A_277 = arith.index_cast %parallel_loop3A_144 : i32 to index
        %parallel_loop3A_278 = arith.constant 176 : index
        %parallel_loop3A_279 = tpu.vector_load %arg9[%parallel_loop3A_277, %parallel_loop3A_278] {strides = array<i32>} : memref<32x768xf32, #tpu.memory_space<vmem>>, vector<1x16xf32>,
        %parallel_loop3A_280 = vector.shape_cast %parallel_loop3A_279 : vector<1x16xf32> to vector<16xf32>
        %parallel_loop3A_281 = arith.constant 27.7128124 : f32
        %parallel_loop3A_282 = vector.broadcast %parallel_loop3A_281 : f32 to vector<16xf32>
        %parallel_loop3A_283 = arith.mulf %parallel_loop3A_280, %parallel_loop3A_282 : vector<16xf32>
        %parallel_loop3A_284 = arith.index_cast %parallel_loop3A_144 : i32 to index
        %parallel_loop3A_285 = arith.constant 176 : index
        %parallel_loop3A_286 = tpu.vector_load %arg9[%parallel_loop3A_284, %parallel_loop3A_285] {strides = array<i32>} : memref<32x768xf32, #tpu.memory_space<vmem>>, vector<1x16xf32>,
        %parallel_loop3A_287 = vector.shape_cast %parallel_loop3A_286 : vector<1x16xf32> to vector<16xf32>
        %parallel_loop3A_288 = vector.shape_cast %parallel_loop3A_283 : vector<16xf32> to vector<1x16xf32>
        tpu.vector_store %arg9[%parallel_loop3A_284, %parallel_loop3A_285], %parallel_loop3A_288 {strides = array<i32>} : memref<32x768xf32, #tpu.memory_space<vmem>>, vector<1x16xf32>,
        %parallel_loop3A_289 = arith.index_cast %parallel_loop3A_144 : i32 to index
        %parallel_loop3A_290 = arith.constant 192 : index
        %parallel_loop3A_291 = tpu.vector_load %arg9[%parallel_loop3A_289, %parallel_loop3A_290] {strides = array<i32>} : memref<32x768xf32, #tpu.memory_space<vmem>>, vector<1x16xf32>,
        %parallel_loop3A_292 = vector.shape_cast %parallel_loop3A_291 : vector<1x16xf32> to vector<16xf32>
        %parallel_loop3A_293 = arith.constant 27.7128124 : f32
        %parallel_loop3A_294 = vector.broadcast %parallel_loop3A_293 : f32 to vector<16xf32>
        %parallel_loop3A_295 = arith.mulf %parallel_loop3A_292, %parallel_loop3A_294 : vector<16xf32>
        %parallel_loop3A_296 = arith.index_cast %parallel_loop3A_144 : i32 to index
        %parallel_loop3A_297 = arith.constant 192 : index
        %parallel_loop3A_298 = tpu.vector_load %arg9[%parallel_loop3A_296, %parallel_loop3A_297] {strides = array<i32>} : memref<32x768xf32, #tpu.memory_space<vmem>>, vector<1x16xf32>,
        %parallel_loop3A_299 = vector.shape_cast %parallel_loop3A_298 : vector<1x16xf32> to vector<16xf32>
        %parallel_loop3A_300 = vector.shape_cast %parallel_loop3A_295 : vector<16xf32> to vector<1x16xf32>
        tpu.vector_store %arg9[%parallel_loop3A_296, %parallel_loop3A_297], %parallel_loop3A_300 {strides = array<i32>} : memref<32x768xf32, #tpu.memory_space<vmem>>, vector<1x16xf32>,
        %parallel_loop3A_301 = arith.index_cast %parallel_loop3A_144 : i32 to index
        %parallel_loop3A_302 = arith.constant 208 : index
        %parallel_loop3A_303 = tpu.vector_load %arg9[%parallel_loop3A_301, %parallel_loop3A_302] {strides = array<i32>} : memref<32x768xf32, #tpu.memory_space<vmem>>, vector<1x16xf32>,
        %parallel_loop3A_304 = vector.shape_cast %parallel_loop3A_303 : vector<1x16xf32> to vector<16xf32>
        %parallel_loop3A_305 = arith.constant 27.7128124 : f32
        %parallel_loop3A_306 = vector.broadcast %parallel_loop3A_305 : f32 to vector<16xf32>
        %parallel_loop3A_307 = arith.mulf %parallel_loop3A_304, %parallel_loop3A_306 : vector<16xf32>
        %parallel_loop3A_308 = arith.index_cast %parallel_loop3A_144 : i32 to index
        %parallel_loop3A_309 = arith.constant 208 : index
        %parallel_loop3A_310 = tpu.vector_load %arg9[%parallel_loop3A_308, %parallel_loop3A_309] {strides = array<i32>} : memref<32x768xf32, #tpu.memory_space<vmem>>, vector<1x16xf32>,
        %parallel_loop3A_311 = vector.shape_cast %parallel_loop3A_310 : vector<1x16xf32> to vector<16xf32>
        %parallel_loop3A_312 = vector.shape_cast %parallel_loop3A_307 : vector<16xf32> to vector<1x16xf32>
        tpu.vector_store %arg9[%parallel_loop3A_308, %parallel_loop3A_309], %parallel_loop3A_312 {strides = array<i32>} : memref<32x768xf32, #tpu.memory_space<vmem>>, vector<1x16xf32>,
        %parallel_loop3A_313 = arith.index_cast %parallel_loop3A_144 : i32 to index
        %parallel_loop3A_314 = arith.constant 224 : index
        %parallel_loop3A_315 = tpu.vector_load %arg9[%parallel_loop3A_313, %parallel_loop3A_314] {strides = array<i32>} : memref<32x768xf32, #tpu.memory_space<vmem>>, vector<1x16xf32>,
        %parallel_loop3A_316 = vector.shape_cast %parallel_loop3A_315 : vector<1x16xf32> to vector<16xf32>
        %parallel_loop3A_317 = arith.constant 27.7128124 : f32
        %parallel_loop3A_318 = vector.broadcast %parallel_loop3A_317 : f32 to vector<16xf32>
        %parallel_loop3A_319 = arith.mulf %parallel_loop3A_316, %parallel_loop3A_318 : vector<16xf32>
        %parallel_loop3A_320 = arith.index_cast %parallel_loop3A_144 : i32 to index
        %parallel_loop3A_321 = arith.constant 224 : index
        %parallel_loop3A_322 = tpu.vector_load %arg9[%parallel_loop3A_320, %parallel_loop3A_321] {strides = array<i32>} : memref<32x768xf32, #tpu.memory_space<vmem>>, vector<1x16xf32>,
        %parallel_loop3A_323 = vector.shape_cast %parallel_loop3A_322 : vector<1x16xf32> to vector<16xf32>
        %parallel_loop3A_324 = vector.shape_cast %parallel_loop3A_319 : vector<16xf32> to vector<1x16xf32>
        tpu.vector_store %arg9[%parallel_loop3A_320, %parallel_loop3A_321], %parallel_loop3A_324 {strides = array<i32>} : memref<32x768xf32, #tpu.memory_space<vmem>>, vector<1x16xf32>,
        %parallel_loop3A_325 = arith.index_cast %parallel_loop3A_144 : i32 to index
        %parallel_loop3A_326 = arith.constant 240 : index
        %parallel_loop3A_327 = tpu.vector_load %arg9[%parallel_loop3A_325, %parallel_loop3A_326] {strides = array<i32>} : memref<32x768xf32, #tpu.memory_space<vmem>>, vector<1x16xf32>,
        %parallel_loop3A_328 = vector.shape_cast %parallel_loop3A_327 : vector<1x16xf32> to vector<16xf32>
        %parallel_loop3A_329 = arith.constant 27.7128124 : f32
        %parallel_loop3A_330 = vector.broadcast %parallel_loop3A_329 : f32 to vector<16xf32>
        %parallel_loop3A_331 = arith.mulf %parallel_loop3A_328, %parallel_loop3A_330 : vector<16xf32>
        %parallel_loop3A_332 = arith.index_cast %parallel_loop3A_144 : i32 to index
        %parallel_loop3A_333 = arith.constant 240 : index
        %parallel_loop3A_334 = tpu.vector_load %arg9[%parallel_loop3A_332, %parallel_loop3A_333] {strides = array<i32>} : memref<32x768xf32, #tpu.memory_space<vmem>>, vector<1x16xf32>,
        %parallel_loop3A_335 = vector.shape_cast %parallel_loop3A_334 : vector<1x16xf32> to vector<16xf32>
        %parallel_loop3A_336 = vector.shape_cast %parallel_loop3A_331 : vector<16xf32> to vector<1x16xf32>
        tpu.vector_store %arg9[%parallel_loop3A_332, %parallel_loop3A_333], %parallel_loop3A_336 {strides = array<i32>} : memref<32x768xf32, #tpu.memory_space<vmem>>, vector<1x16xf32>,
        %parallel_loop3A_337 = arith.index_cast %parallel_loop3A_144 : i32 to index
        %parallel_loop3A_338 = arith.constant 256 : index
        %parallel_loop3A_339 = tpu.vector_load %arg9[%parallel_loop3A_337, %parallel_loop3A_338] {strides = array<i32>} : memref<32x768xf32, #tpu.memory_space<vmem>>, vector<1x16xf32>,
        %parallel_loop3A_340 = vector.shape_cast %parallel_loop3A_339 : vector<1x16xf32> to vector<16xf32>
        %parallel_loop3A_341 = arith.constant 27.7128124 : f32
        %parallel_loop3A_342 = vector.broadcast %parallel_loop3A_341 : f32 to vector<16xf32>
        %parallel_loop3A_343 = arith.mulf %parallel_loop3A_340, %parallel_loop3A_342 : vector<16xf32>
        %parallel_loop3A_344 = arith.index_cast %parallel_loop3A_144 : i32 to index
        %parallel_loop3A_345 = arith.constant 256 : index
        %parallel_loop3A_346 = tpu.vector_load %arg9[%parallel_loop3A_344, %parallel_loop3A_345] {strides = array<i32>} : memref<32x768xf32, #tpu.memory_space<vmem>>, vector<1x16xf32>,
        %parallel_loop3A_347 = vector.shape_cast %parallel_loop3A_346 : vector<1x16xf32> to vector<16xf32>
        %parallel_loop3A_348 = vector.shape_cast %parallel_loop3A_343 : vector<16xf32> to vector<1x16xf32>
        tpu.vector_store %arg9[%parallel_loop3A_344, %parallel_loop3A_345], %parallel_loop3A_348 {strides = array<i32>} : memref<32x768xf32, #tpu.memory_space<vmem>>, vector<1x16xf32>,
        %parallel_loop3A_349 = arith.index_cast %parallel_loop3A_144 : i32 to index
        %parallel_loop3A_350 = arith.constant 272 : index
        %parallel_loop3A_351 = tpu.vector_load %arg9[%parallel_loop3A_349, %parallel_loop3A_350] {strides = array<i32>} : memref<32x768xf32, #tpu.memory_space<vmem>>, vector<1x16xf32>,
        %parallel_loop3A_352 = vector.shape_cast %parallel_loop3A_351 : vector<1x16xf32> to vector<16xf32>
        %parallel_loop3A_353 = arith.constant 27.7128124 : f32
        %parallel_loop3A_354 = vector.broadcast %parallel_loop3A_353 : f32 to vector<16xf32>
        %parallel_loop3A_355 = arith.mulf %parallel_loop3A_352, %parallel_loop3A_354 : vector<16xf32>
        %parallel_loop3A_356 = arith.index_cast %parallel_loop3A_144 : i32 to index
        %parallel_loop3A_357 = arith.constant 272 : index
        %parallel_loop3A_358 = tpu.vector_load %arg9[%parallel_loop3A_356, %parallel_loop3A_357] {strides = array<i32>} : memref<32x768xf32, #tpu.memory_space<vmem>>, vector<1x16xf32>,
        %parallel_loop3A_359 = vector.shape_cast %parallel_loop3A_358 : vector<1x16xf32> to vector<16xf32>
        %parallel_loop3A_360 = vector.shape_cast %parallel_loop3A_355 : vector<16xf32> to vector<1x16xf32>
        tpu.vector_store %arg9[%parallel_loop3A_356, %parallel_loop3A_357], %parallel_loop3A_360 {strides = array<i32>} : memref<32x768xf32, #tpu.memory_space<vmem>>, vector<1x16xf32>,
        %parallel_loop3A_361 = arith.index_cast %parallel_loop3A_144 : i32 to index
        %parallel_loop3A_362 = arith.constant 288 : index
        %parallel_loop3A_363 = tpu.vector_load %arg9[%parallel_loop3A_361, %parallel_loop3A_362] {strides = array<i32>} : memref<32x768xf32, #tpu.memory_space<vmem>>, vector<1x16xf32>,
        %parallel_loop3A_364 = vector.shape_cast %parallel_loop3A_363 : vector<1x16xf32> to vector<16xf32>
        %parallel_loop3A_365 = arith.constant 27.7128124 : f32
        %parallel_loop3A_366 = vector.broadcast %parallel_loop3A_365 : f32 to vector<16xf32>
        %parallel_loop3A_367 = arith.mulf %parallel_loop3A_364, %parallel_loop3A_366 : vector<16xf32>
        %parallel_loop3A_368 = arith.index_cast %parallel_loop3A_144 : i32 to index
        %parallel_loop3A_369 = arith.constant 288 : index
        %parallel_loop3A_370 = tpu.vector_load %arg9[%parallel_loop3A_368, %parallel_loop3A_369] {strides = array<i32>} : memref<32x768xf32, #tpu.memory_space<vmem>>, vector<1x16xf32>,
        %parallel_loop3A_371 = vector.shape_cast %parallel_loop3A_370 : vector<1x16xf32> to vector<16xf32>
        %parallel_loop3A_372 = vector.shape_cast %parallel_loop3A_367 : vector<16xf32> to vector<1x16xf32>
        tpu.vector_store %arg9[%parallel_loop3A_368, %parallel_loop3A_369], %parallel_loop3A_372 {strides = array<i32>} : memref<32x768xf32, #tpu.memory_space<vmem>>, vector<1x16xf32>,
        %parallel_loop3A_373 = arith.index_cast %parallel_loop3A_144 : i32 to index
        %parallel_loop3A_374 = arith.constant 304 : index
        %parallel_loop3A_375 = tpu.vector_load %arg9[%parallel_loop3A_373, %parallel_loop3A_374] {strides = array<i32>} : memref<32x768xf32, #tpu.memory_space<vmem>>, vector<1x16xf32>,
        %parallel_loop3A_376 = vector.shape_cast %parallel_loop3A_375 : vector<1x16xf32> to vector<16xf32>
        %parallel_loop3A_377 = arith.constant 27.7128124 : f32
        %parallel_loop3A_378 = vector.broadcast %parallel_loop3A_377 : f32 to vector<16xf32>
        %parallel_loop3A_379 = arith.mulf %parallel_loop3A_376, %parallel_loop3A_378 : vector<16xf32>
        %parallel_loop3A_380 = arith.index_cast %parallel_loop3A_144 : i32 to index
        %parallel_loop3A_381 = arith.constant 304 : index
        %parallel_loop3A_382 = tpu.vector_load %arg9[%parallel_loop3A_380, %parallel_loop3A_381] {strides = array<i32>} : memref<32x768xf32, #tpu.memory_space<vmem>>, vector<1x16xf32>,
        %parallel_loop3A_383 = vector.shape_cast %parallel_loop3A_382 : vector<1x16xf32> to vector<16xf32>
        %parallel_loop3A_384 = vector.shape_cast %parallel_loop3A_379 : vector<16xf32> to vector<1x16xf32>
        tpu.vector_store %arg9[%parallel_loop3A_380, %parallel_loop3A_381], %parallel_loop3A_384 {strides = array<i32>} : memref<32x768xf32, #tpu.memory_space<vmem>>, vector<1x16xf32>,
        %parallel_loop3A_385 = arith.index_cast %parallel_loop3A_144 : i32 to index
        %parallel_loop3A_386 = arith.constant 320 : index
        %parallel_loop3A_387 = tpu.vector_load %arg9[%parallel_loop3A_385, %parallel_loop3A_386] {strides = array<i32>} : memref<32x768xf32, #tpu.memory_space<vmem>>, vector<1x16xf32>,
        %parallel_loop3A_388 = vector.shape_cast %parallel_loop3A_387 : vector<1x16xf32> to vector<16xf32>
        %parallel_loop3A_389 = arith.constant 27.7128124 : f32
        %parallel_loop3A_390 = vector.broadcast %parallel_loop3A_389 : f32 to vector<16xf32>
        %parallel_loop3A_391 = arith.mulf %parallel_loop3A_388, %parallel_loop3A_390 : vector<16xf32>
        %parallel_loop3A_392 = arith.index_cast %parallel_loop3A_144 : i32 to index
        %parallel_loop3A_393 = arith.constant 320 : index
        %parallel_loop3A_394 = tpu.vector_load %arg9[%parallel_loop3A_392, %parallel_loop3A_393] {strides = array<i32>} : memref<32x768xf32, #tpu.memory_space<vmem>>, vector<1x16xf32>,
        %parallel_loop3A_395 = vector.shape_cast %parallel_loop3A_394 : vector<1x16xf32> to vector<16xf32>
        %parallel_loop3A_396 = vector.shape_cast %parallel_loop3A_391 : vector<16xf32> to vector<1x16xf32>
        tpu.vector_store %arg9[%parallel_loop3A_392, %parallel_loop3A_393], %parallel_loop3A_396 {strides = array<i32>} : memref<32x768xf32, #tpu.memory_space<vmem>>, vector<1x16xf32>,
        %parallel_loop3A_397 = arith.index_cast %parallel_loop3A_144 : i32 to index
        %parallel_loop3A_398 = arith.constant 336 : index
        %parallel_loop3A_399 = tpu.vector_load %arg9[%parallel_loop3A_397, %parallel_loop3A_398] {strides = array<i32>} : memref<32x768xf32, #tpu.memory_space<vmem>>, vector<1x16xf32>,
        %parallel_loop3A_400 = vector.shape_cast %parallel_loop3A_399 : vector<1x16xf32> to vector<16xf32>
        %parallel_loop3A_401 = arith.constant 27.7128124 : f32
        %parallel_loop3A_402 = vector.broadcast %parallel_loop3A_401 : f32 to vector<16xf32>
        %parallel_loop3A_403 = arith.mulf %parallel_loop3A_400, %parallel_loop3A_402 : vector<16xf32>
        %parallel_loop3A_404 = arith.index_cast %parallel_loop3A_144 : i32 to index
        %parallel_loop3A_405 = arith.constant 336 : index
        %parallel_loop3A_406 = tpu.vector_load %arg9[%parallel_loop3A_404, %parallel_loop3A_405] {strides = array<i32>} : memref<32x768xf32, #tpu.memory_space<vmem>>, vector<1x16xf32>,
        %parallel_loop3A_407 = vector.shape_cast %parallel_loop3A_406 : vector<1x16xf32> to vector<16xf32>
        %parallel_loop3A_408 = vector.shape_cast %parallel_loop3A_403 : vector<16xf32> to vector<1x16xf32>
        tpu.vector_store %arg9[%parallel_loop3A_404, %parallel_loop3A_405], %parallel_loop3A_408 {strides = array<i32>} : memref<32x768xf32, #tpu.memory_space<vmem>>, vector<1x16xf32>,
        %parallel_loop3A_409 = arith.index_cast %parallel_loop3A_144 : i32 to index
        %parallel_loop3A_410 = arith.constant 352 : index
        %parallel_loop3A_411 = tpu.vector_load %arg9[%parallel_loop3A_409, %parallel_loop3A_410] {strides = array<i32>} : memref<32x768xf32, #tpu.memory_space<vmem>>, vector<1x16xf32>,
        %parallel_loop3A_412 = vector.shape_cast %parallel_loop3A_411 : vector<1x16xf32> to vector<16xf32>
        %parallel_loop3A_413 = arith.constant 27.7128124 : f32
        %parallel_loop3A_414 = vector.broadcast %parallel_loop3A_413 : f32 to vector<16xf32>
        %parallel_loop3A_415 = arith.mulf %parallel_loop3A_412, %parallel_loop3A_414 : vector<16xf32>
        %parallel_loop3A_416 = arith.index_cast %parallel_loop3A_144 : i32 to index
        %parallel_loop3A_417 = arith.constant 352 : index
        %parallel_loop3A_418 = tpu.vector_load %arg9[%parallel_loop3A_416, %parallel_loop3A_417] {strides = array<i32>} : memref<32x768xf32, #tpu.memory_space<vmem>>, vector<1x16xf32>,
        %parallel_loop3A_419 = vector.shape_cast %parallel_loop3A_418 : vector<1x16xf32> to vector<16xf32>
        %parallel_loop3A_420 = vector.shape_cast %parallel_loop3A_415 : vector<16xf32> to vector<1x16xf32>
        tpu.vector_store %arg9[%parallel_loop3A_416, %parallel_loop3A_417], %parallel_loop3A_420 {strides = array<i32>} : memref<32x768xf32, #tpu.memory_space<vmem>>, vector<1x16xf32>,
        %parallel_loop3A_421 = arith.index_cast %parallel_loop3A_144 : i32 to index
        %parallel_loop3A_422 = arith.constant 368 : index
        %parallel_loop3A_423 = tpu.vector_load %arg9[%parallel_loop3A_421, %parallel_loop3A_422] {strides = array<i32>} : memref<32x768xf32, #tpu.memory_space<vmem>>, vector<1x16xf32>,
        %parallel_loop3A_424 = vector.shape_cast %parallel_loop3A_423 : vector<1x16xf32> to vector<16xf32>
        %parallel_loop3A_425 = arith.constant 27.7128124 : f32
        %parallel_loop3A_426 = vector.broadcast %parallel_loop3A_425 : f32 to vector<16xf32>
        %parallel_loop3A_427 = arith.mulf %parallel_loop3A_424, %parallel_loop3A_426 : vector<16xf32>
        %parallel_loop3A_428 = arith.index_cast %parallel_loop3A_144 : i32 to index
        %parallel_loop3A_429 = arith.constant 368 : index
        %parallel_loop3A_430 = tpu.vector_load %arg9[%parallel_loop3A_428, %parallel_loop3A_429] {strides = array<i32>} : memref<32x768xf32, #tpu.memory_space<vmem>>, vector<1x16xf32>,
        %parallel_loop3A_431 = vector.shape_cast %parallel_loop3A_430 : vector<1x16xf32> to vector<16xf32>
        %parallel_loop3A_432 = vector.shape_cast %parallel_loop3A_427 : vector<16xf32> to vector<1x16xf32>
        tpu.vector_store %arg9[%parallel_loop3A_428, %parallel_loop3A_429], %parallel_loop3A_432 {strides = array<i32>} : memref<32x768xf32, #tpu.memory_space<vmem>>, vector<1x16xf32>,
        %parallel_loop3A_433 = arith.index_cast %parallel_loop3A_144 : i32 to index
        %parallel_loop3A_434 = arith.constant 384 : index
        %parallel_loop3A_435 = tpu.vector_load %arg9[%parallel_loop3A_433, %parallel_loop3A_434] {strides = array<i32>} : memref<32x768xf32, #tpu.memory_space<vmem>>, vector<1x16xf32>,
        %parallel_loop3A_436 = vector.shape_cast %parallel_loop3A_435 : vector<1x16xf32> to vector<16xf32>
        %parallel_loop3A_437 = arith.constant 27.7128124 : f32
        %parallel_loop3A_438 = vector.broadcast %parallel_loop3A_437 : f32 to vector<16xf32>
        %parallel_loop3A_439 = arith.mulf %parallel_loop3A_436, %parallel_loop3A_438 : vector<16xf32>
        %parallel_loop3A_440 = arith.index_cast %parallel_loop3A_144 : i32 to index
        %parallel_loop3A_441 = arith.constant 384 : index
        %parallel_loop3A_442 = tpu.vector_load %arg9[%parallel_loop3A_440, %parallel_loop3A_441] {strides = array<i32>} : memref<32x768xf32, #tpu.memory_space<vmem>>, vector<1x16xf32>,
        %parallel_loop3A_443 = vector.shape_cast %parallel_loop3A_442 : vector<1x16xf32> to vector<16xf32>
        %parallel_loop3A_444 = vector.shape_cast %parallel_loop3A_439 : vector<16xf32> to vector<1x16xf32>
        tpu.vector_store %arg9[%parallel_loop3A_440, %parallel_loop3A_441], %parallel_loop3A_444 {strides = array<i32>} : memref<32x768xf32, #tpu.memory_space<vmem>>, vector<1x16xf32>,
        %parallel_loop3A_445 = arith.index_cast %parallel_loop3A_144 : i32 to index
        %parallel_loop3A_446 = arith.constant 400 : index
        %parallel_loop3A_447 = tpu.vector_load %arg9[%parallel_loop3A_445, %parallel_loop3A_446] {strides = array<i32>} : memref<32x768xf32, #tpu.memory_space<vmem>>, vector<1x16xf32>,
        %parallel_loop3A_448 = vector.shape_cast %parallel_loop3A_447 : vector<1x16xf32> to vector<16xf32>
        %parallel_loop3A_449 = arith.constant 27.7128124 : f32
        %parallel_loop3A_450 = vector.broadcast %parallel_loop3A_449 : f32 to vector<16xf32>
        %parallel_loop3A_451 = arith.mulf %parallel_loop3A_448, %parallel_loop3A_450 : vector<16xf32>
        %parallel_loop3A_452 = arith.index_cast %parallel_loop3A_144 : i32 to index
        %parallel_loop3A_453 = arith.constant 400 : index
        %parallel_loop3A_454 = tpu.vector_load %arg9[%parallel_loop3A_452, %parallel_loop3A_453] {strides = array<i32>} : memref<32x768xf32, #tpu.memory_space<vmem>>, vector<1x16xf32>,
        %parallel_loop3A_455 = vector.shape_cast %parallel_loop3A_454 : vector<1x16xf32> to vector<16xf32>
        %parallel_loop3A_456 = vector.shape_cast %parallel_loop3A_451 : vector<16xf32> to vector<1x16xf32>
        tpu.vector_store %arg9[%parallel_loop3A_452, %parallel_loop3A_453], %parallel_loop3A_456 {strides = array<i32>} : memref<32x768xf32, #tpu.memory_space<vmem>>, vector<1x16xf32>,
        %parallel_loop3A_457 = arith.index_cast %parallel_loop3A_144 : i32 to index
        %parallel_loop3A_458 = arith.constant 416 : index
        %parallel_loop3A_459 = tpu.vector_load %arg9[%parallel_loop3A_457, %parallel_loop3A_458] {strides = array<i32>} : memref<32x768xf32, #tpu.memory_space<vmem>>, vector<1x16xf32>,
        %parallel_loop3A_460 = vector.shape_cast %parallel_loop3A_459 : vector<1x16xf32> to vector<16xf32>
        %parallel_loop3A_461 = arith.constant 27.7128124 : f32
        %parallel_loop3A_462 = vector.broadcast %parallel_loop3A_461 : f32 to vector<16xf32>
        %parallel_loop3A_463 = arith.mulf %parallel_loop3A_460, %parallel_loop3A_462 : vector<16xf32>
        %parallel_loop3A_464 = arith.index_cast %parallel_loop3A_144 : i32 to index
        %parallel_loop3A_465 = arith.constant 416 : index
        %parallel_loop3A_466 = tpu.vector_load %arg9[%parallel_loop3A_464, %parallel_loop3A_465] {strides = array<i32>} : memref<32x768xf32, #tpu.memory_space<vmem>>, vector<1x16xf32>,
        %parallel_loop3A_467 = vector.shape_cast %parallel_loop3A_466 : vector<1x16xf32> to vector<16xf32>
        %parallel_loop3A_468 = vector.shape_cast %parallel_loop3A_463 : vector<16xf32> to vector<1x16xf32>
        tpu.vector_store %arg9[%parallel_loop3A_464, %parallel_loop3A_465], %parallel_loop3A_468 {strides = array<i32>} : memref<32x768xf32, #tpu.memory_space<vmem>>, vector<1x16xf32>,
        %parallel_loop3A_469 = arith.index_cast %parallel_loop3A_144 : i32 to index
        %parallel_loop3A_470 = arith.constant 432 : index
        %parallel_loop3A_471 = tpu.vector_load %arg9[%parallel_loop3A_469, %parallel_loop3A_470] {strides = array<i32>} : memref<32x768xf32, #tpu.memory_space<vmem>>, vector<1x16xf32>,
        %parallel_loop3A_472 = vector.shape_cast %parallel_loop3A_471 : vector<1x16xf32> to vector<16xf32>
        %parallel_loop3A_473 = arith.constant 27.7128124 : f32
        %parallel_loop3A_474 = vector.broadcast %parallel_loop3A_473 : f32 to vector<16xf32>
        %parallel_loop3A_475 = arith.mulf %parallel_loop3A_472, %parallel_loop3A_474 : vector<16xf32>
        %parallel_loop3A_476 = arith.index_cast %parallel_loop3A_144 : i32 to index
        %parallel_loop3A_477 = arith.constant 432 : index
        %parallel_loop3A_478 = tpu.vector_load %arg9[%parallel_loop3A_476, %parallel_loop3A_477] {strides = array<i32>} : memref<32x768xf32, #tpu.memory_space<vmem>>, vector<1x16xf32>,
        %parallel_loop3A_479 = vector.shape_cast %parallel_loop3A_478 : vector<1x16xf32> to vector<16xf32>
        %parallel_loop3A_480 = vector.shape_cast %parallel_loop3A_475 : vector<16xf32> to vector<1x16xf32>
        tpu.vector_store %arg9[%parallel_loop3A_476, %parallel_loop3A_477], %parallel_loop3A_480 {strides = array<i32>} : memref<32x768xf32, #tpu.memory_space<vmem>>, vector<1x16xf32>,
        %parallel_loop3A_481 = arith.index_cast %parallel_loop3A_144 : i32 to index
        %parallel_loop3A_482 = arith.constant 448 : index
        %parallel_loop3A_483 = tpu.vector_load %arg9[%parallel_loop3A_481, %parallel_loop3A_482] {strides = array<i32>} : memref<32x768xf32, #tpu.memory_space<vmem>>, vector<1x16xf32>,
        %parallel_loop3A_484 = vector.shape_cast %parallel_loop3A_483 : vector<1x16xf32> to vector<16xf32>
        %parallel_loop3A_485 = arith.constant 27.7128124 : f32
        %parallel_loop3A_486 = vector.broadcast %parallel_loop3A_485 : f32 to vector<16xf32>
        %parallel_loop3A_487 = arith.mulf %parallel_loop3A_484, %parallel_loop3A_486 : vector<16xf32>
        %parallel_loop3A_488 = arith.index_cast %parallel_loop3A_144 : i32 to index
        %parallel_loop3A_489 = arith.constant 448 : index
        %parallel_loop3A_490 = tpu.vector_load %arg9[%parallel_loop3A_488, %parallel_loop3A_489] {strides = array<i32>} : memref<32x768xf32, #tpu.memory_space<vmem>>, vector<1x16xf32>,
        %parallel_loop3A_491 = vector.shape_cast %parallel_loop3A_490 : vector<1x16xf32> to vector<16xf32>
        %parallel_loop3A_492 = vector.shape_cast %parallel_loop3A_487 : vector<16xf32> to vector<1x16xf32>
        tpu.vector_store %arg9[%parallel_loop3A_488, %parallel_loop3A_489], %parallel_loop3A_492 {strides = array<i32>} : memref<32x768xf32, #tpu.memory_space<vmem>>, vector<1x16xf32>,
        %parallel_loop3A_493 = arith.index_cast %parallel_loop3A_144 : i32 to index
        %parallel_loop3A_494 = arith.constant 464 : index
        %parallel_loop3A_495 = tpu.vector_load %arg9[%parallel_loop3A_493, %parallel_loop3A_494] {strides = array<i32>} : memref<32x768xf32, #tpu.memory_space<vmem>>, vector<1x16xf32>,
        %parallel_loop3A_496 = vector.shape_cast %parallel_loop3A_495 : vector<1x16xf32> to vector<16xf32>
        %parallel_loop3A_497 = arith.constant 27.7128124 : f32
        %parallel_loop3A_498 = vector.broadcast %parallel_loop3A_497 : f32 to vector<16xf32>
        %parallel_loop3A_499 = arith.mulf %parallel_loop3A_496, %parallel_loop3A_498 : vector<16xf32>
        %parallel_loop3A_500 = arith.index_cast %parallel_loop3A_144 : i32 to index
        %parallel_loop3A_501 = arith.constant 464 : index
        %parallel_loop3A_502 = tpu.vector_load %arg9[%parallel_loop3A_500, %parallel_loop3A_501] {strides = array<i32>} : memref<32x768xf32, #tpu.memory_space<vmem>>, vector<1x16xf32>,
        %parallel_loop3A_503 = vector.shape_cast %parallel_loop3A_502 : vector<1x16xf32> to vector<16xf32>
        %parallel_loop3A_504 = vector.shape_cast %parallel_loop3A_499 : vector<16xf32> to vector<1x16xf32>
        tpu.vector_store %arg9[%parallel_loop3A_500, %parallel_loop3A_501], %parallel_loop3A_504 {strides = array<i32>} : memref<32x768xf32, #tpu.memory_space<vmem>>, vector<1x16xf32>,
        %parallel_loop3A_505 = arith.index_cast %parallel_loop3A_144 : i32 to index
        %parallel_loop3A_506 = arith.constant 480 : index
        %parallel_loop3A_507 = tpu.vector_load %arg9[%parallel_loop3A_505, %parallel_loop3A_506] {strides = array<i32>} : memref<32x768xf32, #tpu.memory_space<vmem>>, vector<1x16xf32>,
        %parallel_loop3A_508 = vector.shape_cast %parallel_loop3A_507 : vector<1x16xf32> to vector<16xf32>
        %parallel_loop3A_509 = arith.constant 27.7128124 : f32
        %parallel_loop3A_510 = vector.broadcast %parallel_loop3A_509 : f32 to vector<16xf32>
        %parallel_loop3A_511 = arith.mulf %parallel_loop3A_508, %parallel_loop3A_510 : vector<16xf32>
        %parallel_loop3A_512 = arith.index_cast %parallel_loop3A_144 : i32 to index
        %parallel_loop3A_513 = arith.constant 480 : index
        %parallel_loop3A_514 = tpu.vector_load %arg9[%parallel_loop3A_512, %parallel_loop3A_513] {strides = array<i32>} : memref<32x768xf32, #tpu.memory_space<vmem>>, vector<1x16xf32>,
        %parallel_loop3A_515 = vector.shape_cast %parallel_loop3A_514 : vector<1x16xf32> to vector<16xf32>
        %parallel_loop3A_516 = vector.shape_cast %parallel_loop3A_511 : vector<16xf32> to vector<1x16xf32>
        tpu.vector_store %arg9[%parallel_loop3A_512, %parallel_loop3A_513], %parallel_loop3A_516 {strides = array<i32>} : memref<32x768xf32, #tpu.memory_space<vmem>>, vector<1x16xf32>,
        %parallel_loop3A_517 = arith.index_cast %parallel_loop3A_144 : i32 to index
        %parallel_loop3A_518 = arith.constant 496 : index
        %parallel_loop3A_519 = tpu.vector_load %arg9[%parallel_loop3A_517, %parallel_loop3A_518] {strides = array<i32>} : memref<32x768xf32, #tpu.memory_space<vmem>>, vector<1x16xf32>,
        %parallel_loop3A_520 = vector.shape_cast %parallel_loop3A_519 : vector<1x16xf32> to vector<16xf32>
        %parallel_loop3A_521 = arith.constant 27.7128124 : f32
        %parallel_loop3A_522 = vector.broadcast %parallel_loop3A_521 : f32 to vector<16xf32>
        %parallel_loop3A_523 = arith.mulf %parallel_loop3A_520, %parallel_loop3A_522 : vector<16xf32>
        %parallel_loop3A_524 = arith.index_cast %parallel_loop3A_144 : i32 to index
        %parallel_loop3A_525 = arith.constant 496 : index
        %parallel_loop3A_526 = tpu.vector_load %arg9[%parallel_loop3A_524, %parallel_loop3A_525] {strides = array<i32>} : memref<32x768xf32, #tpu.memory_space<vmem>>, vector<1x16xf32>,
        %parallel_loop3A_527 = vector.shape_cast %parallel_loop3A_526 : vector<1x16xf32> to vector<16xf32>
        %parallel_loop3A_528 = vector.shape_cast %parallel_loop3A_523 : vector<16xf32> to vector<1x16xf32>
        tpu.vector_store %arg9[%parallel_loop3A_524, %parallel_loop3A_525], %parallel_loop3A_528 {strides = array<i32>} : memref<32x768xf32, #tpu.memory_space<vmem>>, vector<1x16xf32>,
        %parallel_loop3A_529 = arith.index_cast %parallel_loop3A_144 : i32 to index
        %parallel_loop3A_530 = arith.constant 512 : index
        %parallel_loop3A_531 = tpu.vector_load %arg9[%parallel_loop3A_529, %parallel_loop3A_530] {strides = array<i32>} : memref<32x768xf32, #tpu.memory_space<vmem>>, vector<1x16xf32>,
        %parallel_loop3A_532 = vector.shape_cast %parallel_loop3A_531 : vector<1x16xf32> to vector<16xf32>
        %parallel_loop3A_533 = arith.constant 27.7128124 : f32
        %parallel_loop3A_534 = vector.broadcast %parallel_loop3A_533 : f32 to vector<16xf32>
        %parallel_loop3A_535 = arith.mulf %parallel_loop3A_532, %parallel_loop3A_534 : vector<16xf32>
        %parallel_loop3A_536 = arith.index_cast %parallel_loop3A_144 : i32 to index
        %parallel_loop3A_537 = arith.constant 512 : index
        %parallel_loop3A_538 = tpu.vector_load %arg9[%parallel_loop3A_536, %parallel_loop3A_537] {strides = array<i32>} : memref<32x768xf32, #tpu.memory_space<vmem>>, vector<1x16xf32>,
        %parallel_loop3A_539 = vector.shape_cast %parallel_loop3A_538 : vector<1x16xf32> to vector<16xf32>
        %parallel_loop3A_540 = vector.shape_cast %parallel_loop3A_535 : vector<16xf32> to vector<1x16xf32>
        tpu.vector_store %arg9[%parallel_loop3A_536, %parallel_loop3A_537], %parallel_loop3A_540 {strides = array<i32>} : memref<32x768xf32, #tpu.memory_space<vmem>>, vector<1x16xf32>,
        %parallel_loop3A_541 = arith.index_cast %parallel_loop3A_144 : i32 to index
        %parallel_loop3A_542 = arith.constant 528 : index
        %parallel_loop3A_543 = tpu.vector_load %arg9[%parallel_loop3A_541, %parallel_loop3A_542] {strides = array<i32>} : memref<32x768xf32, #tpu.memory_space<vmem>>, vector<1x16xf32>,
        %parallel_loop3A_544 = vector.shape_cast %parallel_loop3A_543 : vector<1x16xf32> to vector<16xf32>
        %parallel_loop3A_545 = arith.constant 27.7128124 : f32
        %parallel_loop3A_546 = vector.broadcast %parallel_loop3A_545 : f32 to vector<16xf32>
        %parallel_loop3A_547 = arith.mulf %parallel_loop3A_544, %parallel_loop3A_546 : vector<16xf32>
        %parallel_loop3A_548 = arith.index_cast %parallel_loop3A_144 : i32 to index
        %parallel_loop3A_549 = arith.constant 528 : index
        %parallel_loop3A_550 = tpu.vector_load %arg9[%parallel_loop3A_548, %parallel_loop3A_549] {strides = array<i32>} : memref<32x768xf32, #tpu.memory_space<vmem>>, vector<1x16xf32>,
        %parallel_loop3A_551 = vector.shape_cast %parallel_loop3A_550 : vector<1x16xf32> to vector<16xf32>
        %parallel_loop3A_552 = vector.shape_cast %parallel_loop3A_547 : vector<16xf32> to vector<1x16xf32>
        tpu.vector_store %arg9[%parallel_loop3A_548, %parallel_loop3A_549], %parallel_loop3A_552 {strides = array<i32>} : memref<32x768xf32, #tpu.memory_space<vmem>>, vector<1x16xf32>,
        %parallel_loop3A_553 = arith.index_cast %parallel_loop3A_144 : i32 to index
        %parallel_loop3A_554 = arith.constant 544 : index
        %parallel_loop3A_555 = tpu.vector_load %arg9[%parallel_loop3A_553, %parallel_loop3A_554] {strides = array<i32>} : memref<32x768xf32, #tpu.memory_space<vmem>>, vector<1x16xf32>,
        %parallel_loop3A_556 = vector.shape_cast %parallel_loop3A_555 : vector<1x16xf32> to vector<16xf32>
        %parallel_loop3A_557 = arith.constant 27.7128124 : f32
        %parallel_loop3A_558 = vector.broadcast %parallel_loop3A_557 : f32 to vector<16xf32>
        %parallel_loop3A_559 = arith.mulf %parallel_loop3A_556, %parallel_loop3A_558 : vector<16xf32>
        %parallel_loop3A_560 = arith.index_cast %parallel_loop3A_144 : i32 to index
        %parallel_loop3A_561 = arith.constant 544 : index
        %parallel_loop3A_562 = tpu.vector_load %arg9[%parallel_loop3A_560, %parallel_loop3A_561] {strides = array<i32>} : memref<32x768xf32, #tpu.memory_space<vmem>>, vector<1x16xf32>,
        %parallel_loop3A_563 = vector.shape_cast %parallel_loop3A_562 : vector<1x16xf32> to vector<16xf32>
        %parallel_loop3A_564 = vector.shape_cast %parallel_loop3A_559 : vector<16xf32> to vector<1x16xf32>
        tpu.vector_store %arg9[%parallel_loop3A_560, %parallel_loop3A_561], %parallel_loop3A_564 {strides = array<i32>} : memref<32x768xf32, #tpu.memory_space<vmem>>, vector<1x16xf32>,
        %parallel_loop3A_565 = arith.index_cast %parallel_loop3A_144 : i32 to index
        %parallel_loop3A_566 = arith.constant 560 : index
        %parallel_loop3A_567 = tpu.vector_load %arg9[%parallel_loop3A_565, %parallel_loop3A_566] {strides = array<i32>} : memref<32x768xf32, #tpu.memory_space<vmem>>, vector<1x16xf32>,
        %parallel_loop3A_568 = vector.shape_cast %parallel_loop3A_567 : vector<1x16xf32> to vector<16xf32>
        %parallel_loop3A_569 = arith.constant 27.7128124 : f32
        %parallel_loop3A_570 = vector.broadcast %parallel_loop3A_569 : f32 to vector<16xf32>
        %parallel_loop3A_571 = arith.mulf %parallel_loop3A_568, %parallel_loop3A_570 : vector<16xf32>
        %parallel_loop3A_572 = arith.index_cast %parallel_loop3A_144 : i32 to index
        %parallel_loop3A_573 = arith.constant 560 : index
        %parallel_loop3A_574 = tpu.vector_load %arg9[%parallel_loop3A_572, %parallel_loop3A_573] {strides = array<i32>} : memref<32x768xf32, #tpu.memory_space<vmem>>, vector<1x16xf32>,
        %parallel_loop3A_575 = vector.shape_cast %parallel_loop3A_574 : vector<1x16xf32> to vector<16xf32>
        %parallel_loop3A_576 = vector.shape_cast %parallel_loop3A_571 : vector<16xf32> to vector<1x16xf32>
        tpu.vector_store %arg9[%parallel_loop3A_572, %parallel_loop3A_573], %parallel_loop3A_576 {strides = array<i32>} : memref<32x768xf32, #tpu.memory_space<vmem>>, vector<1x16xf32>,
        %parallel_loop3A_577 = arith.index_cast %parallel_loop3A_144 : i32 to index
        %parallel_loop3A_578 = arith.constant 576 : index
        %parallel_loop3A_579 = tpu.vector_load %arg9[%parallel_loop3A_577, %parallel_loop3A_578] {strides = array<i32>} : memref<32x768xf32, #tpu.memory_space<vmem>>, vector<1x16xf32>,
        %parallel_loop3A_580 = vector.shape_cast %parallel_loop3A_579 : vector<1x16xf32> to vector<16xf32>
        %parallel_loop3A_581 = arith.constant 27.7128124 : f32
        %parallel_loop3A_582 = vector.broadcast %parallel_loop3A_581 : f32 to vector<16xf32>
        %parallel_loop3A_583 = arith.mulf %parallel_loop3A_580, %parallel_loop3A_582 : vector<16xf32>
        %parallel_loop3A_584 = arith.index_cast %parallel_loop3A_144 : i32 to index
        %parallel_loop3A_585 = arith.constant 576 : index
        %parallel_loop3A_586 = tpu.vector_load %arg9[%parallel_loop3A_584, %parallel_loop3A_585] {strides = array<i32>} : memref<32x768xf32, #tpu.memory_space<vmem>>, vector<1x16xf32>,
        %parallel_loop3A_587 = vector.shape_cast %parallel_loop3A_586 : vector<1x16xf32> to vector<16xf32>
        %parallel_loop3A_588 = vector.shape_cast %parallel_loop3A_583 : vector<16xf32> to vector<1x16xf32>
        tpu.vector_store %arg9[%parallel_loop3A_584, %parallel_loop3A_585], %parallel_loop3A_588 {strides = array<i32>} : memref<32x768xf32, #tpu.memory_space<vmem>>, vector<1x16xf32>,
        %parallel_loop3A_589 = arith.index_cast %parallel_loop3A_144 : i32 to index
        %parallel_loop3A_590 = arith.constant 592 : index
        %parallel_loop3A_591 = tpu.vector_load %arg9[%parallel_loop3A_589, %parallel_loop3A_590] {strides = array<i32>} : memref<32x768xf32, #tpu.memory_space<vmem>>, vector<1x16xf32>,
        %parallel_loop3A_592 = vector.shape_cast %parallel_loop3A_591 : vector<1x16xf32> to vector<16xf32>
        %parallel_loop3A_593 = arith.constant 27.7128124 : f32
        %parallel_loop3A_594 = vector.broadcast %parallel_loop3A_593 : f32 to vector<16xf32>
        %parallel_loop3A_595 = arith.mulf %parallel_loop3A_592, %parallel_loop3A_594 : vector<16xf32>
        %parallel_loop3A_596 = arith.index_cast %parallel_loop3A_144 : i32 to index
        %parallel_loop3A_597 = arith.constant 592 : index
        %parallel_loop3A_598 = tpu.vector_load %arg9[%parallel_loop3A_596, %parallel_loop3A_597] {strides = array<i32>} : memref<32x768xf32, #tpu.memory_space<vmem>>, vector<1x16xf32>,
        %parallel_loop3A_599 = vector.shape_cast %parallel_loop3A_598 : vector<1x16xf32> to vector<16xf32>
        %parallel_loop3A_600 = vector.shape_cast %parallel_loop3A_595 : vector<16xf32> to vector<1x16xf32>
        tpu.vector_store %arg9[%parallel_loop3A_596, %parallel_loop3A_597], %parallel_loop3A_600 {strides = array<i32>} : memref<32x768xf32, #tpu.memory_space<vmem>>, vector<1x16xf32>,
        %parallel_loop3A_601 = arith.index_cast %parallel_loop3A_144 : i32 to index
        %parallel_loop3A_602 = arith.constant 608 : index
        %parallel_loop3A_603 = tpu.vector_load %arg9[%parallel_loop3A_601, %parallel_loop3A_602] {strides = array<i32>} : memref<32x768xf32, #tpu.memory_space<vmem>>, vector<1x16xf32>,
        %parallel_loop3A_604 = vector.shape_cast %parallel_loop3A_603 : vector<1x16xf32> to vector<16xf32>
        %parallel_loop3A_605 = arith.constant 27.7128124 : f32
        %parallel_loop3A_606 = vector.broadcast %parallel_loop3A_605 : f32 to vector<16xf32>
        %parallel_loop3A_607 = arith.mulf %parallel_loop3A_604, %parallel_loop3A_606 : vector<16xf32>
        %parallel_loop3A_608 = arith.index_cast %parallel_loop3A_144 : i32 to index
        %parallel_loop3A_609 = arith.constant 608 : index
        %parallel_loop3A_610 = tpu.vector_load %arg9[%parallel_loop3A_608, %parallel_loop3A_609] {strides = array<i32>} : memref<32x768xf32, #tpu.memory_space<vmem>>, vector<1x16xf32>,
        %parallel_loop3A_611 = vector.shape_cast %parallel_loop3A_610 : vector<1x16xf32> to vector<16xf32>
        %parallel_loop3A_612 = vector.shape_cast %parallel_loop3A_607 : vector<16xf32> to vector<1x16xf32>
        tpu.vector_store %arg9[%parallel_loop3A_608, %parallel_loop3A_609], %parallel_loop3A_612 {strides = array<i32>} : memref<32x768xf32, #tpu.memory_space<vmem>>, vector<1x16xf32>,
        %parallel_loop3A_613 = arith.index_cast %parallel_loop3A_144 : i32 to index
        %parallel_loop3A_614 = arith.constant 624 : index
        %parallel_loop3A_615 = tpu.vector_load %arg9[%parallel_loop3A_613, %parallel_loop3A_614] {strides = array<i32>} : memref<32x768xf32, #tpu.memory_space<vmem>>, vector<1x16xf32>,
        %parallel_loop3A_616 = vector.shape_cast %parallel_loop3A_615 : vector<1x16xf32> to vector<16xf32>
        %parallel_loop3A_617 = arith.constant 27.7128124 : f32
        %parallel_loop3A_618 = vector.broadcast %parallel_loop3A_617 : f32 to vector<16xf32>
        %parallel_loop3A_619 = arith.mulf %parallel_loop3A_616, %parallel_loop3A_618 : vector<16xf32>
        %parallel_loop3A_620 = arith.index_cast %parallel_loop3A_144 : i32 to index
        %parallel_loop3A_621 = arith.constant 624 : index
        %parallel_loop3A_622 = tpu.vector_load %arg9[%parallel_loop3A_620, %parallel_loop3A_621] {strides = array<i32>} : memref<32x768xf32, #tpu.memory_space<vmem>>, vector<1x16xf32>,
        %parallel_loop3A_623 = vector.shape_cast %parallel_loop3A_622 : vector<1x16xf32> to vector<16xf32>
        %parallel_loop3A_624 = vector.shape_cast %parallel_loop3A_619 : vector<16xf32> to vector<1x16xf32>
        tpu.vector_store %arg9[%parallel_loop3A_620, %parallel_loop3A_621], %parallel_loop3A_624 {strides = array<i32>} : memref<32x768xf32, #tpu.memory_space<vmem>>, vector<1x16xf32>,
        %parallel_loop3A_625 = arith.index_cast %parallel_loop3A_144 : i32 to index
        %parallel_loop3A_626 = arith.constant 640 : index
        %parallel_loop3A_627 = tpu.vector_load %arg9[%parallel_loop3A_625, %parallel_loop3A_626] {strides = array<i32>} : memref<32x768xf32, #tpu.memory_space<vmem>>, vector<1x16xf32>,
        %parallel_loop3A_628 = vector.shape_cast %parallel_loop3A_627 : vector<1x16xf32> to vector<16xf32>
        %parallel_loop3A_629 = arith.constant 27.7128124 : f32
        %parallel_loop3A_630 = vector.broadcast %parallel_loop3A_629 : f32 to vector<16xf32>
        %parallel_loop3A_631 = arith.mulf %parallel_loop3A_628, %parallel_loop3A_630 : vector<16xf32>
        %parallel_loop3A_632 = arith.index_cast %parallel_loop3A_144 : i32 to index
        %parallel_loop3A_633 = arith.constant 640 : index
        %parallel_loop3A_634 = tpu.vector_load %arg9[%parallel_loop3A_632, %parallel_loop3A_633] {strides = array<i32>} : memref<32x768xf32, #tpu.memory_space<vmem>>, vector<1x16xf32>,
        %parallel_loop3A_635 = vector.shape_cast %parallel_loop3A_634 : vector<1x16xf32> to vector<16xf32>
        %parallel_loop3A_636 = vector.shape_cast %parallel_loop3A_631 : vector<16xf32> to vector<1x16xf32>
        tpu.vector_store %arg9[%parallel_loop3A_632, %parallel_loop3A_633], %parallel_loop3A_636 {strides = array<i32>} : memref<32x768xf32, #tpu.memory_space<vmem>>, vector<1x16xf32>,
        %parallel_loop3A_637 = arith.index_cast %parallel_loop3A_144 : i32 to index
        %parallel_loop3A_638 = arith.constant 656 : index
        %parallel_loop3A_639 = tpu.vector_load %arg9[%parallel_loop3A_637, %parallel_loop3A_638] {strides = array<i32>} : memref<32x768xf32, #tpu.memory_space<vmem>>, vector<1x16xf32>,
        %parallel_loop3A_640 = vector.shape_cast %parallel_loop3A_639 : vector<1x16xf32> to vector<16xf32>
        %parallel_loop3A_641 = arith.constant 27.7128124 : f32
        %parallel_loop3A_642 = vector.broadcast %parallel_loop3A_641 : f32 to vector<16xf32>
        %parallel_loop3A_643 = arith.mulf %parallel_loop3A_640, %parallel_loop3A_642 : vector<16xf32>
        %parallel_loop3A_644 = arith.index_cast %parallel_loop3A_144 : i32 to index
        %parallel_loop3A_645 = arith.constant 656 : index
        %parallel_loop3A_646 = tpu.vector_load %arg9[%parallel_loop3A_644, %parallel_loop3A_645] {strides = array<i32>} : memref<32x768xf32, #tpu.memory_space<vmem>>, vector<1x16xf32>,
        %parallel_loop3A_647 = vector.shape_cast %parallel_loop3A_646 : vector<1x16xf32> to vector<16xf32>
        %parallel_loop3A_648 = vector.shape_cast %parallel_loop3A_643 : vector<16xf32> to vector<1x16xf32>
        tpu.vector_store %arg9[%parallel_loop3A_644, %parallel_loop3A_645], %parallel_loop3A_648 {strides = array<i32>} : memref<32x768xf32, #tpu.memory_space<vmem>>, vector<1x16xf32>,
        %parallel_loop3A_649 = arith.index_cast %parallel_loop3A_144 : i32 to index
        %parallel_loop3A_650 = arith.constant 672 : index
        %parallel_loop3A_651 = tpu.vector_load %arg9[%parallel_loop3A_649, %parallel_loop3A_650] {strides = array<i32>} : memref<32x768xf32, #tpu.memory_space<vmem>>, vector<1x16xf32>,
        %parallel_loop3A_652 = vector.shape_cast %parallel_loop3A_651 : vector<1x16xf32> to vector<16xf32>
        %parallel_loop3A_653 = arith.constant 27.7128124 : f32
        %parallel_loop3A_654 = vector.broadcast %parallel_loop3A_653 : f32 to vector<16xf32>
        %parallel_loop3A_655 = arith.mulf %parallel_loop3A_652, %parallel_loop3A_654 : vector<16xf32>
        %parallel_loop3A_656 = arith.index_cast %parallel_loop3A_144 : i32 to index
        %parallel_loop3A_657 = arith.constant 672 : index
        %parallel_loop3A_658 = tpu.vector_load %arg9[%parallel_loop3A_656, %parallel_loop3A_657] {strides = array<i32>} : memref<32x768xf32, #tpu.memory_space<vmem>>, vector<1x16xf32>,
        %parallel_loop3A_659 = vector.shape_cast %parallel_loop3A_658 : vector<1x16xf32> to vector<16xf32>
        %parallel_loop3A_660 = vector.shape_cast %parallel_loop3A_655 : vector<16xf32> to vector<1x16xf32>
        tpu.vector_store %arg9[%parallel_loop3A_656, %parallel_loop3A_657], %parallel_loop3A_660 {strides = array<i32>} : memref<32x768xf32, #tpu.memory_space<vmem>>, vector<1x16xf32>,
        %parallel_loop3A_661 = arith.index_cast %parallel_loop3A_144 : i32 to index
        %parallel_loop3A_662 = arith.constant 688 : index
        %parallel_loop3A_663 = tpu.vector_load %arg9[%parallel_loop3A_661, %parallel_loop3A_662] {strides = array<i32>} : memref<32x768xf32, #tpu.memory_space<vmem>>, vector<1x16xf32>,
        %parallel_loop3A_664 = vector.shape_cast %parallel_loop3A_663 : vector<1x16xf32> to vector<16xf32>
        %parallel_loop3A_665 = arith.constant 27.7128124 : f32
        %parallel_loop3A_666 = vector.broadcast %parallel_loop3A_665 : f32 to vector<16xf32>
        %parallel_loop3A_667 = arith.mulf %parallel_loop3A_664, %parallel_loop3A_666 : vector<16xf32>
        %parallel_loop3A_668 = arith.index_cast %parallel_loop3A_144 : i32 to index
        %parallel_loop3A_669 = arith.constant 688 : index
        %parallel_loop3A_670 = tpu.vector_load %arg9[%parallel_loop3A_668, %parallel_loop3A_669] {strides = array<i32>} : memref<32x768xf32, #tpu.memory_space<vmem>>, vector<1x16xf32>,
        %parallel_loop3A_671 = vector.shape_cast %parallel_loop3A_670 : vector<1x16xf32> to vector<16xf32>
        %parallel_loop3A_672 = vector.shape_cast %parallel_loop3A_667 : vector<16xf32> to vector<1x16xf32>
        tpu.vector_store %arg9[%parallel_loop3A_668, %parallel_loop3A_669], %parallel_loop3A_672 {strides = array<i32>} : memref<32x768xf32, #tpu.memory_space<vmem>>, vector<1x16xf32>,
        %parallel_loop3A_673 = arith.index_cast %parallel_loop3A_144 : i32 to index
        %parallel_loop3A_674 = arith.constant 704 : index
        %parallel_loop3A_675 = tpu.vector_load %arg9[%parallel_loop3A_673, %parallel_loop3A_674] {strides = array<i32>} : memref<32x768xf32, #tpu.memory_space<vmem>>, vector<1x16xf32>,
        %parallel_loop3A_676 = vector.shape_cast %parallel_loop3A_675 : vector<1x16xf32> to vector<16xf32>
        %parallel_loop3A_677 = arith.constant 27.7128124 : f32
        %parallel_loop3A_678 = vector.broadcast %parallel_loop3A_677 : f32 to vector<16xf32>
        %parallel_loop3A_679 = arith.mulf %parallel_loop3A_676, %parallel_loop3A_678 : vector<16xf32>
        %parallel_loop3A_680 = arith.index_cast %parallel_loop3A_144 : i32 to index
        %parallel_loop3A_681 = arith.constant 704 : index
        %parallel_loop3A_682 = tpu.vector_load %arg9[%parallel_loop3A_680, %parallel_loop3A_681] {strides = array<i32>} : memref<32x768xf32, #tpu.memory_space<vmem>>, vector<1x16xf32>,
        %parallel_loop3A_683 = vector.shape_cast %parallel_loop3A_682 : vector<1x16xf32> to vector<16xf32>
        %parallel_loop3A_684 = vector.shape_cast %parallel_loop3A_679 : vector<16xf32> to vector<1x16xf32>
        tpu.vector_store %arg9[%parallel_loop3A_680, %parallel_loop3A_681], %parallel_loop3A_684 {strides = array<i32>} : memref<32x768xf32, #tpu.memory_space<vmem>>, vector<1x16xf32>,
        %parallel_loop3A_685 = arith.index_cast %parallel_loop3A_144 : i32 to index
        %parallel_loop3A_686 = arith.constant 720 : index
        %parallel_loop3A_687 = tpu.vector_load %arg9[%parallel_loop3A_685, %parallel_loop3A_686] {strides = array<i32>} : memref<32x768xf32, #tpu.memory_space<vmem>>, vector<1x16xf32>,
        %parallel_loop3A_688 = vector.shape_cast %parallel_loop3A_687 : vector<1x16xf32> to vector<16xf32>
        %parallel_loop3A_689 = arith.constant 27.7128124 : f32
        %parallel_loop3A_690 = vector.broadcast %parallel_loop3A_689 : f32 to vector<16xf32>
        %parallel_loop3A_691 = arith.mulf %parallel_loop3A_688, %parallel_loop3A_690 : vector<16xf32>
        %parallel_loop3A_692 = arith.index_cast %parallel_loop3A_144 : i32 to index
        %parallel_loop3A_693 = arith.constant 720 : index
        %parallel_loop3A_694 = tpu.vector_load %arg9[%parallel_loop3A_692, %parallel_loop3A_693] {strides = array<i32>} : memref<32x768xf32, #tpu.memory_space<vmem>>, vector<1x16xf32>,
        %parallel_loop3A_695 = vector.shape_cast %parallel_loop3A_694 : vector<1x16xf32> to vector<16xf32>
        %parallel_loop3A_696 = vector.shape_cast %parallel_loop3A_691 : vector<16xf32> to vector<1x16xf32>
        tpu.vector_store %arg9[%parallel_loop3A_692, %parallel_loop3A_693], %parallel_loop3A_696 {strides = array<i32>} : memref<32x768xf32, #tpu.memory_space<vmem>>, vector<1x16xf32>,
        %parallel_loop3A_697 = arith.index_cast %parallel_loop3A_144 : i32 to index
        %parallel_loop3A_698 = arith.constant 736 : index
        %parallel_loop3A_699 = tpu.vector_load %arg9[%parallel_loop3A_697, %parallel_loop3A_698] {strides = array<i32>} : memref<32x768xf32, #tpu.memory_space<vmem>>, vector<1x16xf32>,
        %parallel_loop3A_700 = vector.shape_cast %parallel_loop3A_699 : vector<1x16xf32> to vector<16xf32>
        %parallel_loop3A_701 = arith.constant 27.7128124 : f32
        %parallel_loop3A_702 = vector.broadcast %parallel_loop3A_701 : f32 to vector<16xf32>
        %parallel_loop3A_703 = arith.mulf %parallel_loop3A_700, %parallel_loop3A_702 : vector<16xf32>
        %parallel_loop3A_704 = arith.index_cast %parallel_loop3A_144 : i32 to index
        %parallel_loop3A_705 = arith.constant 736 : index
        %parallel_loop3A_706 = tpu.vector_load %arg9[%parallel_loop3A_704, %parallel_loop3A_705] {strides = array<i32>} : memref<32x768xf32, #tpu.memory_space<vmem>>, vector<1x16xf32>,
        %parallel_loop3A_707 = vector.shape_cast %parallel_loop3A_706 : vector<1x16xf32> to vector<16xf32>
        %parallel_loop3A_708 = vector.shape_cast %parallel_loop3A_703 : vector<16xf32> to vector<1x16xf32>
        tpu.vector_store %arg9[%parallel_loop3A_704, %parallel_loop3A_705], %parallel_loop3A_708 {strides = array<i32>} : memref<32x768xf32, #tpu.memory_space<vmem>>, vector<1x16xf32>,
        %parallel_loop3A_709 = arith.index_cast %parallel_loop3A_144 : i32 to index
        %parallel_loop3A_710 = arith.constant 752 : index
        %parallel_loop3A_711 = tpu.vector_load %arg9[%parallel_loop3A_709, %parallel_loop3A_710] {strides = array<i32>} : memref<32x768xf32, #tpu.memory_space<vmem>>, vector<1x16xf32>,
        %parallel_loop3A_712 = vector.shape_cast %parallel_loop3A_711 : vector<1x16xf32> to vector<16xf32>
        %parallel_loop3A_713 = arith.constant 27.7128124 : f32
        %parallel_loop3A_714 = vector.broadcast %parallel_loop3A_713 : f32 to vector<16xf32>
        %parallel_loop3A_715 = arith.mulf %parallel_loop3A_712, %parallel_loop3A_714 : vector<16xf32>
        %parallel_loop3A_716 = arith.index_cast %parallel_loop3A_144 : i32 to index
        %parallel_loop3A_717 = arith.constant 752 : index
        %parallel_loop3A_718 = tpu.vector_load %arg9[%parallel_loop3A_716, %parallel_loop3A_717] {strides = array<i32>} : memref<32x768xf32, #tpu.memory_space<vmem>>, vector<1x16xf32>,
        %parallel_loop3A_719 = vector.shape_cast %parallel_loop3A_718 : vector<1x16xf32> to vector<16xf32>
        %parallel_loop3A_720 = vector.shape_cast %parallel_loop3A_715 : vector<16xf32> to vector<1x16xf32>
        tpu.vector_store %arg9[%parallel_loop3A_716, %parallel_loop3A_717], %parallel_loop3A_720 {strides = array<i32>} : memref<32x768xf32, #tpu.memory_space<vmem>>, vector<1x16xf32>,
      } {sc.loop_unroll_factor = 2 : i64, sc.parallel_access}
      %mul3A_137 = arith.constant 32 : i32
      %mul3A_138 = arith.muli %add3A_120, %mul3A_137 : i32
      %add3A_139 = arith.addi %mul3A_2, %mul3A_138 : i32
      %dma_start3A_140 = arith.constant 0 : i32
      %dma_start3A_141 = tpu.memref_slice %arg4[%add3A_139, %dma_start3A_140] : memref<32768x768xf32, #tpu.memory_space<hbm>> -> memref<32x768xf32, #tpu.memory_space<hbm>>
      %dma_start3A_142 = arith.constant 0 : i32
      %dma_start3A_143 = tpu.memref_slice %arg4[%add3A_139, %dma_start3A_142] : memref<32768x768xf32, #tpu.memory_space<hbm>> -> memref<32x768xf32, #tpu.memory_space<hbm>>
      tpu.enqueue_dma source(%arg9 : memref<32x768xf32, #tpu.memory_space<vmem>>) target(%dma_start3A_143 : memref<32x768xf32, #tpu.memory_space<hbm>>) target_semaphore(%arg17 : memref<!tpu.dma_semaphore, #tpu.memory_space<semaphore_mem>>)
    }
    %scan3A_19 = arith.constant 8 : i32
    %add3A_20 = arith.constant 896 : i32
    %add3A_21 = arith.addi %mul3A_2, %add3A_20 : i32
    %dma_wait3A = arith.constant 0 : i32
    %dma_wait3A_22 = tpu.memref_slice %arg4[%add3A_21, %dma_wait3A] : memref<32768x768xf32, #tpu.memory_space<hbm>> -> memref<32x768xf32, #tpu.memory_space<hbm>>
    %dma_wait3A_23 = arith.constant 0 : i32
    %dma_wait3A_24 = tpu.memref_slice %arg4[%add3A_21, %dma_wait3A_23] : memref<32768x768xf32, #tpu.memory_space<hbm>> -> memref<32x768xf32, #tpu.memory_space<hbm>>
    tpu.wait_dma2 semaphore(%arg14 : memref<!tpu.dma_semaphore, #tpu.memory_space<semaphore_mem>>) src(%arg6 : memref<32x768xf32, #tpu.memory_space<vmem>>) dst(%dma_wait3A_24 : memref<32x768xf32, #tpu.memory_space<hbm>>)
    %add3A_25 = arith.constant 928 : i32
    %add3A_26 = arith.addi %mul3A_2, %add3A_25 : i32
    %dma_wait3A_27 = arith.constant 0 : i32
    %dma_wait3A_28 = tpu.memref_slice %arg4[%add3A_26, %dma_wait3A_27] : memref<32768x768xf32, #tpu.memory_space<hbm>> -> memref<32x768xf32, #tpu.memory_space<hbm>>
    %dma_wait3A_29 = arith.constant 0 : i32
    %dma_wait3A_30 = tpu.memref_slice %arg4[%add3A_26, %dma_wait3A_29] : memref<32768x768xf32, #tpu.memory_space<hbm>> -> memref<32x768xf32, #tpu.memory_space<hbm>>
    tpu.wait_dma2 semaphore(%arg15 : memref<!tpu.dma_semaphore, #tpu.memory_space<semaphore_mem>>) src(%arg7 : memref<32x768xf32, #tpu.memory_space<vmem>>) dst(%dma_wait3A_30 : memref<32x768xf32, #tpu.memory_space<hbm>>)
    %add3A_31 = arith.constant 960 : i32
    %add3A_32 = arith.addi %mul3A_2, %add3A_31 : i32
    %dma_wait3A_33 = arith.constant 0 : i32
    %dma_wait3A_34 = tpu.memref_slice %arg4[%add3A_32, %dma_wait3A_33] : memref<32768x768xf32, #tpu.memory_space<hbm>> -> memref<32x768xf32, #tpu.memory_space<hbm>>
    %dma_wait3A_35 = arith.constant 0 : i32
    %dma_wait3A_36 = tpu.memref_slice %arg4[%add3A_32, %dma_wait3A_35] : memref<32768x768xf32, #tpu.memory_space<hbm>> -> memref<32x768xf32, #tpu.memory_space<hbm>>
    tpu.wait_dma2 semaphore(%arg16 : memref<!tpu.dma_semaphore, #tpu.memory_space<semaphore_mem>>) src(%arg8 : memref<32x768xf32, #tpu.memory_space<vmem>>) dst(%dma_wait3A_36 : memref<32x768xf32, #tpu.memory_space<hbm>>)
    %add3A_37 = arith.constant 992 : i32
    %add3A_38 = arith.addi %mul3A_2, %add3A_37 : i32
    %dma_wait3A_39 = arith.constant 0 : i32
    %dma_wait3A_40 = tpu.memref_slice %arg4[%add3A_38, %dma_wait3A_39] : memref<32768x768xf32, #tpu.memory_space<hbm>> -> memref<32x768xf32, #tpu.memory_space<hbm>>
    %dma_wait3A_41 = arith.constant 0 : i32
    %dma_wait3A_42 = tpu.memref_slice %arg4[%add3A_38, %dma_wait3A_41] : memref<32768x768xf32, #tpu.memory_space<hbm>> -> memref<32x768xf32, #tpu.memory_space<hbm>>
    tpu.wait_dma2 semaphore(%arg17 : memref<!tpu.dma_semaphore, #tpu.memory_space<semaphore_mem>>) src(%arg9 : memref<32x768xf32, #tpu.memory_space<vmem>>) dst(%dma_wait3A_42 : memref<32x768xf32, #tpu.memory_space<hbm>>)
    return
  }
}

</mosaic_0001>

<sc_bundles>
// kernel: kernel.3.cloned.1.call-start
scs
__scs_entry_jumppad:
0x0: {  	(pc) =	sbr.rel $0x88, $3  }
0x1: {  	(tag) =	ssettag $0x0;
	lr =	simm.s32 $0x1  }
0x2: {  	[smem:$0x3F9F] =	sst lr;
	_ =	strace $0xD0000000  }
0x3: {  	_ = 	snop  }
0x4: {  	_ = 	snop  }
0x5: {  	_ = 	snop  }
0x6: {  	_ = 	snop  }
0x7: {  	_ = 	snop  }
__scs_overlays_trampoline_lowered:
0x8: {  	[smem:$0x3FAE] =	sst s0  }
0x9: {  	[smem:$0x3FAF] =	sst s1  }
0xa: {  	[smem:$0x3FB0] =	sst s2  }
0xb: {  	[smem:$0x3FB1] =	sst s3  }
0xc: {  	[smem:$0x3FB2] =	sst s4  }
0xd: {  	[smem:$0x3FB3] =	sst s5  }
0xe: {  	[smem:$0x3FB4] =	sst s6  }
0xf: {  	[smem:$0x3FB5] =	sst s7  }
0x10: {  	[smem:$0x3FB6] =	sst s8  }
0x11: {  	[smem:$0x3FB7] =	sst s9;
	s0 =	simm.s32 @!p0 $0x0  }
0x12: {  	s1 =	sld [smem:$0x3F9D];
	s0 =	simm.s32 @p0 $0x1  }
0x13: {  	[smem:$0x3FB8] =	sst s0;
	s0 =	simm.s32 @!p1 $0x0  }
0x14: {  	s2 =	sld [smem:$0x3F9C];
	s0 =	simm.s32 @p1 $0x1  }
0x15: {  	[smem:$0x3FB9] =	sst s0;
	s0 =	simm.s32 @!p2 $0x0  }
0x16: {  	s3 =	sld [smem:$0x3FDB];
	s0 =	simm.s32 @p2 $0x1  }
0x17: {  	s4 =	simm.s32 $0x1BF5;
	[smem:$0x3FBB] =	sst s0  }
0x18: {  	s0 =	sld [smem:$0x3F9E];
	_ =	swait.ge [sflag:s4], $0x0  }
0x19: {  	s7 =	sld [smem:$0x3F9F]  }
0x1a: {  	s8 =	sadd.s32 $0xFFFFE003, lr  }
0x1b: {  	s9 =	sadd.s32 $0xFFFFFEF7, lr;
	s5 =	simm.s32 $0xFFFFFFFF;
	p2 =	slt.u32 s8, $0xFFFFF086  }
0x1c: {  	p1 =	slt.u32 s9, $0xF7A;
	s5 =	simm.s32 @!p2 $0x0  }
0x1d: {  	s5 =	simm.s32 @p1 $0x1;
	p0 =	seq.s32 s7, s2  }
0x1e: {  	s7 =	smul.u32 @!p0 $0xF7A, s2;
	p2 =	seq.s32 @!p0 s5, $0x0  }
0x1f: {  	s9 =	smul.u32 $0xF7A, s1;
	s8 =	simm.s32 @!p0 $0x1BF5;
	p2 =	por !p2, p0  }
0x20: {  	[sflag:s8] =	ssyncset.s32 @!p0 $0xFFFFF086;
	s6 =	sadd.s32 @!p0 s3, s7;
	s7 =	simm.s32 @!p0 $0x108  }
0x21: {  	s3 =	sadd.s32 s3, s9;
	s6 =	sadd.s32 @!p0 $0x88, s6;
	s7 =	simm.s32 @p2 $0x1082  }
0x22: {  	[simem:s7], [sflag:s8] =	dma.local @!p0 [hbm:s6], $0xF7A  }
0x23: {  	s9 =	sor.u32 $0xD0000000, s2;
	s6 =	simm.s32 $0x108;
	_ =	swait.ge @!p0 [sflag:s8], $0x0  }
0x24: {  	s3 =	sadd.s32 $0x88, s3;
	s6 =	simm.s32 @!p1 $0x1082;
	[sflag:s4] =	ssyncset.s32 $0xFFFFF086  }
0x25: {  	[simem:s6], [sflag:s4] =	dma.local [hbm:s3], $0xF7A  }
0x26: {  	[smem:$0x3F9F] =	sst s1;
	(tag) =	ssettag s2;
	_ =	strace s9  }
0x27: {  	s1 =	sld [smem:$0x3FAF]  }
0x28: {  	s2 =	sld [smem:$0x3FB0]  }
0x29: {  	s4 =	sld [smem:$0x3FB2]  }
0x2a: {  	p0 =	seq.s32 s5, $0x0;
	s5 =	sld [smem:$0x3FB3]  }
0x2b: {  	s6 =	sld [smem:$0x3FB4]  }
0x2c: {  	s7 =	sld [smem:$0x3FB5]  }
0x2d: {  	s3 =	simm.s32 $0x108;
	s8 =	sld [smem:$0x3FB6]  }
0x2e: {  	s3 =	simm.s32 @!p0 $0x1082;
	s9 =	sld [smem:$0x3FB7]  }
0x2f: {  	lr =	sadd.s32 s0, s3;
	s0 =	sld [smem:$0x3FAE]  }
0x30: {  	s3 =	sld [smem:$0x3FB1]  }
0x31: {  	[smem:$0x3FBA] =	sst s10  }
0x32: {  	s10 =	sld [smem:$0x3FB8];
	_ =	sdelay $0x3  }
0x33: {  	p0 =	seq.s32 s10, $0x1;
	s10 =	sld [smem:$0x3FBA];
	_ =	sdelay $0x3  }
0x34: {  	[smem:$0x3FBA] =	sst s10  }
0x35: {  	s10 =	sld [smem:$0x3FB9];
	_ =	sdelay $0x3  }
0x36: {  	p1 =	seq.s32 s10, $0x1;
	s10 =	sld [smem:$0x3FBA];
	_ =	sdelay $0x3  }
0x37: {  	[smem:$0x3FBA] =	sst s10  }
0x38: {  	s10 =	sld [smem:$0x3FBB]  }
0x39: {  	_ = 	snop;
	(pc) =	sbr.ind lr, $3  }
0x3a: {  	_ = 	snop  }
0x3b: {  	_ = 	snop  }
0x3c: {  	p2 =	seq.s32 s10, $0x1;
	s10 =	sld [smem:$0x3FBA]  }
0x3d: {  	_ =	shalt  }
0x3e: {  	_ =	shalt  }
0x3f: {  	_ =	shalt  }
0x40: {  	_ =	shalt  }
0x41: {  	_ =	shalt  }
0x42: {  	_ =	shalt  }
0x43: {  	_ =	shalt  }
0x44: {  	_ =	shalt  }
0x45: {  	_ =	shalt  }
0x46: {  	_ =	shalt  }
0x47: {  	_ =	shalt  }
0x48: {  	_ =	shalt  }
0x49: {  	_ =	shalt  }
0x4a: {  	_ =	shalt  }
0x4b: {  	_ =	shalt  }
0x4c: {  	_ =	shalt  }
0x4d: {  	_ =	shalt  }
0x4e: {  	_ =	shalt  }
0x4f: {  	_ =	shalt  }
0x50: {  	_ =	shalt  }
0x51: {  	_ =	shalt  }
0x52: {  	_ =	shalt  }
0x53: {  	_ =	shalt  }
0x54: {  	_ =	shalt  }
0x55: {  	_ =	shalt  }
0x56: {  	_ =	shalt  }
0x57: {  	_ =	shalt  }
0x58: {  	_ =	shalt  }
0x59: {  	_ =	shalt  }
0x5a: {  	_ =	shalt  }
0x5b: {  	_ =	shalt  }
0x5c: {  	_ =	shalt  }
0x5d: {  	_ =	shalt  }
0x5e: {  	_ =	shalt  }
0x5f: {  	_ =	shalt  }
0x60: {  	_ =	shalt  }
0x61: {  	_ =	shalt  }
0x62: {  	_ =	shalt  }
0x63: {  	_ =	shalt  }
0x64: {  	_ =	shalt  }
0x65: {  	_ =	shalt  }
0x66: {  	_ =	shalt  }
0x67: {  	_ =	shalt  }
0x68: {  	_ =	shalt  }
0x69: {  	_ =	shalt  }
0x6a: {  	_ =	shalt  }
0x6b: {  	_ =	shalt  }
0x6c: {  	_ =	shalt  }
0x6d: {  	_ =	shalt  }
0x6e: {  	_ =	shalt  }
0x6f: {  	_ =	shalt  }
0x70: {  	_ =	shalt  }
0x71: {  	_ =	shalt  }
0x72: {  	_ =	shalt  }
0x73: {  	_ =	shalt  }
0x74: {  	_ =	shalt  }
0x75: {  	_ =	shalt  }
0x76: {  	_ =	shalt  }
0x77: {  	_ =	shalt  }
0x78: {  	_ =	shalt  }
0x79: {  	_ =	shalt  }
0x7a: {  	_ =	shalt  }
0x7b: {  	_ =	shalt  }
0x7c: {  	_ =	shalt  }
0x7d: {  	_ =	shalt  }
0x7e: {  	_ =	shalt  }
0x7f: {  	_ =	shalt  }
0x80: {  	_ =	shalt  }
0x81: {  	_ =	shalt  }
0x82: {  	_ =	shalt  }
0x83: {  	_ =	shalt  }
0x84: {  	_ =	shalt  }
0x85: {  	_ =	shalt  }
0x86: {  	_ =	shalt  }
0x87: {  	_ =	shalt  }
.Lfunc_end0:
.L_simem_size_0:
called_computation_lowered:
.L_overlay_start_0:
0x88: {  	s2 =	sld [smem:$0x3FD9]  }
0x89: {  	s3 =	sld [smem:$0x3FFE];
	_ =	sdelay $0x1  }
0x8a: {  	s1 =	srdreg.scid  }
0x8b: {  	s0 =	sand.u32 $0x1, s1  }
0x8c: {  	s17 =	sshll.u32 s0, $0xA;
	s2 =	sadd.s32 s3, s2  }
0x8d: {  	s2 =	sadd.s32 s2, s17  }
0x8e: {  	[smem:$0x3FC6] =	sst s2  }
0x8f: {  	_ = 	snop  }
0x90: {  	s2 =	sld [smem:$0x3FC8]  }
0x91: {  	s18 =	sld [smem:$0x3FD0];
	(tm) =	ssettm $0x1  }
0x92: {  	s4 =	sld [smem:$0x3FFB];
	_ =	sdelay $0x3  }
0x93: {  	_ =	strace s4  }
0x94: {  	s4 =	sld [smem:$0x3FFC];
	_ =	sdelay $0x3  }
0x95: {  	_ =	strace s4  }
0x96: {  	s4 =	sld [smem:$0x3FFD];
	_ =	sdelay $0x3  }
0x97: {  	_ =	strace s4  }
0x98: {  	_ =	strace $0x8FFFFFFF  }
0x99: {  	s19 =	sld [smem:$0x3FDB];
	_ =	sdelay $0x1  }
0x9a: {  	s5 =	simm.s32 $_scs_section_size  }
0x9b: {  	s6 =	simm.s32 $_size__tile_overlayer_lowered;
	s7 =	simm.s32 $_tile_overlayer_lowered  }
0x9c: {  	s22 =	simm.s32 $0x1BFF;
	s21 =	sshll.u32 s7, $0x1;
	s4 =	sadd.s32 s5, s19  }
0x9d: {  	s8 =	simm.s32 $0x0;
	s20 =	sshll.u32 s6, $0x1;
	s6 =	sadd.s32 s21, s4  }
0x9e: {  	[timem:s8], [sflag:s22] =	dma.local [hbm:s6], s20  }
0x9f: {  	_ =	swait.ge [sflag:s22], s20  }
0xa0: {  	s5 =	ssub.s32 $0x0, s20;
	[sflag:s22] =	ssyncset.done $0x0  }
0xa1: {  	[sflag:s22] =	ssyncadd.s32 s5;
	_ =	sdelay $0x1  }
0xa2: {  	s23 =	simm.s32 $0x1B8B  }
0xa3: {  	_ =	swait.ge [sflag:s23], $0x1  }
0xa4: {  	[sflag:s23] =	ssyncset.done $0x0  }
0xa5: {  	s25 =	simm.s32 $0x1B8E;
	s24 =	sld [smem:$0x3FFE];
	[sflag:s23] =	ssyncadd.s32 $0xFFFFFFFF  }
0xa6: {  	s26 =	simm.s32 $execute0_lowered;
	[smem:$0x3FD2] =	sst s25  }
0xa7: {  	s6 =	sshll.u32 s26, $0x1;
	_ =	strace $0x80000046;
	[dreg:$0x1] =	wrdreg $0xFFFFFFFF  }
0xa8: {  	s28 =	simm.s32 $_size_execute0_lowered;
	s4 =	sadd.s32 s4, s6;
	[dreg:$0x0] =	wrdreg $0x0  }
0xa9: {  	s6 =	sshll.u32 s28, $0x1;
	[dreg:$0x2] =	wrdreg s4  }
0xaa: {  	[dreg:$0x3] =	wrdreg s6  }
0xab: {  	[dreg:$0x4] =	wrdreg $0xC0  }
0xac: {  	_ =	task [dreg:s8], $0x5FFFF  }
0xad: {  	[dreg:$0x1] =	wrdreg $0xFFFFFFFF  }
0xae: {  	[dreg:$0x0] =	wrdreg $0x60  }
0xaf: {  	[dreg:$0x2] =	wrdreg s24  }
0xb0: {  	[dreg:$0x3] =	wrdreg s2  }
0xb1: {  	[dreg:$0x4] =	wrdreg s18  }
0xb2: {  	[dreg:$0x5] =	wrdreg $0x9  }
0xb3: {  	_ =	task.clear_ibuf [dreg:s8], $0x6FFFF;
	_ =	strace $0x90000046  }
0xb4: {  	s29 =	simm.s32 $0x9;
	_ =	strace $0x80000048  }
0xb5: {  	_ =	swait.ge [sflag:s29], $0x1  }
0xb6: {  	[sflag:s29] =	ssyncadd.s32 $0xFFFFFFFF  }
0xb7: {  	_ =	strace $0x90000048  }
0xb8: {  	_ =	sfence  }
0xb9: {  	s30 =	sld [smem:$0x0];
	_ =	sdelay $0x2  }
0xba: {  	s31 =	sshll.u32 s1, $0xD;
	s1 =	sshrl.u32 s1, $0x2  }
0xbb: {  	s3 =	sand.u32 $0x4000, s31;
	s1 =	sadd.s32 s1, s30  }
0xbc: {  	s0 =	sor.u32 s3, s0;
	s1 =	sshll.u32 s1, $0x11  }
0xbd: {  	s0 =	sor.u32 s1, s0  }
0xbe: {  	s0 =	sadd.s32 $0x8F2B, s0  }
0xbf: {  	[sflag:s0] =	ssyncadd.remote.s32 $0x1  }
0xc0: {  	_ =	sfence.sel $0xFFFF  }
0xc1: {  	[dreg:$0x0] =	wrdreg $0xFFFFFFFF;
	(pc) =	sbr.abs _section_cstart, $3  }
0xc2: {  	[dreg:$0x1] =	wrdreg $0xFFFFFFFF  }
0xc3: {  	_ =	task.clear_ibuf [dreg:s8], $0x2FFFF;
	_ =	strace $0x9FFFFFFF  }
0xc4: {  	(tm) =	ssettm $0x7FFFFFFF  }
0xc5: {  	_ =	shalt  }
tec
execute0_lowered:
.L_overlay_start_1:
0x0: {  	(tag) =	ssettag $0x1  }
0x1: {  	s0 =	rddreg [dreg:$0x0]  }
0x2: {  	s2 =	rddreg [dreg:$0x1]  }
0x3: {  	s3 =	rddreg [dreg:$0x2];
	s1 =	srdreg.scid  }
0x4: {  	s4 =	stileid.u32;
	s23 =	simm.s32 $0x7000;
	s14 =	simm.s32 $0xD000  }
0x5: {  	s28 =	simm.s32 $0x1;
	s29 =	simm.s32 $0x13000;
	s17 =	simm.s32 $0x2  }
0x6: {  	s18 =	simm.s32 $0x3;
	s1 =	sand.u32 $0x1, s1;
	s5 =	sshll.u32 s4, $0x1  }
0x7: {  	s19 =	simm.s32 $0x4;
	s4 =	simm.s32 $0x0;
	s5 =	sor.u32 s1, s5  }
0x8: {  	s8 =	sadd.s32 $0x200, s2;
	s1 =	ssub.s32 $0x2, s1;
	s6 =	sshll.u32 s5, $0x9  }
0x9: {  	[smem:$0x7FF] =	sst s4;
	s7 =	sshrl.u32 s1, $0x1;
	s0 =	sadd.s32 s6, s0  }
0xa: {  	v2 =	vlaneseq.u32;
	_ =	strace $0x80000047;
	s1 =	ssub.s32 s1, s7;
	s0 =	sadd.s32 $0x400, s0  }
0xb: {  	vm0 =	vmmov $0xffff;
	v1 =	vshrl.u32 v2, $0x3;
	s5 =	sshll.u32 s5, $0xA;
	s31 =	smax.u32 s1, $0x1;
	[dreg:$0x4] =	wrdreg s0  }
0xc: {  	v0 =	vand.u32 $0x7, v2;
	v2 =	vor.u32 $0x8, v2;
	v1 =	vmul.u32 $0x8, v1;
	s7 =	sadd.s32 $0x100, s2;
	s6 =	simm.s32 $0x0;
	[dreg:$0x5] =	wrdreg s31  }
.LBB2_1:
0xd: {  	[dreg:$0x6] =	wrdreg s6  }
0xe: {  	s0 =	rddreg [dreg:$0x4];
	s21 =	simm.s32 $0x9  }
0xf: {  	[tilespmem:s4], [sflag:$0x9] =	stream.linear.gather [hbm4b:s0+s4], $0x1000, $0x38;
	[tilespmem:$0x19000] =	vst v63  }
0x10: {  	_ =	swait.ge [sflag:s21], $0x1000  }
0x11: {  	[sflag:s21] =	ssyncset.done $0x0  }
0x12: {  	[sflag:s21] =	ssyncadd.s32 $0xFFFFF000  }
0x13: {  	v3 =	vld [tilespmem:$0x0];
	_ =	sdelay $0x4  }
0x14: {  	v4 =	vshrl.u32 v3, $0x3  }
0x15: {  	v4 =	vmul.u32 $0x30, v4  }
0x16: {  	v3 =	vand.u32 $0x7, v3  }
0x17: {  	v3 =	vor.u32 v3, v4  }
0x18: {  	v4 =	vperm.xlane v3, v0;
	_ =	sdelay $0x1  }
0x19: {  	v4 =	vadd.s32 v1, v4;
	_ =	sdelay $0x3  }
0x1a: {  	s22 =	simm.s32 $0x1000;
	v3 =	vperm.xlane v3, v2  }
0x1b: {  	[tilespmem:s22], [sflag:$0x1] =	stream.indirect_vreg.gather [hbm4b:s2+s4], $0x80, v4, vm0, $0xb8;
	[tilespmem:$0x19000] =	vst v63  }
0x1c: {  	s24 =	simm.s32 $0x1800;
	v3 =	vadd.s32 v1, v3  }
0x1d: {  	[tilespmem:s24], [sflag:$0x1] =	stream.indirect_vreg.gather [hbm4b:s7+s4], $0x80, v4, vm0, $0xb8;
	[tilespmem:$0x19000] =	vst v63  }
0x1e: {  	s25 =	simm.s32 $0x2000  }
0x1f: {  	[tilespmem:s25], [sflag:$0x1] =	stream.indirect_vreg.gather [hbm4b:s8+s4], $0x80, v4, vm0, $0xb8;
	[tilespmem:$0x19000] =	vst v63  }
0x20: {  	s26 =	simm.s32 $0x2800  }
0x21: {  	[tilespmem:s26], [sflag:$0x1] =	stream.indirect_vreg.gather [hbm4b:s2+s4], $0x80, v3, vm0, $0xb8;
	[tilespmem:$0x19000] =	vst v63  }
0x22: {  	s30 =	simm.s32 $0x3000  }
0x23: {  	[tilespmem:s30], [sflag:$0x1] =	stream.indirect_vreg.gather [hbm4b:s7+s4], $0x80, v3, vm0, $0xb8;
	[tilespmem:$0x19000] =	vst v63  }
0x24: {  	s31 =	simm.s32 $0x3800  }
0x25: {  	[tilespmem:s31], [sflag:$0x1] =	stream.indirect_vreg.gather [hbm4b:s8+s4], $0x80, v3, vm0, $0xb8;
	[tilespmem:$0x19000] =	vst v63  }
0x26: {  	v3 =	vld [tilespmem:$0x10];
	_ =	sdelay $0x4  }
0x27: {  	v61 =	vshrl.u32 v3, $0x3  }
0x28: {  	v4 =	vmul.u32 $0x30, v61  }
0x29: {  	v3 =	vand.u32 $0x7, v3  }
0x2a: {  	v3 =	vor.u32 v3, v4  }
0x2b: {  	v4 =	vperm.xlane v3, v0;
	_ =	sdelay $0x1  }
0x2c: {  	v4 =	vadd.s32 v1, v4;
	_ =	sdelay $0x3  }
0x2d: {  	s1 =	simm.s32 $0x4000;
	v3 =	vperm.xlane v3, v2  }
0x2e: {  	[tilespmem:s1], [sflag:$0x1] =	stream.indirect_vreg.gather [hbm4b:s2+s4], $0x80, v4, vm0, $0xb8;
	[tilespmem:$0x19000] =	vst v63  }
0x2f: {  	s6 =	simm.s32 $0x4800;
	v3 =	vadd.s32 v1, v3  }
0x30: {  	[tilespmem:s6], [sflag:$0x1] =	stream.indirect_vreg.gather [hbm4b:s7+s4], $0x80, v4, vm0, $0xb8;
	[tilespmem:$0x19000] =	vst v63  }
0x31: {  	s9 =	simm.s32 $0x5000  }
0x32: {  	[tilespmem:s9], [sflag:$0x1] =	stream.indirect_vreg.gather [hbm4b:s8+s4], $0x80, v4, vm0, $0xb8;
	[tilespmem:$0x19000] =	vst v63  }
0x33: {  	s10 =	simm.s32 $0x5800  }
0x34: {  	[tilespmem:s10], [sflag:$0x1] =	stream.indirect_vreg.gather [hbm4b:s2+s4], $0x80, v3, vm0, $0xb8;
	[tilespmem:$0x19000] =	vst v63  }
0x35: {  	s11 =	simm.s32 $0x6000  }
0x36: {  	[tilespmem:s11], [sflag:$0x1] =	stream.indirect_vreg.gather [hbm4b:s7+s4], $0x80, v3, vm0, $0xb8;
	[tilespmem:$0x19000] =	vst v63  }
0x37: {  	s12 =	simm.s32 $0x6800  }
0x38: {  	[tilespmem:s12], [sflag:$0x1] =	stream.indirect_vreg.gather [hbm4b:s8+s4], $0x80, v3, vm0, $0xb8;
	[tilespmem:$0x19000] =	vst v63  }
0x39: {  	v3 =	vld [tilespmem:$0x80];
	_ =	sdelay $0x4  }
0x3a: {  	v62 =	vshrl.u32 v3, $0x3  }
0x3b: {  	v4 =	vmul.u32 $0x30, v62  }
0x3c: {  	v3 =	vand.u32 $0x7, v3  }
0x3d: {  	v3 =	vor.u32 v3, v4  }
0x3e: {  	v4 =	vperm.xlane v3, v0;
	_ =	sdelay $0x1  }
0x3f: {  	v4 =	vadd.s32 v1, v4;
	_ =	sdelay $0x3  }
0x40: {  	v3 =	vperm.xlane v3, v2  }
0x41: {  	[tilespmem:s23], [sflag:$0x2] =	stream.indirect_vreg.gather [hbm4b:s2+s4], $0x80, v4, vm0, $0xb8;
	[tilespmem:$0x19000] =	vst v63  }
0x42: {  	s13 =	simm.s32 $0x7800;
	v3 =	vadd.s32 v1, v3  }
0x43: {  	[tilespmem:s13], [sflag:$0x2] =	stream.indirect_vreg.gather [hbm4b:s7+s4], $0x80, v4, vm0, $0xb8;
	[tilespmem:$0x19000] =	vst v63  }
0x44: {  	s15 =	simm.s32 $0x8000  }
0x45: {  	[tilespmem:s15], [sflag:$0x2] =	stream.indirect_vreg.gather [hbm4b:s8+s4], $0x80, v4, vm0, $0xb8;
	[tilespmem:$0x19000] =	vst v63  }
0x46: {  	s16 =	simm.s32 $0x8800  }
0x47: {  	[tilespmem:s16], [sflag:$0x2] =	stream.indirect_vreg.gather [hbm4b:s2+s4], $0x80, v3, vm0, $0xb8;
	[tilespmem:$0x19000] =	vst v63  }
0x48: {  	s20 =	simm.s32 $0x9000  }
0x49: {  	[tilespmem:s20], [sflag:$0x2] =	stream.indirect_vreg.gather [hbm4b:s7+s4], $0x80, v3, vm0, $0xb8;
	[tilespmem:$0x19000] =	vst v63  }
0x4a: {  	s21 =	simm.s32 $0x9800  }
0x4b: {  	[tilespmem:s21], [sflag:$0x2] =	stream.indirect_vreg.gather [hbm4b:s8+s4], $0x80, v3, vm0, $0xb8;
	[tilespmem:$0x19000] =	vst v63  }
0x4c: {  	v3 =	vld [tilespmem:$0x90];
	_ =	sdelay $0x4  }
0x4d: {  	v63 =	vshrl.u32 v3, $0x3  }
0x4e: {  	v4 =	vmul.u32 $0x30, v63  }
0x4f: {  	v3 =	vand.u32 $0x7, v3  }
0x50: {  	v3 =	vor.u32 v3, v4  }
0x51: {  	v4 =	vperm.xlane v3, v0;
	_ =	sdelay $0x1  }
0x52: {  	v4 =	vadd.s32 v1, v4;
	_ =	sdelay $0x3  }
0x53: {  	s22 =	simm.s32 $0xA000;
	v3 =	vperm.xlane v3, v2  }
0x54: {  	[tilespmem:s22], [sflag:$0x2] =	stream.indirect_vreg.gather [hbm4b:s2+s4], $0x80, v4, vm0, $0xb8;
	[tilespmem:$0x19000] =	vst v63  }
0x55: {  	s24 =	simm.s32 $0xA800;
	v3 =	vadd.s32 v1, v3  }
0x56: {  	[tilespmem:s24], [sflag:$0x2] =	stream.indirect_vreg.gather [hbm4b:s7+s4], $0x80, v4, vm0, $0xb8;
	[tilespmem:$0x19000] =	vst v63  }
0x57: {  	s25 =	simm.s32 $0xB000  }
0x58: {  	[tilespmem:s25], [sflag:$0x2] =	stream.indirect_vreg.gather [hbm4b:s8+s4], $0x80, v4, vm0, $0xb8;
	[tilespmem:$0x19000] =	vst v63  }
0x59: {  	s26 =	simm.s32 $0xB800  }
0x5a: {  	[tilespmem:s26], [sflag:$0x2] =	stream.indirect_vreg.gather [hbm4b:s2+s4], $0x80, v3, vm0, $0xb8;
	[tilespmem:$0x19000] =	vst v63  }
0x5b: {  	s30 =	simm.s32 $0xC000  }
0x5c: {  	[tilespmem:s30], [sflag:$0x2] =	stream.indirect_vreg.gather [hbm4b:s7+s4], $0x80, v3, vm0, $0xb8;
	[tilespmem:$0x19000] =	vst v63  }
0x5d: {  	s31 =	simm.s32 $0xC800;
	s20 =	simm.s32 $0x0  }
0x5e: {  	[tilespmem:s31], [sflag:$0x2] =	stream.indirect_vreg.gather [hbm4b:s8+s4], $0x80, v3, vm0, $0xb8;
	[tilespmem:$0x19000] =	vst v63  }
.LBB2_2:
0x5f: {  	p0 =	seq.s32 s20, $0x0  }
0x60: {  	s21 =	sshll.u32 s20, $0x2;
	s0 =	simm.s32 @!p0 $0x7  }
0x61: {  	s22 =	sor.u32 $0x2, s21;
	_ =	swait.ge @!p0 [sflag:s0], $0x6000  }
0x62: {  	s1 =	sshll.u32 s22, $0x7;
	[sflag:s0] =	ssyncset.done @!p0 $0x0  }
0x63: {  	s31 =	sand.u32 $0x3FFFFF80, s1;
	[sflag:s0] =	ssyncadd.s32 @!p0 $0xFFFFA000  }
0x64: {  	v3 =	vld [tilespmem:s31+$0x0];
	_ =	sdelay $0x4  }
0x65: {  	v4 =	vshrl.u32 v3, $0x3  }
0x66: {  	v4 =	vmul.u32 $0x30, v4  }
0x67: {  	v3 =	vand.u32 $0x7, v3  }
0x68: {  	v3 =	vor.u32 v3, v4  }
0x69: {  	v4 =	vperm.xlane v3, v0;
	_ =	sdelay $0x1  }
0x6a: {  	v4 =	vadd.s32 v1, v4;
	_ =	sdelay $0x3  }
0x6b: {  	s1 =	simm.s32 $0x0;
	v3 =	vperm.xlane v3, v2  }
0x6c: {  	[tilespmem:s14], [sflag:$0x3] =	stream.indirect_vreg.gather [hbm4b:s2+s1], $0x80, v4, vm0, $0xb8;
	[tilespmem:$0x19000] =	vst v63  }
0x6d: {  	s6 =	simm.s32 $0xD800;
	v3 =	vadd.s32 v1, v3  }
0x6e: {  	[tilespmem:s6], [sflag:$0x3] =	stream.indirect_vreg.gather [hbm4b:s7+s1], $0x80, v4, vm0, $0xb8;
	[tilespmem:$0x19000] =	vst v63  }
0x6f: {  	s9 =	simm.s32 $0xE000  }
0x70: {  	[tilespmem:s9], [sflag:$0x3] =	stream.indirect_vreg.gather [hbm4b:s8+s1], $0x80, v4, vm0, $0xb8;
	[tilespmem:$0x19000] =	vst v63  }
0x71: {  	s10 =	simm.s32 $0xE800  }
0x72: {  	[tilespmem:s10], [sflag:$0x3] =	stream.indirect_vreg.gather [hbm4b:s2+s1], $0x80, v3, vm0, $0xb8;
	[tilespmem:$0x19000] =	vst v63  }
0x73: {  	s11 =	simm.s32 $0xF000  }
0x74: {  	[tilespmem:s11], [sflag:$0x3] =	stream.indirect_vreg.gather [hbm4b:s7+s1], $0x80, v3, vm0, $0xb8;
	[tilespmem:$0x19000] =	vst v63  }
0x75: {  	s12 =	simm.s32 $0xF800  }
0x76: {  	[tilespmem:s12], [sflag:$0x3] =	stream.indirect_vreg.gather [hbm4b:s8+s1], $0x80, v3, vm0, $0xb8;
	[tilespmem:$0x19000] =	vst v63  }
0x77: {  	v3 =	vld [tilespmem:s31+$0x10];
	_ =	sdelay $0x4  }
0x78: {  	v4 =	vshrl.u32 v3, $0x3  }
0x79: {  	v4 =	vmul.u32 $0x30, v4  }
0x7a: {  	v3 =	vand.u32 $0x7, v3  }
0x7b: {  	v3 =	vor.u32 v3, v4  }
0x7c: {  	v4 =	vperm.xlane v3, v0;
	_ =	sdelay $0x1  }
0x7d: {  	v4 =	vadd.s32 v1, v4;
	_ =	sdelay $0x3  }
0x7e: {  	s13 =	simm.s32 $0x10000;
	v3 =	vperm.xlane v3, v2  }
0x7f: {  	[tilespmem:s13], [sflag:$0x3] =	stream.indirect_vreg.gather [hbm4b:s2+s1], $0x80, v4, vm0, $0xb8;
	[tilespmem:$0x19000] =	vst v63  }
0x80: {  	s15 =	simm.s32 $0x10800;
	v3 =	vadd.s32 v1, v3  }
0x81: {  	[tilespmem:s15], [sflag:$0x3] =	stream.indirect_vreg.gather [hbm4b:s7+s1], $0x80, v4, vm0, $0xb8;
	[tilespmem:$0x19000] =	vst v63  }
0x82: {  	s16 =	simm.s32 $0x11000  }
0x83: {  	[tilespmem:s16], [sflag:$0x3] =	stream.indirect_vreg.gather [hbm4b:s8+s1], $0x80, v4, vm0, $0xb8;
	[tilespmem:$0x19000] =	vst v63  }
0x84: {  	s24 =	simm.s32 $0x11800  }
0x85: {  	[tilespmem:s24], [sflag:$0x3] =	stream.indirect_vreg.gather [hbm4b:s2+s1], $0x80, v3, vm0, $0xb8;
	[tilespmem:$0x19000] =	vst v63  }
0x86: {  	s25 =	simm.s32 $0x12000;
	s26 =	simm.s32 $0x0  }
0x87: {  	[tilespmem:s25], [sflag:$0x3] =	stream.indirect_vreg.gather [hbm4b:s7+s1], $0x80, v3, vm0, $0xb8;
	[tilespmem:$0x19000] =	vst v63  }
0x88: {  	s0 =	smul.u32 $0x6000, s26;
	s31 =	simm.s32 $0x12800  }
0x89: {  	[tilespmem:s31], [sflag:$0x3] =	stream.indirect_vreg.gather [hbm4b:s8+s1], $0x80, v3, vm0, $0xb8;
	[tilespmem:$0x19000] =	vst v63  }
0x8a: {  	s0 =	sshra.s32 s0, $0x2;
	s25 =	sand.u32 $0x300, s1;
	_ =	swait.ge [sflag:s28], $0x6000  }
0x8b: {  	s15 =	sadd.s32 $0x1000, s0;
	s16 =	sor.u32 $0x80, s25;
	[sflag:s28] =	ssyncset.done $0x0  }
0x8c: {  	s10 =	sor.u32 s16, s15;
	[sflag:s28] =	ssyncadd.s32 $0xFFFFA000  }
0x8d: {  	v3 =	vld [tilespmem:s10+$0x0]  }
0x8e: {  	v4 =	vld [tilespmem:s10+$0x10]  }
0x8f: {  	v5 =	vld [tilespmem:s10+$0x20]  }
0x90: {  	v6 =	vld [tilespmem:s10+$0x30]  }
0x91: {  	v7 =	vld [tilespmem:s10+$0x40]  }
0x92: {  	v8 =	vld [tilespmem:s10+$0x50];
	v3 =	vmul.f32 $2.771281240e+01, v3  }
0x93: {  	v9 =	vld [tilespmem:s10+$0x60];
	v4 =	vmul.f32 $2.771281240e+01, v4  }
0x94: {  	[tilespmem:s10+$0x0] =	vst v3;
	v3 =	vmul.f32 $2.771281240e+01, v5;
	v5 =	vld [tilespmem:s10+$0x70]  }
0x95: {  	[tilespmem:s10+$0x10] =	vst v4;
	v4 =	vmul.f32 $2.771281240e+01, v6;
	v6 =	vld [tilespmem:s10+$0x400]  }
0x96: {  	[tilespmem:s10+$0x20] =	vst v3;
	v3 =	vmul.f32 $2.771281240e+01, v7;
	v7 =	vld [tilespmem:s10+$0x410]  }
0x97: {  	[tilespmem:s10+$0x30] =	vst v4;
	v4 =	vmul.f32 $2.771281240e+01, v8;
	v8 =	vld [tilespmem:s10+$0x420]  }
0x98: {  	[tilespmem:s10+$0x40] =	vst v3;
	v3 =	vmul.f32 $2.771281240e+01, v9;
	v9 =	vld [tilespmem:s10+$0x430]  }
0x99: {  	[tilespmem:s10+$0x50] =	vst v4;
	v4 =	vmul.f32 $2.771281240e+01, v5;
	v5 =	vld [tilespmem:s10+$0x440]  }
0x9a: {  	[tilespmem:s10+$0x60] =	vst v3;
	v3 =	vmul.f32 $2.771281240e+01, v6;
	v6 =	vld [tilespmem:s10+$0x450]  }
0x9b: {  	[tilespmem:s10+$0x70] =	vst v4;
	v4 =	vmul.f32 $2.771281240e+01, v7;
	v7 =	vld [tilespmem:s10+$0x460]  }
0x9c: {  	s6 =	sor.u32 s25, s15;
	[tilespmem:s10+$0x400] =	vst v3;
	v3 =	vmul.f32 $2.771281240e+01, v8;
	v8 =	vld [tilespmem:s10+$0x470]  }
0x9d: {  	v10 =	vld [tilespmem:s6+$0x0];
	[tilespmem:s10+$0x410] =	vst v4;
	v4 =	vmul.f32 $2.771281240e+01, v9  }
0x9e: {  	v9 =	vld [tilespmem:s6+$0x10];
	[tilespmem:s10+$0x420] =	vst v3;
	v3 =	vmul.f32 $2.771281240e+01, v5  }
0x9f: {  	v5 =	vld [tilespmem:s6+$0x20];
	[tilespmem:s10+$0x430] =	vst v4;
	v4 =	vmul.f32 $2.771281240e+01, v6  }
0xa0: {  	v6 =	vld [tilespmem:s6+$0x30];
	[tilespmem:s10+$0x440] =	vst v3;
	v3 =	vmul.f32 $2.771281240e+01, v7  }
0xa1: {  	v7 =	vld [tilespmem:s6+$0x40];
	[tilespmem:s10+$0x450] =	vst v4;
	v4 =	vmul.f32 $2.771281240e+01, v8  }
0xa2: {  	s9 =	sadd.s32 $0x1800, s0;
	v8 =	vmul.f32 $2.771281240e+01, v10;
	v10 =	vld [tilespmem:s6+$0x50];
	[tilespmem:s10+$0x460] =	vst v3  }
0xa3: {  	s26 =	sor.u32 s16, s9;
	v3 =	vmul.f32 $2.771281240e+01, v9;
	v9 =	vld [tilespmem:s6+$0x60];
	[tilespmem:s10+$0x470] =	vst v4  }
0xa4: {  	[tilespmem:s6+$0x0] =	vst v8;
	v4 =	vmul.f32 $2.771281240e+01, v5;
	v5 =	vld [tilespmem:s26+$0x0]  }
0xa5: {  	[tilespmem:s6+$0x10] =	vst v3;
	v3 =	vmul.f32 $2.771281240e+01, v6;
	v6 =	vld [tilespmem:s26+$0x10]  }
0xa6: {  	[tilespmem:s6+$0x20] =	vst v4;
	v4 =	vmul.f32 $2.771281240e+01, v7;
	v7 =	vld [tilespmem:s26+$0x20]  }
0xa7: {  	v8 =	vld [tilespmem:s26+$0x30];
	[tilespmem:s6+$0x30] =	vst v3;
	v3 =	vmul.f32 $2.771281240e+01, v10  }
0xa8: {  	[tilespmem:s6+$0x40] =	vst v4;
	v4 =	vmul.f32 $2.771281240e+01, v9;
	v9 =	vld [tilespmem:s26+$0x40]  }
0xa9: {  	[tilespmem:s6+$0x50] =	vst v3;
	v3 =	vmul.f32 $2.771281240e+01, v5;
	v5 =	vld [tilespmem:s26+$0x50]  }
0xaa: {  	[tilespmem:s6+$0x60] =	vst v4;
	v4 =	vmul.f32 $2.771281240e+01, v6;
	v6 =	vld [tilespmem:s26+$0x60]  }
0xab: {  	[tilespmem:s26+$0x0] =	vst v3;
	v3 =	vmul.f32 $2.771281240e+01, v7;
	v7 =	vld [tilespmem:s26+$0x70]  }
0xac: {  	v10 =	vld [tilespmem:s6+$0x70];
	[tilespmem:s26+$0x10] =	vst v4;
	v4 =	vmul.f32 $2.771281240e+01, v8  }
0xad: {  	v8 =	vld [tilespmem:s6+$0x400];
	[tilespmem:s26+$0x20] =	vst v3;
	v3 =	vmul.f32 $2.771281240e+01, v9  }
0xae: {  	v9 =	vld [tilespmem:s6+$0x410];
	[tilespmem:s26+$0x30] =	vst v4;
	v4 =	vmul.f32 $2.771281240e+01, v5  }
0xaf: {  	v5 =	vld [tilespmem:s6+$0x420];
	[tilespmem:s26+$0x40] =	vst v3;
	v3 =	vmul.f32 $2.771281240e+01, v6  }
0xb0: {  	v6 =	vld [tilespmem:s6+$0x430];
	[tilespmem:s26+$0x50] =	vst v4;
	v4 =	vmul.f32 $2.771281240e+01, v7  }
0xb1: {  	s12 =	sadd.s32 $0x1C00, s0;
	v7 =	vmul.f32 $2.771281240e+01, v10;
	v10 =	vld [tilespmem:s6+$0x440];
	[tilespmem:s26+$0x60] =	vst v3  }
0xb2: {  	s13 =	sor.u32 s16, s12;
	v3 =	vmul.f32 $2.771281240e+01, v8;
	v8 =	vld [tilespmem:s6+$0x450];
	[tilespmem:s26+$0x70] =	vst v4  }
0xb3: {  	[tilespmem:s6+$0x70] =	vst v7;
	v4 =	vmul.f32 $2.771281240e+01, v9;
	v7 =	vld [tilespmem:s13+$0x0]  }
0xb4: {  	[tilespmem:s6+$0x400] =	vst v3;
	v3 =	vmul.f32 $2.771281240e+01, v5;
	v5 =	vld [tilespmem:s13+$0x10]  }
0xb5: {  	[tilespmem:s6+$0x410] =	vst v4;
	v4 =	vmul.f32 $2.771281240e+01, v6;
	v6 =	vld [tilespmem:s13+$0x20]  }
0xb6: {  	v9 =	vld [tilespmem:s13+$0x30];
	[tilespmem:s6+$0x420] =	vst v3;
	v3 =	vmul.f32 $2.771281240e+01, v10  }
0xb7: {  	[tilespmem:s6+$0x430] =	vst v4;
	v4 =	vmul.f32 $2.771281240e+01, v8;
	v8 =	vld [tilespmem:s13+$0x40]  }
0xb8: {  	[tilespmem:s6+$0x440] =	vst v3;
	v3 =	vmul.f32 $2.771281240e+01, v7;
	v7 =	vld [tilespmem:s13+$0x50]  }
0xb9: {  	[tilespmem:s6+$0x450] =	vst v4;
	v4 =	vmul.f32 $2.771281240e+01, v5;
	v5 =	vld [tilespmem:s13+$0x60]  }
0xba: {  	v10 =	vld [tilespmem:s6+$0x460];
	[tilespmem:s13+$0x0] =	vst v3;
	v3 =	vmul.f32 $2.771281240e+01, v6  }
0xbb: {  	v6 =	vld [tilespmem:s13+$0x70];
	[tilespmem:s13+$0x10] =	vst v4;
	v4 =	vmul.f32 $2.771281240e+01, v9  }
0xbc: {  	v9 =	vld [tilespmem:s6+$0x470];
	[tilespmem:s13+$0x20] =	vst v3;
	v3 =	vmul.f32 $2.771281240e+01, v8  }
0xbd: {  	[tilespmem:s13+$0x30] =	vst v4;
	v4 =	vmul.f32 $2.771281240e+01, v7  }
0xbe: {  	[tilespmem:s13+$0x40] =	vst v3;
	v3 =	vmul.f32 $2.771281240e+01, v5  }
0xbf: {  	v5 =	vmul.f32 $2.771281240e+01, v10;
	[tilespmem:s13+$0x50] =	vst v4  }
0xc0: {  	v4 =	vmul.f32 $2.771281240e+01, v6;
	[tilespmem:s13+$0x60] =	vst v3  }
0xc1: {  	s31 =	sadd.s32 $0x2000, s0;
	v3 =	vmul.f32 $2.771281240e+01, v9;
	[tilespmem:s6+$0x460] =	vst v5  }
0xc2: {  	s11 =	sor.u32 s16, s31;
	[tilespmem:s13+$0x70] =	vst v4  }
0xc3: {  	s9 =	sor.u32 s25, s9;
	v4 =	vld [tilespmem:s11+$0x0];
	[tilespmem:s6+$0x470] =	vst v3  }
0xc4: {  	v3 =	vld [tilespmem:s9+$0x0]  }
0xc5: {  	v5 =	vld [tilespmem:s9+$0x10]  }
0xc6: {  	v6 =	vld [tilespmem:s9+$0x20]  }
0xc7: {  	v7 =	vld [tilespmem:s9+$0x30]  }
0xc8: {  	v8 =	vld [tilespmem:s9+$0x40];
	v4 =	vmul.f32 $2.771281240e+01, v4  }
0xc9: {  	v9 =	vld [tilespmem:s9+$0x50];
	v3 =	vmul.f32 $2.771281240e+01, v3  }
0xca: {  	[tilespmem:s11+$0x0] =	vst v4;
	v4 =	vmul.f32 $2.771281240e+01, v5;
	v5 =	vld [tilespmem:s9+$0x60]  }
0xcb: {  	[tilespmem:s9+$0x0] =	vst v3;
	v3 =	vmul.f32 $2.771281240e+01, v6;
	v6 =	vld [tilespmem:s9+$0x70]  }
0xcc: {  	v10 =	vld [tilespmem:s11+$0x10];
	[tilespmem:s9+$0x10] =	vst v4;
	v4 =	vmul.f32 $2.771281240e+01, v7  }
0xcd: {  	v7 =	vld [tilespmem:s11+$0x20];
	[tilespmem:s9+$0x20] =	vst v3;
	v3 =	vmul.f32 $2.771281240e+01, v8  }
0xce: {  	v8 =	vld [tilespmem:s11+$0x30];
	[tilespmem:s9+$0x30] =	vst v4;
	v4 =	vmul.f32 $2.771281240e+01, v9  }
0xcf: {  	v9 =	vld [tilespmem:s11+$0x40];
	[tilespmem:s9+$0x40] =	vst v3;
	v3 =	vmul.f32 $2.771281240e+01, v5  }
0xd0: {  	v5 =	vld [tilespmem:s11+$0x50];
	[tilespmem:s9+$0x50] =	vst v4;
	v4 =	vmul.f32 $2.771281240e+01, v6  }
0xd1: {  	v6 =	vmul.f32 $2.771281240e+01, v10;
	v10 =	vld [tilespmem:s11+$0x60];
	[tilespmem:s9+$0x60] =	vst v3  }
0xd2: {  	s15 =	sor.u32 s25, s12;
	v3 =	vmul.f32 $2.771281240e+01, v7;
	v7 =	vld [tilespmem:s11+$0x70];
	[tilespmem:s9+$0x70] =	vst v4  }
0xd3: {  	[tilespmem:s11+$0x10] =	vst v6;
	v4 =	vmul.f32 $2.771281240e+01, v8;
	v6 =	vld [tilespmem:s15+$0x0]  }
0xd4: {  	[tilespmem:s11+$0x20] =	vst v3;
	v3 =	vmul.f32 $2.771281240e+01, v9;
	v8 =	vld [tilespmem:s15+$0x10]  }
0xd5: {  	[tilespmem:s11+$0x30] =	vst v4;
	v4 =	vmul.f32 $2.771281240e+01, v5;
	v5 =	vld [tilespmem:s15+$0x20]  }
0xd6: {  	v9 =	vld [tilespmem:s15+$0x30];
	[tilespmem:s11+$0x40] =	vst v3;
	v3 =	vmul.f32 $2.771281240e+01, v10  }
0xd7: {  	[tilespmem:s11+$0x50] =	vst v4;
	v4 =	vmul.f32 $2.771281240e+01, v7;
	v7 =	vld [tilespmem:s15+$0x40]  }
0xd8: {  	[tilespmem:s11+$0x60] =	vst v3;
	v3 =	vmul.f32 $2.771281240e+01, v6;
	v6 =	vld [tilespmem:s15+$0x50]  }
0xd9: {  	[tilespmem:s11+$0x70] =	vst v4;
	v4 =	vmul.f32 $2.771281240e+01, v8;
	v8 =	vld [tilespmem:s15+$0x60]  }
0xda: {  	[tilespmem:s15+$0x0] =	vst v3;
	v3 =	vmul.f32 $2.771281240e+01, v5;
	v5 =	vld [tilespmem:s15+$0x70]  }
0xdb: {  	[tilespmem:s15+$0x10] =	vst v4;
	v4 =	vmul.f32 $2.771281240e+01, v9  }
0xdc: {  	[tilespmem:s15+$0x20] =	vst v3;
	v3 =	vmul.f32 $2.771281240e+01, v7  }
0xdd: {  	s12 =	simm.s32 $0x0;
	[tilespmem:s15+$0x30] =	vst v4;
	v4 =	vmul.f32 $2.771281240e+01, v6  }
0xde: {  	s13 =	smul.u32 $0x6000, s12;
	[tilespmem:s15+$0x40] =	vst v3;
	v3 =	vmul.f32 $2.771281240e+01, v8  }
0xdf: {  	s24 =	simm.s32 $0x100;
	s1 =	sadd.s32 $0x2400, s0;
	[tilespmem:s15+$0x50] =	vst v4;
	v4 =	vmul.f32 $2.771281240e+01, v5  }
0xe0: {  	s0 =	sand.u32 $0x300, s24;
	s6 =	sor.u32 s16, s1;
	s12 =	sshra.s32 s13, $0x2;
	[tilespmem:s15+$0x60] =	vst v3  }
0xe1: {  	s13 =	sor.u32 $0x80, s0;
	s9 =	sor.u32 s25, s31;
	v3 =	vld [tilespmem:s6+$0x70];
	[tilespmem:s15+$0x70] =	vst v4;
	s15 =	sadd.s32 $0x1000, s12  }
0xe2: {  	v4 =	vld [tilespmem:s9+$0x0];
	s16 =	sor.u32 s13, s15  }
0xe3: {  	v5 =	vld [tilespmem:s16+$0x0]  }
0xe4: {  	v6 =	vld [tilespmem:s16+$0x10]  }
0xe5: {  	v7 =	vld [tilespmem:s16+$0x20]  }
0xe6: {  	v8 =	vld [tilespmem:s16+$0x30];
	v3 =	vmul.f32 $2.771281240e+01, v3  }
0xe7: {  	v9 =	vld [tilespmem:s16+$0x40];
	v4 =	vmul.f32 $2.771281240e+01, v4  }
0xe8: {  	v10 =	vld [tilespmem:s16+$0x50];
	[tilespmem:s6+$0x70] =	vst v3;
	v5 =	vmul.f32 $2.771281240e+01, v5  }
0xe9: {  	[tilespmem:s9+$0x0] =	vst v4;
	v4 =	vmul.f32 $2.771281240e+01, v6;
	v6 =	vld [tilespmem:s16+$0x60]  }
0xea: {  	[tilespmem:s16+$0x0] =	vst v5;
	v5 =	vmul.f32 $2.771281240e+01, v7;
	v7 =	vld [tilespmem:s16+$0x70]  }
0xeb: {  	[tilespmem:s16+$0x10] =	vst v4;
	v4 =	vmul.f32 $2.771281240e+01, v8;
	v8 =	vld [tilespmem:s16+$0x400]  }
0xec: {  	[tilespmem:s16+$0x20] =	vst v5;
	v5 =	vmul.f32 $2.771281240e+01, v9;
	v9 =	vld [tilespmem:s16+$0x410]  }
0xed: {  	[tilespmem:s16+$0x30] =	vst v4;
	v4 =	vmul.f32 $2.771281240e+01, v10;
	v10 =	vld [tilespmem:s16+$0x420]  }
0xee: {  	[tilespmem:s16+$0x40] =	vst v5;
	v5 =	vmul.f32 $2.771281240e+01, v6;
	v6 =	vld [tilespmem:s16+$0x430]  }
0xef: {  	[tilespmem:s16+$0x50] =	vst v4;
	v4 =	vmul.f32 $2.771281240e+01, v7;
	v7 =	vld [tilespmem:s16+$0x440]  }
0xf0: {  	[tilespmem:s16+$0x60] =	vst v5;
	v5 =	vmul.f32 $2.771281240e+01, v8;
	v8 =	vld [tilespmem:s16+$0x450]  }
0xf1: {  	[tilespmem:s16+$0x70] =	vst v4;
	v4 =	vmul.f32 $2.771281240e+01, v9;
	v9 =	vld [tilespmem:s16+$0x460]  }
0xf2: {  	s31 =	sor.u32 s0, s15;
	[tilespmem:s16+$0x400] =	vst v5;
	v5 =	vmul.f32 $2.771281240e+01, v10;
	v10 =	vld [tilespmem:s16+$0x470]  }
0xf3: {  	[tilespmem:s16+$0x410] =	vst v4;
	v4 =	vld [tilespmem:s31+$0x0];
	v6 =	vmul.f32 $2.771281240e+01, v6  }
0xf4: {  	[tilespmem:s16+$0x420] =	vst v5;
	v5 =	vld [tilespmem:s31+$0x10];
	v7 =	vmul.f32 $2.771281240e+01, v7  }
0xf5: {  	[tilespmem:s16+$0x430] =	vst v6;
	v6 =	vld [tilespmem:s31+$0x20];
	v8 =	vmul.f32 $2.771281240e+01, v8  }
0xf6: {  	[tilespmem:s16+$0x440] =	vst v7;
	v7 =	vld [tilespmem:s31+$0x30];
	v9 =	vmul.f32 $2.771281240e+01, v9  }
0xf7: {  	[tilespmem:s16+$0x450] =	vst v8;
	v8 =	vld [tilespmem:s31+$0x40];
	v10 =	vmul.f32 $2.771281240e+01, v10  }
0xf8: {  	s26 =	sadd.s32 $0x1800, s12;
	v4 =	vmul.f32 $2.771281240e+01, v4;
	[tilespmem:s16+$0x460] =	vst v9;
	v9 =	vld [tilespmem:s31+$0x50]  }
0xf9: {  	s11 =	sor.u32 s13, s26;
	v5 =	vmul.f32 $2.771281240e+01, v5;
	[tilespmem:s16+$0x470] =	vst v10;
	v10 =	vld [tilespmem:s31+$0x60]  }
0xfa: {  	[tilespmem:s31+$0x0] =	vst v4;
	v4 =	vmul.f32 $2.771281240e+01, v6;
	v6 =	vld [tilespmem:s11+$0x0]  }
0xfb: {  	[tilespmem:s31+$0x10] =	vst v5;
	v5 =	vmul.f32 $2.771281240e+01, v7;
	v7 =	vld [tilespmem:s11+$0x10]  }
0xfc: {  	[tilespmem:s31+$0x20] =	vst v4;
	v4 =	vmul.f32 $2.771281240e+01, v8;
	v8 =	vld [tilespmem:s11+$0x20]  }
0xfd: {  	[tilespmem:s31+$0x30] =	vst v5;
	v5 =	vmul.f32 $2.771281240e+01, v9;
	v9 =	vld [tilespmem:s11+$0x30]  }
0xfe: {  	[tilespmem:s31+$0x40] =	vst v4;
	v4 =	vmul.f32 $2.771281240e+01, v10;
	v10 =	vld [tilespmem:s11+$0x40]  }
0xff: {  	[tilespmem:s31+$0x50] =	vst v5;
	v5 =	vmul.f32 $2.771281240e+01, v6;
	v6 =	vld [tilespmem:s11+$0x50]  }
0x100: {  	[tilespmem:s31+$0x60] =	vst v4;
	v4 =	vmul.f32 $2.771281240e+01, v7;
	v7 =	vld [tilespmem:s11+$0x60]  }
0x101: {  	[tilespmem:s11+$0x0] =	vst v5;
	v5 =	vmul.f32 $2.771281240e+01, v8;
	v8 =	vld [tilespmem:s11+$0x70]  }
0x102: {  	[tilespmem:s11+$0x10] =	vst v4;
	v4 =	vld [tilespmem:s31+$0x70];
	v9 =	vmul.f32 $2.771281240e+01, v9  }
0x103: {  	[tilespmem:s11+$0x20] =	vst v5;
	v5 =	vld [tilespmem:s31+$0x400];
	v10 =	vmul.f32 $2.771281240e+01, v10  }
0x104: {  	[tilespmem:s11+$0x30] =	vst v9;
	v9 =	vld [tilespmem:s31+$0x410];
	v6 =	vmul.f32 $2.771281240e+01, v6  }
0x105: {  	[tilespmem:s11+$0x40] =	vst v10;
	v10 =	vld [tilespmem:s31+$0x420];
	v7 =	vmul.f32 $2.771281240e+01, v7  }
0x106: {  	[tilespmem:s11+$0x50] =	vst v6;
	v6 =	vld [tilespmem:s31+$0x430];
	v8 =	vmul.f32 $2.771281240e+01, v8  }
0x107: {  	s10 =	sadd.s32 $0x1C00, s12;
	v4 =	vmul.f32 $2.771281240e+01, v4;
	[tilespmem:s11+$0x60] =	vst v7;
	v7 =	vld [tilespmem:s31+$0x440]  }
0x108: {  	s16 =	sor.u32 s13, s10;
	v5 =	vmul.f32 $2.771281240e+01, v5;
	[tilespmem:s11+$0x70] =	vst v8;
	v8 =	vld [tilespmem:s31+$0x450]  }
0x109: {  	[tilespmem:s31+$0x70] =	vst v4;
	v4 =	vmul.f32 $2.771281240e+01, v9;
	v9 =	vld [tilespmem:s16+$0x0]  }
0x10a: {  	[tilespmem:s31+$0x400] =	vst v5;
	v5 =	vmul.f32 $2.771281240e+01, v10;
	v10 =	vld [tilespmem:s16+$0x10]  }
0x10b: {  	[tilespmem:s31+$0x410] =	vst v4;
	v4 =	vmul.f32 $2.771281240e+01, v6;
	v6 =	vld [tilespmem:s16+$0x20]  }
0x10c: {  	[tilespmem:s31+$0x420] =	vst v5;
	v5 =	vmul.f32 $2.771281240e+01, v7;
	v7 =	vld [tilespmem:s16+$0x30]  }
0x10d: {  	[tilespmem:s31+$0x430] =	vst v4;
	v4 =	vmul.f32 $2.771281240e+01, v8;
	v8 =	vld [tilespmem:s16+$0x40]  }
0x10e: {  	[tilespmem:s31+$0x440] =	vst v5;
	v5 =	vmul.f32 $2.771281240e+01, v9;
	v9 =	vld [tilespmem:s16+$0x50]  }
0x10f: {  	[tilespmem:s31+$0x450] =	vst v4;
	v4 =	vmul.f32 $2.771281240e+01, v10;
	v10 =	vld [tilespmem:s16+$0x60]  }
0x110: {  	[tilespmem:s16+$0x0] =	vst v5;
	v5 =	vmul.f32 $2.771281240e+01, v6;
	v6 =	vld [tilespmem:s16+$0x70]  }
0x111: {  	[tilespmem:s16+$0x10] =	vst v4;
	v4 =	vld [tilespmem:s31+$0x460];
	v7 =	vmul.f32 $2.771281240e+01, v7  }
0x112: {  	[tilespmem:s16+$0x20] =	vst v5;
	v5 =	vld [tilespmem:s31+$0x470];
	v8 =	vmul.f32 $2.771281240e+01, v8  }
0x113: {  	[tilespmem:s16+$0x30] =	vst v7;
	v7 =	vld [tilespmem:s9+$0x10];
	v9 =	vmul.f32 $2.771281240e+01, v9  }
0x114: {  	[tilespmem:s16+$0x40] =	vst v8;
	v8 =	vld [tilespmem:s9+$0x20];
	v10 =	vmul.f32 $2.771281240e+01, v10  }
0x115: {  	[tilespmem:s16+$0x50] =	vst v9;
	v9 =	vld [tilespmem:s9+$0x30];
	v6 =	vmul.f32 $2.771281240e+01, v6  }
0x116: {  	[tilespmem:s16+$0x60] =	vst v10;
	v10 =	vld [tilespmem:s9+$0x40];
	v4 =	vmul.f32 $2.771281240e+01, v4  }
0x117: {  	[tilespmem:s16+$0x70] =	vst v6;
	v6 =	vld [tilespmem:s9+$0x50];
	v5 =	vmul.f32 $2.771281240e+01, v5  }
0x118: {  	s30 =	sadd.s32 $0x2000, s12;
	v7 =	vmul.f32 $2.771281240e+01, v7;
	[tilespmem:s31+$0x460] =	vst v4;
	v4 =	vld [tilespmem:s9+$0x60]  }
0x119: {  	s11 =	sor.u32 s13, s30;
	v8 =	vmul.f32 $2.771281240e+01, v8;
	[tilespmem:s31+$0x470] =	vst v5;
	v5 =	vld [tilespmem:s9+$0x70]  }
0x11a: {  	[tilespmem:s9+$0x10] =	vst v7;
	v7 =	vmul.f32 $2.771281240e+01, v9;
	v9 =	vld [tilespmem:s11+$0x0]  }
0x11b: {  	[tilespmem:s9+$0x20] =	vst v8;
	v8 =	vmul.f32 $2.771281240e+01, v10;
	v10 =	vld [tilespmem:s11+$0x10]  }
0x11c: {  	[tilespmem:s9+$0x30] =	vst v7;
	v6 =	vmul.f32 $2.771281240e+01, v6;
	v7 =	vld [tilespmem:s11+$0x20]  }
0x11d: {  	[tilespmem:s9+$0x40] =	vst v8;
	v4 =	vmul.f32 $2.771281240e+01, v4;
	v8 =	vld [tilespmem:s11+$0x30]  }
0x11e: {  	[tilespmem:s9+$0x50] =	vst v6;
	v5 =	vmul.f32 $2.771281240e+01, v5;
	v6 =	vld [tilespmem:s11+$0x40]  }
0x11f: {  	[tilespmem:s9+$0x60] =	vst v4;
	v4 =	vmul.f32 $2.771281240e+01, v9;
	v9 =	vld [tilespmem:s11+$0x50]  }
0x120: {  	[tilespmem:s9+$0x70] =	vst v5;
	v5 =	vmul.f32 $2.771281240e+01, v10;
	v10 =	vld [tilespmem:s11+$0x60]  }
0x121: {  	[tilespmem:s11+$0x0] =	vst v4;
	v4 =	vmul.f32 $2.771281240e+01, v7;
	v7 =	vld [tilespmem:s11+$0x70]  }
0x122: {  	[tilespmem:s11+$0x10] =	vst v5;
	v5 =	vld [tilespmem:s6+$0x0];
	v8 =	vmul.f32 $2.771281240e+01, v8  }
0x123: {  	[tilespmem:s11+$0x20] =	vst v4;
	v4 =	vld [tilespmem:s6+$0x10];
	v6 =	vmul.f32 $2.771281240e+01, v6  }
0x124: {  	[tilespmem:s11+$0x30] =	vst v8;
	v8 =	vld [tilespmem:s6+$0x20];
	v9 =	vmul.f32 $2.771281240e+01, v9  }
0x125: {  	[tilespmem:s11+$0x40] =	vst v6;
	v6 =	vld [tilespmem:s6+$0x30];
	v10 =	vmul.f32 $2.771281240e+01, v10  }
0x126: {  	[tilespmem:s11+$0x50] =	vst v9;
	v9 =	vld [tilespmem:s6+$0x40];
	v7 =	vmul.f32 $2.771281240e+01, v7  }
0x127: {  	[tilespmem:s11+$0x60] =	vst v10;
	v10 =	vld [tilespmem:s6+$0x50];
	v5 =	vmul.f32 $2.771281240e+01, v5  }
0x128: {  	s16 =	sor.u32 s0, s26;
	[tilespmem:s11+$0x70] =	vst v7;
	v7 =	vld [tilespmem:s6+$0x60];
	v3 =	vmul.f32 $2.771281240e+01, v4  }
0x129: {  	v4 =	vld [tilespmem:s16+$0x0];
	[tilespmem:s6+$0x0] =	vst v5;
	v5 =	vmul.f32 $2.771281240e+01, v8  }
0x12a: {  	v8 =	vld [tilespmem:s16+$0x10];
	[tilespmem:s6+$0x10] =	vst v3;
	v3 =	vmul.f32 $2.771281240e+01, v6  }
0x12b: {  	v6 =	vld [tilespmem:s16+$0x20];
	[tilespmem:s6+$0x20] =	vst v5;
	v5 =	vmul.f32 $2.771281240e+01, v9  }
0x12c: {  	v9 =	vld [tilespmem:s16+$0x30];
	[tilespmem:s6+$0x30] =	vst v3;
	v3 =	vmul.f32 $2.771281240e+01, v10  }
0x12d: {  	v10 =	vld [tilespmem:s16+$0x40];
	[tilespmem:s6+$0x40] =	vst v5;
	v5 =	vmul.f32 $2.771281240e+01, v7  }
0x12e: {  	v7 =	vld [tilespmem:s16+$0x50];
	[tilespmem:s6+$0x50] =	vst v3;
	v3 =	vmul.f32 $2.771281240e+01, v4  }
0x12f: {  	s31 =	sadd.s32 $0x2400, s12;
	v4 =	vld [tilespmem:s16+$0x60];
	[tilespmem:s6+$0x60] =	vst v5;
	v5 =	vmul.f32 $2.771281240e+01, v8  }
0x130: {  	s26 =	sor.u32 s13, s31;
	[tilespmem:s16+$0x0] =	vst v3;
	v3 =	vmul.f32 $2.771281240e+01, v6;
	v6 =	vld [tilespmem:s16+$0x70]  }
0x131: {  	s25 =	sor.u32 s25, s1;
	v8 =	vld [tilespmem:s26+$0x70];
	[tilespmem:s16+$0x10] =	vst v5;
	v5 =	vmul.f32 $2.771281240e+01, v9  }
0x132: {  	v9 =	vld [tilespmem:s25+$0x0];
	[tilespmem:s16+$0x20] =	vst v3;
	v3 =	vmul.f32 $2.771281240e+01, v10  }
0x133: {  	v10 =	vld [tilespmem:s25+$0x10];
	[tilespmem:s16+$0x30] =	vst v5;
	v5 =	vmul.f32 $2.771281240e+01, v7  }
0x134: {  	v7 =	vld [tilespmem:s25+$0x20];
	[tilespmem:s16+$0x40] =	vst v3;
	v3 =	vmul.f32 $2.771281240e+01, v4  }
0x135: {  	v4 =	vld [tilespmem:s25+$0x30];
	[tilespmem:s16+$0x50] =	vst v5;
	v5 =	vmul.f32 $2.771281240e+01, v6  }
0x136: {  	v8 =	vmul.f32 $2.771281240e+01, v8;
	v6 =	vld [tilespmem:s25+$0x40];
	[tilespmem:s16+$0x60] =	vst v3  }
0x137: {  	v3 =	vld [tilespmem:s25+$0x50];
	[tilespmem:s16+$0x70] =	vst v5;
	v5 =	vmul.f32 $2.771281240e+01, v9  }
0x138: {  	s6 =	sor.u32 s0, s10;
	[tilespmem:s26+$0x70] =	vst v8;
	v9 =	vld [tilespmem:s25+$0x60];
	v8 =	vmul.f32 $2.771281240e+01, v10  }
0x139: {  	v10 =	vld [tilespmem:s6+$0x0];
	[tilespmem:s25+$0x0] =	vst v5;
	v5 =	vmul.f32 $2.771281240e+01, v7  }
0x13a: {  	v7 =	vld [tilespmem:s6+$0x10];
	[tilespmem:s25+$0x10] =	vst v8;
	v4 =	vmul.f32 $2.771281240e+01, v4  }
0x13b: {  	v8 =	vld [tilespmem:s6+$0x20];
	[tilespmem:s25+$0x20] =	vst v5;
	v5 =	vmul.f32 $2.771281240e+01, v6  }
0x13c: {  	v6 =	vld [tilespmem:s6+$0x30];
	[tilespmem:s25+$0x30] =	vst v4;
	v3 =	vmul.f32 $2.771281240e+01, v3  }
0x13d: {  	v4 =	vld [tilespmem:s6+$0x40];
	v9 =	vmul.f32 $2.771281240e+01, v9;
	[tilespmem:s25+$0x40] =	vst v5  }
0x13e: {  	v5 =	vmul.f32 $2.771281240e+01, v10;
	v10 =	vld [tilespmem:s6+$0x50];
	[tilespmem:s25+$0x50] =	vst v3  }
0x13f: {  	v11 =	vld [tilespmem:s6+$0x60];
	v3 =	vmul.f32 $2.771281240e+01, v7;
	[tilespmem:s25+$0x60] =	vst v9  }
0x140: {  	v7 =	vld [tilespmem:s6+$0x70];
	[tilespmem:s6+$0x0] =	vst v5;
	v5 =	vmul.f32 $2.771281240e+01, v8  }
0x141: {  	[tilespmem:s6+$0x10] =	vst v3;
	v8 =	vmul.f32 $2.771281240e+01, v6;
	v3 =	vld [tilespmem:s25+$0x70]  }
0x142: {  	v4 =	vmul.f32 $2.771281240e+01, v4;
	v6 =	vld [tilespmem:s26+$0x0];
	[tilespmem:s6+$0x20] =	vst v5  }
0x143: {  	v5 =	vld [tilespmem:s26+$0x10];
	[tilespmem:s6+$0x30] =	vst v8;
	v9 =	vmul.f32 $2.771281240e+01, v10  }
0x144: {  	s30 =	sor.u32 s0, s30;
	s10 =	sor.u32 s0, s31;
	s0 =	simm.s32 $0x2;
	[tilespmem:s6+$0x40] =	vst v4;
	v8 =	vmul.f32 $2.771281240e+01, v11;
	v4 =	vld [tilespmem:s26+$0x20]  }
.LBB2_3:
0x145: {  	s0 =	sadd.s32 $0x2, s0;
	[tilespmem:s6+$0x50] =	vst v9;
	v7 =	vmul.f32 $2.771281240e+01, v7;
	v9 =	vld [tilespmem:s26+$0x30]  }
0x146: {  	s1 =	sshrl.u32 s0, $0x3;
	p1 =	slt.u32 s0, $0x1E;
	[tilespmem:s6+$0x60] =	vst v8;
	v8 =	vld [tilespmem:s26+$0x40];
	v3 =	vmul.f32 $2.771281240e+01, v3  }
0x147: {  	s1 =	smul.u32 $0x6000, s1;
	[tilespmem:s6+$0x70] =	vst v7;
	v6 =	vmul.f32 $2.771281240e+01, v6;
	v7 =	vld [tilespmem:s26+$0x50]  }
0x148: {  	s24 =	sadd.s32 $0x100, s24;
	v10 =	vld [tilespmem:s30+$0x0];
	v5 =	vmul.f32 $2.771281240e+01, v5;
	[tilespmem:s25+$0x70] =	vst v3;
	s25 =	smov.u32 s10  }
0x149: {  	s31 =	sand.u32 $0x300, s24;
	s12 =	sshra.s32 s1, $0x2;
	v3 =	vld [tilespmem:s30+$0x10];
	[tilespmem:s26+$0x0] =	vst v6;
	v4 =	vmul.f32 $2.771281240e+01, v4  }
0x14a: {  	s1 =	sor.u32 $0x80, s31;
	s6 =	sadd.s32 $0x1000, s12;
	v6 =	vld [tilespmem:s30+$0x20];
	[tilespmem:s26+$0x10] =	vst v5;
	v5 =	vmul.f32 $2.771281240e+01, v9  }
0x14b: {  	s13 =	sor.u32 s31, s6;
	s6 =	sor.u32 s1, s6;
	v9 =	vld [tilespmem:s30+$0x30];
	[tilespmem:s26+$0x20] =	vst v4;
	v4 =	vmul.f32 $2.771281240e+01, v8  }
0x14c: {  	v8 =	vld [tilespmem:s6+$0x0];
	[tilespmem:s26+$0x30] =	vst v5;
	v5 =	vmul.f32 $2.771281240e+01, v7  }
0x14d: {  	v7 =	vld [tilespmem:s6+$0x10];
	v10 =	vmul.f32 $2.771281240e+01, v10;
	[tilespmem:s26+$0x40] =	vst v4  }
0x14e: {  	v4 =	vld [tilespmem:s6+$0x20];
	v3 =	vmul.f32 $2.771281240e+01, v3;
	[tilespmem:s26+$0x50] =	vst v5  }
0x14f: {  	v5 =	vld [tilespmem:s6+$0x30];
	[tilespmem:s30+$0x0] =	vst v10;
	v6 =	vmul.f32 $2.771281240e+01, v6  }
0x150: {  	v10 =	vld [tilespmem:s6+$0x40];
	[tilespmem:s30+$0x10] =	vst v3;
	v3 =	vmul.f32 $2.771281240e+01, v9  }
0x151: {  	v8 =	vmul.f32 $2.771281240e+01, v8;
	v9 =	vld [tilespmem:s6+$0x50];
	[tilespmem:s30+$0x20] =	vst v6  }
0x152: {  	v6 =	vmul.f32 $2.771281240e+01, v7;
	v7 =	vld [tilespmem:s6+$0x60];
	[tilespmem:s30+$0x30] =	vst v3  }
0x153: {  	[tilespmem:s6+$0x0] =	vst v8;
	v3 =	vmul.f32 $2.771281240e+01, v4;
	v4 =	vld [tilespmem:s6+$0x70]  }
0x154: {  	[tilespmem:s6+$0x10] =	vst v6;
	v5 =	vmul.f32 $2.771281240e+01, v5;
	v6 =	vld [tilespmem:s6+$0x400]  }
0x155: {  	[tilespmem:s6+$0x20] =	vst v3;
	v3 =	vmul.f32 $2.771281240e+01, v10;
	v8 =	vld [tilespmem:s6+$0x410]  }
0x156: {  	[tilespmem:s6+$0x30] =	vst v5;
	v5 =	vmul.f32 $2.771281240e+01, v9;
	v9 =	vld [tilespmem:s6+$0x420]  }
0x157: {  	[tilespmem:s6+$0x40] =	vst v3;
	v3 =	vmul.f32 $2.771281240e+01, v7;
	v7 =	vld [tilespmem:s6+$0x430]  }
0x158: {  	[tilespmem:s6+$0x50] =	vst v5;
	v4 =	vmul.f32 $2.771281240e+01, v4;
	v5 =	vld [tilespmem:s6+$0x440]  }
0x159: {  	[tilespmem:s6+$0x60] =	vst v3;
	v3 =	vmul.f32 $2.771281240e+01, v6;
	v6 =	vld [tilespmem:s6+$0x450]  }
0x15a: {  	[tilespmem:s6+$0x70] =	vst v4;
	v4 =	vmul.f32 $2.771281240e+01, v8;
	v8 =	vld [tilespmem:s6+$0x460]  }
0x15b: {  	[tilespmem:s6+$0x400] =	vst v3;
	v3 =	vmul.f32 $2.771281240e+01, v9;
	v9 =	vld [tilespmem:s6+$0x470]  }
0x15c: {  	v10 =	vld [tilespmem:s13+$0x0];
	[tilespmem:s6+$0x410] =	vst v4;
	v4 =	vmul.f32 $2.771281240e+01, v7  }
0x15d: {  	v7 =	vld [tilespmem:s13+$0x10];
	[tilespmem:s6+$0x420] =	vst v3;
	v3 =	vmul.f32 $2.771281240e+01, v5  }
0x15e: {  	v5 =	vld [tilespmem:s13+$0x20];
	[tilespmem:s6+$0x430] =	vst v4;
	v4 =	vmul.f32 $2.771281240e+01, v6  }
0x15f: {  	v6 =	vld [tilespmem:s13+$0x30];
	[tilespmem:s6+$0x440] =	vst v3;
	v3 =	vmul.f32 $2.771281240e+01, v8  }
0x160: {  	v8 =	vld [tilespmem:s13+$0x40];
	[tilespmem:s6+$0x450] =	vst v4;
	v4 =	vmul.f32 $2.771281240e+01, v9  }
0x161: {  	s10 =	sadd.s32 $0x1800, s12;
	v9 =	vmul.f32 $2.771281240e+01, v10;
	v10 =	vld [tilespmem:s13+$0x50];
	[tilespmem:s6+$0x460] =	vst v3  }
0x162: {  	s9 =	sor.u32 s31, s10;
	s10 =	sor.u32 s1, s10;
	v3 =	vmul.f32 $2.771281240e+01, v7;
	v7 =	vld [tilespmem:s13+$0x60];
	[tilespmem:s6+$0x470] =	vst v4  }
0x163: {  	[tilespmem:s13+$0x0] =	vst v9;
	v4 =	vmul.f32 $2.771281240e+01, v5;
	v5 =	vld [tilespmem:s10+$0x0]  }
0x164: {  	[tilespmem:s13+$0x10] =	vst v3;
	v3 =	vmul.f32 $2.771281240e+01, v6;
	v6 =	vld [tilespmem:s10+$0x10]  }
0x165: {  	[tilespmem:s13+$0x20] =	vst v4;
	v4 =	vmul.f32 $2.771281240e+01, v8;
	v8 =	vld [tilespmem:s10+$0x20]  }
0x166: {  	[tilespmem:s13+$0x30] =	vst v3;
	v3 =	vmul.f32 $2.771281240e+01, v10;
	v9 =	vld [tilespmem:s10+$0x30]  }
0x167: {  	[tilespmem:s13+$0x40] =	vst v4;
	v4 =	vmul.f32 $2.771281240e+01, v7;
	v7 =	vld [tilespmem:s10+$0x40]  }
0x168: {  	[tilespmem:s13+$0x50] =	vst v3;
	v3 =	vmul.f32 $2.771281240e+01, v5;
	v5 =	vld [tilespmem:s10+$0x50]  }
0x169: {  	[tilespmem:s13+$0x60] =	vst v4;
	v4 =	vmul.f32 $2.771281240e+01, v6;
	v6 =	vld [tilespmem:s10+$0x60]  }
0x16a: {  	[tilespmem:s10+$0x0] =	vst v3;
	v3 =	vmul.f32 $2.771281240e+01, v8;
	v8 =	vld [tilespmem:s10+$0x70]  }
0x16b: {  	v10 =	vld [tilespmem:s13+$0x70];
	[tilespmem:s10+$0x10] =	vst v4;
	v4 =	vmul.f32 $2.771281240e+01, v9  }
0x16c: {  	v9 =	vld [tilespmem:s13+$0x400];
	[tilespmem:s10+$0x20] =	vst v3;
	v3 =	vmul.f32 $2.771281240e+01, v7  }
0x16d: {  	v7 =	vld [tilespmem:s13+$0x410];
	[tilespmem:s10+$0x30] =	vst v4;
	v4 =	vmul.f32 $2.771281240e+01, v5  }
0x16e: {  	v5 =	vld [tilespmem:s13+$0x420];
	[tilespmem:s10+$0x40] =	vst v3;
	v3 =	vmul.f32 $2.771281240e+01, v6  }
0x16f: {  	v6 =	vld [tilespmem:s13+$0x430];
	[tilespmem:s10+$0x50] =	vst v4;
	v4 =	vmul.f32 $2.771281240e+01, v8  }
0x170: {  	s15 =	sadd.s32 $0x1C00, s12;
	v8 =	vmul.f32 $2.771281240e+01, v10;
	v10 =	vld [tilespmem:s13+$0x440];
	[tilespmem:s10+$0x60] =	vst v3  }
0x171: {  	s6 =	sor.u32 s31, s15;
	v3 =	vmul.f32 $2.771281240e+01, v9;
	v9 =	vld [tilespmem:s13+$0x450];
	[tilespmem:s10+$0x70] =	vst v4;
	s10 =	sor.u32 s1, s15  }
0x172: {  	[tilespmem:s13+$0x70] =	vst v8;
	v4 =	vmul.f32 $2.771281240e+01, v7;
	v7 =	vld [tilespmem:s10+$0x0]  }
0x173: {  	[tilespmem:s13+$0x400] =	vst v3;
	v3 =	vmul.f32 $2.771281240e+01, v5;
	v5 =	vld [tilespmem:s10+$0x10]  }
0x174: {  	[tilespmem:s13+$0x410] =	vst v4;
	v4 =	vmul.f32 $2.771281240e+01, v6;
	v6 =	vld [tilespmem:s10+$0x20]  }
0x175: {  	[tilespmem:s13+$0x420] =	vst v3;
	v3 =	vmul.f32 $2.771281240e+01, v10;
	v8 =	vld [tilespmem:s10+$0x30]  }
0x176: {  	[tilespmem:s13+$0x430] =	vst v4;
	v4 =	vmul.f32 $2.771281240e+01, v9;
	v9 =	vld [tilespmem:s10+$0x40]  }
0x177: {  	[tilespmem:s13+$0x440] =	vst v3;
	v3 =	vmul.f32 $2.771281240e+01, v7;
	v7 =	vld [tilespmem:s10+$0x50]  }
0x178: {  	[tilespmem:s13+$0x450] =	vst v4;
	v4 =	vmul.f32 $2.771281240e+01, v5;
	v5 =	vld [tilespmem:s10+$0x60]  }
0x179: {  	[tilespmem:s10+$0x0] =	vst v3;
	v3 =	vmul.f32 $2.771281240e+01, v6;
	v6 =	vld [tilespmem:s10+$0x70]  }
0x17a: {  	v10 =	vld [tilespmem:s13+$0x460];
	[tilespmem:s10+$0x10] =	vst v4;
	v4 =	vmul.f32 $2.771281240e+01, v8  }
0x17b: {  	v8 =	vld [tilespmem:s13+$0x470];
	[tilespmem:s10+$0x20] =	vst v3;
	v3 =	vmul.f32 $2.771281240e+01, v9  }
0x17c: {  	[tilespmem:s10+$0x30] =	vst v4;
	v4 =	vmul.f32 $2.771281240e+01, v7;
	v7 =	vld [tilespmem:s30+$0x40]  }
0x17d: {  	[tilespmem:s10+$0x40] =	vst v3;
	v3 =	vmul.f32 $2.771281240e+01, v5;
	v5 =	vld [tilespmem:s30+$0x50]  }
0x17e: {  	[tilespmem:s10+$0x50] =	vst v4;
	v4 =	vmul.f32 $2.771281240e+01, v6;
	v6 =	vld [tilespmem:s30+$0x60]  }
0x17f: {  	s15 =	sadd.s32 $0x2000, s12;
	v9 =	vmul.f32 $2.771281240e+01, v10;
	[tilespmem:s10+$0x60] =	vst v3;
	v3 =	vld [tilespmem:s30+$0x70]  }
0x180: {  	s16 =	sor.u32 s31, s15;
	s15 =	sor.u32 s1, s15;
	v8 =	vmul.f32 $2.771281240e+01, v8;
	[tilespmem:s10+$0x70] =	vst v4;
	v4 =	vld [tilespmem:s26+$0x60]  }
0x181: {  	[tilespmem:s13+$0x460] =	vst v9;
	v9 =	vld [tilespmem:s15+$0x0];
	v7 =	vmul.f32 $2.771281240e+01, v7  }
0x182: {  	[tilespmem:s13+$0x470] =	vst v8;
	v8 =	vld [tilespmem:s15+$0x10];
	v5 =	vmul.f32 $2.771281240e+01, v5  }
0x183: {  	v10 =	vld [tilespmem:s15+$0x20];
	[tilespmem:s30+$0x40] =	vst v7;
	v6 =	vmul.f32 $2.771281240e+01, v6  }
0x184: {  	v7 =	vld [tilespmem:s15+$0x30];
	[tilespmem:s30+$0x50] =	vst v5;
	v3 =	vmul.f32 $2.771281240e+01, v3  }
0x185: {  	v5 =	vld [tilespmem:s15+$0x40];
	[tilespmem:s30+$0x60] =	vst v6;
	v4 =	vmul.f32 $2.771281240e+01, v4  }
0x186: {  	v6 =	vmul.f32 $2.771281240e+01, v9;
	v9 =	vld [tilespmem:s15+$0x50];
	[tilespmem:s30+$0x70] =	vst v3;
	s30 =	smov.u32 s16  }
0x187: {  	v3 =	vmul.f32 $2.771281240e+01, v8;
	v8 =	vld [tilespmem:s15+$0x60];
	[tilespmem:s26+$0x60] =	vst v4  }
0x188: {  	[tilespmem:s15+$0x0] =	vst v6;
	v4 =	vmul.f32 $2.771281240e+01, v10;
	v6 =	vld [tilespmem:s15+$0x70]  }
0x189: {  	v10 =	vld [tilespmem:s9+$0x0];
	[tilespmem:s15+$0x10] =	vst v3;
	v3 =	vmul.f32 $2.771281240e+01, v7  }
0x18a: {  	v7 =	vld [tilespmem:s9+$0x10];
	[tilespmem:s15+$0x20] =	vst v4;
	v4 =	vmul.f32 $2.771281240e+01, v5  }
0x18b: {  	v5 =	vld [tilespmem:s9+$0x20];
	[tilespmem:s15+$0x30] =	vst v3;
	v3 =	vmul.f32 $2.771281240e+01, v9  }
0x18c: {  	v9 =	vld [tilespmem:s9+$0x30];
	[tilespmem:s15+$0x40] =	vst v4;
	v4 =	vmul.f32 $2.771281240e+01, v8  }
0x18d: {  	v8 =	vld [tilespmem:s9+$0x40];
	[tilespmem:s15+$0x50] =	vst v3;
	v3 =	vmul.f32 $2.771281240e+01, v6  }
0x18e: {  	s12 =	sadd.s32 $0x2400, s12;
	v6 =	vmul.f32 $2.771281240e+01, v10;
	v10 =	vld [tilespmem:s9+$0x50];
	[tilespmem:s15+$0x60] =	vst v4  }
0x18f: {  	s10 =	sor.u32 s31, s12;
	s26 =	sor.u32 s1, s12;
	v4 =	vmul.f32 $2.771281240e+01, v7;
	v7 =	vld [tilespmem:s9+$0x60];
	[tilespmem:s15+$0x70] =	vst v3  }
0x190: {  	[tilespmem:s9+$0x0] =	vst v6;
	v3 =	vmul.f32 $2.771281240e+01, v5;
	v5 =	vld [tilespmem:s26+$0x70]  }
0x191: {  	[tilespmem:s9+$0x10] =	vst v4;
	v4 =	vmul.f32 $2.771281240e+01, v9;
	v6 =	vld [tilespmem:s9+$0x70]  }
0x192: {  	[tilespmem:s9+$0x20] =	vst v3;
	v3 =	vmul.f32 $2.771281240e+01, v8;
	v8 =	vld [tilespmem:s25+$0x0]  }
0x193: {  	[tilespmem:s9+$0x30] =	vst v4;
	v4 =	vmul.f32 $2.771281240e+01, v10;
	v9 =	vld [tilespmem:s25+$0x10]  }
0x194: {  	[tilespmem:s9+$0x40] =	vst v3;
	v3 =	vmul.f32 $2.771281240e+01, v7;
	v7 =	vld [tilespmem:s25+$0x20]  }
0x195: {  	[tilespmem:s9+$0x50] =	vst v4;
	v4 =	vmul.f32 $2.771281240e+01, v5;
	v5 =	vld [tilespmem:s25+$0x30]  }
0x196: {  	[tilespmem:s9+$0x60] =	vst v3;
	v3 =	vmul.f32 $2.771281240e+01, v6;
	v6 =	vld [tilespmem:s25+$0x40]  }
0x197: {  	[tilespmem:s26+$0x70] =	vst v4;
	v4 =	vmul.f32 $2.771281240e+01, v8;
	v8 =	vld [tilespmem:s25+$0x50]  }
0x198: {  	[tilespmem:s9+$0x70] =	vst v3;
	v3 =	vmul.f32 $2.771281240e+01, v9;
	v9 =	vld [tilespmem:s25+$0x60]  }
0x199: {  	v10 =	vld [tilespmem:s6+$0x0];
	[tilespmem:s25+$0x0] =	vst v4;
	v4 =	vmul.f32 $2.771281240e+01, v7  }
0x19a: {  	v7 =	vld [tilespmem:s6+$0x10];
	[tilespmem:s25+$0x10] =	vst v3;
	v3 =	vmul.f32 $2.771281240e+01, v5  }
0x19b: {  	v5 =	vld [tilespmem:s6+$0x20];
	[tilespmem:s25+$0x20] =	vst v4;
	v4 =	vmul.f32 $2.771281240e+01, v6  }
0x19c: {  	v6 =	vld [tilespmem:s6+$0x30];
	[tilespmem:s25+$0x30] =	vst v3;
	v3 =	vmul.f32 $2.771281240e+01, v8  }
0x19d: {  	v8 =	vld [tilespmem:s6+$0x40];
	[tilespmem:s25+$0x40] =	vst v4;
	v4 =	vmul.f32 $2.771281240e+01, v9  }
0x19e: {  	v9 =	vmul.f32 $2.771281240e+01, v10;
	v10 =	vld [tilespmem:s6+$0x50];
	[tilespmem:s25+$0x50] =	vst v3  }
0x19f: {  	v3 =	vmul.f32 $2.771281240e+01, v7;
	v11 =	vld [tilespmem:s6+$0x60];
	[tilespmem:s25+$0x60] =	vst v4  }
.Ltmp0:
0x1a0: {  	[tilespmem:s6+$0x0] =	vst v9;
	v4 =	vmul.f32 $2.771281240e+01, v5;
	v7 =	vld [tilespmem:s6+$0x70];
	(pc) =	sbr.rel @p1 .LBB2_3-.Ltmp0, $4  }
0x1a1: {  	[tilespmem:s6+$0x10] =	vst v3;
	v5 =	vmul.f32 $2.771281240e+01, v6;
	v3 =	vld [tilespmem:s25+$0x70]  }
0x1a2: {  	[tilespmem:s6+$0x20] =	vst v4;
	v4 =	vmul.f32 $2.771281240e+01, v8;
	v6 =	vld [tilespmem:s26+$0x0]  }
0x1a3: {  	[tilespmem:s6+$0x30] =	vst v5;
	v9 =	vmul.f32 $2.771281240e+01, v10;
	v5 =	vld [tilespmem:s26+$0x10]  }
0x1a4: {  	[tilespmem:s6+$0x40] =	vst v4;
	v8 =	vmul.f32 $2.771281240e+01, v11;
	v4 =	vld [tilespmem:s26+$0x20]  }
0x1a5: {  	[tilespmem:s6+$0x50] =	vst v9;
	v7 =	vmul.f32 $2.771281240e+01, v7  }
0x1a6: {  	[tilespmem:s6+$0x60] =	vst v8  }
0x1a7: {  	[tilespmem:s6+$0x70] =	vst v7  }
0x1a8: {  	v7 =	vld [tilespmem:s30+$0x0]  }
0x1a9: {  	v8 =	vld [tilespmem:s30+$0x10]  }
0x1aa: {  	v9 =	vld [tilespmem:s30+$0x20]  }
0x1ab: {  	v10 =	vld [tilespmem:s30+$0x30];
	_ =	sdelay $0x1  }
0x1ac: {  	v7 =	vmul.f32 $2.771281240e+01, v7  }
0x1ad: {  	v8 =	vmul.f32 $2.771281240e+01, v8  }
0x1ae: {  	[tilespmem:s30+$0x0] =	vst v7;
	v7 =	vmul.f32 $2.771281240e+01, v9  }
0x1af: {  	[tilespmem:s30+$0x10] =	vst v8;
	v8 =	vmul.f32 $2.771281240e+01, v10  }
0x1b0: {  	[tilespmem:s30+$0x20] =	vst v7;
	v7 =	vld [tilespmem:s30+$0x40]  }
0x1b1: {  	[tilespmem:s30+$0x30] =	vst v8;
	v8 =	vld [tilespmem:s30+$0x50]  }
0x1b2: {  	v9 =	vld [tilespmem:s30+$0x60]  }
0x1b3: {  	v10 =	vld [tilespmem:s30+$0x70];
	_ =	sdelay $0x1  }
0x1b4: {  	v7 =	vmul.f32 $2.771281240e+01, v7  }
0x1b5: {  	v8 =	vmul.f32 $2.771281240e+01, v8  }
0x1b6: {  	[tilespmem:s30+$0x40] =	vst v7;
	v7 =	vmul.f32 $2.771281240e+01, v9  }
0x1b7: {  	v9 =	vld [tilespmem:s26+$0x30];
	[tilespmem:s30+$0x50] =	vst v8;
	v8 =	vmul.f32 $2.771281240e+01, v10  }
0x1b8: {  	v10 =	vld [tilespmem:s26+$0x40];
	[tilespmem:s30+$0x60] =	vst v7  }
0x1b9: {  	v6 =	vmul.f32 $2.771281240e+01, v6;
	v7 =	vld [tilespmem:s26+$0x50];
	[tilespmem:s30+$0x70] =	vst v8  }
0x1ba: {  	v5 =	vmul.f32 $2.771281240e+01, v5;
	v8 =	vld [tilespmem:s10+$0x0]  }
0x1bb: {  	[tilespmem:s26+$0x0] =	vst v6;
	v4 =	vmul.f32 $2.771281240e+01, v4;
	v6 =	vld [tilespmem:s10+$0x10]  }
0x1bc: {  	[tilespmem:s26+$0x10] =	vst v5;
	v5 =	vmul.f32 $2.771281240e+01, v9;
	v9 =	vld [tilespmem:s10+$0x20]  }
0x1bd: {  	[tilespmem:s26+$0x20] =	vst v4;
	v4 =	vmul.f32 $2.771281240e+01, v10;
	v10 =	vld [tilespmem:s10+$0x30]  }
0x1be: {  	[tilespmem:s26+$0x30] =	vst v5;
	v5 =	vmul.f32 $2.771281240e+01, v7;
	v7 =	vld [tilespmem:s10+$0x40]  }
0x1bf: {  	[tilespmem:s26+$0x40] =	vst v4;
	v4 =	vmul.f32 $2.771281240e+01, v8;
	v8 =	vld [tilespmem:s10+$0x50]  }
0x1c0: {  	[tilespmem:s26+$0x50] =	vst v5;
	v5 =	vmul.f32 $2.771281240e+01, v6;
	v6 =	vld [tilespmem:s10+$0x60]  }
0x1c1: {  	[tilespmem:s10+$0x0] =	vst v4;
	v4 =	vmul.f32 $2.771281240e+01, v9  }
0x1c2: {  	[tilespmem:s10+$0x10] =	vst v5;
	v5 =	vmul.f32 $2.771281240e+01, v10  }
0x1c3: {  	[tilespmem:s10+$0x20] =	vst v4;
	v4 =	vmul.f32 $2.771281240e+01, v7  }
0x1c4: {  	[tilespmem:s10+$0x30] =	vst v5;
	v5 =	vmul.f32 $2.771281240e+01, v8  }
0x1c5: {  	[tilespmem:s10+$0x40] =	vst v4;
	v4 =	vmul.f32 $2.771281240e+01, v6  }
0x1c6: {  	[tilespmem:s10+$0x50] =	vst v5;
	v5 =	vld [tilespmem:s26+$0x60]  }
0x1c7: {  	[tilespmem:s10+$0x60] =	vst v4;
	v4 =	vld [tilespmem:s10+$0x70];
	_ =	sdelay $0x1  }
0x1c8: {  	s0 =	sshll.u32 s20, $0x7  }
0x1c9: {  	v3 =	vmul.f32 $2.771281240e+01, v3;
	s0 =	sor.u32 s5, s0  }
0x1ca: {  	s0 =	sshrl.u32 s0, $0x3;
	v5 =	vmul.f32 $2.771281240e+01, v5  }
0x1cb: {  	[tilespmem:s25+$0x70] =	vst v3;
	s24 =	smul.u32 $0x300, s0;
	v3 =	vmul.f32 $2.771281240e+01, v4  }
0x1cc: {  	[tilespmem:s26+$0x60] =	vst v5  }
0x1cd: {  	s1 =	simm.s32 $0x1000;
	s0 =	sadd.s32 s3, s24;
	[tilespmem:s10+$0x70] =	vst v3  }
0x1ce: {  	[hbm4b:s0+s4] =	stream.linear.scatter [tilespmem:s1], [sflag:$0x5], $0x6000, $0x38;
	[tilespmem:$0x19000] =	vst v63  }
0x1cf: {  	s0 =	simm.s32 @!p0 $0x8  }
0x1d0: {  	s21 =	sor.u32 $0x3, s21;
	_ =	swait.ge @!p0 [sflag:s0], $0x6000  }
0x1d1: {  	s11 =	sshll.u32 s21, $0x7;
	[sflag:s0] =	ssyncset.done @!p0 $0x0  }
0x1d2: {  	s12 =	sand.u32 $0x3FFFFF80, s11;
	[sflag:s0] =	ssyncadd.s32 @!p0 $0xFFFFA000  }
0x1d3: {  	v3 =	vld [tilespmem:s12+$0x0];
	_ =	sdelay $0x4  }
0x1d4: {  	v4 =	vshrl.u32 v3, $0x3  }
0x1d5: {  	v4 =	vmul.u32 $0x30, v4  }
0x1d6: {  	v3 =	vand.u32 $0x7, v3  }
0x1d7: {  	v3 =	vor.u32 v3, v4  }
0x1d8: {  	v4 =	vperm.xlane v3, v0;
	_ =	sdelay $0x1  }
0x1d9: {  	v4 =	vadd.s32 v1, v4;
	_ =	sdelay $0x3  }
0x1da: {  	s1 =	simm.s32 $0x0;
	v3 =	vperm.xlane v3, v2  }
0x1db: {  	[tilespmem:s29], [sflag:$0x4] =	stream.indirect_vreg.gather [hbm4b:s2+s1], $0x80, v4, vm0, $0xb8;
	[tilespmem:$0x19000] =	vst v63  }
0x1dc: {  	s13 =	simm.s32 $0x13800;
	v3 =	vadd.s32 v1, v3  }
0x1dd: {  	[tilespmem:s13], [sflag:$0x4] =	stream.indirect_vreg.gather [hbm4b:s7+s1], $0x80, v4, vm0, $0xb8;
	[tilespmem:$0x19000] =	vst v63  }
0x1de: {  	s15 =	simm.s32 $0x14000  }
0x1df: {  	[tilespmem:s15], [sflag:$0x4] =	stream.indirect_vreg.gather [hbm4b:s8+s1], $0x80, v4, vm0, $0xb8;
	[tilespmem:$0x19000] =	vst v63  }
0x1e0: {  	s16 =	simm.s32 $0x14800  }
0x1e1: {  	[tilespmem:s16], [sflag:$0x4] =	stream.indirect_vreg.gather [hbm4b:s2+s1], $0x80, v3, vm0, $0xb8;
	[tilespmem:$0x19000] =	vst v63  }
0x1e2: {  	s25 =	simm.s32 $0x15000  }
0x1e3: {  	[tilespmem:s25], [sflag:$0x4] =	stream.indirect_vreg.gather [hbm4b:s7+s1], $0x80, v3, vm0, $0xb8;
	[tilespmem:$0x19000] =	vst v63  }
0x1e4: {  	s26 =	simm.s32 $0x15800  }
0x1e5: {  	[tilespmem:s26], [sflag:$0x4] =	stream.indirect_vreg.gather [hbm4b:s8+s1], $0x80, v3, vm0, $0xb8;
	[tilespmem:$0x19000] =	vst v63  }
0x1e6: {  	v3 =	vld [tilespmem:s12+$0x10];
	_ =	sdelay $0x4  }
0x1e7: {  	v4 =	vshrl.u32 v3, $0x3  }
0x1e8: {  	v4 =	vmul.u32 $0x30, v4  }
0x1e9: {  	v3 =	vand.u32 $0x7, v3  }
0x1ea: {  	v3 =	vor.u32 v3, v4  }
0x1eb: {  	v4 =	vperm.xlane v3, v0;
	_ =	sdelay $0x1  }
0x1ec: {  	v4 =	vadd.s32 v1, v4;
	_ =	sdelay $0x3  }
0x1ed: {  	s9 =	simm.s32 $0x16000;
	v3 =	vperm.xlane v3, v2  }
0x1ee: {  	[tilespmem:s9], [sflag:$0x4] =	stream.indirect_vreg.gather [hbm4b:s2+s1], $0x80, v4, vm0, $0xb8;
	[tilespmem:$0x19000] =	vst v63  }
0x1ef: {  	s10 =	simm.s32 $0x16800;
	v3 =	vadd.s32 v1, v3  }
0x1f0: {  	[tilespmem:s10], [sflag:$0x4] =	stream.indirect_vreg.gather [hbm4b:s7+s1], $0x80, v4, vm0, $0xb8;
	[tilespmem:$0x19000] =	vst v63  }
0x1f1: {  	s11 =	simm.s32 $0x17000  }
0x1f2: {  	[tilespmem:s11], [sflag:$0x4] =	stream.indirect_vreg.gather [hbm4b:s8+s1], $0x80, v4, vm0, $0xb8;
	[tilespmem:$0x19000] =	vst v63  }
0x1f3: {  	s12 =	simm.s32 $0x17800  }
0x1f4: {  	[tilespmem:s12], [sflag:$0x4] =	stream.indirect_vreg.gather [hbm4b:s2+s1], $0x80, v3, vm0, $0xb8;
	[tilespmem:$0x19000] =	vst v63  }
0x1f5: {  	s13 =	simm.s32 $0x18000;
	s15 =	simm.s32 $0x0  }
0x1f6: {  	[tilespmem:s13], [sflag:$0x4] =	stream.indirect_vreg.gather [hbm4b:s7+s1], $0x80, v3, vm0, $0xb8;
	[tilespmem:$0x19000] =	vst v63  }
0x1f7: {  	s0 =	smul.u32 $0x6000, s15;
	s16 =	simm.s32 $0x18800  }
0x1f8: {  	[tilespmem:s16], [sflag:$0x4] =	stream.indirect_vreg.gather [hbm4b:s8+s1], $0x80, v3, vm0, $0xb8;
	[tilespmem:$0x19000] =	vst v63  }
0x1f9: {  	s25 =	sshra.s32 s0, $0x2;
	s26 =	sand.u32 $0x300, s1;
	_ =	swait.ge [sflag:s17], $0x6000  }
0x1fa: {  	s0 =	sor.u32 $0x80, s26;
	s12 =	sadd.s32 $0x7000, s25;
	[sflag:s17] =	ssyncset.done $0x0  }
0x1fb: {  	s13 =	sor.u32 s0, s12;
	[sflag:s17] =	ssyncadd.s32 $0xFFFFA000  }
0x1fc: {  	v3 =	vld [tilespmem:s13+$0x0]  }
0x1fd: {  	v4 =	vld [tilespmem:s13+$0x10]  }
0x1fe: {  	v5 =	vld [tilespmem:s13+$0x20]  }
0x1ff: {  	v6 =	vld [tilespmem:s13+$0x30]  }
0x200: {  	v7 =	vld [tilespmem:s13+$0x40]  }
0x201: {  	v8 =	vld [tilespmem:s13+$0x50];
	v3 =	vmul.f32 $2.771281240e+01, v3  }
0x202: {  	v9 =	vld [tilespmem:s13+$0x60];
	v4 =	vmul.f32 $2.771281240e+01, v4  }
0x203: {  	[tilespmem:s13+$0x0] =	vst v3;
	v3 =	vmul.f32 $2.771281240e+01, v5;
	v5 =	vld [tilespmem:s13+$0x70]  }
0x204: {  	[tilespmem:s13+$0x10] =	vst v4;
	v4 =	vmul.f32 $2.771281240e+01, v6;
	v6 =	vld [tilespmem:s13+$0x400]  }
0x205: {  	[tilespmem:s13+$0x20] =	vst v3;
	v3 =	vmul.f32 $2.771281240e+01, v7;
	v7 =	vld [tilespmem:s13+$0x410]  }
0x206: {  	[tilespmem:s13+$0x30] =	vst v4;
	v4 =	vmul.f32 $2.771281240e+01, v8;
	v8 =	vld [tilespmem:s13+$0x420]  }
0x207: {  	[tilespmem:s13+$0x40] =	vst v3;
	v3 =	vmul.f32 $2.771281240e+01, v9;
	v9 =	vld [tilespmem:s13+$0x430]  }
0x208: {  	[tilespmem:s13+$0x50] =	vst v4;
	v4 =	vmul.f32 $2.771281240e+01, v5;
	v5 =	vld [tilespmem:s13+$0x440]  }
0x209: {  	[tilespmem:s13+$0x60] =	vst v3;
	v3 =	vmul.f32 $2.771281240e+01, v6;
	v6 =	vld [tilespmem:s13+$0x450]  }
0x20a: {  	[tilespmem:s13+$0x70] =	vst v4;
	v4 =	vmul.f32 $2.771281240e+01, v7;
	v7 =	vld [tilespmem:s13+$0x460]  }
0x20b: {  	s6 =	sor.u32 s26, s12;
	[tilespmem:s13+$0x400] =	vst v3;
	v3 =	vmul.f32 $2.771281240e+01, v8;
	v8 =	vld [tilespmem:s13+$0x470]  }
0x20c: {  	v10 =	vld [tilespmem:s6+$0x0];
	[tilespmem:s13+$0x410] =	vst v4;
	v4 =	vmul.f32 $2.771281240e+01, v9  }
0x20d: {  	v9 =	vld [tilespmem:s6+$0x10];
	[tilespmem:s13+$0x420] =	vst v3;
	v3 =	vmul.f32 $2.771281240e+01, v5  }
0x20e: {  	v5 =	vld [tilespmem:s6+$0x20];
	[tilespmem:s13+$0x430] =	vst v4;
	v4 =	vmul.f32 $2.771281240e+01, v6  }
0x20f: {  	v6 =	vld [tilespmem:s6+$0x30];
	[tilespmem:s13+$0x440] =	vst v3;
	v3 =	vmul.f32 $2.771281240e+01, v7  }
0x210: {  	v7 =	vld [tilespmem:s6+$0x40];
	[tilespmem:s13+$0x450] =	vst v4;
	v4 =	vmul.f32 $2.771281240e+01, v8  }
0x211: {  	s9 =	sadd.s32 $0x7800, s25;
	v8 =	vmul.f32 $2.771281240e+01, v10;
	v10 =	vld [tilespmem:s6+$0x50];
	[tilespmem:s13+$0x460] =	vst v3  }
0x212: {  	s15 =	sor.u32 s0, s9;
	v3 =	vmul.f32 $2.771281240e+01, v9;
	v9 =	vld [tilespmem:s6+$0x60];
	[tilespmem:s13+$0x470] =	vst v4  }
0x213: {  	[tilespmem:s6+$0x0] =	vst v8;
	v4 =	vmul.f32 $2.771281240e+01, v5;
	v5 =	vld [tilespmem:s15+$0x0]  }
0x214: {  	[tilespmem:s6+$0x10] =	vst v3;
	v3 =	vmul.f32 $2.771281240e+01, v6;
	v6 =	vld [tilespmem:s15+$0x10]  }
0x215: {  	[tilespmem:s6+$0x20] =	vst v4;
	v4 =	vmul.f32 $2.771281240e+01, v7;
	v7 =	vld [tilespmem:s15+$0x20]  }
0x216: {  	v8 =	vld [tilespmem:s15+$0x30];
	[tilespmem:s6+$0x30] =	vst v3;
	v3 =	vmul.f32 $2.771281240e+01, v10  }
0x217: {  	[tilespmem:s6+$0x40] =	vst v4;
	v4 =	vmul.f32 $2.771281240e+01, v9;
	v9 =	vld [tilespmem:s15+$0x40]  }
0x218: {  	[tilespmem:s6+$0x50] =	vst v3;
	v3 =	vmul.f32 $2.771281240e+01, v5;
	v5 =	vld [tilespmem:s15+$0x50]  }
0x219: {  	[tilespmem:s6+$0x60] =	vst v4;
	v4 =	vmul.f32 $2.771281240e+01, v6;
	v6 =	vld [tilespmem:s15+$0x60]  }
0x21a: {  	[tilespmem:s15+$0x0] =	vst v3;
	v3 =	vmul.f32 $2.771281240e+01, v7;
	v7 =	vld [tilespmem:s15+$0x70]  }
0x21b: {  	v10 =	vld [tilespmem:s6+$0x70];
	[tilespmem:s15+$0x10] =	vst v4;
	v4 =	vmul.f32 $2.771281240e+01, v8  }
0x21c: {  	v8 =	vld [tilespmem:s6+$0x400];
	[tilespmem:s15+$0x20] =	vst v3;
	v3 =	vmul.f32 $2.771281240e+01, v9  }
0x21d: {  	v9 =	vld [tilespmem:s6+$0x410];
	[tilespmem:s15+$0x30] =	vst v4;
	v4 =	vmul.f32 $2.771281240e+01, v5  }
0x21e: {  	v5 =	vld [tilespmem:s6+$0x420];
	[tilespmem:s15+$0x40] =	vst v3;
	v3 =	vmul.f32 $2.771281240e+01, v6  }
0x21f: {  	v6 =	vld [tilespmem:s6+$0x430];
	[tilespmem:s15+$0x50] =	vst v4;
	v4 =	vmul.f32 $2.771281240e+01, v7  }
0x220: {  	s12 =	sadd.s32 $0x7C00, s25;
	v7 =	vmul.f32 $2.771281240e+01, v10;
	v10 =	vld [tilespmem:s6+$0x440];
	[tilespmem:s15+$0x60] =	vst v3  }
0x221: {  	s13 =	sor.u32 s0, s12;
	v3 =	vmul.f32 $2.771281240e+01, v8;
	v8 =	vld [tilespmem:s6+$0x450];
	[tilespmem:s15+$0x70] =	vst v4  }
0x222: {  	[tilespmem:s6+$0x70] =	vst v7;
	v4 =	vmul.f32 $2.771281240e+01, v9;
	v7 =	vld [tilespmem:s13+$0x0]  }
0x223: {  	[tilespmem:s6+$0x400] =	vst v3;
	v3 =	vmul.f32 $2.771281240e+01, v5;
	v5 =	vld [tilespmem:s13+$0x10]  }
0x224: {  	[tilespmem:s6+$0x410] =	vst v4;
	v4 =	vmul.f32 $2.771281240e+01, v6;
	v6 =	vld [tilespmem:s13+$0x20]  }
0x225: {  	v9 =	vld [tilespmem:s13+$0x30];
	[tilespmem:s6+$0x420] =	vst v3;
	v3 =	vmul.f32 $2.771281240e+01, v10  }
0x226: {  	[tilespmem:s6+$0x430] =	vst v4;
	v4 =	vmul.f32 $2.771281240e+01, v8;
	v8 =	vld [tilespmem:s13+$0x40]  }
0x227: {  	[tilespmem:s6+$0x440] =	vst v3;
	v3 =	vmul.f32 $2.771281240e+01, v7;
	v7 =	vld [tilespmem:s13+$0x50]  }
0x228: {  	[tilespmem:s6+$0x450] =	vst v4;
	v4 =	vmul.f32 $2.771281240e+01, v5;
	v5 =	vld [tilespmem:s13+$0x60]  }
0x229: {  	v10 =	vld [tilespmem:s6+$0x460];
	[tilespmem:s13+$0x0] =	vst v3;
	v3 =	vmul.f32 $2.771281240e+01, v6  }
0x22a: {  	v6 =	vld [tilespmem:s13+$0x70];
	[tilespmem:s13+$0x10] =	vst v4;
	v4 =	vmul.f32 $2.771281240e+01, v9  }
0x22b: {  	v9 =	vld [tilespmem:s6+$0x470];
	[tilespmem:s13+$0x20] =	vst v3;
	v3 =	vmul.f32 $2.771281240e+01, v8  }
0x22c: {  	[tilespmem:s13+$0x30] =	vst v4;
	v4 =	vmul.f32 $2.771281240e+01, v7  }
0x22d: {  	[tilespmem:s13+$0x40] =	vst v3;
	v3 =	vmul.f32 $2.771281240e+01, v5  }
0x22e: {  	v5 =	vmul.f32 $2.771281240e+01, v10;
	[tilespmem:s13+$0x50] =	vst v4  }
0x22f: {  	v4 =	vmul.f32 $2.771281240e+01, v6;
	[tilespmem:s13+$0x60] =	vst v3  }
0x230: {  	s16 =	sadd.s32 $0x8000, s25;
	v3 =	vmul.f32 $2.771281240e+01, v9;
	[tilespmem:s6+$0x460] =	vst v5  }
0x231: {  	s11 =	sor.u32 s0, s16;
	[tilespmem:s13+$0x70] =	vst v4  }
0x232: {  	s9 =	sor.u32 s26, s9;
	v4 =	vld [tilespmem:s11+$0x0];
	[tilespmem:s6+$0x470] =	vst v3  }
0x233: {  	v3 =	vld [tilespmem:s9+$0x0]  }
0x234: {  	v5 =	vld [tilespmem:s9+$0x10]  }
0x235: {  	v6 =	vld [tilespmem:s9+$0x20]  }
0x236: {  	v7 =	vld [tilespmem:s9+$0x30]  }
0x237: {  	v8 =	vld [tilespmem:s9+$0x40];
	v4 =	vmul.f32 $2.771281240e+01, v4  }
0x238: {  	v9 =	vld [tilespmem:s9+$0x50];
	v3 =	vmul.f32 $2.771281240e+01, v3  }
0x239: {  	[tilespmem:s11+$0x0] =	vst v4;
	v4 =	vmul.f32 $2.771281240e+01, v5;
	v5 =	vld [tilespmem:s9+$0x60]  }
0x23a: {  	[tilespmem:s9+$0x0] =	vst v3;
	v3 =	vmul.f32 $2.771281240e+01, v6;
	v6 =	vld [tilespmem:s9+$0x70]  }
0x23b: {  	v10 =	vld [tilespmem:s11+$0x10];
	[tilespmem:s9+$0x10] =	vst v4;
	v4 =	vmul.f32 $2.771281240e+01, v7  }
0x23c: {  	v7 =	vld [tilespmem:s11+$0x20];
	[tilespmem:s9+$0x20] =	vst v3;
	v3 =	vmul.f32 $2.771281240e+01, v8  }
0x23d: {  	v8 =	vld [tilespmem:s11+$0x30];
	[tilespmem:s9+$0x30] =	vst v4;
	v4 =	vmul.f32 $2.771281240e+01, v9  }
0x23e: {  	v9 =	vld [tilespmem:s11+$0x40];
	[tilespmem:s9+$0x40] =	vst v3;
	v3 =	vmul.f32 $2.771281240e+01, v5  }
0x23f: {  	v5 =	vld [tilespmem:s11+$0x50];
	[tilespmem:s9+$0x50] =	vst v4;
	v4 =	vmul.f32 $2.771281240e+01, v6  }
0x240: {  	v6 =	vmul.f32 $2.771281240e+01, v10;
	v10 =	vld [tilespmem:s11+$0x60];
	[tilespmem:s9+$0x60] =	vst v3  }
0x241: {  	s15 =	sor.u32 s26, s12;
	v3 =	vmul.f32 $2.771281240e+01, v7;
	v7 =	vld [tilespmem:s11+$0x70];
	[tilespmem:s9+$0x70] =	vst v4  }
0x242: {  	[tilespmem:s11+$0x10] =	vst v6;
	v4 =	vmul.f32 $2.771281240e+01, v8;
	v6 =	vld [tilespmem:s15+$0x0]  }
0x243: {  	[tilespmem:s11+$0x20] =	vst v3;
	v3 =	vmul.f32 $2.771281240e+01, v9;
	v8 =	vld [tilespmem:s15+$0x10]  }
0x244: {  	[tilespmem:s11+$0x30] =	vst v4;
	v4 =	vmul.f32 $2.771281240e+01, v5;
	v5 =	vld [tilespmem:s15+$0x20]  }
0x245: {  	v9 =	vld [tilespmem:s15+$0x30];
	[tilespmem:s11+$0x40] =	vst v3;
	v3 =	vmul.f32 $2.771281240e+01, v10  }
0x246: {  	[tilespmem:s11+$0x50] =	vst v4;
	v4 =	vmul.f32 $2.771281240e+01, v7;
	v7 =	vld [tilespmem:s15+$0x40]  }
0x247: {  	[tilespmem:s11+$0x60] =	vst v3;
	v3 =	vmul.f32 $2.771281240e+01, v6;
	v6 =	vld [tilespmem:s15+$0x50]  }
0x248: {  	[tilespmem:s11+$0x70] =	vst v4;
	v4 =	vmul.f32 $2.771281240e+01, v8;
	v8 =	vld [tilespmem:s15+$0x60]  }
0x249: {  	[tilespmem:s15+$0x0] =	vst v3;
	v3 =	vmul.f32 $2.771281240e+01, v5;
	v5 =	vld [tilespmem:s15+$0x70]  }
0x24a: {  	[tilespmem:s15+$0x10] =	vst v4;
	v4 =	vmul.f32 $2.771281240e+01, v9  }
0x24b: {  	[tilespmem:s15+$0x20] =	vst v3;
	v3 =	vmul.f32 $2.771281240e+01, v7  }
0x24c: {  	s12 =	simm.s32 $0x0;
	[tilespmem:s15+$0x30] =	vst v4;
	v4 =	vmul.f32 $2.771281240e+01, v6  }
0x24d: {  	s13 =	smul.u32 $0x6000, s12;
	[tilespmem:s15+$0x40] =	vst v3;
	v3 =	vmul.f32 $2.771281240e+01, v8  }
0x24e: {  	s1 =	sadd.s32 $0x8400, s25;
	s25 =	simm.s32 $0x100;
	[tilespmem:s15+$0x50] =	vst v4;
	v4 =	vmul.f32 $2.771281240e+01, v5  }
0x24f: {  	s6 =	sor.u32 s0, s1;
	s0 =	sand.u32 $0x300, s25;
	s12 =	sshra.s32 s13, $0x2;
	[tilespmem:s15+$0x60] =	vst v3  }
0x250: {  	s13 =	sor.u32 $0x80, s0;
	s9 =	sor.u32 s26, s16;
	v3 =	vld [tilespmem:s6+$0x70];
	[tilespmem:s15+$0x70] =	vst v4;
	s15 =	sadd.s32 $0x7000, s12  }
0x251: {  	v4 =	vld [tilespmem:s9+$0x0];
	s16 =	sor.u32 s13, s15  }
0x252: {  	v5 =	vld [tilespmem:s16+$0x0]  }
0x253: {  	v6 =	vld [tilespmem:s16+$0x10]  }
0x254: {  	v7 =	vld [tilespmem:s16+$0x20]  }
0x255: {  	v8 =	vld [tilespmem:s16+$0x30];
	v3 =	vmul.f32 $2.771281240e+01, v3  }
0x256: {  	v9 =	vld [tilespmem:s16+$0x40];
	v4 =	vmul.f32 $2.771281240e+01, v4  }
0x257: {  	v10 =	vld [tilespmem:s16+$0x50];
	[tilespmem:s6+$0x70] =	vst v3;
	v5 =	vmul.f32 $2.771281240e+01, v5  }
0x258: {  	[tilespmem:s9+$0x0] =	vst v4;
	v4 =	vmul.f32 $2.771281240e+01, v6;
	v6 =	vld [tilespmem:s16+$0x60]  }
0x259: {  	[tilespmem:s16+$0x0] =	vst v5;
	v5 =	vmul.f32 $2.771281240e+01, v7;
	v7 =	vld [tilespmem:s16+$0x70]  }
0x25a: {  	[tilespmem:s16+$0x10] =	vst v4;
	v4 =	vmul.f32 $2.771281240e+01, v8;
	v8 =	vld [tilespmem:s16+$0x400]  }
0x25b: {  	[tilespmem:s16+$0x20] =	vst v5;
	v5 =	vmul.f32 $2.771281240e+01, v9;
	v9 =	vld [tilespmem:s16+$0x410]  }
0x25c: {  	[tilespmem:s16+$0x30] =	vst v4;
	v4 =	vmul.f32 $2.771281240e+01, v10;
	v10 =	vld [tilespmem:s16+$0x420]  }
0x25d: {  	[tilespmem:s16+$0x40] =	vst v5;
	v5 =	vmul.f32 $2.771281240e+01, v6;
	v6 =	vld [tilespmem:s16+$0x430]  }
0x25e: {  	[tilespmem:s16+$0x50] =	vst v4;
	v4 =	vmul.f32 $2.771281240e+01, v7;
	v7 =	vld [tilespmem:s16+$0x440]  }
0x25f: {  	[tilespmem:s16+$0x60] =	vst v5;
	v5 =	vmul.f32 $2.771281240e+01, v8;
	v8 =	vld [tilespmem:s16+$0x450]  }
0x260: {  	[tilespmem:s16+$0x70] =	vst v4;
	v4 =	vmul.f32 $2.771281240e+01, v9;
	v9 =	vld [tilespmem:s16+$0x460]  }
0x261: {  	s15 =	sor.u32 s0, s15;
	[tilespmem:s16+$0x400] =	vst v5;
	v5 =	vmul.f32 $2.771281240e+01, v10;
	v10 =	vld [tilespmem:s16+$0x470]  }
0x262: {  	[tilespmem:s16+$0x410] =	vst v4;
	v4 =	vld [tilespmem:s15+$0x0];
	v6 =	vmul.f32 $2.771281240e+01, v6  }
0x263: {  	[tilespmem:s16+$0x420] =	vst v5;
	v5 =	vld [tilespmem:s15+$0x10];
	v7 =	vmul.f32 $2.771281240e+01, v7  }
0x264: {  	[tilespmem:s16+$0x430] =	vst v6;
	v6 =	vld [tilespmem:s15+$0x20];
	v8 =	vmul.f32 $2.771281240e+01, v8  }
0x265: {  	[tilespmem:s16+$0x440] =	vst v7;
	v7 =	vld [tilespmem:s15+$0x30];
	v9 =	vmul.f32 $2.771281240e+01, v9  }
0x266: {  	[tilespmem:s16+$0x450] =	vst v8;
	v8 =	vld [tilespmem:s15+$0x40];
	v10 =	vmul.f32 $2.771281240e+01, v10  }
0x267: {  	s30 =	sadd.s32 $0x7800, s12;
	v4 =	vmul.f32 $2.771281240e+01, v4;
	[tilespmem:s16+$0x460] =	vst v9;
	v9 =	vld [tilespmem:s15+$0x50]  }
0x268: {  	s11 =	sor.u32 s13, s30;
	v5 =	vmul.f32 $2.771281240e+01, v5;
	[tilespmem:s16+$0x470] =	vst v10;
	v10 =	vld [tilespmem:s15+$0x60]  }
0x269: {  	[tilespmem:s15+$0x0] =	vst v4;
	v4 =	vmul.f32 $2.771281240e+01, v6;
	v6 =	vld [tilespmem:s11+$0x0]  }
0x26a: {  	[tilespmem:s15+$0x10] =	vst v5;
	v5 =	vmul.f32 $2.771281240e+01, v7;
	v7 =	vld [tilespmem:s11+$0x10]  }
0x26b: {  	[tilespmem:s15+$0x20] =	vst v4;
	v4 =	vmul.f32 $2.771281240e+01, v8;
	v8 =	vld [tilespmem:s11+$0x20]  }
0x26c: {  	[tilespmem:s15+$0x30] =	vst v5;
	v5 =	vmul.f32 $2.771281240e+01, v9;
	v9 =	vld [tilespmem:s11+$0x30]  }
0x26d: {  	[tilespmem:s15+$0x40] =	vst v4;
	v4 =	vmul.f32 $2.771281240e+01, v10;
	v10 =	vld [tilespmem:s11+$0x40]  }
0x26e: {  	[tilespmem:s15+$0x50] =	vst v5;
	v5 =	vmul.f32 $2.771281240e+01, v6;
	v6 =	vld [tilespmem:s11+$0x50]  }
0x26f: {  	[tilespmem:s15+$0x60] =	vst v4;
	v4 =	vmul.f32 $2.771281240e+01, v7;
	v7 =	vld [tilespmem:s11+$0x60]  }
0x270: {  	[tilespmem:s11+$0x0] =	vst v5;
	v5 =	vmul.f32 $2.771281240e+01, v8;
	v8 =	vld [tilespmem:s11+$0x70]  }
0x271: {  	[tilespmem:s11+$0x10] =	vst v4;
	v4 =	vld [tilespmem:s15+$0x70];
	v9 =	vmul.f32 $2.771281240e+01, v9  }
0x272: {  	[tilespmem:s11+$0x20] =	vst v5;
	v5 =	vld [tilespmem:s15+$0x400];
	v10 =	vmul.f32 $2.771281240e+01, v10  }
0x273: {  	[tilespmem:s11+$0x30] =	vst v9;
	v9 =	vld [tilespmem:s15+$0x410];
	v6 =	vmul.f32 $2.771281240e+01, v6  }
0x274: {  	[tilespmem:s11+$0x40] =	vst v10;
	v10 =	vld [tilespmem:s15+$0x420];
	v7 =	vmul.f32 $2.771281240e+01, v7  }
0x275: {  	[tilespmem:s11+$0x50] =	vst v6;
	v6 =	vld [tilespmem:s15+$0x430];
	v8 =	vmul.f32 $2.771281240e+01, v8  }
0x276: {  	s10 =	sadd.s32 $0x7C00, s12;
	v4 =	vmul.f32 $2.771281240e+01, v4;
	[tilespmem:s11+$0x60] =	vst v7;
	v7 =	vld [tilespmem:s15+$0x440]  }
0x277: {  	v5 =	vmul.f32 $2.771281240e+01, v5;
	[tilespmem:s11+$0x70] =	vst v8;
	v8 =	vld [tilespmem:s15+$0x450];
	s11 =	sor.u32 s13, s10  }
0x278: {  	[tilespmem:s15+$0x70] =	vst v4;
	v4 =	vmul.f32 $2.771281240e+01, v9;
	v9 =	vld [tilespmem:s11+$0x0]  }
0x279: {  	[tilespmem:s15+$0x400] =	vst v5;
	v5 =	vmul.f32 $2.771281240e+01, v10;
	v10 =	vld [tilespmem:s11+$0x10]  }
0x27a: {  	[tilespmem:s15+$0x410] =	vst v4;
	v4 =	vmul.f32 $2.771281240e+01, v6;
	v6 =	vld [tilespmem:s11+$0x20]  }
0x27b: {  	[tilespmem:s15+$0x420] =	vst v5;
	v5 =	vmul.f32 $2.771281240e+01, v7;
	v7 =	vld [tilespmem:s11+$0x30]  }
0x27c: {  	[tilespmem:s15+$0x430] =	vst v4;
	v4 =	vmul.f32 $2.771281240e+01, v8;
	v8 =	vld [tilespmem:s11+$0x40]  }
0x27d: {  	[tilespmem:s15+$0x440] =	vst v5;
	v5 =	vmul.f32 $2.771281240e+01, v9;
	v9 =	vld [tilespmem:s11+$0x50]  }
0x27e: {  	[tilespmem:s15+$0x450] =	vst v4;
	v4 =	vmul.f32 $2.771281240e+01, v10;
	v10 =	vld [tilespmem:s11+$0x60]  }
0x27f: {  	[tilespmem:s11+$0x0] =	vst v5;
	v5 =	vmul.f32 $2.771281240e+01, v6;
	v6 =	vld [tilespmem:s11+$0x70]  }
0x280: {  	[tilespmem:s11+$0x10] =	vst v4;
	v4 =	vld [tilespmem:s15+$0x460];
	v7 =	vmul.f32 $2.771281240e+01, v7  }
0x281: {  	[tilespmem:s11+$0x20] =	vst v5;
	v5 =	vld [tilespmem:s15+$0x470];
	v8 =	vmul.f32 $2.771281240e+01, v8  }
0x282: {  	[tilespmem:s11+$0x30] =	vst v7;
	v7 =	vld [tilespmem:s9+$0x10];
	v9 =	vmul.f32 $2.771281240e+01, v9  }
0x283: {  	[tilespmem:s11+$0x40] =	vst v8;
	v8 =	vld [tilespmem:s9+$0x20];
	v10 =	vmul.f32 $2.771281240e+01, v10  }
0x284: {  	[tilespmem:s11+$0x50] =	vst v9;
	v9 =	vld [tilespmem:s9+$0x30];
	v6 =	vmul.f32 $2.771281240e+01, v6  }
0x285: {  	[tilespmem:s11+$0x60] =	vst v10;
	v10 =	vld [tilespmem:s9+$0x40];
	v4 =	vmul.f32 $2.771281240e+01, v4  }
0x286: {  	[tilespmem:s11+$0x70] =	vst v6;
	v6 =	vld [tilespmem:s9+$0x50];
	v5 =	vmul.f32 $2.771281240e+01, v5  }
0x287: {  	s31 =	sadd.s32 $0x8000, s12;
	v7 =	vmul.f32 $2.771281240e+01, v7;
	[tilespmem:s15+$0x460] =	vst v4;
	v4 =	vld [tilespmem:s9+$0x60]  }
0x288: {  	s16 =	sor.u32 s13, s31;
	v8 =	vmul.f32 $2.771281240e+01, v8;
	[tilespmem:s15+$0x470] =	vst v5;
	v5 =	vld [tilespmem:s9+$0x70]  }
0x289: {  	[tilespmem:s9+$0x10] =	vst v7;
	v7 =	vmul.f32 $2.771281240e+01, v9;
	v9 =	vld [tilespmem:s16+$0x0]  }
0x28a: {  	[tilespmem:s9+$0x20] =	vst v8;
	v8 =	vmul.f32 $2.771281240e+01, v10;
	v10 =	vld [tilespmem:s16+$0x10]  }
0x28b: {  	[tilespmem:s9+$0x30] =	vst v7;
	v6 =	vmul.f32 $2.771281240e+01, v6;
	v7 =	vld [tilespmem:s16+$0x20]  }
0x28c: {  	[tilespmem:s9+$0x40] =	vst v8;
	v4 =	vmul.f32 $2.771281240e+01, v4;
	v8 =	vld [tilespmem:s16+$0x30]  }
0x28d: {  	[tilespmem:s9+$0x50] =	vst v6;
	v5 =	vmul.f32 $2.771281240e+01, v5;
	v6 =	vld [tilespmem:s16+$0x40]  }
0x28e: {  	[tilespmem:s9+$0x60] =	vst v4;
	v4 =	vmul.f32 $2.771281240e+01, v9;
	v9 =	vld [tilespmem:s16+$0x50]  }
0x28f: {  	[tilespmem:s9+$0x70] =	vst v5;
	v5 =	vmul.f32 $2.771281240e+01, v10;
	v10 =	vld [tilespmem:s16+$0x60]  }
0x290: {  	[tilespmem:s16+$0x0] =	vst v4;
	v4 =	vmul.f32 $2.771281240e+01, v7;
	v7 =	vld [tilespmem:s16+$0x70]  }
0x291: {  	[tilespmem:s16+$0x10] =	vst v5;
	v5 =	vld [tilespmem:s6+$0x0];
	v8 =	vmul.f32 $2.771281240e+01, v8  }
0x292: {  	[tilespmem:s16+$0x20] =	vst v4;
	v4 =	vld [tilespmem:s6+$0x10];
	v6 =	vmul.f32 $2.771281240e+01, v6  }
0x293: {  	[tilespmem:s16+$0x30] =	vst v8;
	v8 =	vld [tilespmem:s6+$0x20];
	v9 =	vmul.f32 $2.771281240e+01, v9  }
0x294: {  	[tilespmem:s16+$0x40] =	vst v6;
	v6 =	vld [tilespmem:s6+$0x30];
	v10 =	vmul.f32 $2.771281240e+01, v10  }
0x295: {  	[tilespmem:s16+$0x50] =	vst v9;
	v9 =	vld [tilespmem:s6+$0x40];
	v7 =	vmul.f32 $2.771281240e+01, v7  }
0x296: {  	[tilespmem:s16+$0x60] =	vst v10;
	v10 =	vld [tilespmem:s6+$0x50];
	v5 =	vmul.f32 $2.771281240e+01, v5  }
0x297: {  	s11 =	sor.u32 s0, s30;
	[tilespmem:s16+$0x70] =	vst v7;
	v7 =	vld [tilespmem:s6+$0x60];
	v3 =	vmul.f32 $2.771281240e+01, v4  }
0x298: {  	v4 =	vld [tilespmem:s11+$0x0];
	[tilespmem:s6+$0x0] =	vst v5;
	v5 =	vmul.f32 $2.771281240e+01, v8  }
0x299: {  	v8 =	vld [tilespmem:s11+$0x10];
	[tilespmem:s6+$0x10] =	vst v3;
	v3 =	vmul.f32 $2.771281240e+01, v6  }
0x29a: {  	v6 =	vld [tilespmem:s11+$0x20];
	[tilespmem:s6+$0x20] =	vst v5;
	v5 =	vmul.f32 $2.771281240e+01, v9  }
0x29b: {  	v9 =	vld [tilespmem:s11+$0x30];
	[tilespmem:s6+$0x30] =	vst v3;
	v3 =	vmul.f32 $2.771281240e+01, v10  }
0x29c: {  	v10 =	vld [tilespmem:s11+$0x40];
	[tilespmem:s6+$0x40] =	vst v5;
	v5 =	vmul.f32 $2.771281240e+01, v7  }
0x29d: {  	v7 =	vld [tilespmem:s11+$0x50];
	[tilespmem:s6+$0x50] =	vst v3;
	v3 =	vmul.f32 $2.771281240e+01, v4  }
0x29e: {  	s16 =	sadd.s32 $0x8400, s12;
	v4 =	vld [tilespmem:s11+$0x60];
	[tilespmem:s6+$0x60] =	vst v5;
	v5 =	vmul.f32 $2.771281240e+01, v8  }
0x29f: {  	s30 =	sor.u32 s13, s16;
	[tilespmem:s11+$0x0] =	vst v3;
	v3 =	vmul.f32 $2.771281240e+01, v6;
	v6 =	vld [tilespmem:s11+$0x70]  }
0x2a0: {  	s26 =	sor.u32 s26, s1;
	v8 =	vld [tilespmem:s30+$0x70];
	[tilespmem:s11+$0x10] =	vst v5;
	v5 =	vmul.f32 $2.771281240e+01, v9  }
0x2a1: {  	v9 =	vld [tilespmem:s26+$0x0];
	[tilespmem:s11+$0x20] =	vst v3;
	v3 =	vmul.f32 $2.771281240e+01, v10  }
0x2a2: {  	v10 =	vld [tilespmem:s26+$0x10];
	[tilespmem:s11+$0x30] =	vst v5;
	v5 =	vmul.f32 $2.771281240e+01, v7  }
0x2a3: {  	v7 =	vld [tilespmem:s26+$0x20];
	[tilespmem:s11+$0x40] =	vst v3;
	v3 =	vmul.f32 $2.771281240e+01, v4  }
0x2a4: {  	v4 =	vld [tilespmem:s26+$0x30];
	[tilespmem:s11+$0x50] =	vst v5;
	v5 =	vmul.f32 $2.771281240e+01, v6  }
0x2a5: {  	v8 =	vmul.f32 $2.771281240e+01, v8;
	v6 =	vld [tilespmem:s26+$0x40];
	[tilespmem:s11+$0x60] =	vst v3  }
0x2a6: {  	v3 =	vld [tilespmem:s26+$0x50];
	[tilespmem:s11+$0x70] =	vst v5;
	v5 =	vmul.f32 $2.771281240e+01, v9  }
0x2a7: {  	s6 =	sor.u32 s0, s10;
	[tilespmem:s30+$0x70] =	vst v8;
	v9 =	vld [tilespmem:s26+$0x60];
	v8 =	vmul.f32 $2.771281240e+01, v10  }
0x2a8: {  	v10 =	vld [tilespmem:s6+$0x0];
	[tilespmem:s26+$0x0] =	vst v5;
	v5 =	vmul.f32 $2.771281240e+01, v7  }
0x2a9: {  	v7 =	vld [tilespmem:s6+$0x10];
	[tilespmem:s26+$0x10] =	vst v8;
	v4 =	vmul.f32 $2.771281240e+01, v4  }
0x2aa: {  	v8 =	vld [tilespmem:s6+$0x20];
	[tilespmem:s26+$0x20] =	vst v5;
	v5 =	vmul.f32 $2.771281240e+01, v6  }
0x2ab: {  	v6 =	vld [tilespmem:s6+$0x30];
	[tilespmem:s26+$0x30] =	vst v4;
	v3 =	vmul.f32 $2.771281240e+01, v3  }
0x2ac: {  	v4 =	vld [tilespmem:s6+$0x40];
	v9 =	vmul.f32 $2.771281240e+01, v9;
	[tilespmem:s26+$0x40] =	vst v5  }
0x2ad: {  	v5 =	vmul.f32 $2.771281240e+01, v10;
	v10 =	vld [tilespmem:s6+$0x50];
	[tilespmem:s26+$0x50] =	vst v3  }
0x2ae: {  	v11 =	vld [tilespmem:s6+$0x60];
	v3 =	vmul.f32 $2.771281240e+01, v7;
	[tilespmem:s26+$0x60] =	vst v9  }
0x2af: {  	v7 =	vld [tilespmem:s6+$0x70];
	[tilespmem:s6+$0x0] =	vst v5;
	v5 =	vmul.f32 $2.771281240e+01, v8  }
0x2b0: {  	[tilespmem:s6+$0x10] =	vst v3;
	v8 =	vmul.f32 $2.771281240e+01, v6;
	v3 =	vld [tilespmem:s26+$0x70]  }
0x2b1: {  	v4 =	vmul.f32 $2.771281240e+01, v4;
	v6 =	vld [tilespmem:s30+$0x0];
	[tilespmem:s6+$0x20] =	vst v5  }
0x2b2: {  	v5 =	vld [tilespmem:s30+$0x10];
	[tilespmem:s6+$0x30] =	vst v8;
	v9 =	vmul.f32 $2.771281240e+01, v10  }
0x2b3: {  	s31 =	sor.u32 s0, s31;
	s1 =	sor.u32 s0, s16;
	s0 =	simm.s32 $0x2;
	[tilespmem:s6+$0x40] =	vst v4;
	v8 =	vmul.f32 $2.771281240e+01, v11;
	v4 =	vld [tilespmem:s30+$0x20]  }
.LBB2_5:
0x2b4: {  	s0 =	sadd.s32 $0x2, s0;
	[tilespmem:s6+$0x50] =	vst v9;
	v7 =	vmul.f32 $2.771281240e+01, v7;
	v9 =	vld [tilespmem:s30+$0x30]  }
0x2b5: {  	s9 =	sshrl.u32 s0, $0x3;
	p0 =	slt.u32 s0, $0x1E;
	[tilespmem:s6+$0x60] =	vst v8;
	v8 =	vld [tilespmem:s30+$0x40];
	v3 =	vmul.f32 $2.771281240e+01, v3  }
0x2b6: {  	s9 =	smul.u32 $0x6000, s9;
	[tilespmem:s6+$0x70] =	vst v7;
	v6 =	vmul.f32 $2.771281240e+01, v6;
	v7 =	vld [tilespmem:s30+$0x50]  }
0x2b7: {  	s25 =	sadd.s32 $0x100, s25;
	v10 =	vld [tilespmem:s31+$0x0];
	v5 =	vmul.f32 $2.771281240e+01, v5;
	[tilespmem:s26+$0x70] =	vst v3;
	s26 =	smov.u32 s1  }
0x2b8: {  	s1 =	sand.u32 $0x300, s25;
	s13 =	sshra.s32 s9, $0x2;
	v3 =	vld [tilespmem:s31+$0x10];
	[tilespmem:s30+$0x0] =	vst v6;
	v4 =	vmul.f32 $2.771281240e+01, v4  }
0x2b9: {  	s12 =	sor.u32 $0x80, s1;
	s6 =	sadd.s32 $0x7000, s13;
	v6 =	vld [tilespmem:s31+$0x20];
	[tilespmem:s30+$0x10] =	vst v5;
	v5 =	vmul.f32 $2.771281240e+01, v9  }
0x2ba: {  	s9 =	sor.u32 s1, s6;
	s6 =	sor.u32 s12, s6;
	v9 =	vld [tilespmem:s31+$0x30];
	[tilespmem:s30+$0x20] =	vst v4;
	v4 =	vmul.f32 $2.771281240e+01, v8  }
0x2bb: {  	v8 =	vld [tilespmem:s6+$0x0];
	[tilespmem:s30+$0x30] =	vst v5;
	v5 =	vmul.f32 $2.771281240e+01, v7  }
0x2bc: {  	v7 =	vld [tilespmem:s6+$0x10];
	v10 =	vmul.f32 $2.771281240e+01, v10;
	[tilespmem:s30+$0x40] =	vst v4  }
0x2bd: {  	v4 =	vld [tilespmem:s6+$0x20];
	v3 =	vmul.f32 $2.771281240e+01, v3;
	[tilespmem:s30+$0x50] =	vst v5  }
0x2be: {  	v5 =	vld [tilespmem:s6+$0x30];
	[tilespmem:s31+$0x0] =	vst v10;
	v6 =	vmul.f32 $2.771281240e+01, v6  }
0x2bf: {  	v10 =	vld [tilespmem:s6+$0x40];
	[tilespmem:s31+$0x10] =	vst v3;
	v3 =	vmul.f32 $2.771281240e+01, v9  }
0x2c0: {  	v8 =	vmul.f32 $2.771281240e+01, v8;
	v9 =	vld [tilespmem:s6+$0x50];
	[tilespmem:s31+$0x20] =	vst v6  }
0x2c1: {  	v6 =	vmul.f32 $2.771281240e+01, v7;
	v7 =	vld [tilespmem:s6+$0x60];
	[tilespmem:s31+$0x30] =	vst v3  }
0x2c2: {  	[tilespmem:s6+$0x0] =	vst v8;
	v3 =	vmul.f32 $2.771281240e+01, v4;
	v4 =	vld [tilespmem:s6+$0x70]  }
0x2c3: {  	[tilespmem:s6+$0x10] =	vst v6;
	v5 =	vmul.f32 $2.771281240e+01, v5;
	v6 =	vld [tilespmem:s6+$0x400]  }
0x2c4: {  	[tilespmem:s6+$0x20] =	vst v3;
	v3 =	vmul.f32 $2.771281240e+01, v10;
	v8 =	vld [tilespmem:s6+$0x410]  }
0x2c5: {  	[tilespmem:s6+$0x30] =	vst v5;
	v5 =	vmul.f32 $2.771281240e+01, v9;
	v9 =	vld [tilespmem:s6+$0x420]  }
0x2c6: {  	[tilespmem:s6+$0x40] =	vst v3;
	v3 =	vmul.f32 $2.771281240e+01, v7;
	v7 =	vld [tilespmem:s6+$0x430]  }
0x2c7: {  	[tilespmem:s6+$0x50] =	vst v5;
	v4 =	vmul.f32 $2.771281240e+01, v4;
	v5 =	vld [tilespmem:s6+$0x440]  }
0x2c8: {  	[tilespmem:s6+$0x60] =	vst v3;
	v3 =	vmul.f32 $2.771281240e+01, v6;
	v6 =	vld [tilespmem:s6+$0x450]  }
0x2c9: {  	[tilespmem:s6+$0x70] =	vst v4;
	v4 =	vmul.f32 $2.771281240e+01, v8;
	v8 =	vld [tilespmem:s6+$0x460]  }
0x2ca: {  	[tilespmem:s6+$0x400] =	vst v3;
	v3 =	vmul.f32 $2.771281240e+01, v9;
	v9 =	vld [tilespmem:s6+$0x470]  }
0x2cb: {  	v10 =	vld [tilespmem:s9+$0x0];
	[tilespmem:s6+$0x410] =	vst v4;
	v4 =	vmul.f32 $2.771281240e+01, v7  }
0x2cc: {  	v7 =	vld [tilespmem:s9+$0x10];
	[tilespmem:s6+$0x420] =	vst v3;
	v3 =	vmul.f32 $2.771281240e+01, v5  }
0x2cd: {  	v5 =	vld [tilespmem:s9+$0x20];
	[tilespmem:s6+$0x430] =	vst v4;
	v4 =	vmul.f32 $2.771281240e+01, v6  }
0x2ce: {  	v6 =	vld [tilespmem:s9+$0x30];
	[tilespmem:s6+$0x440] =	vst v3;
	v3 =	vmul.f32 $2.771281240e+01, v8  }
0x2cf: {  	v8 =	vld [tilespmem:s9+$0x40];
	[tilespmem:s6+$0x450] =	vst v4;
	v4 =	vmul.f32 $2.771281240e+01, v9  }
0x2d0: {  	s15 =	sadd.s32 $0x7800, s13;
	v9 =	vmul.f32 $2.771281240e+01, v10;
	v10 =	vld [tilespmem:s9+$0x50];
	[tilespmem:s6+$0x460] =	vst v3  }
0x2d1: {  	s10 =	sor.u32 s1, s15;
	s15 =	sor.u32 s12, s15;
	v3 =	vmul.f32 $2.771281240e+01, v7;
	v7 =	vld [tilespmem:s9+$0x60];
	[tilespmem:s6+$0x470] =	vst v4  }
0x2d2: {  	[tilespmem:s9+$0x0] =	vst v9;
	v4 =	vmul.f32 $2.771281240e+01, v5;
	v5 =	vld [tilespmem:s15+$0x0]  }
0x2d3: {  	[tilespmem:s9+$0x10] =	vst v3;
	v3 =	vmul.f32 $2.771281240e+01, v6;
	v6 =	vld [tilespmem:s15+$0x10]  }
0x2d4: {  	[tilespmem:s9+$0x20] =	vst v4;
	v4 =	vmul.f32 $2.771281240e+01, v8;
	v8 =	vld [tilespmem:s15+$0x20]  }
0x2d5: {  	[tilespmem:s9+$0x30] =	vst v3;
	v3 =	vmul.f32 $2.771281240e+01, v10;
	v9 =	vld [tilespmem:s15+$0x30]  }
0x2d6: {  	[tilespmem:s9+$0x40] =	vst v4;
	v4 =	vmul.f32 $2.771281240e+01, v7;
	v7 =	vld [tilespmem:s15+$0x40]  }
0x2d7: {  	[tilespmem:s9+$0x50] =	vst v3;
	v3 =	vmul.f32 $2.771281240e+01, v5;
	v5 =	vld [tilespmem:s15+$0x50]  }
0x2d8: {  	[tilespmem:s9+$0x60] =	vst v4;
	v4 =	vmul.f32 $2.771281240e+01, v6;
	v6 =	vld [tilespmem:s15+$0x60]  }
0x2d9: {  	[tilespmem:s15+$0x0] =	vst v3;
	v3 =	vmul.f32 $2.771281240e+01, v8;
	v8 =	vld [tilespmem:s15+$0x70]  }
0x2da: {  	v10 =	vld [tilespmem:s9+$0x70];
	[tilespmem:s15+$0x10] =	vst v4;
	v4 =	vmul.f32 $2.771281240e+01, v9  }
0x2db: {  	v9 =	vld [tilespmem:s9+$0x400];
	[tilespmem:s15+$0x20] =	vst v3;
	v3 =	vmul.f32 $2.771281240e+01, v7  }
0x2dc: {  	v7 =	vld [tilespmem:s9+$0x410];
	[tilespmem:s15+$0x30] =	vst v4;
	v4 =	vmul.f32 $2.771281240e+01, v5  }
0x2dd: {  	v5 =	vld [tilespmem:s9+$0x420];
	[tilespmem:s15+$0x40] =	vst v3;
	v3 =	vmul.f32 $2.771281240e+01, v6  }
0x2de: {  	v6 =	vld [tilespmem:s9+$0x430];
	[tilespmem:s15+$0x50] =	vst v4;
	v4 =	vmul.f32 $2.771281240e+01, v8  }
0x2df: {  	s16 =	sadd.s32 $0x7C00, s13;
	v8 =	vmul.f32 $2.771281240e+01, v10;
	v10 =	vld [tilespmem:s9+$0x440];
	[tilespmem:s15+$0x60] =	vst v3  }
0x2e0: {  	s6 =	sor.u32 s1, s16;
	v3 =	vmul.f32 $2.771281240e+01, v9;
	v9 =	vld [tilespmem:s9+$0x450];
	[tilespmem:s15+$0x70] =	vst v4;
	s15 =	sor.u32 s12, s16  }
0x2e1: {  	[tilespmem:s9+$0x70] =	vst v8;
	v4 =	vmul.f32 $2.771281240e+01, v7;
	v7 =	vld [tilespmem:s15+$0x0]  }
0x2e2: {  	[tilespmem:s9+$0x400] =	vst v3;
	v3 =	vmul.f32 $2.771281240e+01, v5;
	v5 =	vld [tilespmem:s15+$0x10]  }
0x2e3: {  	[tilespmem:s9+$0x410] =	vst v4;
	v4 =	vmul.f32 $2.771281240e+01, v6;
	v6 =	vld [tilespmem:s15+$0x20]  }
0x2e4: {  	[tilespmem:s9+$0x420] =	vst v3;
	v3 =	vmul.f32 $2.771281240e+01, v10;
	v8 =	vld [tilespmem:s15+$0x30]  }
0x2e5: {  	[tilespmem:s9+$0x430] =	vst v4;
	v4 =	vmul.f32 $2.771281240e+01, v9;
	v9 =	vld [tilespmem:s15+$0x40]  }
0x2e6: {  	[tilespmem:s9+$0x440] =	vst v3;
	v3 =	vmul.f32 $2.771281240e+01, v7;
	v7 =	vld [tilespmem:s15+$0x50]  }
0x2e7: {  	[tilespmem:s9+$0x450] =	vst v4;
	v4 =	vmul.f32 $2.771281240e+01, v5;
	v5 =	vld [tilespmem:s15+$0x60]  }
0x2e8: {  	[tilespmem:s15+$0x0] =	vst v3;
	v3 =	vmul.f32 $2.771281240e+01, v6;
	v6 =	vld [tilespmem:s15+$0x70]  }
0x2e9: {  	v10 =	vld [tilespmem:s9+$0x460];
	[tilespmem:s15+$0x10] =	vst v4;
	v4 =	vmul.f32 $2.771281240e+01, v8  }
0x2ea: {  	v8 =	vld [tilespmem:s9+$0x470];
	[tilespmem:s15+$0x20] =	vst v3;
	v3 =	vmul.f32 $2.771281240e+01, v9  }
0x2eb: {  	[tilespmem:s15+$0x30] =	vst v4;
	v4 =	vmul.f32 $2.771281240e+01, v7;
	v7 =	vld [tilespmem:s31+$0x40]  }
0x2ec: {  	[tilespmem:s15+$0x40] =	vst v3;
	v3 =	vmul.f32 $2.771281240e+01, v5;
	v5 =	vld [tilespmem:s31+$0x50]  }
0x2ed: {  	[tilespmem:s15+$0x50] =	vst v4;
	v4 =	vmul.f32 $2.771281240e+01, v6;
	v6 =	vld [tilespmem:s31+$0x60]  }
0x2ee: {  	s16 =	sadd.s32 $0x8000, s13;
	v9 =	vmul.f32 $2.771281240e+01, v10;
	[tilespmem:s15+$0x60] =	vst v3;
	v3 =	vld [tilespmem:s31+$0x70]  }
0x2ef: {  	s11 =	sor.u32 s1, s16;
	v8 =	vmul.f32 $2.771281240e+01, v8;
	[tilespmem:s15+$0x70] =	vst v4;
	s15 =	sor.u32 s12, s16;
	v4 =	vld [tilespmem:s30+$0x60]  }
0x2f0: {  	[tilespmem:s9+$0x460] =	vst v9;
	v9 =	vld [tilespmem:s15+$0x0];
	v7 =	vmul.f32 $2.771281240e+01, v7  }
0x2f1: {  	[tilespmem:s9+$0x470] =	vst v8;
	v8 =	vld [tilespmem:s15+$0x10];
	v5 =	vmul.f32 $2.771281240e+01, v5  }
0x2f2: {  	v10 =	vld [tilespmem:s15+$0x20];
	[tilespmem:s31+$0x40] =	vst v7;
	v6 =	vmul.f32 $2.771281240e+01, v6  }
0x2f3: {  	v7 =	vld [tilespmem:s15+$0x30];
	[tilespmem:s31+$0x50] =	vst v5;
	v3 =	vmul.f32 $2.771281240e+01, v3  }
0x2f4: {  	v5 =	vld [tilespmem:s15+$0x40];
	[tilespmem:s31+$0x60] =	vst v6;
	v4 =	vmul.f32 $2.771281240e+01, v4  }
0x2f5: {  	v6 =	vmul.f32 $2.771281240e+01, v9;
	v9 =	vld [tilespmem:s15+$0x50];
	[tilespmem:s31+$0x70] =	vst v3;
	s31 =	smov.u32 s11  }
0x2f6: {  	v3 =	vmul.f32 $2.771281240e+01, v8;
	v8 =	vld [tilespmem:s15+$0x60];
	[tilespmem:s30+$0x60] =	vst v4  }
0x2f7: {  	[tilespmem:s15+$0x0] =	vst v6;
	v4 =	vmul.f32 $2.771281240e+01, v10;
	v6 =	vld [tilespmem:s15+$0x70]  }
0x2f8: {  	v10 =	vld [tilespmem:s10+$0x0];
	[tilespmem:s15+$0x10] =	vst v3;
	v3 =	vmul.f32 $2.771281240e+01, v7  }
0x2f9: {  	v7 =	vld [tilespmem:s10+$0x10];
	[tilespmem:s15+$0x20] =	vst v4;
	v4 =	vmul.f32 $2.771281240e+01, v5  }
0x2fa: {  	v5 =	vld [tilespmem:s10+$0x20];
	[tilespmem:s15+$0x30] =	vst v3;
	v3 =	vmul.f32 $2.771281240e+01, v9  }
0x2fb: {  	v9 =	vld [tilespmem:s10+$0x30];
	[tilespmem:s15+$0x40] =	vst v4;
	v4 =	vmul.f32 $2.771281240e+01, v8  }
0x2fc: {  	v8 =	vld [tilespmem:s10+$0x40];
	[tilespmem:s15+$0x50] =	vst v3;
	v3 =	vmul.f32 $2.771281240e+01, v6  }
0x2fd: {  	s9 =	sadd.s32 $0x8400, s13;
	v6 =	vmul.f32 $2.771281240e+01, v10;
	v10 =	vld [tilespmem:s10+$0x50];
	[tilespmem:s15+$0x60] =	vst v4  }
0x2fe: {  	s1 =	sor.u32 s1, s9;
	s30 =	sor.u32 s12, s9;
	v4 =	vmul.f32 $2.771281240e+01, v7;
	v7 =	vld [tilespmem:s10+$0x60];
	[tilespmem:s15+$0x70] =	vst v3  }
0x2ff: {  	[tilespmem:s10+$0x0] =	vst v6;
	v3 =	vmul.f32 $2.771281240e+01, v5;
	v5 =	vld [tilespmem:s30+$0x70]  }
0x300: {  	[tilespmem:s10+$0x10] =	vst v4;
	v4 =	vmul.f32 $2.771281240e+01, v9;
	v6 =	vld [tilespmem:s10+$0x70]  }
0x301: {  	[tilespmem:s10+$0x20] =	vst v3;
	v3 =	vmul.f32 $2.771281240e+01, v8;
	v8 =	vld [tilespmem:s26+$0x0]  }
0x302: {  	[tilespmem:s10+$0x30] =	vst v4;
	v4 =	vmul.f32 $2.771281240e+01, v10;
	v9 =	vld [tilespmem:s26+$0x10]  }
0x303: {  	[tilespmem:s10+$0x40] =	vst v3;
	v3 =	vmul.f32 $2.771281240e+01, v7;
	v7 =	vld [tilespmem:s26+$0x20]  }
0x304: {  	[tilespmem:s10+$0x50] =	vst v4;
	v4 =	vmul.f32 $2.771281240e+01, v5;
	v5 =	vld [tilespmem:s26+$0x30]  }
0x305: {  	[tilespmem:s10+$0x60] =	vst v3;
	v3 =	vmul.f32 $2.771281240e+01, v6;
	v6 =	vld [tilespmem:s26+$0x40]  }
0x306: {  	[tilespmem:s30+$0x70] =	vst v4;
	v4 =	vmul.f32 $2.771281240e+01, v8;
	v8 =	vld [tilespmem:s26+$0x50]  }
0x307: {  	[tilespmem:s10+$0x70] =	vst v3;
	v3 =	vmul.f32 $2.771281240e+01, v9;
	v9 =	vld [tilespmem:s26+$0x60]  }
0x308: {  	v10 =	vld [tilespmem:s6+$0x0];
	[tilespmem:s26+$0x0] =	vst v4;
	v4 =	vmul.f32 $2.771281240e+01, v7  }
0x309: {  	v7 =	vld [tilespmem:s6+$0x10];
	[tilespmem:s26+$0x10] =	vst v3;
	v3 =	vmul.f32 $2.771281240e+01, v5  }
0x30a: {  	v5 =	vld [tilespmem:s6+$0x20];
	[tilespmem:s26+$0x20] =	vst v4;
	v4 =	vmul.f32 $2.771281240e+01, v6  }
0x30b: {  	v6 =	vld [tilespmem:s6+$0x30];
	[tilespmem:s26+$0x30] =	vst v3;
	v3 =	vmul.f32 $2.771281240e+01, v8  }
0x30c: {  	v8 =	vld [tilespmem:s6+$0x40];
	[tilespmem:s26+$0x40] =	vst v4;
	v4 =	vmul.f32 $2.771281240e+01, v9  }
0x30d: {  	v9 =	vmul.f32 $2.771281240e+01, v10;
	v10 =	vld [tilespmem:s6+$0x50];
	[tilespmem:s26+$0x50] =	vst v3  }
0x30e: {  	v3 =	vmul.f32 $2.771281240e+01, v7;
	v11 =	vld [tilespmem:s6+$0x60];
	[tilespmem:s26+$0x60] =	vst v4  }
.Ltmp1:
0x30f: {  	[tilespmem:s6+$0x0] =	vst v9;
	v4 =	vmul.f32 $2.771281240e+01, v5;
	v7 =	vld [tilespmem:s6+$0x70];
	(pc) =	sbr.rel @p0 .LBB2_5-.Ltmp1, $4  }
0x310: {  	[tilespmem:s6+$0x10] =	vst v3;
	v5 =	vmul.f32 $2.771281240e+01, v6;
	v3 =	vld [tilespmem:s26+$0x70]  }
0x311: {  	[tilespmem:s6+$0x20] =	vst v4;
	v4 =	vmul.f32 $2.771281240e+01, v8;
	v6 =	vld [tilespmem:s30+$0x0]  }
0x312: {  	[tilespmem:s6+$0x30] =	vst v5;
	v9 =	vmul.f32 $2.771281240e+01, v10;
	v5 =	vld [tilespmem:s30+$0x10]  }
0x313: {  	[tilespmem:s6+$0x40] =	vst v4;
	v8 =	vmul.f32 $2.771281240e+01, v11;
	v4 =	vld [tilespmem:s30+$0x20]  }
0x314: {  	[tilespmem:s6+$0x50] =	vst v9;
	v7 =	vmul.f32 $2.771281240e+01, v7  }
0x315: {  	[tilespmem:s6+$0x60] =	vst v8  }
0x316: {  	[tilespmem:s6+$0x70] =	vst v7  }
0x317: {  	v7 =	vld [tilespmem:s31+$0x0]  }
0x318: {  	v8 =	vld [tilespmem:s31+$0x10]  }
0x319: {  	v9 =	vld [tilespmem:s31+$0x20]  }
0x31a: {  	v10 =	vld [tilespmem:s31+$0x30];
	_ =	sdelay $0x1  }
0x31b: {  	v7 =	vmul.f32 $2.771281240e+01, v7  }
0x31c: {  	v8 =	vmul.f32 $2.771281240e+01, v8  }
0x31d: {  	[tilespmem:s31+$0x0] =	vst v7;
	v7 =	vmul.f32 $2.771281240e+01, v9  }
0x31e: {  	[tilespmem:s31+$0x10] =	vst v8;
	v8 =	vmul.f32 $2.771281240e+01, v10  }
0x31f: {  	[tilespmem:s31+$0x20] =	vst v7;
	v7 =	vld [tilespmem:s31+$0x40]  }
0x320: {  	[tilespmem:s31+$0x30] =	vst v8;
	v8 =	vld [tilespmem:s31+$0x50]  }
0x321: {  	v9 =	vld [tilespmem:s31+$0x60]  }
0x322: {  	v10 =	vld [tilespmem:s31+$0x70];
	_ =	sdelay $0x1  }
0x323: {  	v7 =	vmul.f32 $2.771281240e+01, v7  }
0x324: {  	v8 =	vmul.f32 $2.771281240e+01, v8  }
0x325: {  	[tilespmem:s31+$0x40] =	vst v7;
	v7 =	vmul.f32 $2.771281240e+01, v9  }
0x326: {  	v9 =	vld [tilespmem:s30+$0x30];
	[tilespmem:s31+$0x50] =	vst v8;
	v8 =	vmul.f32 $2.771281240e+01, v10  }
0x327: {  	v10 =	vld [tilespmem:s30+$0x40];
	[tilespmem:s31+$0x60] =	vst v7  }
0x328: {  	v6 =	vmul.f32 $2.771281240e+01, v6;
	v7 =	vld [tilespmem:s30+$0x50];
	[tilespmem:s31+$0x70] =	vst v8  }
0x329: {  	v5 =	vmul.f32 $2.771281240e+01, v5;
	v8 =	vld [tilespmem:s1+$0x0]  }
0x32a: {  	[tilespmem:s30+$0x0] =	vst v6;
	v4 =	vmul.f32 $2.771281240e+01, v4;
	v6 =	vld [tilespmem:s1+$0x10]  }
0x32b: {  	[tilespmem:s30+$0x10] =	vst v5;
	v5 =	vmul.f32 $2.771281240e+01, v9;
	v9 =	vld [tilespmem:s1+$0x20]  }
0x32c: {  	[tilespmem:s30+$0x20] =	vst v4;
	v4 =	vmul.f32 $2.771281240e+01, v10;
	v10 =	vld [tilespmem:s1+$0x30]  }
0x32d: {  	[tilespmem:s30+$0x30] =	vst v5;
	v5 =	vmul.f32 $2.771281240e+01, v7;
	v7 =	vld [tilespmem:s1+$0x40]  }
0x32e: {  	[tilespmem:s30+$0x40] =	vst v4;
	v4 =	vmul.f32 $2.771281240e+01, v8;
	v8 =	vld [tilespmem:s1+$0x50]  }
0x32f: {  	[tilespmem:s30+$0x50] =	vst v5;
	v5 =	vmul.f32 $2.771281240e+01, v6;
	v6 =	vld [tilespmem:s1+$0x60]  }
0x330: {  	[tilespmem:s1+$0x0] =	vst v4;
	v4 =	vmul.f32 $2.771281240e+01, v9  }
0x331: {  	[tilespmem:s1+$0x10] =	vst v5;
	v5 =	vmul.f32 $2.771281240e+01, v10  }
0x332: {  	[tilespmem:s1+$0x20] =	vst v4;
	v4 =	vmul.f32 $2.771281240e+01, v7  }
0x333: {  	[tilespmem:s1+$0x30] =	vst v5;
	v5 =	vmul.f32 $2.771281240e+01, v8  }
0x334: {  	[tilespmem:s1+$0x40] =	vst v4;
	v4 =	vmul.f32 $2.771281240e+01, v6  }
0x335: {  	[tilespmem:s1+$0x50] =	vst v5;
	v5 =	vld [tilespmem:s30+$0x60]  }
0x336: {  	[tilespmem:s1+$0x60] =	vst v4;
	v4 =	vld [tilespmem:s1+$0x70];
	_ =	sdelay $0x2  }
0x337: {  	v3 =	vmul.f32 $2.771281240e+01, v3  }
0x338: {  	v5 =	vmul.f32 $2.771281240e+01, v5  }
0x339: {  	[tilespmem:s26+$0x70] =	vst v3;
	v3 =	vmul.f32 $2.771281240e+01, v4  }
0x33a: {  	s0 =	sadd.s32 s24, s3;
	[tilespmem:s30+$0x60] =	vst v5  }
0x33b: {  	p0 =	seq.s32 s20, $0x7;
	s0 =	sadd.s32 $0xC00, s0;
	[tilespmem:s1+$0x70] =	vst v3  }
0x33c: {  	[hbm4b:s0+s4] =	stream.linear.scatter [tilespmem:s23], [sflag:$0x6], $0x6000, $0x38;
	[tilespmem:$0x19000] =	vst v63  }
0x33d: {  	s0 =	simm.s32 @!p0 $0x5  }
0x33e: {  	_ =	swait.ge @!p0 [sflag:s0], $0x6000  }
0x33f: {  	s1 =	sshll.u32 @!p0 s20, $0x9;
	[sflag:s0] =	ssyncset.done @!p0 $0x0  }
0x340: {  	s24 =	sand.u32 @!p0 $0x3FFFFE00, s1;
	[sflag:s0] =	ssyncadd.s32 @!p0 $0xFFFFA000  }
0x341: {  	v3 =	vld @!p0 [tilespmem:s24+$0x200];
	_ =	sdelay $0x4  }
0x342: {  	v4 =	vshrl.u32 @!p0 v3, $0x3  }
0x343: {  	v4 =	vmul.u32 @!p0 $0x30, v4  }
0x344: {  	v5 =	vlaneseq.u32 @!p0;
	v3 =	vand.u32 @!p0 $0x7, v3  }
0x345: {  	v6 =	vshrl.u32 @!p0 v5, $0x3;
	v3 =	vor.u32 @!p0 v3, v4;
	v4 =	vand.u32 @!p0 $0x7, v5  }
0x346: {  	v6 =	vmul.u32 @!p0 $0x8, v6;
	v7 =	vperm.xlane @!p0 v3, v4;
	_ =	sdelay $0x1  }
0x347: {  	v7 =	vadd.s32 @!p0 v6, v7;
	_ =	sdelay $0x2  }
0x348: {  	v5 =	vor.u32 @!p0 $0x8, v5  }
0x349: {  	vm1 =	vmmov @!p0 $0xffff;
	s1 =	simm.s32 @!p0 $0x1000;
	s0 =	simm.s32 @!p0 $0x0;
	v3 =	vperm.xlane @!p0 v3, v5  }
0x34a: {  	[tilespmem:s1], [sflag:$0x1] =	stream.indirect_vreg.gather @!p0 [hbm4b:s2+s0], $0x80, v7, vm1, $0xb8;
	[tilespmem:$0x19000] =	vst v63  }
0x34b: {  	v3 =	vadd.s32 @!p0 v6, v3;
	s1 =	simm.s32 @!p0 $0x1800  }
0x34c: {  	[tilespmem:s1], [sflag:$0x1] =	stream.indirect_vreg.gather @!p0 [hbm4b:s7+s0], $0x80, v7, vm1, $0xb8;
	[tilespmem:$0x19000] =	vst v63  }
0x34d: {  	s1 =	simm.s32 @!p0 $0x2000  }
0x34e: {  	[tilespmem:s1], [sflag:$0x1] =	stream.indirect_vreg.gather @!p0 [hbm4b:s8+s0], $0x80, v7, vm1, $0xb8;
	[tilespmem:$0x19000] =	vst v63  }
0x34f: {  	s1 =	simm.s32 @!p0 $0x2800  }
0x350: {  	[tilespmem:s1], [sflag:$0x1] =	stream.indirect_vreg.gather @!p0 [hbm4b:s2+s0], $0x80, v3, vm1, $0xb8;
	[tilespmem:$0x19000] =	vst v63  }
0x351: {  	s1 =	simm.s32 @!p0 $0x3000  }
0x352: {  	[tilespmem:s1], [sflag:$0x1] =	stream.indirect_vreg.gather @!p0 [hbm4b:s7+s0], $0x80, v3, vm1, $0xb8;
	[tilespmem:$0x19000] =	vst v63  }
0x353: {  	s1 =	simm.s32 @!p0 $0x3800  }
0x354: {  	[tilespmem:s1], [sflag:$0x1] =	stream.indirect_vreg.gather @!p0 [hbm4b:s8+s0], $0x80, v3, vm1, $0xb8;
	[tilespmem:$0x19000] =	vst v63  }
0x355: {  	v3 =	vld @!p0 [tilespmem:s24+$0x210];
	_ =	sdelay $0x4  }
0x356: {  	v7 =	vshrl.u32 @!p0 v3, $0x3  }
0x357: {  	v7 =	vmul.u32 @!p0 $0x30, v7  }
0x358: {  	v3 =	vand.u32 @!p0 $0x7, v3  }
0x359: {  	v3 =	vor.u32 @!p0 v3, v7  }
0x35a: {  	v4 =	vperm.xlane @!p0 v3, v4;
	_ =	sdelay $0x1  }
0x35b: {  	v4 =	vadd.s32 @!p0 v6, v4;
	_ =	sdelay $0x3  }
0x35c: {  	s1 =	simm.s32 @!p0 $0x4000;
	v3 =	vperm.xlane @!p0 v3, v5  }
0x35d: {  	[tilespmem:s1], [sflag:$0x1] =	stream.indirect_vreg.gather @!p0 [hbm4b:s2+s0], $0x80, v4, vm1, $0xb8;
	[tilespmem:$0x19000] =	vst v63  }
0x35e: {  	v3 =	vadd.s32 @!p0 v6, v3;
	s1 =	simm.s32 @!p0 $0x4800  }
0x35f: {  	[tilespmem:s1], [sflag:$0x1] =	stream.indirect_vreg.gather @!p0 [hbm4b:s7+s0], $0x80, v4, vm1, $0xb8;
	[tilespmem:$0x19000] =	vst v63  }
0x360: {  	s1 =	simm.s32 @!p0 $0x5000  }
0x361: {  	[tilespmem:s1], [sflag:$0x1] =	stream.indirect_vreg.gather @!p0 [hbm4b:s8+s0], $0x80, v4, vm1, $0xb8;
	[tilespmem:$0x19000] =	vst v63  }
0x362: {  	s1 =	simm.s32 @!p0 $0x5800  }
0x363: {  	[tilespmem:s1], [sflag:$0x1] =	stream.indirect_vreg.gather @!p0 [hbm4b:s2+s0], $0x80, v3, vm1, $0xb8;
	[tilespmem:$0x19000] =	vst v63  }
0x364: {  	s1 =	simm.s32 @!p0 $0x6000  }
0x365: {  	[tilespmem:s1], [sflag:$0x1] =	stream.indirect_vreg.gather @!p0 [hbm4b:s7+s0], $0x80, v3, vm1, $0xb8;
	[tilespmem:$0x19000] =	vst v63  }
0x366: {  	s11 =	simm.s32 $0x0;
	s1 =	simm.s32 @!p0 $0x6800  }
0x367: {  	[tilespmem:s1], [sflag:$0x1] =	stream.indirect_vreg.gather @!p0 [hbm4b:s8+s0], $0x80, v3, vm1, $0xb8;
	[tilespmem:$0x19000] =	vst v63  }
0x368: {  	s0 =	smul.u32 $0x6000, s11  }
0x369: {  	s12 =	simm.s32 $0x0  }
0x36a: {  	s26 =	sand.u32 $0x300, s12;
	_ =	swait.ge [sflag:s18], $0x6000;
	s0 =	sshra.s32 s0, $0x2  }
0x36b: {  	s1 =	sor.u32 $0x80, s26;
	[sflag:s18] =	ssyncset.done $0x0;
	s13 =	sadd.s32 $0xD000, s0  }
0x36c: {  	[sflag:s18] =	ssyncadd.s32 $0xFFFFA000;
	s10 =	sor.u32 s1, s13  }
0x36d: {  	v3 =	vld [tilespmem:s10+$0x0]  }
0x36e: {  	v4 =	vld [tilespmem:s10+$0x10]  }
0x36f: {  	v5 =	vld [tilespmem:s10+$0x20]  }
0x370: {  	v6 =	vld [tilespmem:s10+$0x30]  }
0x371: {  	v7 =	vld [tilespmem:s10+$0x40]  }
0x372: {  	v8 =	vld [tilespmem:s10+$0x50];
	v3 =	vmul.f32 $2.771281240e+01, v3  }
0x373: {  	v9 =	vld [tilespmem:s10+$0x60];
	v4 =	vmul.f32 $2.771281240e+01, v4  }
0x374: {  	[tilespmem:s10+$0x0] =	vst v3;
	v3 =	vmul.f32 $2.771281240e+01, v5;
	v5 =	vld [tilespmem:s10+$0x70]  }
0x375: {  	[tilespmem:s10+$0x10] =	vst v4;
	v4 =	vmul.f32 $2.771281240e+01, v6;
	v6 =	vld [tilespmem:s10+$0x400]  }
0x376: {  	[tilespmem:s10+$0x20] =	vst v3;
	v3 =	vmul.f32 $2.771281240e+01, v7;
	v7 =	vld [tilespmem:s10+$0x410]  }
0x377: {  	[tilespmem:s10+$0x30] =	vst v4;
	v4 =	vmul.f32 $2.771281240e+01, v8;
	v8 =	vld [tilespmem:s10+$0x420]  }
0x378: {  	[tilespmem:s10+$0x40] =	vst v3;
	v3 =	vmul.f32 $2.771281240e+01, v9;
	v9 =	vld [tilespmem:s10+$0x430]  }
0x379: {  	[tilespmem:s10+$0x50] =	vst v4;
	v4 =	vmul.f32 $2.771281240e+01, v5;
	v5 =	vld [tilespmem:s10+$0x440]  }
0x37a: {  	[tilespmem:s10+$0x60] =	vst v3;
	v3 =	vmul.f32 $2.771281240e+01, v6;
	v6 =	vld [tilespmem:s10+$0x450]  }
0x37b: {  	[tilespmem:s10+$0x70] =	vst v4;
	v4 =	vmul.f32 $2.771281240e+01, v7;
	v7 =	vld [tilespmem:s10+$0x460]  }
0x37c: {  	s6 =	sor.u32 s26, s13;
	[tilespmem:s10+$0x400] =	vst v3;
	v3 =	vmul.f32 $2.771281240e+01, v8;
	v8 =	vld [tilespmem:s10+$0x470]  }
0x37d: {  	v10 =	vld [tilespmem:s6+$0x0];
	[tilespmem:s10+$0x410] =	vst v4;
	v4 =	vmul.f32 $2.771281240e+01, v9  }
0x37e: {  	v9 =	vld [tilespmem:s6+$0x10];
	[tilespmem:s10+$0x420] =	vst v3;
	v3 =	vmul.f32 $2.771281240e+01, v5  }
0x37f: {  	v5 =	vld [tilespmem:s6+$0x20];
	[tilespmem:s10+$0x430] =	vst v4;
	v4 =	vmul.f32 $2.771281240e+01, v6  }
0x380: {  	v6 =	vld [tilespmem:s6+$0x30];
	[tilespmem:s10+$0x440] =	vst v3;
	v3 =	vmul.f32 $2.771281240e+01, v7  }
0x381: {  	v7 =	vld [tilespmem:s6+$0x40];
	[tilespmem:s10+$0x450] =	vst v4;
	v4 =	vmul.f32 $2.771281240e+01, v8  }
0x382: {  	s9 =	sadd.s32 $0xD800, s0;
	v8 =	vmul.f32 $2.771281240e+01, v10;
	v10 =	vld [tilespmem:s6+$0x50];
	[tilespmem:s10+$0x460] =	vst v3  }
0x383: {  	s15 =	sor.u32 s1, s9;
	v3 =	vmul.f32 $2.771281240e+01, v9;
	v9 =	vld [tilespmem:s6+$0x60];
	[tilespmem:s10+$0x470] =	vst v4  }
0x384: {  	[tilespmem:s6+$0x0] =	vst v8;
	v4 =	vmul.f32 $2.771281240e+01, v5;
	v5 =	vld [tilespmem:s15+$0x0]  }
0x385: {  	[tilespmem:s6+$0x10] =	vst v3;
	v3 =	vmul.f32 $2.771281240e+01, v6;
	v6 =	vld [tilespmem:s15+$0x10]  }
0x386: {  	[tilespmem:s6+$0x20] =	vst v4;
	v4 =	vmul.f32 $2.771281240e+01, v7;
	v7 =	vld [tilespmem:s15+$0x20]  }
0x387: {  	v8 =	vld [tilespmem:s15+$0x30];
	[tilespmem:s6+$0x30] =	vst v3;
	v3 =	vmul.f32 $2.771281240e+01, v10  }
0x388: {  	[tilespmem:s6+$0x40] =	vst v4;
	v4 =	vmul.f32 $2.771281240e+01, v9;
	v9 =	vld [tilespmem:s15+$0x40]  }
0x389: {  	[tilespmem:s6+$0x50] =	vst v3;
	v3 =	vmul.f32 $2.771281240e+01, v5;
	v5 =	vld [tilespmem:s15+$0x50]  }
0x38a: {  	[tilespmem:s6+$0x60] =	vst v4;
	v4 =	vmul.f32 $2.771281240e+01, v6;
	v6 =	vld [tilespmem:s15+$0x60]  }
0x38b: {  	[tilespmem:s15+$0x0] =	vst v3;
	v3 =	vmul.f32 $2.771281240e+01, v7;
	v7 =	vld [tilespmem:s15+$0x70]  }
0x38c: {  	v10 =	vld [tilespmem:s6+$0x70];
	[tilespmem:s15+$0x10] =	vst v4;
	v4 =	vmul.f32 $2.771281240e+01, v8  }
0x38d: {  	v8 =	vld [tilespmem:s6+$0x400];
	[tilespmem:s15+$0x20] =	vst v3;
	v3 =	vmul.f32 $2.771281240e+01, v9  }
0x38e: {  	v9 =	vld [tilespmem:s6+$0x410];
	[tilespmem:s15+$0x30] =	vst v4;
	v4 =	vmul.f32 $2.771281240e+01, v5  }
0x38f: {  	v5 =	vld [tilespmem:s6+$0x420];
	[tilespmem:s15+$0x40] =	vst v3;
	v3 =	vmul.f32 $2.771281240e+01, v6  }
0x390: {  	v6 =	vld [tilespmem:s6+$0x430];
	[tilespmem:s15+$0x50] =	vst v4;
	v4 =	vmul.f32 $2.771281240e+01, v7  }
0x391: {  	s12 =	sadd.s32 $0xDC00, s0;
	v7 =	vmul.f32 $2.771281240e+01, v10;
	v10 =	vld [tilespmem:s6+$0x440];
	[tilespmem:s15+$0x60] =	vst v3  }
0x392: {  	s11 =	sor.u32 s1, s12;
	v3 =	vmul.f32 $2.771281240e+01, v8;
	v8 =	vld [tilespmem:s6+$0x450];
	[tilespmem:s15+$0x70] =	vst v4  }
0x393: {  	[tilespmem:s6+$0x70] =	vst v7;
	v4 =	vmul.f32 $2.771281240e+01, v9;
	v7 =	vld [tilespmem:s11+$0x0]  }
0x394: {  	[tilespmem:s6+$0x400] =	vst v3;
	v3 =	vmul.f32 $2.771281240e+01, v5;
	v5 =	vld [tilespmem:s11+$0x10]  }
0x395: {  	[tilespmem:s6+$0x410] =	vst v4;
	v4 =	vmul.f32 $2.771281240e+01, v6;
	v6 =	vld [tilespmem:s11+$0x20]  }
0x396: {  	v9 =	vld [tilespmem:s11+$0x30];
	[tilespmem:s6+$0x420] =	vst v3;
	v3 =	vmul.f32 $2.771281240e+01, v10  }
0x397: {  	[tilespmem:s6+$0x430] =	vst v4;
	v4 =	vmul.f32 $2.771281240e+01, v8;
	v8 =	vld [tilespmem:s11+$0x40]  }
0x398: {  	[tilespmem:s6+$0x440] =	vst v3;
	v3 =	vmul.f32 $2.771281240e+01, v7;
	v7 =	vld [tilespmem:s11+$0x50]  }
0x399: {  	[tilespmem:s6+$0x450] =	vst v4;
	v4 =	vmul.f32 $2.771281240e+01, v5;
	v5 =	vld [tilespmem:s11+$0x60]  }
0x39a: {  	v10 =	vld [tilespmem:s6+$0x460];
	[tilespmem:s11+$0x0] =	vst v3;
	v3 =	vmul.f32 $2.771281240e+01, v6  }
0x39b: {  	v6 =	vld [tilespmem:s11+$0x70];
	[tilespmem:s11+$0x10] =	vst v4;
	v4 =	vmul.f32 $2.771281240e+01, v9  }
0x39c: {  	v9 =	vld [tilespmem:s6+$0x470];
	[tilespmem:s11+$0x20] =	vst v3;
	v3 =	vmul.f32 $2.771281240e+01, v8  }
0x39d: {  	[tilespmem:s11+$0x30] =	vst v4;
	v4 =	vmul.f32 $2.771281240e+01, v7  }
0x39e: {  	[tilespmem:s11+$0x40] =	vst v3;
	v3 =	vmul.f32 $2.771281240e+01, v5  }
0x39f: {  	v5 =	vmul.f32 $2.771281240e+01, v10;
	[tilespmem:s11+$0x50] =	vst v4  }
0x3a0: {  	v4 =	vmul.f32 $2.771281240e+01, v6;
	[tilespmem:s11+$0x60] =	vst v3  }
0x3a1: {  	s16 =	sadd.s32 $0xE000, s0;
	v3 =	vmul.f32 $2.771281240e+01, v9;
	[tilespmem:s6+$0x460] =	vst v5  }
0x3a2: {  	s25 =	sor.u32 s1, s16;
	[tilespmem:s11+$0x70] =	vst v4  }
0x3a3: {  	s9 =	sor.u32 s26, s9;
	v4 =	vld [tilespmem:s25+$0x0];
	[tilespmem:s6+$0x470] =	vst v3  }
0x3a4: {  	v3 =	vld [tilespmem:s9+$0x0]  }
0x3a5: {  	v5 =	vld [tilespmem:s9+$0x10]  }
0x3a6: {  	v6 =	vld [tilespmem:s9+$0x20]  }
0x3a7: {  	v7 =	vld [tilespmem:s9+$0x30]  }
0x3a8: {  	v8 =	vld [tilespmem:s9+$0x40];
	v4 =	vmul.f32 $2.771281240e+01, v4  }
0x3a9: {  	v9 =	vld [tilespmem:s9+$0x50];
	v3 =	vmul.f32 $2.771281240e+01, v3  }
0x3aa: {  	[tilespmem:s25+$0x0] =	vst v4;
	v4 =	vmul.f32 $2.771281240e+01, v5;
	v5 =	vld [tilespmem:s9+$0x60]  }
0x3ab: {  	[tilespmem:s9+$0x0] =	vst v3;
	v3 =	vmul.f32 $2.771281240e+01, v6;
	v6 =	vld [tilespmem:s9+$0x70]  }
0x3ac: {  	v10 =	vld [tilespmem:s25+$0x10];
	[tilespmem:s9+$0x10] =	vst v4;
	v4 =	vmul.f32 $2.771281240e+01, v7  }
0x3ad: {  	v7 =	vld [tilespmem:s25+$0x20];
	[tilespmem:s9+$0x20] =	vst v3;
	v3 =	vmul.f32 $2.771281240e+01, v8  }
0x3ae: {  	v8 =	vld [tilespmem:s25+$0x30];
	[tilespmem:s9+$0x30] =	vst v4;
	v4 =	vmul.f32 $2.771281240e+01, v9  }
0x3af: {  	v9 =	vld [tilespmem:s25+$0x40];
	[tilespmem:s9+$0x40] =	vst v3;
	v3 =	vmul.f32 $2.771281240e+01, v5  }
0x3b0: {  	v5 =	vld [tilespmem:s25+$0x50];
	[tilespmem:s9+$0x50] =	vst v4;
	v4 =	vmul.f32 $2.771281240e+01, v6  }
0x3b1: {  	v6 =	vmul.f32 $2.771281240e+01, v10;
	v10 =	vld [tilespmem:s25+$0x60];
	[tilespmem:s9+$0x60] =	vst v3  }
0x3b2: {  	s13 =	sor.u32 s26, s12;
	v3 =	vmul.f32 $2.771281240e+01, v7;
	v7 =	vld [tilespmem:s25+$0x70];
	[tilespmem:s9+$0x70] =	vst v4  }
0x3b3: {  	[tilespmem:s25+$0x10] =	vst v6;
	v4 =	vmul.f32 $2.771281240e+01, v8;
	v6 =	vld [tilespmem:s13+$0x0]  }
0x3b4: {  	[tilespmem:s25+$0x20] =	vst v3;
	v3 =	vmul.f32 $2.771281240e+01, v9;
	v8 =	vld [tilespmem:s13+$0x10]  }
0x3b5: {  	[tilespmem:s25+$0x30] =	vst v4;
	v4 =	vmul.f32 $2.771281240e+01, v5;
	v5 =	vld [tilespmem:s13+$0x20]  }
0x3b6: {  	v9 =	vld [tilespmem:s13+$0x30];
	[tilespmem:s25+$0x40] =	vst v3;
	v3 =	vmul.f32 $2.771281240e+01, v10  }
0x3b7: {  	[tilespmem:s25+$0x50] =	vst v4;
	v4 =	vmul.f32 $2.771281240e+01, v7;
	v7 =	vld [tilespmem:s13+$0x40]  }
0x3b8: {  	[tilespmem:s25+$0x60] =	vst v3;
	v3 =	vmul.f32 $2.771281240e+01, v6;
	v6 =	vld [tilespmem:s13+$0x50]  }
0x3b9: {  	s0 =	sadd.s32 $0xE400, s0;
	[tilespmem:s25+$0x70] =	vst v4;
	v4 =	vmul.f32 $2.771281240e+01, v8;
	v8 =	vld [tilespmem:s13+$0x60]  }
0x3ba: {  	s6 =	sor.u32 s1, s0;
	[tilespmem:s13+$0x0] =	vst v3;
	v3 =	vmul.f32 $2.771281240e+01, v5;
	v5 =	vld [tilespmem:s13+$0x70]  }
0x3bb: {  	v10 =	vld [tilespmem:s6+$0x70];
	[tilespmem:s13+$0x10] =	vst v4;
	v4 =	vmul.f32 $2.771281240e+01, v9  }
0x3bc: {  	[tilespmem:s13+$0x20] =	vst v3;
	v3 =	vmul.f32 $2.771281240e+01, v7;
	v7 =	vld [tilespmem:s6+$0x0]  }
0x3bd: {  	[tilespmem:s13+$0x30] =	vst v4;
	v4 =	vmul.f32 $2.771281240e+01, v6;
	v6 =	vld [tilespmem:s6+$0x10]  }
0x3be: {  	[tilespmem:s13+$0x40] =	vst v3;
	v3 =	vmul.f32 $2.771281240e+01, v8;
	v8 =	vld [tilespmem:s6+$0x20]  }
0x3bf: {  	[tilespmem:s13+$0x50] =	vst v4;
	v4 =	vmul.f32 $2.771281240e+01, v5;
	v5 =	vld [tilespmem:s6+$0x30]  }
0x3c0: {  	s9 =	simm.s32 $0x0;
	v9 =	vmul.f32 $2.771281240e+01, v10;
	[tilespmem:s13+$0x60] =	vst v3;
	v3 =	vld [tilespmem:s6+$0x40]  }
0x3c1: {  	s12 =	sor.u32 s26, s16;
	s11 =	smul.u32 $0x6000, s9;
	[tilespmem:s13+$0x70] =	vst v4;
	v4 =	vld [tilespmem:s6+$0x50];
	v7 =	vmul.f32 $2.771281240e+01, v7  }
0x3c2: {  	s25 =	simm.s32 $0x100;
	[tilespmem:s6+$0x70] =	vst v9;
	v10 =	vld [tilespmem:s12+$0x0];
	v6 =	vmul.f32 $2.771281240e+01, v6  }
0x3c3: {  	s9 =	sshra.s32 s11, $0x2;
	s1 =	sand.u32 $0x300, s25;
	v9 =	vld [tilespmem:s12+$0x10];
	[tilespmem:s6+$0x0] =	vst v7;
	v7 =	vmul.f32 $2.771281240e+01, v8  }
0x3c4: {  	s15 =	sadd.s32 $0xD000, s9;
	s10 =	sor.u32 $0x80, s1;
	v8 =	vld [tilespmem:s12+$0x20];
	[tilespmem:s6+$0x10] =	vst v6;
	v5 =	vmul.f32 $2.771281240e+01, v5  }
0x3c5: {  	s16 =	sor.u32 s10, s15;
	v6 =	vld [tilespmem:s12+$0x30];
	[tilespmem:s6+$0x20] =	vst v7;
	v3 =	vmul.f32 $2.771281240e+01, v3  }
0x3c6: {  	v7 =	vld [tilespmem:s16+$0x0];
	[tilespmem:s6+$0x30] =	vst v5;
	v4 =	vmul.f32 $2.771281240e+01, v4  }
0x3c7: {  	v5 =	vld [tilespmem:s16+$0x10];
	v10 =	vmul.f32 $2.771281240e+01, v10;
	[tilespmem:s6+$0x40] =	vst v3  }
0x3c8: {  	v3 =	vld [tilespmem:s16+$0x20];
	v9 =	vmul.f32 $2.771281240e+01, v9;
	[tilespmem:s6+$0x50] =	vst v4  }
0x3c9: {  	v4 =	vld [tilespmem:s16+$0x30];
	v8 =	vmul.f32 $2.771281240e+01, v8;
	[tilespmem:s12+$0x0] =	vst v10  }
0x3ca: {  	v10 =	vld [tilespmem:s16+$0x40];
	[tilespmem:s12+$0x10] =	vst v9;
	v6 =	vmul.f32 $2.771281240e+01, v6  }
0x3cb: {  	v9 =	vld [tilespmem:s16+$0x50];
	v7 =	vmul.f32 $2.771281240e+01, v7;
	[tilespmem:s12+$0x20] =	vst v8  }
0x3cc: {  	v8 =	vld [tilespmem:s16+$0x60];
	v5 =	vmul.f32 $2.771281240e+01, v5;
	[tilespmem:s12+$0x30] =	vst v6  }
0x3cd: {  	[tilespmem:s16+$0x0] =	vst v7;
	v3 =	vmul.f32 $2.771281240e+01, v3;
	v7 =	vld [tilespmem:s16+$0x70]  }
0x3ce: {  	[tilespmem:s16+$0x10] =	vst v5;
	v4 =	vmul.f32 $2.771281240e+01, v4;
	v5 =	vld [tilespmem:s16+$0x400]  }
0x3cf: {  	[tilespmem:s16+$0x20] =	vst v3;
	v3 =	vmul.f32 $2.771281240e+01, v10;
	v10 =	vld [tilespmem:s16+$0x410]  }
0x3d0: {  	[tilespmem:s16+$0x30] =	vst v4;
	v4 =	vmul.f32 $2.771281240e+01, v9;
	v9 =	vld [tilespmem:s16+$0x420]  }
0x3d1: {  	[tilespmem:s16+$0x40] =	vst v3;
	v3 =	vmul.f32 $2.771281240e+01, v8;
	v8 =	vld [tilespmem:s16+$0x430]  }
0x3d2: {  	[tilespmem:s16+$0x50] =	vst v4;
	v4 =	vmul.f32 $2.771281240e+01, v7;
	v7 =	vld [tilespmem:s16+$0x440]  }
0x3d3: {  	[tilespmem:s16+$0x60] =	vst v3;
	v3 =	vmul.f32 $2.771281240e+01, v5;
	v5 =	vld [tilespmem:s16+$0x450]  }
0x3d4: {  	[tilespmem:s16+$0x70] =	vst v4;
	v4 =	vmul.f32 $2.771281240e+01, v10;
	v10 =	vld [tilespmem:s16+$0x460]  }
0x3d5: {  	s13 =	sor.u32 s1, s15;
	[tilespmem:s16+$0x400] =	vst v3;
	v3 =	vmul.f32 $2.771281240e+01, v9;
	v9 =	vld [tilespmem:s16+$0x470]  }
0x3d6: {  	[tilespmem:s16+$0x410] =	vst v4;
	v4 =	vld [tilespmem:s13+$0x0];
	v8 =	vmul.f32 $2.771281240e+01, v8  }
0x3d7: {  	[tilespmem:s16+$0x420] =	vst v3;
	v3 =	vld [tilespmem:s13+$0x10];
	v7 =	vmul.f32 $2.771281240e+01, v7  }
0x3d8: {  	[tilespmem:s16+$0x430] =	vst v8;
	v8 =	vld [tilespmem:s13+$0x20];
	v5 =	vmul.f32 $2.771281240e+01, v5  }
0x3d9: {  	[tilespmem:s16+$0x440] =	vst v7;
	v7 =	vld [tilespmem:s13+$0x30];
	v10 =	vmul.f32 $2.771281240e+01, v10  }
0x3da: {  	[tilespmem:s16+$0x450] =	vst v5;
	v5 =	vld [tilespmem:s13+$0x40];
	v9 =	vmul.f32 $2.771281240e+01, v9  }
0x3db: {  	s15 =	sadd.s32 $0xD800, s9;
	[tilespmem:s16+$0x460] =	vst v10;
	v10 =	vld [tilespmem:s13+$0x50];
	v4 =	vmul.f32 $2.771281240e+01, v4  }
0x3dc: {  	[tilespmem:s16+$0x470] =	vst v9;
	v9 =	vld [tilespmem:s13+$0x60];
	s16 =	sor.u32 s10, s15;
	v3 =	vmul.f32 $2.771281240e+01, v3  }
0x3dd: {  	v6 =	vld [tilespmem:s16+$0x0];
	[tilespmem:s13+$0x0] =	vst v4;
	v4 =	vmul.f32 $2.771281240e+01, v8  }
0x3de: {  	v8 =	vld [tilespmem:s16+$0x10];
	[tilespmem:s13+$0x10] =	vst v3;
	v3 =	vmul.f32 $2.771281240e+01, v7  }
0x3df: {  	v7 =	vld [tilespmem:s16+$0x20];
	[tilespmem:s13+$0x20] =	vst v4;
	v4 =	vmul.f32 $2.771281240e+01, v5  }
0x3e0: {  	v5 =	vld [tilespmem:s16+$0x30];
	[tilespmem:s13+$0x30] =	vst v3;
	v3 =	vmul.f32 $2.771281240e+01, v10  }
0x3e1: {  	v10 =	vld [tilespmem:s16+$0x40];
	[tilespmem:s13+$0x40] =	vst v4;
	v9 =	vmul.f32 $2.771281240e+01, v9  }
0x3e2: {  	v4 =	vmul.f32 $2.771281240e+01, v6;
	v6 =	vld [tilespmem:s16+$0x50];
	[tilespmem:s13+$0x50] =	vst v3  }
0x3e3: {  	v3 =	vmul.f32 $2.771281240e+01, v8;
	v8 =	vld [tilespmem:s16+$0x60];
	[tilespmem:s13+$0x60] =	vst v9  }
0x3e4: {  	[tilespmem:s16+$0x0] =	vst v4;
	v4 =	vmul.f32 $2.771281240e+01, v7;
	v7 =	vld [tilespmem:s16+$0x70]  }
0x3e5: {  	[tilespmem:s16+$0x10] =	vst v3;
	v3 =	vld [tilespmem:s13+$0x70];
	v5 =	vmul.f32 $2.771281240e+01, v5  }
0x3e6: {  	v10 =	vmul.f32 $2.771281240e+01, v10;
	[tilespmem:s16+$0x20] =	vst v4;
	v4 =	vld [tilespmem:s13+$0x400]  }
0x3e7: {  	[tilespmem:s16+$0x30] =	vst v5;
	v5 =	vld [tilespmem:s13+$0x410];
	v6 =	vmul.f32 $2.771281240e+01, v6  }
0x3e8: {  	[tilespmem:s16+$0x40] =	vst v10;
	v10 =	vld [tilespmem:s13+$0x420];
	v8 =	vmul.f32 $2.771281240e+01, v8  }
0x3e9: {  	[tilespmem:s16+$0x50] =	vst v6;
	v6 =	vld [tilespmem:s13+$0x430];
	v7 =	vmul.f32 $2.771281240e+01, v7  }
0x3ea: {  	s31 =	sadd.s32 $0xDC00, s9;
	[tilespmem:s16+$0x60] =	vst v8;
	v8 =	vld [tilespmem:s13+$0x440];
	v3 =	vmul.f32 $2.771281240e+01, v3  }
0x3eb: {  	s11 =	sor.u32 s10, s31;
	[tilespmem:s16+$0x70] =	vst v7;
	v7 =	vld [tilespmem:s13+$0x450];
	v4 =	vmul.f32 $2.771281240e+01, v4  }
0x3ec: {  	[tilespmem:s13+$0x70] =	vst v3;
	v3 =	vmul.f32 $2.771281240e+01, v5;
	v9 =	vld [tilespmem:s11+$0x0]  }
0x3ed: {  	v5 =	vld [tilespmem:s11+$0x10];
	[tilespmem:s13+$0x400] =	vst v4;
	v4 =	vmul.f32 $2.771281240e+01, v10  }
0x3ee: {  	v10 =	vld [tilespmem:s11+$0x20];
	[tilespmem:s13+$0x410] =	vst v3;
	v3 =	vmul.f32 $2.771281240e+01, v6  }
0x3ef: {  	v6 =	vld [tilespmem:s11+$0x30];
	[tilespmem:s13+$0x420] =	vst v4;
	v4 =	vmul.f32 $2.771281240e+01, v8  }
0x3f0: {  	v8 =	vld [tilespmem:s11+$0x40];
	[tilespmem:s13+$0x430] =	vst v3;
	v7 =	vmul.f32 $2.771281240e+01, v7  }
0x3f1: {  	v3 =	vmul.f32 $2.771281240e+01, v9;
	v9 =	vld [tilespmem:s11+$0x50];
	[tilespmem:s13+$0x440] =	vst v4  }
0x3f2: {  	v4 =	vmul.f32 $2.771281240e+01, v5;
	v5 =	vld [tilespmem:s11+$0x60];
	[tilespmem:s13+$0x450] =	vst v7  }
0x3f3: {  	[tilespmem:s11+$0x0] =	vst v3;
	v3 =	vmul.f32 $2.771281240e+01, v10;
	v10 =	vld [tilespmem:s11+$0x70]  }
0x3f4: {  	[tilespmem:s11+$0x10] =	vst v4;
	v4 =	vld [tilespmem:s13+$0x460];
	v6 =	vmul.f32 $2.771281240e+01, v6  }
0x3f5: {  	v8 =	vmul.f32 $2.771281240e+01, v8;
	[tilespmem:s11+$0x20] =	vst v3;
	v3 =	vld [tilespmem:s13+$0x470]  }
0x3f6: {  	[tilespmem:s11+$0x30] =	vst v6;
	v6 =	vmul.f32 $2.771281240e+01, v9;
	v9 =	vld [tilespmem:s12+$0x40]  }
0x3f7: {  	[tilespmem:s11+$0x40] =	vst v8;
	v5 =	vmul.f32 $2.771281240e+01, v5;
	v8 =	vld [tilespmem:s12+$0x50]  }
0x3f8: {  	[tilespmem:s11+$0x50] =	vst v6;
	v6 =	vmul.f32 $2.771281240e+01, v10;
	v10 =	vld [tilespmem:s12+$0x60]  }
0x3f9: {  	s16 =	sadd.s32 $0xE000, s9;
	[tilespmem:s11+$0x60] =	vst v5;
	v5 =	vld [tilespmem:s12+$0x70];
	v4 =	vmul.f32 $2.771281240e+01, v4  }
0x3fa: {  	[tilespmem:s11+$0x70] =	vst v6;
	s11 =	sor.u32 s10, s16;
	v6 =	vld [tilespmem:s6+$0x60];
	v3 =	vmul.f32 $2.771281240e+01, v3  }
0x3fb: {  	[tilespmem:s13+$0x460] =	vst v4;
	v7 =	vld [tilespmem:s11+$0x0];
	v4 =	vmul.f32 $2.771281240e+01, v9  }
0x3fc: {  	v9 =	vld [tilespmem:s11+$0x10];
	[tilespmem:s13+$0x470] =	vst v3;
	v3 =	vmul.f32 $2.771281240e+01, v8  }
0x3fd: {  	v8 =	vld [tilespmem:s11+$0x20];
	[tilespmem:s12+$0x40] =	vst v4;
	v4 =	vmul.f32 $2.771281240e+01, v10  }
0x3fe: {  	v10 =	vld [tilespmem:s11+$0x30];
	[tilespmem:s12+$0x50] =	vst v3;
	v3 =	vmul.f32 $2.771281240e+01, v5  }
0x3ff: {  	v5 =	vld [tilespmem:s11+$0x40];
	[tilespmem:s12+$0x60] =	vst v4;
	v6 =	vmul.f32 $2.771281240e+01, v6  }
0x400: {  	v4 =	vmul.f32 $2.771281240e+01, v7;
	v7 =	vld [tilespmem:s11+$0x50];
	[tilespmem:s12+$0x70] =	vst v3  }
0x401: {  	v3 =	vmul.f32 $2.771281240e+01, v9;
	v9 =	vld [tilespmem:s11+$0x60];
	[tilespmem:s6+$0x60] =	vst v6  }
0x402: {  	s15 =	sor.u32 s1, s15;
	[tilespmem:s11+$0x0] =	vst v4;
	v4 =	vmul.f32 $2.771281240e+01, v8;
	v8 =	vld [tilespmem:s11+$0x70]  }
0x403: {  	[tilespmem:s11+$0x10] =	vst v3;
	v3 =	vld [tilespmem:s15+$0x0];
	v10 =	vmul.f32 $2.771281240e+01, v10  }
0x404: {  	v5 =	vmul.f32 $2.771281240e+01, v5;
	[tilespmem:s11+$0x20] =	vst v4;
	v4 =	vld [tilespmem:s15+$0x10]  }
0x405: {  	[tilespmem:s11+$0x30] =	vst v10;
	v10 =	vld [tilespmem:s15+$0x20];
	v7 =	vmul.f32 $2.771281240e+01, v7  }
0x406: {  	[tilespmem:s11+$0x40] =	vst v5;
	v5 =	vld [tilespmem:s15+$0x30];
	v9 =	vmul.f32 $2.771281240e+01, v9  }
0x407: {  	[tilespmem:s11+$0x50] =	vst v7;
	v7 =	vld [tilespmem:s15+$0x40];
	v8 =	vmul.f32 $2.771281240e+01, v8  }
0x408: {  	[tilespmem:s11+$0x60] =	vst v9;
	v9 =	vld [tilespmem:s15+$0x50];
	v3 =	vmul.f32 $2.771281240e+01, v3  }
0x409: {  	s9 =	sadd.s32 $0xE400, s9;
	[tilespmem:s11+$0x70] =	vst v8;
	v8 =	vld [tilespmem:s15+$0x60];
	v4 =	vmul.f32 $2.771281240e+01, v4  }
0x40a: {  	s30 =	sor.u32 s10, s9;
	[tilespmem:s15+$0x0] =	vst v3;
	v3 =	vmul.f32 $2.771281240e+01, v10;
	v10 =	vld [tilespmem:s15+$0x70]  }
0x40b: {  	s26 =	sor.u32 s26, s0;
	v6 =	vld [tilespmem:s30+$0x70];
	[tilespmem:s15+$0x10] =	vst v4;
	v4 =	vmul.f32 $2.771281240e+01, v5  }
0x40c: {  	v5 =	vld [tilespmem:s26+$0x0];
	[tilespmem:s15+$0x20] =	vst v3;
	v3 =	vmul.f32 $2.771281240e+01, v7  }
0x40d: {  	v7 =	vld [tilespmem:s26+$0x10];
	[tilespmem:s15+$0x30] =	vst v4;
	v4 =	vmul.f32 $2.771281240e+01, v9  }
0x40e: {  	v9 =	vld [tilespmem:s26+$0x20];
	[tilespmem:s15+$0x40] =	vst v3;
	v3 =	vmul.f32 $2.771281240e+01, v8  }
0x40f: {  	v8 =	vld [tilespmem:s26+$0x30];
	[tilespmem:s15+$0x50] =	vst v4;
	v4 =	vmul.f32 $2.771281240e+01, v10  }
0x410: {  	v10 =	vld [tilespmem:s26+$0x40];
	v6 =	vmul.f32 $2.771281240e+01, v6;
	[tilespmem:s15+$0x60] =	vst v3  }
0x411: {  	v3 =	vld [tilespmem:s26+$0x50];
	v5 =	vmul.f32 $2.771281240e+01, v5;
	[tilespmem:s15+$0x70] =	vst v4  }
0x412: {  	s6 =	sor.u32 s1, s31;
	v4 =	vld [tilespmem:s26+$0x60];
	[tilespmem:s30+$0x70] =	vst v6;
	v6 =	vmul.f32 $2.771281240e+01, v7  }
0x413: {  	v7 =	vld [tilespmem:s6+$0x0];
	[tilespmem:s26+$0x0] =	vst v5;
	v5 =	vmul.f32 $2.771281240e+01, v9  }
0x414: {  	v9 =	vld [tilespmem:s6+$0x10];
	[tilespmem:s26+$0x10] =	vst v6;
	v6 =	vmul.f32 $2.771281240e+01, v8  }
0x415: {  	v8 =	vld [tilespmem:s6+$0x20];
	[tilespmem:s26+$0x20] =	vst v5;
	v5 =	vmul.f32 $2.771281240e+01, v10  }
0x416: {  	v10 =	vld [tilespmem:s6+$0x30];
	[tilespmem:s26+$0x30] =	vst v6;
	v3 =	vmul.f32 $2.771281240e+01, v3  }
0x417: {  	v6 =	vld [tilespmem:s6+$0x40];
	[tilespmem:s26+$0x40] =	vst v5;
	v4 =	vmul.f32 $2.771281240e+01, v4  }
0x418: {  	v11 =	vld [tilespmem:s6+$0x50];
	v5 =	vmul.f32 $2.771281240e+01, v7;
	[tilespmem:s26+$0x50] =	vst v3  }
0x419: {  	v12 =	vld [tilespmem:s6+$0x60];
	v3 =	vmul.f32 $2.771281240e+01, v9;
	[tilespmem:s26+$0x60] =	vst v4  }
0x41a: {  	v7 =	vld [tilespmem:s6+$0x70];
	v4 =	vmul.f32 $2.771281240e+01, v8;
	[tilespmem:s6+$0x0] =	vst v5  }
0x41b: {  	[tilespmem:s6+$0x10] =	vst v3;
	v5 =	vmul.f32 $2.771281240e+01, v10;
	v3 =	vld [tilespmem:s26+$0x70]  }
0x41c: {  	[tilespmem:s6+$0x20] =	vst v4;
	v4 =	vmul.f32 $2.771281240e+01, v6;
	v6 =	vld [tilespmem:s30+$0x0]  }
0x41d: {  	v9 =	vmul.f32 $2.771281240e+01, v11;
	[tilespmem:s6+$0x30] =	vst v5;
	v5 =	vld [tilespmem:s30+$0x10]  }
0x41e: {  	s0 =	simm.s32 $0x2;
	s31 =	sor.u32 s1, s16;
	s1 =	sor.u32 s1, s9;
	v8 =	vmul.f32 $2.771281240e+01, v12;
	[tilespmem:s6+$0x40] =	vst v4;
	v4 =	vld [tilespmem:s30+$0x20]  }
.LBB2_7:
0x41f: {  	s0 =	sadd.s32 $0x2, s0;
	[tilespmem:s6+$0x50] =	vst v9;
	v7 =	vmul.f32 $2.771281240e+01, v7;
	v9 =	vld [tilespmem:s30+$0x30]  }
0x420: {  	s9 =	sshrl.u32 s0, $0x3;
	p1 =	slt.u32 s0, $0x1E;
	[tilespmem:s6+$0x60] =	vst v8;
	v8 =	vld [tilespmem:s30+$0x40];
	v3 =	vmul.f32 $2.771281240e+01, v3  }
0x421: {  	s9 =	smul.u32 $0x6000, s9;
	[tilespmem:s6+$0x70] =	vst v7;
	v6 =	vmul.f32 $2.771281240e+01, v6;
	v7 =	vld [tilespmem:s30+$0x50]  }
0x422: {  	s25 =	sadd.s32 $0x100, s25;
	v10 =	vld [tilespmem:s31+$0x0];
	v5 =	vmul.f32 $2.771281240e+01, v5;
	[tilespmem:s26+$0x70] =	vst v3;
	s26 =	smov.u32 s1  }
0x423: {  	s1 =	sand.u32 $0x300, s25;
	s13 =	sshra.s32 s9, $0x2;
	v3 =	vld [tilespmem:s31+$0x10];
	[tilespmem:s30+$0x0] =	vst v6;
	v4 =	vmul.f32 $2.771281240e+01, v4  }
0x424: {  	s12 =	sor.u32 $0x80, s1;
	s6 =	sadd.s32 $0xD000, s13;
	v6 =	vld [tilespmem:s31+$0x20];
	[tilespmem:s30+$0x10] =	vst v5;
	v5 =	vmul.f32 $2.771281240e+01, v9  }
0x425: {  	s9 =	sor.u32 s1, s6;
	s6 =	sor.u32 s12, s6;
	v9 =	vld [tilespmem:s31+$0x30];
	[tilespmem:s30+$0x20] =	vst v4;
	v4 =	vmul.f32 $2.771281240e+01, v8  }
0x426: {  	v8 =	vld [tilespmem:s6+$0x0];
	[tilespmem:s30+$0x30] =	vst v5;
	v5 =	vmul.f32 $2.771281240e+01, v7  }
0x427: {  	v7 =	vld [tilespmem:s6+$0x10];
	v10 =	vmul.f32 $2.771281240e+01, v10;
	[tilespmem:s30+$0x40] =	vst v4  }
0x428: {  	v4 =	vld [tilespmem:s6+$0x20];
	v3 =	vmul.f32 $2.771281240e+01, v3;
	[tilespmem:s30+$0x50] =	vst v5  }
0x429: {  	v5 =	vld [tilespmem:s6+$0x30];
	[tilespmem:s31+$0x0] =	vst v10;
	v6 =	vmul.f32 $2.771281240e+01, v6  }
0x42a: {  	v10 =	vld [tilespmem:s6+$0x40];
	[tilespmem:s31+$0x10] =	vst v3;
	v3 =	vmul.f32 $2.771281240e+01, v9  }
0x42b: {  	v8 =	vmul.f32 $2.771281240e+01, v8;
	v9 =	vld [tilespmem:s6+$0x50];
	[tilespmem:s31+$0x20] =	vst v6  }
0x42c: {  	v6 =	vmul.f32 $2.771281240e+01, v7;
	v7 =	vld [tilespmem:s6+$0x60];
	[tilespmem:s31+$0x30] =	vst v3  }
0x42d: {  	[tilespmem:s6+$0x0] =	vst v8;
	v3 =	vmul.f32 $2.771281240e+01, v4;
	v4 =	vld [tilespmem:s6+$0x70]  }
0x42e: {  	[tilespmem:s6+$0x10] =	vst v6;
	v5 =	vmul.f32 $2.771281240e+01, v5;
	v6 =	vld [tilespmem:s6+$0x400]  }
0x42f: {  	[tilespmem:s6+$0x20] =	vst v3;
	v3 =	vmul.f32 $2.771281240e+01, v10;
	v8 =	vld [tilespmem:s6+$0x410]  }
0x430: {  	[tilespmem:s6+$0x30] =	vst v5;
	v5 =	vmul.f32 $2.771281240e+01, v9;
	v9 =	vld [tilespmem:s6+$0x420]  }
0x431: {  	[tilespmem:s6+$0x40] =	vst v3;
	v3 =	vmul.f32 $2.771281240e+01, v7;
	v7 =	vld [tilespmem:s6+$0x430]  }
0x432: {  	[tilespmem:s6+$0x50] =	vst v5;
	v4 =	vmul.f32 $2.771281240e+01, v4;
	v5 =	vld [tilespmem:s6+$0x440]  }
0x433: {  	[tilespmem:s6+$0x60] =	vst v3;
	v3 =	vmul.f32 $2.771281240e+01, v6;
	v6 =	vld [tilespmem:s6+$0x450]  }
0x434: {  	[tilespmem:s6+$0x70] =	vst v4;
	v4 =	vmul.f32 $2.771281240e+01, v8;
	v8 =	vld [tilespmem:s6+$0x460]  }
0x435: {  	[tilespmem:s6+$0x400] =	vst v3;
	v3 =	vmul.f32 $2.771281240e+01, v9;
	v9 =	vld [tilespmem:s6+$0x470]  }
0x436: {  	v10 =	vld [tilespmem:s9+$0x0];
	[tilespmem:s6+$0x410] =	vst v4;
	v4 =	vmul.f32 $2.771281240e+01, v7  }
0x437: {  	v7 =	vld [tilespmem:s9+$0x10];
	[tilespmem:s6+$0x420] =	vst v3;
	v3 =	vmul.f32 $2.771281240e+01, v5  }
0x438: {  	v5 =	vld [tilespmem:s9+$0x20];
	[tilespmem:s6+$0x430] =	vst v4;
	v4 =	vmul.f32 $2.771281240e+01, v6  }
0x439: {  	v6 =	vld [tilespmem:s9+$0x30];
	[tilespmem:s6+$0x440] =	vst v3;
	v3 =	vmul.f32 $2.771281240e+01, v8  }
0x43a: {  	v8 =	vld [tilespmem:s9+$0x40];
	[tilespmem:s6+$0x450] =	vst v4;
	v4 =	vmul.f32 $2.771281240e+01, v9  }
0x43b: {  	s11 =	sadd.s32 $0xD800, s13;
	v9 =	vmul.f32 $2.771281240e+01, v10;
	v10 =	vld [tilespmem:s9+$0x50];
	[tilespmem:s6+$0x460] =	vst v3  }
0x43c: {  	s10 =	sor.u32 s1, s11;
	s11 =	sor.u32 s12, s11;
	v3 =	vmul.f32 $2.771281240e+01, v7;
	v7 =	vld [tilespmem:s9+$0x60];
	[tilespmem:s6+$0x470] =	vst v4  }
0x43d: {  	[tilespmem:s9+$0x0] =	vst v9;
	v4 =	vmul.f32 $2.771281240e+01, v5;
	v5 =	vld [tilespmem:s11+$0x0]  }
0x43e: {  	[tilespmem:s9+$0x10] =	vst v3;
	v3 =	vmul.f32 $2.771281240e+01, v6;
	v6 =	vld [tilespmem:s11+$0x10]  }
0x43f: {  	[tilespmem:s9+$0x20] =	vst v4;
	v4 =	vmul.f32 $2.771281240e+01, v8;
	v8 =	vld [tilespmem:s11+$0x20]  }
0x440: {  	[tilespmem:s9+$0x30] =	vst v3;
	v3 =	vmul.f32 $2.771281240e+01, v10;
	v9 =	vld [tilespmem:s11+$0x30]  }
0x441: {  	[tilespmem:s9+$0x40] =	vst v4;
	v4 =	vmul.f32 $2.771281240e+01, v7;
	v7 =	vld [tilespmem:s11+$0x40]  }
0x442: {  	[tilespmem:s9+$0x50] =	vst v3;
	v3 =	vmul.f32 $2.771281240e+01, v5;
	v5 =	vld [tilespmem:s11+$0x50]  }
0x443: {  	[tilespmem:s9+$0x60] =	vst v4;
	v4 =	vmul.f32 $2.771281240e+01, v6;
	v6 =	vld [tilespmem:s11+$0x60]  }
0x444: {  	[tilespmem:s11+$0x0] =	vst v3;
	v3 =	vmul.f32 $2.771281240e+01, v8;
	v8 =	vld [tilespmem:s11+$0x70]  }
0x445: {  	v10 =	vld [tilespmem:s9+$0x70];
	[tilespmem:s11+$0x10] =	vst v4;
	v4 =	vmul.f32 $2.771281240e+01, v9  }
0x446: {  	v9 =	vld [tilespmem:s9+$0x400];
	[tilespmem:s11+$0x20] =	vst v3;
	v3 =	vmul.f32 $2.771281240e+01, v7  }
0x447: {  	v7 =	vld [tilespmem:s9+$0x410];
	[tilespmem:s11+$0x30] =	vst v4;
	v4 =	vmul.f32 $2.771281240e+01, v5  }
0x448: {  	v5 =	vld [tilespmem:s9+$0x420];
	[tilespmem:s11+$0x40] =	vst v3;
	v3 =	vmul.f32 $2.771281240e+01, v6  }
0x449: {  	v6 =	vld [tilespmem:s9+$0x430];
	[tilespmem:s11+$0x50] =	vst v4;
	v4 =	vmul.f32 $2.771281240e+01, v8  }
0x44a: {  	s15 =	sadd.s32 $0xDC00, s13;
	v8 =	vmul.f32 $2.771281240e+01, v10;
	v10 =	vld [tilespmem:s9+$0x440];
	[tilespmem:s11+$0x60] =	vst v3  }
0x44b: {  	s6 =	sor.u32 s1, s15;
	v3 =	vmul.f32 $2.771281240e+01, v9;
	v9 =	vld [tilespmem:s9+$0x450];
	[tilespmem:s11+$0x70] =	vst v4;
	s11 =	sor.u32 s12, s15  }
0x44c: {  	[tilespmem:s9+$0x70] =	vst v8;
	v4 =	vmul.f32 $2.771281240e+01, v7;
	v7 =	vld [tilespmem:s11+$0x0]  }
0x44d: {  	[tilespmem:s9+$0x400] =	vst v3;
	v3 =	vmul.f32 $2.771281240e+01, v5;
	v5 =	vld [tilespmem:s11+$0x10]  }
0x44e: {  	[tilespmem:s9+$0x410] =	vst v4;
	v4 =	vmul.f32 $2.771281240e+01, v6;
	v6 =	vld [tilespmem:s11+$0x20]  }
0x44f: {  	[tilespmem:s9+$0x420] =	vst v3;
	v3 =	vmul.f32 $2.771281240e+01, v10;
	v8 =	vld [tilespmem:s11+$0x30]  }
0x450: {  	[tilespmem:s9+$0x430] =	vst v4;
	v4 =	vmul.f32 $2.771281240e+01, v9;
	v9 =	vld [tilespmem:s11+$0x40]  }
0x451: {  	[tilespmem:s9+$0x440] =	vst v3;
	v3 =	vmul.f32 $2.771281240e+01, v7;
	v7 =	vld [tilespmem:s11+$0x50]  }
0x452: {  	[tilespmem:s9+$0x450] =	vst v4;
	v4 =	vmul.f32 $2.771281240e+01, v5;
	v5 =	vld [tilespmem:s11+$0x60]  }
0x453: {  	[tilespmem:s11+$0x0] =	vst v3;
	v3 =	vmul.f32 $2.771281240e+01, v6;
	v6 =	vld [tilespmem:s11+$0x70]  }
0x454: {  	v10 =	vld [tilespmem:s9+$0x460];
	[tilespmem:s11+$0x10] =	vst v4;
	v4 =	vmul.f32 $2.771281240e+01, v8  }
0x455: {  	v8 =	vld [tilespmem:s9+$0x470];
	[tilespmem:s11+$0x20] =	vst v3;
	v3 =	vmul.f32 $2.771281240e+01, v9  }
0x456: {  	[tilespmem:s11+$0x30] =	vst v4;
	v4 =	vmul.f32 $2.771281240e+01, v7;
	v7 =	vld [tilespmem:s31+$0x40]  }
0x457: {  	[tilespmem:s11+$0x40] =	vst v3;
	v3 =	vmul.f32 $2.771281240e+01, v5;
	v5 =	vld [tilespmem:s31+$0x50]  }
0x458: {  	[tilespmem:s11+$0x50] =	vst v4;
	v4 =	vmul.f32 $2.771281240e+01, v6;
	v6 =	vld [tilespmem:s31+$0x60]  }
0x459: {  	s15 =	sadd.s32 $0xE000, s13;
	v9 =	vmul.f32 $2.771281240e+01, v10;
	[tilespmem:s11+$0x60] =	vst v3;
	v3 =	vld [tilespmem:s31+$0x70]  }
0x45a: {  	s16 =	sor.u32 s1, s15;
	s15 =	sor.u32 s12, s15;
	v8 =	vmul.f32 $2.771281240e+01, v8;
	[tilespmem:s11+$0x70] =	vst v4;
	v4 =	vld [tilespmem:s30+$0x60]  }
0x45b: {  	[tilespmem:s9+$0x460] =	vst v9;
	v9 =	vld [tilespmem:s15+$0x0];
	v7 =	vmul.f32 $2.771281240e+01, v7  }
0x45c: {  	[tilespmem:s9+$0x470] =	vst v8;
	v8 =	vld [tilespmem:s15+$0x10];
	v5 =	vmul.f32 $2.771281240e+01, v5  }
0x45d: {  	v10 =	vld [tilespmem:s15+$0x20];
	[tilespmem:s31+$0x40] =	vst v7;
	v6 =	vmul.f32 $2.771281240e+01, v6  }
0x45e: {  	v7 =	vld [tilespmem:s15+$0x30];
	[tilespmem:s31+$0x50] =	vst v5;
	v3 =	vmul.f32 $2.771281240e+01, v3  }
0x45f: {  	v5 =	vld [tilespmem:s15+$0x40];
	[tilespmem:s31+$0x60] =	vst v6;
	v4 =	vmul.f32 $2.771281240e+01, v4  }
0x460: {  	v6 =	vmul.f32 $2.771281240e+01, v9;
	v9 =	vld [tilespmem:s15+$0x50];
	[tilespmem:s31+$0x70] =	vst v3;
	s31 =	smov.u32 s16  }
0x461: {  	v3 =	vmul.f32 $2.771281240e+01, v8;
	v8 =	vld [tilespmem:s15+$0x60];
	[tilespmem:s30+$0x60] =	vst v4  }
0x462: {  	[tilespmem:s15+$0x0] =	vst v6;
	v4 =	vmul.f32 $2.771281240e+01, v10;
	v6 =	vld [tilespmem:s15+$0x70]  }
0x463: {  	v10 =	vld [tilespmem:s10+$0x0];
	[tilespmem:s15+$0x10] =	vst v3;
	v3 =	vmul.f32 $2.771281240e+01, v7  }
0x464: {  	v7 =	vld [tilespmem:s10+$0x10];
	[tilespmem:s15+$0x20] =	vst v4;
	v4 =	vmul.f32 $2.771281240e+01, v5  }
0x465: {  	v5 =	vld [tilespmem:s10+$0x20];
	[tilespmem:s15+$0x30] =	vst v3;
	v3 =	vmul.f32 $2.771281240e+01, v9  }
0x466: {  	v9 =	vld [tilespmem:s10+$0x30];
	[tilespmem:s15+$0x40] =	vst v4;
	v4 =	vmul.f32 $2.771281240e+01, v8  }
0x467: {  	v8 =	vld [tilespmem:s10+$0x40];
	[tilespmem:s15+$0x50] =	vst v3;
	v3 =	vmul.f32 $2.771281240e+01, v6  }
0x468: {  	s9 =	sadd.s32 $0xE400, s13;
	v6 =	vmul.f32 $2.771281240e+01, v10;
	v10 =	vld [tilespmem:s10+$0x50];
	[tilespmem:s15+$0x60] =	vst v4  }
0x469: {  	s1 =	sor.u32 s1, s9;
	s30 =	sor.u32 s12, s9;
	v4 =	vmul.f32 $2.771281240e+01, v7;
	v7 =	vld [tilespmem:s10+$0x60];
	[tilespmem:s15+$0x70] =	vst v3  }
0x46a: {  	[tilespmem:s10+$0x0] =	vst v6;
	v3 =	vmul.f32 $2.771281240e+01, v5;
	v5 =	vld [tilespmem:s30+$0x70]  }
0x46b: {  	[tilespmem:s10+$0x10] =	vst v4;
	v4 =	vmul.f32 $2.771281240e+01, v9;
	v6 =	vld [tilespmem:s10+$0x70]  }
0x46c: {  	[tilespmem:s10+$0x20] =	vst v3;
	v3 =	vmul.f32 $2.771281240e+01, v8;
	v8 =	vld [tilespmem:s26+$0x0]  }
0x46d: {  	[tilespmem:s10+$0x30] =	vst v4;
	v4 =	vmul.f32 $2.771281240e+01, v10;
	v9 =	vld [tilespmem:s26+$0x10]  }
0x46e: {  	[tilespmem:s10+$0x40] =	vst v3;
	v3 =	vmul.f32 $2.771281240e+01, v7;
	v7 =	vld [tilespmem:s26+$0x20]  }
0x46f: {  	[tilespmem:s10+$0x50] =	vst v4;
	v4 =	vmul.f32 $2.771281240e+01, v5;
	v5 =	vld [tilespmem:s26+$0x30]  }
0x470: {  	[tilespmem:s10+$0x60] =	vst v3;
	v3 =	vmul.f32 $2.771281240e+01, v6;
	v6 =	vld [tilespmem:s26+$0x40]  }
0x471: {  	[tilespmem:s30+$0x70] =	vst v4;
	v4 =	vmul.f32 $2.771281240e+01, v8;
	v8 =	vld [tilespmem:s26+$0x50]  }
0x472: {  	[tilespmem:s10+$0x70] =	vst v3;
	v3 =	vmul.f32 $2.771281240e+01, v9;
	v9 =	vld [tilespmem:s26+$0x60]  }
0x473: {  	v10 =	vld [tilespmem:s6+$0x0];
	[tilespmem:s26+$0x0] =	vst v4;
	v4 =	vmul.f32 $2.771281240e+01, v7  }
0x474: {  	v7 =	vld [tilespmem:s6+$0x10];
	[tilespmem:s26+$0x10] =	vst v3;
	v3 =	vmul.f32 $2.771281240e+01, v5  }
0x475: {  	v5 =	vld [tilespmem:s6+$0x20];
	[tilespmem:s26+$0x20] =	vst v4;
	v4 =	vmul.f32 $2.771281240e+01, v6  }
0x476: {  	v6 =	vld [tilespmem:s6+$0x30];
	[tilespmem:s26+$0x30] =	vst v3;
	v3 =	vmul.f32 $2.771281240e+01, v8  }
0x477: {  	v8 =	vld [tilespmem:s6+$0x40];
	[tilespmem:s26+$0x40] =	vst v4;
	v4 =	vmul.f32 $2.771281240e+01, v9  }
0x478: {  	v9 =	vmul.f32 $2.771281240e+01, v10;
	v10 =	vld [tilespmem:s6+$0x50];
	[tilespmem:s26+$0x50] =	vst v3  }
0x479: {  	v3 =	vmul.f32 $2.771281240e+01, v7;
	v11 =	vld [tilespmem:s6+$0x60];
	[tilespmem:s26+$0x60] =	vst v4  }
.Ltmp2:
0x47a: {  	[tilespmem:s6+$0x0] =	vst v9;
	v4 =	vmul.f32 $2.771281240e+01, v5;
	v7 =	vld [tilespmem:s6+$0x70];
	(pc) =	sbr.rel @p1 .LBB2_7-.Ltmp2, $4  }
0x47b: {  	[tilespmem:s6+$0x10] =	vst v3;
	v5 =	vmul.f32 $2.771281240e+01, v6;
	v3 =	vld [tilespmem:s26+$0x70]  }
0x47c: {  	[tilespmem:s6+$0x20] =	vst v4;
	v4 =	vmul.f32 $2.771281240e+01, v8;
	v6 =	vld [tilespmem:s30+$0x0]  }
0x47d: {  	[tilespmem:s6+$0x30] =	vst v5;
	v9 =	vmul.f32 $2.771281240e+01, v10;
	v5 =	vld [tilespmem:s30+$0x10]  }
0x47e: {  	[tilespmem:s6+$0x40] =	vst v4;
	v8 =	vmul.f32 $2.771281240e+01, v11;
	v4 =	vld [tilespmem:s30+$0x20]  }
0x47f: {  	[tilespmem:s6+$0x50] =	vst v9;
	v7 =	vmul.f32 $2.771281240e+01, v7  }
0x480: {  	[tilespmem:s6+$0x60] =	vst v8  }
0x481: {  	[tilespmem:s6+$0x70] =	vst v7  }
0x482: {  	v7 =	vld [tilespmem:s31+$0x0]  }
0x483: {  	v8 =	vld [tilespmem:s31+$0x10]  }
0x484: {  	v9 =	vld [tilespmem:s31+$0x20]  }
0x485: {  	v10 =	vld [tilespmem:s31+$0x30];
	_ =	sdelay $0x1  }
0x486: {  	v7 =	vmul.f32 $2.771281240e+01, v7  }
0x487: {  	v8 =	vmul.f32 $2.771281240e+01, v8  }
0x488: {  	[tilespmem:s31+$0x0] =	vst v7;
	v7 =	vmul.f32 $2.771281240e+01, v9  }
0x489: {  	[tilespmem:s31+$0x10] =	vst v8;
	v8 =	vmul.f32 $2.771281240e+01, v10  }
0x48a: {  	[tilespmem:s31+$0x20] =	vst v7;
	v7 =	vld [tilespmem:s31+$0x40]  }
0x48b: {  	[tilespmem:s31+$0x30] =	vst v8;
	v8 =	vld [tilespmem:s31+$0x50]  }
0x48c: {  	v9 =	vld [tilespmem:s31+$0x60]  }
0x48d: {  	v10 =	vld [tilespmem:s31+$0x70];
	_ =	sdelay $0x1  }
0x48e: {  	v7 =	vmul.f32 $2.771281240e+01, v7  }
0x48f: {  	v8 =	vmul.f32 $2.771281240e+01, v8  }
0x490: {  	[tilespmem:s31+$0x40] =	vst v7;
	v7 =	vmul.f32 $2.771281240e+01, v9  }
0x491: {  	v9 =	vld [tilespmem:s30+$0x30];
	[tilespmem:s31+$0x50] =	vst v8;
	v8 =	vmul.f32 $2.771281240e+01, v10  }
0x492: {  	v10 =	vld [tilespmem:s30+$0x40];
	[tilespmem:s31+$0x60] =	vst v7  }
0x493: {  	v6 =	vmul.f32 $2.771281240e+01, v6;
	v7 =	vld [tilespmem:s30+$0x50];
	[tilespmem:s31+$0x70] =	vst v8  }
0x494: {  	v5 =	vmul.f32 $2.771281240e+01, v5;
	v8 =	vld [tilespmem:s1+$0x0]  }
0x495: {  	[tilespmem:s30+$0x0] =	vst v6;
	v4 =	vmul.f32 $2.771281240e+01, v4;
	v6 =	vld [tilespmem:s1+$0x10]  }
0x496: {  	[tilespmem:s30+$0x10] =	vst v5;
	v5 =	vmul.f32 $2.771281240e+01, v9;
	v9 =	vld [tilespmem:s1+$0x20]  }
0x497: {  	[tilespmem:s30+$0x20] =	vst v4;
	v4 =	vmul.f32 $2.771281240e+01, v10;
	v10 =	vld [tilespmem:s1+$0x30]  }
0x498: {  	[tilespmem:s30+$0x30] =	vst v5;
	v5 =	vmul.f32 $2.771281240e+01, v7;
	v7 =	vld [tilespmem:s1+$0x40]  }
0x499: {  	[tilespmem:s30+$0x40] =	vst v4;
	v4 =	vmul.f32 $2.771281240e+01, v8;
	v8 =	vld [tilespmem:s1+$0x50]  }
0x49a: {  	[tilespmem:s30+$0x50] =	vst v5;
	v5 =	vmul.f32 $2.771281240e+01, v6;
	v6 =	vld [tilespmem:s1+$0x60]  }
0x49b: {  	[tilespmem:s1+$0x0] =	vst v4;
	v4 =	vmul.f32 $2.771281240e+01, v9  }
0x49c: {  	[tilespmem:s1+$0x10] =	vst v5;
	v5 =	vmul.f32 $2.771281240e+01, v10  }
0x49d: {  	[tilespmem:s1+$0x20] =	vst v4;
	v4 =	vmul.f32 $2.771281240e+01, v7  }
0x49e: {  	[tilespmem:s1+$0x30] =	vst v5;
	v5 =	vmul.f32 $2.771281240e+01, v8  }
0x49f: {  	[tilespmem:s1+$0x40] =	vst v4;
	v4 =	vmul.f32 $2.771281240e+01, v6  }
0x4a0: {  	[tilespmem:s1+$0x50] =	vst v5;
	v5 =	vld [tilespmem:s30+$0x60]  }
0x4a1: {  	[tilespmem:s1+$0x60] =	vst v4;
	v4 =	vld [tilespmem:s1+$0x70];
	_ =	sdelay $0x1  }
0x4a2: {  	s0 =	sshll.u32 s22, $0x5  }
0x4a3: {  	v3 =	vmul.f32 $2.771281240e+01, v3;
	s0 =	sadd.s32 s5, s0  }
0x4a4: {  	s0 =	sshrl.u32 s0, $0x3;
	v5 =	vmul.f32 $2.771281240e+01, v5  }
0x4a5: {  	[tilespmem:s26+$0x70] =	vst v3;
	s0 =	smul.u32 $0x300, s0;
	v3 =	vmul.f32 $2.771281240e+01, v4  }
0x4a6: {  	[tilespmem:s30+$0x60] =	vst v5  }
0x4a7: {  	s0 =	sadd.s32 s3, s0;
	[tilespmem:s1+$0x70] =	vst v3  }
0x4a8: {  	[hbm4b:s0+s4] =	stream.linear.scatter [tilespmem:s14], [sflag:$0x7], $0x6000, $0x38;
	[tilespmem:$0x19000] =	vst v63  }
0x4a9: {  	s0 =	simm.s32 @!p0 $0x6  }
0x4aa: {  	_ =	swait.ge @!p0 [sflag:s0], $0x6000  }
0x4ab: {  	[sflag:s0] =	ssyncset.done @!p0 $0x0  }
0x4ac: {  	[sflag:s0] =	ssyncadd.s32 @!p0 $0xFFFFA000  }
0x4ad: {  	v3 =	vld @!p0 [tilespmem:s24+$0x280];
	_ =	sdelay $0x4  }
0x4ae: {  	v4 =	vshrl.u32 @!p0 v3, $0x3  }
0x4af: {  	v4 =	vmul.u32 @!p0 $0x30, v4  }
0x4b0: {  	v5 =	vlaneseq.u32 @!p0;
	v3 =	vand.u32 @!p0 $0x7, v3  }
0x4b1: {  	v6 =	vshrl.u32 @!p0 v5, $0x3;
	v3 =	vor.u32 @!p0 v3, v4;
	v4 =	vand.u32 @!p0 $0x7, v5  }
0x4b2: {  	v6 =	vmul.u32 @!p0 $0x8, v6;
	v7 =	vperm.xlane @!p0 v3, v4;
	_ =	sdelay $0x1  }
0x4b3: {  	v7 =	vadd.s32 @!p0 v6, v7;
	_ =	sdelay $0x2  }
0x4b4: {  	v5 =	vor.u32 @!p0 $0x8, v5  }
0x4b5: {  	s1 =	simm.s32 @!p0 $0x7000;
	s0 =	simm.s32 @!p0 $0x0;
	v3 =	vperm.xlane @!p0 v3, v5  }
0x4b6: {  	[tilespmem:s1], [sflag:$0x2] =	stream.indirect_vreg.gather @!p0 [hbm4b:s2+s0], $0x80, v7, vm1, $0xb8;
	[tilespmem:$0x19000] =	vst v63  }
0x4b7: {  	v3 =	vadd.s32 @!p0 v6, v3;
	s1 =	simm.s32 @!p0 $0x7800  }
0x4b8: {  	[tilespmem:s1], [sflag:$0x2] =	stream.indirect_vreg.gather @!p0 [hbm4b:s7+s0], $0x80, v7, vm1, $0xb8;
	[tilespmem:$0x19000] =	vst v63  }
0x4b9: {  	s1 =	simm.s32 @!p0 $0x8000  }
0x4ba: {  	[tilespmem:s1], [sflag:$0x2] =	stream.indirect_vreg.gather @!p0 [hbm4b:s8+s0], $0x80, v7, vm1, $0xb8;
	[tilespmem:$0x19000] =	vst v63  }
0x4bb: {  	s1 =	simm.s32 @!p0 $0x8800  }
0x4bc: {  	[tilespmem:s1], [sflag:$0x2] =	stream.indirect_vreg.gather @!p0 [hbm4b:s2+s0], $0x80, v3, vm1, $0xb8;
	[tilespmem:$0x19000] =	vst v63  }
0x4bd: {  	s1 =	simm.s32 @!p0 $0x9000  }
0x4be: {  	[tilespmem:s1], [sflag:$0x2] =	stream.indirect_vreg.gather @!p0 [hbm4b:s7+s0], $0x80, v3, vm1, $0xb8;
	[tilespmem:$0x19000] =	vst v63  }
0x4bf: {  	s1 =	simm.s32 @!p0 $0x9800  }
0x4c0: {  	[tilespmem:s1], [sflag:$0x2] =	stream.indirect_vreg.gather @!p0 [hbm4b:s8+s0], $0x80, v3, vm1, $0xb8;
	[tilespmem:$0x19000] =	vst v63  }
0x4c1: {  	v3 =	vld @!p0 [tilespmem:s24+$0x290];
	_ =	sdelay $0x4  }
0x4c2: {  	v7 =	vshrl.u32 @!p0 v3, $0x3  }
0x4c3: {  	v7 =	vmul.u32 @!p0 $0x30, v7  }
0x4c4: {  	v3 =	vand.u32 @!p0 $0x7, v3  }
0x4c5: {  	v3 =	vor.u32 @!p0 v3, v7  }
0x4c6: {  	v4 =	vperm.xlane @!p0 v3, v4;
	_ =	sdelay $0x1  }
0x4c7: {  	v4 =	vadd.s32 @!p0 v6, v4;
	_ =	sdelay $0x3  }
0x4c8: {  	s1 =	simm.s32 @!p0 $0xA000;
	v3 =	vperm.xlane @!p0 v3, v5  }
0x4c9: {  	[tilespmem:s1], [sflag:$0x2] =	stream.indirect_vreg.gather @!p0 [hbm4b:s2+s0], $0x80, v4, vm1, $0xb8;
	[tilespmem:$0x19000] =	vst v63  }
0x4ca: {  	v3 =	vadd.s32 @!p0 v6, v3;
	s1 =	simm.s32 @!p0 $0xA800  }
0x4cb: {  	[tilespmem:s1], [sflag:$0x2] =	stream.indirect_vreg.gather @!p0 [hbm4b:s7+s0], $0x80, v4, vm1, $0xb8;
	[tilespmem:$0x19000] =	vst v63  }
0x4cc: {  	s1 =	simm.s32 @!p0 $0xB000  }
0x4cd: {  	[tilespmem:s1], [sflag:$0x2] =	stream.indirect_vreg.gather @!p0 [hbm4b:s8+s0], $0x80, v4, vm1, $0xb8;
	[tilespmem:$0x19000] =	vst v63  }
0x4ce: {  	s1 =	simm.s32 @!p0 $0xB800  }
0x4cf: {  	[tilespmem:s1], [sflag:$0x2] =	stream.indirect_vreg.gather @!p0 [hbm4b:s2+s0], $0x80, v3, vm1, $0xb8;
	[tilespmem:$0x19000] =	vst v63  }
0x4d0: {  	s1 =	simm.s32 @!p0 $0xC000  }
0x4d1: {  	[tilespmem:s1], [sflag:$0x2] =	stream.indirect_vreg.gather @!p0 [hbm4b:s7+s0], $0x80, v3, vm1, $0xb8;
	[tilespmem:$0x19000] =	vst v63  }
0x4d2: {  	s11 =	simm.s32 $0x0;
	s1 =	simm.s32 @!p0 $0xC800  }
0x4d3: {  	[tilespmem:s1], [sflag:$0x2] =	stream.indirect_vreg.gather @!p0 [hbm4b:s8+s0], $0x80, v3, vm1, $0xb8;
	[tilespmem:$0x19000] =	vst v63  }
0x4d4: {  	s0 =	smul.u32 $0x6000, s11  }
0x4d5: {  	s12 =	simm.s32 $0x0  }
0x4d6: {  	s24 =	sand.u32 $0x300, s12;
	_ =	swait.ge [sflag:s19], $0x6000;
	s0 =	sshra.s32 s0, $0x2  }
0x4d7: {  	s1 =	sor.u32 $0x80, s24;
	[sflag:s19] =	ssyncset.done $0x0;
	s13 =	sadd.s32 $0x13000, s0  }
0x4d8: {  	[sflag:s19] =	ssyncadd.s32 $0xFFFFA000;
	s10 =	sor.u32 s1, s13  }
0x4d9: {  	v3 =	vld [tilespmem:s10+$0x0]  }
0x4da: {  	v4 =	vld [tilespmem:s10+$0x10]  }
0x4db: {  	v5 =	vld [tilespmem:s10+$0x20]  }
0x4dc: {  	v6 =	vld [tilespmem:s10+$0x30]  }
0x4dd: {  	v7 =	vld [tilespmem:s10+$0x40]  }
0x4de: {  	v8 =	vld [tilespmem:s10+$0x50];
	v3 =	vmul.f32 $2.771281240e+01, v3  }
0x4df: {  	v9 =	vld [tilespmem:s10+$0x60];
	v4 =	vmul.f32 $2.771281240e+01, v4  }
0x4e0: {  	[tilespmem:s10+$0x0] =	vst v3;
	v3 =	vmul.f32 $2.771281240e+01, v5;
	v5 =	vld [tilespmem:s10+$0x70]  }
0x4e1: {  	[tilespmem:s10+$0x10] =	vst v4;
	v4 =	vmul.f32 $2.771281240e+01, v6;
	v6 =	vld [tilespmem:s10+$0x400]  }
0x4e2: {  	[tilespmem:s10+$0x20] =	vst v3;
	v3 =	vmul.f32 $2.771281240e+01, v7;
	v7 =	vld [tilespmem:s10+$0x410]  }
0x4e3: {  	[tilespmem:s10+$0x30] =	vst v4;
	v4 =	vmul.f32 $2.771281240e+01, v8;
	v8 =	vld [tilespmem:s10+$0x420]  }
0x4e4: {  	[tilespmem:s10+$0x40] =	vst v3;
	v3 =	vmul.f32 $2.771281240e+01, v9;
	v9 =	vld [tilespmem:s10+$0x430]  }
0x4e5: {  	[tilespmem:s10+$0x50] =	vst v4;
	v4 =	vmul.f32 $2.771281240e+01, v5;
	v5 =	vld [tilespmem:s10+$0x440]  }
0x4e6: {  	[tilespmem:s10+$0x60] =	vst v3;
	v3 =	vmul.f32 $2.771281240e+01, v6;
	v6 =	vld [tilespmem:s10+$0x450]  }
0x4e7: {  	[tilespmem:s10+$0x70] =	vst v4;
	v4 =	vmul.f32 $2.771281240e+01, v7;
	v7 =	vld [tilespmem:s10+$0x460]  }
0x4e8: {  	s6 =	sor.u32 s24, s13;
	[tilespmem:s10+$0x400] =	vst v3;
	v3 =	vmul.f32 $2.771281240e+01, v8;
	v8 =	vld [tilespmem:s10+$0x470]  }
0x4e9: {  	v10 =	vld [tilespmem:s6+$0x0];
	[tilespmem:s10+$0x410] =	vst v4;
	v4 =	vmul.f32 $2.771281240e+01, v9  }
0x4ea: {  	v9 =	vld [tilespmem:s6+$0x10];
	[tilespmem:s10+$0x420] =	vst v3;
	v3 =	vmul.f32 $2.771281240e+01, v5  }
0x4eb: {  	v5 =	vld [tilespmem:s6+$0x20];
	[tilespmem:s10+$0x430] =	vst v4;
	v4 =	vmul.f32 $2.771281240e+01, v6  }
0x4ec: {  	v6 =	vld [tilespmem:s6+$0x30];
	[tilespmem:s10+$0x440] =	vst v3;
	v3 =	vmul.f32 $2.771281240e+01, v7  }
0x4ed: {  	v7 =	vld [tilespmem:s6+$0x40];
	[tilespmem:s10+$0x450] =	vst v4;
	v4 =	vmul.f32 $2.771281240e+01, v8  }
0x4ee: {  	s9 =	sadd.s32 $0x13800, s0;
	v8 =	vmul.f32 $2.771281240e+01, v10;
	v10 =	vld [tilespmem:s6+$0x50];
	[tilespmem:s10+$0x460] =	vst v3  }
0x4ef: {  	s15 =	sor.u32 s1, s9;
	v3 =	vmul.f32 $2.771281240e+01, v9;
	v9 =	vld [tilespmem:s6+$0x60];
	[tilespmem:s10+$0x470] =	vst v4  }
0x4f0: {  	[tilespmem:s6+$0x0] =	vst v8;
	v4 =	vmul.f32 $2.771281240e+01, v5;
	v5 =	vld [tilespmem:s15+$0x0]  }
0x4f1: {  	[tilespmem:s6+$0x10] =	vst v3;
	v3 =	vmul.f32 $2.771281240e+01, v6;
	v6 =	vld [tilespmem:s15+$0x10]  }
0x4f2: {  	[tilespmem:s6+$0x20] =	vst v4;
	v4 =	vmul.f32 $2.771281240e+01, v7;
	v7 =	vld [tilespmem:s15+$0x20]  }
0x4f3: {  	v8 =	vld [tilespmem:s15+$0x30];
	[tilespmem:s6+$0x30] =	vst v3;
	v3 =	vmul.f32 $2.771281240e+01, v10  }
0x4f4: {  	[tilespmem:s6+$0x40] =	vst v4;
	v4 =	vmul.f32 $2.771281240e+01, v9;
	v9 =	vld [tilespmem:s15+$0x40]  }
0x4f5: {  	[tilespmem:s6+$0x50] =	vst v3;
	v3 =	vmul.f32 $2.771281240e+01, v5;
	v5 =	vld [tilespmem:s15+$0x50]  }
0x4f6: {  	[tilespmem:s6+$0x60] =	vst v4;
	v4 =	vmul.f32 $2.771281240e+01, v6;
	v6 =	vld [tilespmem:s15+$0x60]  }
0x4f7: {  	[tilespmem:s15+$0x0] =	vst v3;
	v3 =	vmul.f32 $2.771281240e+01, v7;
	v7 =	vld [tilespmem:s15+$0x70]  }
0x4f8: {  	v10 =	vld [tilespmem:s6+$0x70];
	[tilespmem:s15+$0x10] =	vst v4;
	v4 =	vmul.f32 $2.771281240e+01, v8  }
0x4f9: {  	v8 =	vld [tilespmem:s6+$0x400];
	[tilespmem:s15+$0x20] =	vst v3;
	v3 =	vmul.f32 $2.771281240e+01, v9  }
0x4fa: {  	v9 =	vld [tilespmem:s6+$0x410];
	[tilespmem:s15+$0x30] =	vst v4;
	v4 =	vmul.f32 $2.771281240e+01, v5  }
0x4fb: {  	v5 =	vld [tilespmem:s6+$0x420];
	[tilespmem:s15+$0x40] =	vst v3;
	v3 =	vmul.f32 $2.771281240e+01, v6  }
0x4fc: {  	v6 =	vld [tilespmem:s6+$0x430];
	[tilespmem:s15+$0x50] =	vst v4;
	v4 =	vmul.f32 $2.771281240e+01, v7  }
0x4fd: {  	s12 =	sadd.s32 $0x13C00, s0;
	v7 =	vmul.f32 $2.771281240e+01, v10;
	v10 =	vld [tilespmem:s6+$0x440];
	[tilespmem:s15+$0x60] =	vst v3  }
0x4fe: {  	s11 =	sor.u32 s1, s12;
	v3 =	vmul.f32 $2.771281240e+01, v8;
	v8 =	vld [tilespmem:s6+$0x450];
	[tilespmem:s15+$0x70] =	vst v4  }
0x4ff: {  	[tilespmem:s6+$0x70] =	vst v7;
	v4 =	vmul.f32 $2.771281240e+01, v9;
	v7 =	vld [tilespmem:s11+$0x0]  }
0x500: {  	[tilespmem:s6+$0x400] =	vst v3;
	v3 =	vmul.f32 $2.771281240e+01, v5;
	v5 =	vld [tilespmem:s11+$0x10]  }
0x501: {  	[tilespmem:s6+$0x410] =	vst v4;
	v4 =	vmul.f32 $2.771281240e+01, v6;
	v6 =	vld [tilespmem:s11+$0x20]  }
0x502: {  	v9 =	vld [tilespmem:s11+$0x30];
	[tilespmem:s6+$0x420] =	vst v3;
	v3 =	vmul.f32 $2.771281240e+01, v10  }
0x503: {  	[tilespmem:s6+$0x430] =	vst v4;
	v4 =	vmul.f32 $2.771281240e+01, v8;
	v8 =	vld [tilespmem:s11+$0x40]  }
0x504: {  	[tilespmem:s6+$0x440] =	vst v3;
	v3 =	vmul.f32 $2.771281240e+01, v7;
	v7 =	vld [tilespmem:s11+$0x50]  }
0x505: {  	[tilespmem:s6+$0x450] =	vst v4;
	v4 =	vmul.f32 $2.771281240e+01, v5;
	v5 =	vld [tilespmem:s11+$0x60]  }
0x506: {  	v10 =	vld [tilespmem:s6+$0x460];
	[tilespmem:s11+$0x0] =	vst v3;
	v3 =	vmul.f32 $2.771281240e+01, v6  }
0x507: {  	v6 =	vld [tilespmem:s11+$0x70];
	[tilespmem:s11+$0x10] =	vst v4;
	v4 =	vmul.f32 $2.771281240e+01, v9  }
0x508: {  	v9 =	vld [tilespmem:s6+$0x470];
	[tilespmem:s11+$0x20] =	vst v3;
	v3 =	vmul.f32 $2.771281240e+01, v8  }
0x509: {  	[tilespmem:s11+$0x30] =	vst v4;
	v4 =	vmul.f32 $2.771281240e+01, v7  }
0x50a: {  	[tilespmem:s11+$0x40] =	vst v3;
	v3 =	vmul.f32 $2.771281240e+01, v5  }
0x50b: {  	v5 =	vmul.f32 $2.771281240e+01, v10;
	[tilespmem:s11+$0x50] =	vst v4  }
0x50c: {  	v4 =	vmul.f32 $2.771281240e+01, v6;
	[tilespmem:s11+$0x60] =	vst v3  }
0x50d: {  	s16 =	sadd.s32 $0x14000, s0;
	v3 =	vmul.f32 $2.771281240e+01, v9;
	[tilespmem:s6+$0x460] =	vst v5  }
0x50e: {  	s22 =	sor.u32 s1, s16;
	[tilespmem:s11+$0x70] =	vst v4  }
0x50f: {  	s9 =	sor.u32 s24, s9;
	v4 =	vld [tilespmem:s22+$0x0];
	[tilespmem:s6+$0x470] =	vst v3  }
0x510: {  	v3 =	vld [tilespmem:s9+$0x0]  }
0x511: {  	v5 =	vld [tilespmem:s9+$0x10]  }
0x512: {  	v6 =	vld [tilespmem:s9+$0x20]  }
0x513: {  	v7 =	vld [tilespmem:s9+$0x30]  }
0x514: {  	v8 =	vld [tilespmem:s9+$0x40];
	v4 =	vmul.f32 $2.771281240e+01, v4  }
0x515: {  	v9 =	vld [tilespmem:s9+$0x50];
	v3 =	vmul.f32 $2.771281240e+01, v3  }
0x516: {  	[tilespmem:s22+$0x0] =	vst v4;
	v4 =	vmul.f32 $2.771281240e+01, v5;
	v5 =	vld [tilespmem:s9+$0x60]  }
0x517: {  	[tilespmem:s9+$0x0] =	vst v3;
	v3 =	vmul.f32 $2.771281240e+01, v6;
	v6 =	vld [tilespmem:s9+$0x70]  }
0x518: {  	v10 =	vld [tilespmem:s22+$0x10];
	[tilespmem:s9+$0x10] =	vst v4;
	v4 =	vmul.f32 $2.771281240e+01, v7  }
0x519: {  	v7 =	vld [tilespmem:s22+$0x20];
	[tilespmem:s9+$0x20] =	vst v3;
	v3 =	vmul.f32 $2.771281240e+01, v8  }
0x51a: {  	v8 =	vld [tilespmem:s22+$0x30];
	[tilespmem:s9+$0x30] =	vst v4;
	v4 =	vmul.f32 $2.771281240e+01, v9  }
0x51b: {  	v9 =	vld [tilespmem:s22+$0x40];
	[tilespmem:s9+$0x40] =	vst v3;
	v3 =	vmul.f32 $2.771281240e+01, v5  }
0x51c: {  	v5 =	vld [tilespmem:s22+$0x50];
	[tilespmem:s9+$0x50] =	vst v4;
	v4 =	vmul.f32 $2.771281240e+01, v6  }
0x51d: {  	v6 =	vmul.f32 $2.771281240e+01, v10;
	v10 =	vld [tilespmem:s22+$0x60];
	[tilespmem:s9+$0x60] =	vst v3  }
0x51e: {  	s13 =	sor.u32 s24, s12;
	v3 =	vmul.f32 $2.771281240e+01, v7;
	v7 =	vld [tilespmem:s22+$0x70];
	[tilespmem:s9+$0x70] =	vst v4  }
0x51f: {  	[tilespmem:s22+$0x10] =	vst v6;
	v4 =	vmul.f32 $2.771281240e+01, v8;
	v6 =	vld [tilespmem:s13+$0x0]  }
0x520: {  	[tilespmem:s22+$0x20] =	vst v3;
	v3 =	vmul.f32 $2.771281240e+01, v9;
	v8 =	vld [tilespmem:s13+$0x10]  }
0x521: {  	[tilespmem:s22+$0x30] =	vst v4;
	v4 =	vmul.f32 $2.771281240e+01, v5;
	v5 =	vld [tilespmem:s13+$0x20]  }
0x522: {  	v9 =	vld [tilespmem:s13+$0x30];
	[tilespmem:s22+$0x40] =	vst v3;
	v3 =	vmul.f32 $2.771281240e+01, v10  }
0x523: {  	[tilespmem:s22+$0x50] =	vst v4;
	v4 =	vmul.f32 $2.771281240e+01, v7;
	v7 =	vld [tilespmem:s13+$0x40]  }
0x524: {  	[tilespmem:s22+$0x60] =	vst v3;
	v3 =	vmul.f32 $2.771281240e+01, v6;
	v6 =	vld [tilespmem:s13+$0x50]  }
0x525: {  	s0 =	sadd.s32 $0x14400, s0;
	[tilespmem:s22+$0x70] =	vst v4;
	v4 =	vmul.f32 $2.771281240e+01, v8;
	v8 =	vld [tilespmem:s13+$0x60]  }
0x526: {  	s6 =	sor.u32 s1, s0;
	[tilespmem:s13+$0x0] =	vst v3;
	v3 =	vmul.f32 $2.771281240e+01, v5;
	v5 =	vld [tilespmem:s13+$0x70]  }
0x527: {  	v10 =	vld [tilespmem:s6+$0x70];
	[tilespmem:s13+$0x10] =	vst v4;
	v4 =	vmul.f32 $2.771281240e+01, v9  }
0x528: {  	[tilespmem:s13+$0x20] =	vst v3;
	v3 =	vmul.f32 $2.771281240e+01, v7;
	v7 =	vld [tilespmem:s6+$0x0]  }
0x529: {  	[tilespmem:s13+$0x30] =	vst v4;
	v4 =	vmul.f32 $2.771281240e+01, v6;
	v6 =	vld [tilespmem:s6+$0x10]  }
0x52a: {  	[tilespmem:s13+$0x40] =	vst v3;
	v3 =	vmul.f32 $2.771281240e+01, v8;
	v8 =	vld [tilespmem:s6+$0x20]  }
0x52b: {  	[tilespmem:s13+$0x50] =	vst v4;
	v4 =	vmul.f32 $2.771281240e+01, v5;
	v5 =	vld [tilespmem:s6+$0x30]  }
0x52c: {  	s25 =	simm.s32 $0x0;
	v9 =	vmul.f32 $2.771281240e+01, v10;
	[tilespmem:s13+$0x60] =	vst v3;
	v3 =	vld [tilespmem:s6+$0x40]  }
0x52d: {  	s26 =	smul.u32 $0x6000, s25;
	s12 =	sor.u32 s24, s16;
	[tilespmem:s13+$0x70] =	vst v4;
	v4 =	vld [tilespmem:s6+$0x50];
	v7 =	vmul.f32 $2.771281240e+01, v7  }
0x52e: {  	s22 =	simm.s32 $0x100;
	[tilespmem:s6+$0x70] =	vst v9;
	v10 =	vld [tilespmem:s12+$0x0];
	v6 =	vmul.f32 $2.771281240e+01, v6  }
0x52f: {  	s9 =	sshra.s32 s26, $0x2;
	s1 =	sand.u32 $0x300, s22;
	v9 =	vld [tilespmem:s12+$0x10];
	[tilespmem:s6+$0x0] =	vst v7;
	v7 =	vmul.f32 $2.771281240e+01, v8  }
0x530: {  	s30 =	sadd.s32 $0x13000, s9;
	s10 =	sor.u32 $0x80, s1;
	v8 =	vld [tilespmem:s12+$0x20];
	[tilespmem:s6+$0x10] =	vst v6;
	v5 =	vmul.f32 $2.771281240e+01, v5  }
0x531: {  	s16 =	sor.u32 s10, s30;
	v6 =	vld [tilespmem:s12+$0x30];
	[tilespmem:s6+$0x20] =	vst v7;
	v3 =	vmul.f32 $2.771281240e+01, v3  }
0x532: {  	v7 =	vld [tilespmem:s16+$0x0];
	[tilespmem:s6+$0x30] =	vst v5;
	v4 =	vmul.f32 $2.771281240e+01, v4  }
0x533: {  	v5 =	vld [tilespmem:s16+$0x10];
	v10 =	vmul.f32 $2.771281240e+01, v10;
	[tilespmem:s6+$0x40] =	vst v3  }
0x534: {  	v3 =	vld [tilespmem:s16+$0x20];
	v9 =	vmul.f32 $2.771281240e+01, v9;
	[tilespmem:s6+$0x50] =	vst v4  }
0x535: {  	v4 =	vld [tilespmem:s16+$0x30];
	v8 =	vmul.f32 $2.771281240e+01, v8;
	[tilespmem:s12+$0x0] =	vst v10  }
0x536: {  	v10 =	vld [tilespmem:s16+$0x40];
	[tilespmem:s12+$0x10] =	vst v9;
	v6 =	vmul.f32 $2.771281240e+01, v6  }
0x537: {  	v9 =	vld [tilespmem:s16+$0x50];
	v7 =	vmul.f32 $2.771281240e+01, v7;
	[tilespmem:s12+$0x20] =	vst v8  }
0x538: {  	v8 =	vld [tilespmem:s16+$0x60];
	v5 =	vmul.f32 $2.771281240e+01, v5;
	[tilespmem:s12+$0x30] =	vst v6  }
0x539: {  	[tilespmem:s16+$0x0] =	vst v7;
	v3 =	vmul.f32 $2.771281240e+01, v3;
	v7 =	vld [tilespmem:s16+$0x70]  }
0x53a: {  	[tilespmem:s16+$0x10] =	vst v5;
	v4 =	vmul.f32 $2.771281240e+01, v4;
	v5 =	vld [tilespmem:s16+$0x400]  }
0x53b: {  	[tilespmem:s16+$0x20] =	vst v3;
	v3 =	vmul.f32 $2.771281240e+01, v10;
	v10 =	vld [tilespmem:s16+$0x410]  }
0x53c: {  	[tilespmem:s16+$0x30] =	vst v4;
	v4 =	vmul.f32 $2.771281240e+01, v9;
	v9 =	vld [tilespmem:s16+$0x420]  }
0x53d: {  	[tilespmem:s16+$0x40] =	vst v3;
	v3 =	vmul.f32 $2.771281240e+01, v8;
	v8 =	vld [tilespmem:s16+$0x430]  }
0x53e: {  	[tilespmem:s16+$0x50] =	vst v4;
	v4 =	vmul.f32 $2.771281240e+01, v7;
	v7 =	vld [tilespmem:s16+$0x440]  }
0x53f: {  	[tilespmem:s16+$0x60] =	vst v3;
	v3 =	vmul.f32 $2.771281240e+01, v5;
	v5 =	vld [tilespmem:s16+$0x450]  }
0x540: {  	[tilespmem:s16+$0x70] =	vst v4;
	v4 =	vmul.f32 $2.771281240e+01, v10;
	v10 =	vld [tilespmem:s16+$0x460]  }
0x541: {  	s31 =	sor.u32 s1, s30;
	[tilespmem:s16+$0x400] =	vst v3;
	v3 =	vmul.f32 $2.771281240e+01, v9;
	v9 =	vld [tilespmem:s16+$0x470]  }
0x542: {  	[tilespmem:s16+$0x410] =	vst v4;
	v4 =	vld [tilespmem:s31+$0x0];
	v8 =	vmul.f32 $2.771281240e+01, v8  }
0x543: {  	[tilespmem:s16+$0x420] =	vst v3;
	v3 =	vld [tilespmem:s31+$0x10];
	v7 =	vmul.f32 $2.771281240e+01, v7  }
0x544: {  	[tilespmem:s16+$0x430] =	vst v8;
	v8 =	vld [tilespmem:s31+$0x20];
	v5 =	vmul.f32 $2.771281240e+01, v5  }
0x545: {  	[tilespmem:s16+$0x440] =	vst v7;
	v7 =	vld [tilespmem:s31+$0x30];
	v10 =	vmul.f32 $2.771281240e+01, v10  }
0x546: {  	[tilespmem:s16+$0x450] =	vst v5;
	v5 =	vld [tilespmem:s31+$0x40];
	v9 =	vmul.f32 $2.771281240e+01, v9  }
0x547: {  	s15 =	sadd.s32 $0x13800, s9;
	[tilespmem:s16+$0x460] =	vst v10;
	v10 =	vld [tilespmem:s31+$0x50];
	v4 =	vmul.f32 $2.771281240e+01, v4  }
0x548: {  	[tilespmem:s16+$0x470] =	vst v9;
	v9 =	vld [tilespmem:s31+$0x60];
	s16 =	sor.u32 s10, s15;
	v3 =	vmul.f32 $2.771281240e+01, v3  }
0x549: {  	v6 =	vld [tilespmem:s16+$0x0];
	[tilespmem:s31+$0x0] =	vst v4;
	v4 =	vmul.f32 $2.771281240e+01, v8  }
0x54a: {  	v8 =	vld [tilespmem:s16+$0x10];
	[tilespmem:s31+$0x10] =	vst v3;
	v3 =	vmul.f32 $2.771281240e+01, v7  }
0x54b: {  	v7 =	vld [tilespmem:s16+$0x20];
	[tilespmem:s31+$0x20] =	vst v4;
	v4 =	vmul.f32 $2.771281240e+01, v5  }
0x54c: {  	v5 =	vld [tilespmem:s16+$0x30];
	[tilespmem:s31+$0x30] =	vst v3;
	v3 =	vmul.f32 $2.771281240e+01, v10  }
0x54d: {  	v10 =	vld [tilespmem:s16+$0x40];
	[tilespmem:s31+$0x40] =	vst v4;
	v9 =	vmul.f32 $2.771281240e+01, v9  }
0x54e: {  	v4 =	vmul.f32 $2.771281240e+01, v6;
	v6 =	vld [tilespmem:s16+$0x50];
	[tilespmem:s31+$0x50] =	vst v3  }
0x54f: {  	v3 =	vmul.f32 $2.771281240e+01, v8;
	v8 =	vld [tilespmem:s16+$0x60];
	[tilespmem:s31+$0x60] =	vst v9  }
0x550: {  	[tilespmem:s16+$0x0] =	vst v4;
	v4 =	vmul.f32 $2.771281240e+01, v7;
	v7 =	vld [tilespmem:s16+$0x70]  }
0x551: {  	[tilespmem:s16+$0x10] =	vst v3;
	v3 =	vld [tilespmem:s31+$0x70];
	v5 =	vmul.f32 $2.771281240e+01, v5  }
0x552: {  	v10 =	vmul.f32 $2.771281240e+01, v10;
	[tilespmem:s16+$0x20] =	vst v4;
	v4 =	vld [tilespmem:s31+$0x400]  }
0x553: {  	[tilespmem:s16+$0x30] =	vst v5;
	v5 =	vld [tilespmem:s31+$0x410];
	v6 =	vmul.f32 $2.771281240e+01, v6  }
0x554: {  	[tilespmem:s16+$0x40] =	vst v10;
	v10 =	vld [tilespmem:s31+$0x420];
	v8 =	vmul.f32 $2.771281240e+01, v8  }
0x555: {  	[tilespmem:s16+$0x50] =	vst v6;
	v6 =	vld [tilespmem:s31+$0x430];
	v7 =	vmul.f32 $2.771281240e+01, v7  }
0x556: {  	s26 =	sadd.s32 $0x13C00, s9;
	[tilespmem:s16+$0x60] =	vst v8;
	v8 =	vld [tilespmem:s31+$0x440];
	v3 =	vmul.f32 $2.771281240e+01, v3  }
0x557: {  	s25 =	sor.u32 s10, s26;
	[tilespmem:s16+$0x70] =	vst v7;
	v7 =	vld [tilespmem:s31+$0x450];
	v4 =	vmul.f32 $2.771281240e+01, v4  }
0x558: {  	[tilespmem:s31+$0x70] =	vst v3;
	v3 =	vmul.f32 $2.771281240e+01, v5;
	v9 =	vld [tilespmem:s25+$0x0]  }
0x559: {  	v5 =	vld [tilespmem:s25+$0x10];
	[tilespmem:s31+$0x400] =	vst v4;
	v4 =	vmul.f32 $2.771281240e+01, v10  }
0x55a: {  	v10 =	vld [tilespmem:s25+$0x20];
	[tilespmem:s31+$0x410] =	vst v3;
	v3 =	vmul.f32 $2.771281240e+01, v6  }
0x55b: {  	v6 =	vld [tilespmem:s25+$0x30];
	[tilespmem:s31+$0x420] =	vst v4;
	v4 =	vmul.f32 $2.771281240e+01, v8  }
0x55c: {  	v8 =	vld [tilespmem:s25+$0x40];
	[tilespmem:s31+$0x430] =	vst v3;
	v7 =	vmul.f32 $2.771281240e+01, v7  }
0x55d: {  	v3 =	vmul.f32 $2.771281240e+01, v9;
	v9 =	vld [tilespmem:s25+$0x50];
	[tilespmem:s31+$0x440] =	vst v4  }
0x55e: {  	v4 =	vmul.f32 $2.771281240e+01, v5;
	v5 =	vld [tilespmem:s25+$0x60];
	[tilespmem:s31+$0x450] =	vst v7  }
0x55f: {  	[tilespmem:s25+$0x0] =	vst v3;
	v3 =	vmul.f32 $2.771281240e+01, v10;
	v10 =	vld [tilespmem:s25+$0x70]  }
0x560: {  	[tilespmem:s25+$0x10] =	vst v4;
	v4 =	vld [tilespmem:s31+$0x460];
	v6 =	vmul.f32 $2.771281240e+01, v6  }
0x561: {  	v8 =	vmul.f32 $2.771281240e+01, v8;
	[tilespmem:s25+$0x20] =	vst v3;
	v3 =	vld [tilespmem:s31+$0x470]  }
0x562: {  	[tilespmem:s25+$0x30] =	vst v6;
	v6 =	vmul.f32 $2.771281240e+01, v9;
	v9 =	vld [tilespmem:s12+$0x40]  }
0x563: {  	[tilespmem:s25+$0x40] =	vst v8;
	v5 =	vmul.f32 $2.771281240e+01, v5;
	v8 =	vld [tilespmem:s12+$0x50]  }
0x564: {  	[tilespmem:s25+$0x50] =	vst v6;
	v6 =	vmul.f32 $2.771281240e+01, v10;
	v10 =	vld [tilespmem:s12+$0x60]  }
0x565: {  	s16 =	sadd.s32 $0x14000, s9;
	[tilespmem:s25+$0x60] =	vst v5;
	v5 =	vld [tilespmem:s12+$0x70];
	v4 =	vmul.f32 $2.771281240e+01, v4  }
0x566: {  	s30 =	sor.u32 s10, s16;
	[tilespmem:s25+$0x70] =	vst v6;
	v6 =	vld [tilespmem:s6+$0x60];
	v3 =	vmul.f32 $2.771281240e+01, v3  }
0x567: {  	[tilespmem:s31+$0x460] =	vst v4;
	v7 =	vld [tilespmem:s30+$0x0];
	v4 =	vmul.f32 $2.771281240e+01, v9  }
0x568: {  	v9 =	vld [tilespmem:s30+$0x10];
	[tilespmem:s31+$0x470] =	vst v3;
	v3 =	vmul.f32 $2.771281240e+01, v8  }
0x569: {  	v8 =	vld [tilespmem:s30+$0x20];
	[tilespmem:s12+$0x40] =	vst v4;
	v4 =	vmul.f32 $2.771281240e+01, v10  }
0x56a: {  	v10 =	vld [tilespmem:s30+$0x30];
	[tilespmem:s12+$0x50] =	vst v3;
	v3 =	vmul.f32 $2.771281240e+01, v5  }
0x56b: {  	v5 =	vld [tilespmem:s30+$0x40];
	[tilespmem:s12+$0x60] =	vst v4;
	v6 =	vmul.f32 $2.771281240e+01, v6  }
0x56c: {  	v4 =	vmul.f32 $2.771281240e+01, v7;
	v7 =	vld [tilespmem:s30+$0x50];
	[tilespmem:s12+$0x70] =	vst v3  }
0x56d: {  	v3 =	vmul.f32 $2.771281240e+01, v9;
	v9 =	vld [tilespmem:s30+$0x60];
	[tilespmem:s6+$0x60] =	vst v6  }
0x56e: {  	s31 =	sor.u32 s1, s15;
	[tilespmem:s30+$0x0] =	vst v4;
	v4 =	vmul.f32 $2.771281240e+01, v8;
	v8 =	vld [tilespmem:s30+$0x70]  }
0x56f: {  	[tilespmem:s30+$0x10] =	vst v3;
	v3 =	vld [tilespmem:s31+$0x0];
	v10 =	vmul.f32 $2.771281240e+01, v10  }
0x570: {  	v5 =	vmul.f32 $2.771281240e+01, v5;
	[tilespmem:s30+$0x20] =	vst v4;
	v4 =	vld [tilespmem:s31+$0x10]  }
0x571: {  	[tilespmem:s30+$0x30] =	vst v10;
	v10 =	vld [tilespmem:s31+$0x20];
	v7 =	vmul.f32 $2.771281240e+01, v7  }
0x572: {  	[tilespmem:s30+$0x40] =	vst v5;
	v5 =	vld [tilespmem:s31+$0x30];
	v9 =	vmul.f32 $2.771281240e+01, v9  }
0x573: {  	[tilespmem:s30+$0x50] =	vst v7;
	v7 =	vld [tilespmem:s31+$0x40];
	v8 =	vmul.f32 $2.771281240e+01, v8  }
0x574: {  	[tilespmem:s30+$0x60] =	vst v9;
	v9 =	vld [tilespmem:s31+$0x50];
	v3 =	vmul.f32 $2.771281240e+01, v3  }
0x575: {  	s9 =	sadd.s32 $0x14400, s9;
	[tilespmem:s30+$0x70] =	vst v8;
	v8 =	vld [tilespmem:s31+$0x60];
	v4 =	vmul.f32 $2.771281240e+01, v4  }
0x576: {  	s25 =	sor.u32 s10, s9;
	[tilespmem:s31+$0x0] =	vst v3;
	v3 =	vmul.f32 $2.771281240e+01, v10;
	v10 =	vld [tilespmem:s31+$0x70]  }
0x577: {  	s24 =	sor.u32 s24, s0;
	v6 =	vld [tilespmem:s25+$0x70];
	[tilespmem:s31+$0x10] =	vst v4;
	v4 =	vmul.f32 $2.771281240e+01, v5  }
0x578: {  	v5 =	vld [tilespmem:s24+$0x0];
	[tilespmem:s31+$0x20] =	vst v3;
	v3 =	vmul.f32 $2.771281240e+01, v7  }
0x579: {  	v7 =	vld [tilespmem:s24+$0x10];
	[tilespmem:s31+$0x30] =	vst v4;
	v4 =	vmul.f32 $2.771281240e+01, v9  }
0x57a: {  	v9 =	vld [tilespmem:s24+$0x20];
	[tilespmem:s31+$0x40] =	vst v3;
	v3 =	vmul.f32 $2.771281240e+01, v8  }
0x57b: {  	v8 =	vld [tilespmem:s24+$0x30];
	[tilespmem:s31+$0x50] =	vst v4;
	v4 =	vmul.f32 $2.771281240e+01, v10  }
0x57c: {  	v10 =	vld [tilespmem:s24+$0x40];
	v6 =	vmul.f32 $2.771281240e+01, v6;
	[tilespmem:s31+$0x60] =	vst v3  }
0x57d: {  	v3 =	vld [tilespmem:s24+$0x50];
	v5 =	vmul.f32 $2.771281240e+01, v5;
	[tilespmem:s31+$0x70] =	vst v4  }
0x57e: {  	s6 =	sor.u32 s1, s26;
	v4 =	vld [tilespmem:s24+$0x60];
	[tilespmem:s25+$0x70] =	vst v6;
	v6 =	vmul.f32 $2.771281240e+01, v7  }
0x57f: {  	v7 =	vld [tilespmem:s6+$0x0];
	[tilespmem:s24+$0x0] =	vst v5;
	v5 =	vmul.f32 $2.771281240e+01, v9  }
0x580: {  	v9 =	vld [tilespmem:s6+$0x10];
	[tilespmem:s24+$0x10] =	vst v6;
	v6 =	vmul.f32 $2.771281240e+01, v8  }
0x581: {  	v8 =	vld [tilespmem:s6+$0x20];
	[tilespmem:s24+$0x20] =	vst v5;
	v5 =	vmul.f32 $2.771281240e+01, v10  }
0x582: {  	v10 =	vld [tilespmem:s6+$0x30];
	[tilespmem:s24+$0x30] =	vst v6;
	v3 =	vmul.f32 $2.771281240e+01, v3  }
0x583: {  	v6 =	vld [tilespmem:s6+$0x40];
	[tilespmem:s24+$0x40] =	vst v5;
	v4 =	vmul.f32 $2.771281240e+01, v4  }
0x584: {  	v11 =	vld [tilespmem:s6+$0x50];
	v5 =	vmul.f32 $2.771281240e+01, v7;
	[tilespmem:s24+$0x50] =	vst v3  }
0x585: {  	v12 =	vld [tilespmem:s6+$0x60];
	v3 =	vmul.f32 $2.771281240e+01, v9;
	[tilespmem:s24+$0x60] =	vst v4  }
0x586: {  	v7 =	vld [tilespmem:s6+$0x70];
	v4 =	vmul.f32 $2.771281240e+01, v8;
	[tilespmem:s6+$0x0] =	vst v5  }
0x587: {  	[tilespmem:s6+$0x10] =	vst v3;
	v5 =	vmul.f32 $2.771281240e+01, v10;
	v3 =	vld [tilespmem:s24+$0x70]  }
0x588: {  	[tilespmem:s6+$0x20] =	vst v4;
	v4 =	vmul.f32 $2.771281240e+01, v6;
	v6 =	vld [tilespmem:s25+$0x0]  }
0x589: {  	v9 =	vmul.f32 $2.771281240e+01, v11;
	[tilespmem:s6+$0x30] =	vst v5;
	v5 =	vld [tilespmem:s25+$0x10]  }
0x58a: {  	s0 =	simm.s32 $0x2;
	s26 =	sor.u32 s1, s16;
	s1 =	sor.u32 s1, s9;
	v8 =	vmul.f32 $2.771281240e+01, v12;
	[tilespmem:s6+$0x40] =	vst v4;
	v4 =	vld [tilespmem:s25+$0x20]  }
.LBB2_9:
0x58b: {  	s0 =	sadd.s32 $0x2, s0;
	[tilespmem:s6+$0x50] =	vst v9;
	v7 =	vmul.f32 $2.771281240e+01, v7;
	v9 =	vld [tilespmem:s25+$0x30]  }
0x58c: {  	s9 =	sshrl.u32 s0, $0x3;
	p0 =	slt.u32 s0, $0x1E;
	[tilespmem:s6+$0x60] =	vst v8;
	v8 =	vld [tilespmem:s25+$0x40];
	v3 =	vmul.f32 $2.771281240e+01, v3  }
0x58d: {  	s9 =	smul.u32 $0x6000, s9;
	[tilespmem:s6+$0x70] =	vst v7;
	v6 =	vmul.f32 $2.771281240e+01, v6;
	v7 =	vld [tilespmem:s25+$0x50]  }
0x58e: {  	s22 =	sadd.s32 $0x100, s22;
	v10 =	vld [tilespmem:s26+$0x0];
	v5 =	vmul.f32 $2.771281240e+01, v5;
	[tilespmem:s24+$0x70] =	vst v3;
	s24 =	smov.u32 s1  }
0x58f: {  	s1 =	sand.u32 $0x300, s22;
	s13 =	sshra.s32 s9, $0x2;
	v3 =	vld [tilespmem:s26+$0x10];
	[tilespmem:s25+$0x0] =	vst v6;
	v4 =	vmul.f32 $2.771281240e+01, v4  }
0x590: {  	s12 =	sor.u32 $0x80, s1;
	s6 =	sadd.s32 $0x13000, s13;
	v6 =	vld [tilespmem:s26+$0x20];
	[tilespmem:s25+$0x10] =	vst v5;
	v5 =	vmul.f32 $2.771281240e+01, v9  }
0x591: {  	s9 =	sor.u32 s1, s6;
	s6 =	sor.u32 s12, s6;
	v9 =	vld [tilespmem:s26+$0x30];
	[tilespmem:s25+$0x20] =	vst v4;
	v4 =	vmul.f32 $2.771281240e+01, v8  }
0x592: {  	v8 =	vld [tilespmem:s6+$0x0];
	[tilespmem:s25+$0x30] =	vst v5;
	v5 =	vmul.f32 $2.771281240e+01, v7  }
0x593: {  	v7 =	vld [tilespmem:s6+$0x10];
	v10 =	vmul.f32 $2.771281240e+01, v10;
	[tilespmem:s25+$0x40] =	vst v4  }
0x594: {  	v4 =	vld [tilespmem:s6+$0x20];
	v3 =	vmul.f32 $2.771281240e+01, v3;
	[tilespmem:s25+$0x50] =	vst v5  }
0x595: {  	v5 =	vld [tilespmem:s6+$0x30];
	[tilespmem:s26+$0x0] =	vst v10;
	v6 =	vmul.f32 $2.771281240e+01, v6  }
0x596: {  	v10 =	vld [tilespmem:s6+$0x40];
	[tilespmem:s26+$0x10] =	vst v3;
	v3 =	vmul.f32 $2.771281240e+01, v9  }
0x597: {  	v8 =	vmul.f32 $2.771281240e+01, v8;
	v9 =	vld [tilespmem:s6+$0x50];
	[tilespmem:s26+$0x20] =	vst v6  }
0x598: {  	v6 =	vmul.f32 $2.771281240e+01, v7;
	v7 =	vld [tilespmem:s6+$0x60];
	[tilespmem:s26+$0x30] =	vst v3  }
0x599: {  	[tilespmem:s6+$0x0] =	vst v8;
	v3 =	vmul.f32 $2.771281240e+01, v4;
	v4 =	vld [tilespmem:s6+$0x70]  }
0x59a: {  	[tilespmem:s6+$0x10] =	vst v6;
	v5 =	vmul.f32 $2.771281240e+01, v5;
	v6 =	vld [tilespmem:s6+$0x400]  }
0x59b: {  	[tilespmem:s6+$0x20] =	vst v3;
	v3 =	vmul.f32 $2.771281240e+01, v10;
	v8 =	vld [tilespmem:s6+$0x410]  }
0x59c: {  	[tilespmem:s6+$0x30] =	vst v5;
	v5 =	vmul.f32 $2.771281240e+01, v9;
	v9 =	vld [tilespmem:s6+$0x420]  }
0x59d: {  	[tilespmem:s6+$0x40] =	vst v3;
	v3 =	vmul.f32 $2.771281240e+01, v7;
	v7 =	vld [tilespmem:s6+$0x430]  }
0x59e: {  	[tilespmem:s6+$0x50] =	vst v5;
	v4 =	vmul.f32 $2.771281240e+01, v4;
	v5 =	vld [tilespmem:s6+$0x440]  }
0x59f: {  	[tilespmem:s6+$0x60] =	vst v3;
	v3 =	vmul.f32 $2.771281240e+01, v6;
	v6 =	vld [tilespmem:s6+$0x450]  }
0x5a0: {  	[tilespmem:s6+$0x70] =	vst v4;
	v4 =	vmul.f32 $2.771281240e+01, v8;
	v8 =	vld [tilespmem:s6+$0x460]  }
0x5a1: {  	[tilespmem:s6+$0x400] =	vst v3;
	v3 =	vmul.f32 $2.771281240e+01, v9;
	v9 =	vld [tilespmem:s6+$0x470]  }
0x5a2: {  	v10 =	vld [tilespmem:s9+$0x0];
	[tilespmem:s6+$0x410] =	vst v4;
	v4 =	vmul.f32 $2.771281240e+01, v7  }
0x5a3: {  	v7 =	vld [tilespmem:s9+$0x10];
	[tilespmem:s6+$0x420] =	vst v3;
	v3 =	vmul.f32 $2.771281240e+01, v5  }
0x5a4: {  	v5 =	vld [tilespmem:s9+$0x20];
	[tilespmem:s6+$0x430] =	vst v4;
	v4 =	vmul.f32 $2.771281240e+01, v6  }
0x5a5: {  	v6 =	vld [tilespmem:s9+$0x30];
	[tilespmem:s6+$0x440] =	vst v3;
	v3 =	vmul.f32 $2.771281240e+01, v8  }
0x5a6: {  	v8 =	vld [tilespmem:s9+$0x40];
	[tilespmem:s6+$0x450] =	vst v4;
	v4 =	vmul.f32 $2.771281240e+01, v9  }
0x5a7: {  	s11 =	sadd.s32 $0x13800, s13;
	v9 =	vmul.f32 $2.771281240e+01, v10;
	v10 =	vld [tilespmem:s9+$0x50];
	[tilespmem:s6+$0x460] =	vst v3  }
0x5a8: {  	s10 =	sor.u32 s1, s11;
	s11 =	sor.u32 s12, s11;
	v3 =	vmul.f32 $2.771281240e+01, v7;
	v7 =	vld [tilespmem:s9+$0x60];
	[tilespmem:s6+$0x470] =	vst v4  }
0x5a9: {  	[tilespmem:s9+$0x0] =	vst v9;
	v4 =	vmul.f32 $2.771281240e+01, v5;
	v5 =	vld [tilespmem:s11+$0x0]  }
0x5aa: {  	[tilespmem:s9+$0x10] =	vst v3;
	v3 =	vmul.f32 $2.771281240e+01, v6;
	v6 =	vld [tilespmem:s11+$0x10]  }
0x5ab: {  	[tilespmem:s9+$0x20] =	vst v4;
	v4 =	vmul.f32 $2.771281240e+01, v8;
	v8 =	vld [tilespmem:s11+$0x20]  }
0x5ac: {  	[tilespmem:s9+$0x30] =	vst v3;
	v3 =	vmul.f32 $2.771281240e+01, v10;
	v9 =	vld [tilespmem:s11+$0x30]  }
0x5ad: {  	[tilespmem:s9+$0x40] =	vst v4;
	v4 =	vmul.f32 $2.771281240e+01, v7;
	v7 =	vld [tilespmem:s11+$0x40]  }
0x5ae: {  	[tilespmem:s9+$0x50] =	vst v3;
	v3 =	vmul.f32 $2.771281240e+01, v5;
	v5 =	vld [tilespmem:s11+$0x50]  }
0x5af: {  	[tilespmem:s9+$0x60] =	vst v4;
	v4 =	vmul.f32 $2.771281240e+01, v6;
	v6 =	vld [tilespmem:s11+$0x60]  }
0x5b0: {  	[tilespmem:s11+$0x0] =	vst v3;
	v3 =	vmul.f32 $2.771281240e+01, v8;
	v8 =	vld [tilespmem:s11+$0x70]  }
0x5b1: {  	v10 =	vld [tilespmem:s9+$0x70];
	[tilespmem:s11+$0x10] =	vst v4;
	v4 =	vmul.f32 $2.771281240e+01, v9  }
0x5b2: {  	v9 =	vld [tilespmem:s9+$0x400];
	[tilespmem:s11+$0x20] =	vst v3;
	v3 =	vmul.f32 $2.771281240e+01, v7  }
0x5b3: {  	v7 =	vld [tilespmem:s9+$0x410];
	[tilespmem:s11+$0x30] =	vst v4;
	v4 =	vmul.f32 $2.771281240e+01, v5  }
0x5b4: {  	v5 =	vld [tilespmem:s9+$0x420];
	[tilespmem:s11+$0x40] =	vst v3;
	v3 =	vmul.f32 $2.771281240e+01, v6  }
0x5b5: {  	v6 =	vld [tilespmem:s9+$0x430];
	[tilespmem:s11+$0x50] =	vst v4;
	v4 =	vmul.f32 $2.771281240e+01, v8  }
0x5b6: {  	s15 =	sadd.s32 $0x13C00, s13;
	v8 =	vmul.f32 $2.771281240e+01, v10;
	v10 =	vld [tilespmem:s9+$0x440];
	[tilespmem:s11+$0x60] =	vst v3  }
0x5b7: {  	s6 =	sor.u32 s1, s15;
	v3 =	vmul.f32 $2.771281240e+01, v9;
	v9 =	vld [tilespmem:s9+$0x450];
	[tilespmem:s11+$0x70] =	vst v4;
	s11 =	sor.u32 s12, s15  }
0x5b8: {  	[tilespmem:s9+$0x70] =	vst v8;
	v4 =	vmul.f32 $2.771281240e+01, v7;
	v7 =	vld [tilespmem:s11+$0x0]  }
0x5b9: {  	[tilespmem:s9+$0x400] =	vst v3;
	v3 =	vmul.f32 $2.771281240e+01, v5;
	v5 =	vld [tilespmem:s11+$0x10]  }
0x5ba: {  	[tilespmem:s9+$0x410] =	vst v4;
	v4 =	vmul.f32 $2.771281240e+01, v6;
	v6 =	vld [tilespmem:s11+$0x20]  }
0x5bb: {  	[tilespmem:s9+$0x420] =	vst v3;
	v3 =	vmul.f32 $2.771281240e+01, v10;
	v8 =	vld [tilespmem:s11+$0x30]  }
0x5bc: {  	[tilespmem:s9+$0x430] =	vst v4;
	v4 =	vmul.f32 $2.771281240e+01, v9;
	v9 =	vld [tilespmem:s11+$0x40]  }
0x5bd: {  	[tilespmem:s9+$0x440] =	vst v3;
	v3 =	vmul.f32 $2.771281240e+01, v7;
	v7 =	vld [tilespmem:s11+$0x50]  }
0x5be: {  	[tilespmem:s9+$0x450] =	vst v4;
	v4 =	vmul.f32 $2.771281240e+01, v5;
	v5 =	vld [tilespmem:s11+$0x60]  }
0x5bf: {  	[tilespmem:s11+$0x0] =	vst v3;
	v3 =	vmul.f32 $2.771281240e+01, v6;
	v6 =	vld [tilespmem:s11+$0x70]  }
0x5c0: {  	v10 =	vld [tilespmem:s9+$0x460];
	[tilespmem:s11+$0x10] =	vst v4;
	v4 =	vmul.f32 $2.771281240e+01, v8  }
0x5c1: {  	v8 =	vld [tilespmem:s9+$0x470];
	[tilespmem:s11+$0x20] =	vst v3;
	v3 =	vmul.f32 $2.771281240e+01, v9  }
0x5c2: {  	[tilespmem:s11+$0x30] =	vst v4;
	v4 =	vmul.f32 $2.771281240e+01, v7;
	v7 =	vld [tilespmem:s26+$0x40]  }
0x5c3: {  	[tilespmem:s11+$0x40] =	vst v3;
	v3 =	vmul.f32 $2.771281240e+01, v5;
	v5 =	vld [tilespmem:s26+$0x50]  }
0x5c4: {  	[tilespmem:s11+$0x50] =	vst v4;
	v4 =	vmul.f32 $2.771281240e+01, v6;
	v6 =	vld [tilespmem:s26+$0x60]  }
0x5c5: {  	s15 =	sadd.s32 $0x14000, s13;
	v9 =	vmul.f32 $2.771281240e+01, v10;
	[tilespmem:s11+$0x60] =	vst v3;
	v3 =	vld [tilespmem:s26+$0x70]  }
0x5c6: {  	s16 =	sor.u32 s1, s15;
	s15 =	sor.u32 s12, s15;
	v8 =	vmul.f32 $2.771281240e+01, v8;
	[tilespmem:s11+$0x70] =	vst v4;
	v4 =	vld [tilespmem:s25+$0x60]  }
0x5c7: {  	[tilespmem:s9+$0x460] =	vst v9;
	v9 =	vld [tilespmem:s15+$0x0];
	v7 =	vmul.f32 $2.771281240e+01, v7  }
0x5c8: {  	[tilespmem:s9+$0x470] =	vst v8;
	v8 =	vld [tilespmem:s15+$0x10];
	v5 =	vmul.f32 $2.771281240e+01, v5  }
0x5c9: {  	v10 =	vld [tilespmem:s15+$0x20];
	[tilespmem:s26+$0x40] =	vst v7;
	v6 =	vmul.f32 $2.771281240e+01, v6  }
0x5ca: {  	v7 =	vld [tilespmem:s15+$0x30];
	[tilespmem:s26+$0x50] =	vst v5;
	v3 =	vmul.f32 $2.771281240e+01, v3  }
0x5cb: {  	v5 =	vld [tilespmem:s15+$0x40];
	[tilespmem:s26+$0x60] =	vst v6;
	v4 =	vmul.f32 $2.771281240e+01, v4  }
0x5cc: {  	v6 =	vmul.f32 $2.771281240e+01, v9;
	v9 =	vld [tilespmem:s15+$0x50];
	[tilespmem:s26+$0x70] =	vst v3;
	s26 =	smov.u32 s16  }
0x5cd: {  	v3 =	vmul.f32 $2.771281240e+01, v8;
	v8 =	vld [tilespmem:s15+$0x60];
	[tilespmem:s25+$0x60] =	vst v4  }
0x5ce: {  	[tilespmem:s15+$0x0] =	vst v6;
	v4 =	vmul.f32 $2.771281240e+01, v10;
	v6 =	vld [tilespmem:s15+$0x70]  }
0x5cf: {  	v10 =	vld [tilespmem:s10+$0x0];
	[tilespmem:s15+$0x10] =	vst v3;
	v3 =	vmul.f32 $2.771281240e+01, v7  }
0x5d0: {  	v7 =	vld [tilespmem:s10+$0x10];
	[tilespmem:s15+$0x20] =	vst v4;
	v4 =	vmul.f32 $2.771281240e+01, v5  }
0x5d1: {  	v5 =	vld [tilespmem:s10+$0x20];
	[tilespmem:s15+$0x30] =	vst v3;
	v3 =	vmul.f32 $2.771281240e+01, v9  }
0x5d2: {  	v9 =	vld [tilespmem:s10+$0x30];
	[tilespmem:s15+$0x40] =	vst v4;
	v4 =	vmul.f32 $2.771281240e+01, v8  }
0x5d3: {  	v8 =	vld [tilespmem:s10+$0x40];
	[tilespmem:s15+$0x50] =	vst v3;
	v3 =	vmul.f32 $2.771281240e+01, v6  }
0x5d4: {  	s9 =	sadd.s32 $0x14400, s13;
	v6 =	vmul.f32 $2.771281240e+01, v10;
	v10 =	vld [tilespmem:s10+$0x50];
	[tilespmem:s15+$0x60] =	vst v4  }
0x5d5: {  	s1 =	sor.u32 s1, s9;
	s25 =	sor.u32 s12, s9;
	v4 =	vmul.f32 $2.771281240e+01, v7;
	v7 =	vld [tilespmem:s10+$0x60];
	[tilespmem:s15+$0x70] =	vst v3  }
0x5d6: {  	[tilespmem:s10+$0x0] =	vst v6;
	v3 =	vmul.f32 $2.771281240e+01, v5;
	v5 =	vld [tilespmem:s25+$0x70]  }
0x5d7: {  	[tilespmem:s10+$0x10] =	vst v4;
	v4 =	vmul.f32 $2.771281240e+01, v9;
	v6 =	vld [tilespmem:s10+$0x70]  }
0x5d8: {  	[tilespmem:s10+$0x20] =	vst v3;
	v3 =	vmul.f32 $2.771281240e+01, v8;
	v8 =	vld [tilespmem:s24+$0x0]  }
0x5d9: {  	[tilespmem:s10+$0x30] =	vst v4;
	v4 =	vmul.f32 $2.771281240e+01, v10;
	v9 =	vld [tilespmem:s24+$0x10]  }
0x5da: {  	[tilespmem:s10+$0x40] =	vst v3;
	v3 =	vmul.f32 $2.771281240e+01, v7;
	v7 =	vld [tilespmem:s24+$0x20]  }
0x5db: {  	[tilespmem:s10+$0x50] =	vst v4;
	v4 =	vmul.f32 $2.771281240e+01, v5;
	v5 =	vld [tilespmem:s24+$0x30]  }
0x5dc: {  	[tilespmem:s10+$0x60] =	vst v3;
	v3 =	vmul.f32 $2.771281240e+01, v6;
	v6 =	vld [tilespmem:s24+$0x40]  }
0x5dd: {  	[tilespmem:s25+$0x70] =	vst v4;
	v4 =	vmul.f32 $2.771281240e+01, v8;
	v8 =	vld [tilespmem:s24+$0x50]  }
0x5de: {  	[tilespmem:s10+$0x70] =	vst v3;
	v3 =	vmul.f32 $2.771281240e+01, v9;
	v9 =	vld [tilespmem:s24+$0x60]  }
0x5df: {  	v10 =	vld [tilespmem:s6+$0x0];
	[tilespmem:s24+$0x0] =	vst v4;
	v4 =	vmul.f32 $2.771281240e+01, v7  }
0x5e0: {  	v7 =	vld [tilespmem:s6+$0x10];
	[tilespmem:s24+$0x10] =	vst v3;
	v3 =	vmul.f32 $2.771281240e+01, v5  }
0x5e1: {  	v5 =	vld [tilespmem:s6+$0x20];
	[tilespmem:s24+$0x20] =	vst v4;
	v4 =	vmul.f32 $2.771281240e+01, v6  }
0x5e2: {  	v6 =	vld [tilespmem:s6+$0x30];
	[tilespmem:s24+$0x30] =	vst v3;
	v3 =	vmul.f32 $2.771281240e+01, v8  }
0x5e3: {  	v8 =	vld [tilespmem:s6+$0x40];
	[tilespmem:s24+$0x40] =	vst v4;
	v4 =	vmul.f32 $2.771281240e+01, v9  }
0x5e4: {  	v9 =	vmul.f32 $2.771281240e+01, v10;
	v10 =	vld [tilespmem:s6+$0x50];
	[tilespmem:s24+$0x50] =	vst v3  }
0x5e5: {  	v3 =	vmul.f32 $2.771281240e+01, v7;
	v11 =	vld [tilespmem:s6+$0x60];
	[tilespmem:s24+$0x60] =	vst v4  }
.Ltmp3:
0x5e6: {  	[tilespmem:s6+$0x0] =	vst v9;
	v4 =	vmul.f32 $2.771281240e+01, v5;
	v7 =	vld [tilespmem:s6+$0x70];
	(pc) =	sbr.rel @p0 .LBB2_9-.Ltmp3, $4  }
0x5e7: {  	[tilespmem:s6+$0x10] =	vst v3;
	v5 =	vmul.f32 $2.771281240e+01, v6;
	v3 =	vld [tilespmem:s24+$0x70]  }
0x5e8: {  	[tilespmem:s6+$0x20] =	vst v4;
	v4 =	vmul.f32 $2.771281240e+01, v8;
	v6 =	vld [tilespmem:s25+$0x0]  }
0x5e9: {  	[tilespmem:s6+$0x30] =	vst v5;
	v9 =	vmul.f32 $2.771281240e+01, v10;
	v5 =	vld [tilespmem:s25+$0x10]  }
0x5ea: {  	[tilespmem:s6+$0x40] =	vst v4;
	v8 =	vmul.f32 $2.771281240e+01, v11;
	v4 =	vld [tilespmem:s25+$0x20]  }
0x5eb: {  	[tilespmem:s6+$0x50] =	vst v9;
	v7 =	vmul.f32 $2.771281240e+01, v7  }
0x5ec: {  	[tilespmem:s6+$0x60] =	vst v8  }
0x5ed: {  	[tilespmem:s6+$0x70] =	vst v7  }
0x5ee: {  	v7 =	vld [tilespmem:s26+$0x0]  }
0x5ef: {  	v8 =	vld [tilespmem:s26+$0x10]  }
0x5f0: {  	v9 =	vld [tilespmem:s26+$0x20]  }
0x5f1: {  	v10 =	vld [tilespmem:s26+$0x30]  }
0x5f2: {  	v3 =	vmul.f32 $2.771281240e+01, v3;
	v39 =	vld [tilespmem:s26+$0x60]  }
0x5f3: {  	v40 =	vld [tilespmem:s26+$0x70];
	v7 =	vmul.f32 $2.771281240e+01, v7  }
0x5f4: {  	v37 =	vld [tilespmem:s26+$0x40];
	[tilespmem:s24+$0x70] =	vst v3;
	v8 =	vmul.f32 $2.771281240e+01, v8  }
0x5f5: {  	v38 =	vld [tilespmem:s26+$0x50];
	v35 =	vmul.f32 $2.771281240e+01, v9;
	[tilespmem:s26+$0x0] =	vst v7  }
0x5f6: {  	v36 =	vmul.f32 $2.771281240e+01, v10;
	[tilespmem:s26+$0x10] =	vst v8  }
0x5f7: {  	v41 =	vmul.f32 $2.771281240e+01, v39;
	[tilespmem:s26+$0x20] =	vst v35  }
0x5f8: {  	v43 =	vmul.f32 $2.771281240e+01, v40;
	[tilespmem:s26+$0x30] =	vst v36  }
0x5f9: {  	v42 =	vld [tilespmem:s25+$0x30];
	v7 =	vmul.f32 $2.771281240e+01, v37;
	[tilespmem:s26+$0x60] =	vst v41  }
0x5fa: {  	v44 =	vld [tilespmem:s25+$0x40];
	v8 =	vmul.f32 $2.771281240e+01, v38;
	[tilespmem:s26+$0x70] =	vst v43  }
0x5fb: {  	v45 =	vld [tilespmem:s25+$0x50];
	v6 =	vmul.f32 $2.771281240e+01, v6;
	[tilespmem:s26+$0x40] =	vst v7  }
0x5fc: {  	v62 =	vld [tilespmem:s25+$0x60];
	v5 =	vmul.f32 $2.771281240e+01, v5;
	[tilespmem:s26+$0x50] =	vst v8  }
0x5fd: {  	[tilespmem:s25+$0x0] =	vst v6;
	v4 =	vmul.f32 $2.771281240e+01, v4;
	v8 =	vld [tilespmem:s1+$0x0]  }
0x5fe: {  	[tilespmem:s25+$0x10] =	vst v5;
	v47 =	vmul.f32 $2.771281240e+01, v42;
	v46 =	vld [tilespmem:s1+$0x10]  }
0x5ff: {  	v49 =	vmul.f32 $2.771281240e+01, v44;
	[tilespmem:s25+$0x20] =	vst v4;
	v48 =	vld [tilespmem:s1+$0x20]  }
0x600: {  	v51 =	vmul.f32 $2.771281240e+01, v45;
	[tilespmem:s25+$0x30] =	vst v47;
	v50 =	vld [tilespmem:s1+$0x30]  }
0x601: {  	v5 =	vmul.f32 $2.771281240e+01, v62;
	[tilespmem:s25+$0x40] =	vst v49;
	v52 =	vld [tilespmem:s1+$0x40]  }
0x602: {  	[tilespmem:s25+$0x50] =	vst v51;
	v54 =	vld [tilespmem:s1+$0x50];
	v53 =	vmul.f32 $2.771281240e+01, v8  }
0x603: {  	[tilespmem:s25+$0x60] =	vst v5;
	v56 =	vld [tilespmem:s1+$0x60];
	v55 =	vmul.f32 $2.771281240e+01, v46  }
0x604: {  	v63 =	vld [tilespmem:s1+$0x70];
	v57 =	vmul.f32 $2.771281240e+01, v48;
	[tilespmem:s1+$0x0] =	vst v53  }
0x605: {  	v58 =	vmul.f32 $2.771281240e+01, v50;
	[tilespmem:s1+$0x10] =	vst v55  }
0x606: {  	s0 =	sshll.u32 s21, $0x5;
	s20 =	sadd.s32 $0x1, s20;
	v59 =	vmul.f32 $2.771281240e+01, v52;
	[tilespmem:s1+$0x20] =	vst v57  }
0x607: {  	s0 =	sadd.s32 s5, s0;
	p0 =	sne.s32 s20, $0x8;
	v60 =	vmul.f32 $2.771281240e+01, v54;
	[tilespmem:s1+$0x30] =	vst v58  }
.Ltmp4:
0x608: {  	s0 =	sshrl.u32 s0, $0x3;
	v61 =	vmul.f32 $2.771281240e+01, v56;
	[tilespmem:s1+$0x40] =	vst v59;
	(pc) =	sbr.rel @p0 .LBB2_2-.Ltmp4, $4  }
0x609: {  	s0 =	smul.u32 $0x300, s0;
	v3 =	vmul.f32 $2.771281240e+01, v63;
	[tilespmem:s1+$0x50] =	vst v60  }
0x60a: {  	[tilespmem:s1+$0x60] =	vst v61  }
0x60b: {  	s0 =	sadd.s32 s3, s0;
	[tilespmem:s1+$0x70] =	vst v3  }
0x60c: {  	[hbm4b:s0+s4] =	stream.linear.scatter [tilespmem:s29], [sflag:$0x8], $0x6000, $0x38;
	[tilespmem:$0x19000] =	vst v63  }
0x60d: {  	s0 =	simm.s32 $0x5  }
0x60e: {  	_ =	swait.ge [sflag:s0], $0x6000  }
0x60f: {  	[sflag:s0] =	ssyncset.done $0x0  }
0x610: {  	s26 =	simm.s32 $0x6;
	[sflag:s0] =	ssyncadd.s32 $0xFFFFA000  }
0x611: {  	_ =	swait.ge [sflag:s26], $0x6000  }
0x612: {  	[sflag:s26] =	ssyncset.done $0x0  }
0x613: {  	s30 =	simm.s32 $0x7;
	[sflag:s26] =	ssyncadd.s32 $0xFFFFA000  }
0x614: {  	_ =	swait.ge [sflag:s30], $0x6000  }
0x615: {  	[sflag:s30] =	ssyncset.done $0x0  }
0x616: {  	s1 =	simm.s32 $0x8;
	[sflag:s30] =	ssyncadd.s32 $0xFFFFA000  }
0x617: {  	_ =	swait.ge [sflag:s1], $0x6000  }
0x618: {  	s6 =	rddreg [dreg:$0x6]  }
0x619: {  	s31 =	rddreg [dreg:$0x5];
	s6 =	sadd.s32 $0x1, s6  }
0x61a: {  	p0 =	sne.s32 s6, s31  }
.Ltmp5:
0x61b: {  	_ = 	snop;
	(pc) =	sbr.rel @p0 .LBB2_1-.Ltmp5, $3  }
0x61c: {  	_ =	sdelay $0x1  }
0x61d: {  	[sflag:s1] =	ssyncset.done $0x0  }
0x61e: {  	[sflag:s1] =	ssyncadd.s32 $0xFFFFA000  }
0x61f: {  	_ =	sfence.sel $0x180000  }
0x620: {  	[bflag:$0x0] =	sbarrier.arrive $0xFFFF  }
0x621: {  	_ =	strace $0x90000047  }
0x622: {  	s0 =	stileid.u32;
	[bflag:$0x2] =	sbarrier.arrive $0xFFFF  }
0x623: {  	p0 =	sne.s32 s0, $0x0;
	s0 =	rddreg [dreg:$0x3]  }
0x624: {  	s0 =	sadd.s32 @!p0 $0x100000, s0  }
0x625: {  	[sflag:s0] =	ssyncadd.tile.s32 @!p0 $0x1;
	_ =	shalt  }
.Lfunc_end2:
_tile_overlayer_lowered:
.L_overlay_start_2:
0x626: {  	(tag) =	ssettag $0x2  }
0x627: {  	s0 =	rddreg [dreg:$0x0];
	s2 =	stileid.u32  }
0x628: {  	s1 =	rddreg [dreg:$0x1];
	p0 =	sne.s32 s2, $0x0  }
0x629: {  	s3 =	rddreg [dreg:$0x2];
	[bflag:$0x3] =	sbarrier.arrive $0xFFFF;
	s2 =	simm.s32 @!p0 $0x1C09  }
0x62a: {  	[timem:s3], [sflag:s2] =	dma.local @!p0 [hbm:s0], s1  }
0x62b: {  	s0 =	simm.s32 @!p0 $0x9  }
0x62c: {  	_ =	swait.ge @!p0 [sflag:s0], s1  }
0x62d: {  	s1 =	ssub.s32 @!p0 $0x0, s1;
	[sflag:s0] =	ssyncset.done @!p0 $0x0  }
0x62e: {  	[sflag:s0] =	ssyncadd.s32 @!p0 s1  }
0x62f: {  	[bflag:$0x3] =	sbarrier.arrive $0xFFFF  }
0x630: {  	_ =	shalt  }

</sc_bundles>
